<compile_context>
chip_gen: v7x
topology: tpu7x:2x2x1
jax: 0.10.2.dev20260603
libtpu: 0.0.44.dev20260713+nightly
codegen_flags: <defaults>
</compile_context>

<pallas_src>
import functools
import math

import jax
import jax.numpy as jnp
from jax import lax
from jax.experimental import pallas as pl
from jax.experimental.pallas import tpu as pltpu
from jax.experimental.pallas import tpu_sc as plsc

_N = 10000
_E_REAL = 330000
_H = 8
_C1 = 16
_C2 = 40
_C2P = 48
_D1 = _H * _C1
_D2 = _H * _C2P

_NC = 2
_NS = 16
_L = 16
_NW = _NC * _NS

_B = 128
_CH = 81
_EW = _B * _CH
_EPAD = _EW * _NW
_NPAD = 10016
_RPT = _NPAD // _NS

_SCALE1 = 0.25
_SCALE2 = 1.0 / math.sqrt(40.0)

_f32 = jnp.float32
_i32 = jnp.int32


def _mesh():
    return plsc.VectorSubcoreMesh(core_axis_name="c", subcore_axis_name="s")


def _take16(v, idx):
    dn = lax.GatherDimensionNumbers(offset_dims=(), collapsed_slice_dims=(0,),
                                    start_index_map=(0,))
    return lax.gather(v, idx[:, None], dn, slice_sizes=(1,),
                      mode=lax.GatherScatterMode.PROMISE_IN_BOUNDS)


def _make_pass1(D, nsub, scale, B, CH):
    hs = nsub * _L

    @functools.partial(
        pl.kernel,
        out_type=(
            jax.ShapeDtypeStruct((_EPAD, 16), _f32),
            jax.ShapeDtypeStruct((_NC, _NPAD, 16), _f32),
        ),
        mesh=_mesh(),
        compiler_params=pltpu.CompilerParams(needs_layout_passes=False, use_tc_tiling_on_sc=False),
        scratch_types=[
            pltpu.VMEM((CH, B), _i32),
            pltpu.VMEM((CH, B), _i32),
            pltpu.VMEM((B, D), _f32),
            pltpu.VMEM((B, D), _f32),
            pltpu.VMEM((B, D), _f32),
            pltpu.VMEM((B, D), _f32),
            pltpu.VMEM((B, 16), _f32),
            pltpu.SemaphoreType.DMA,
            pltpu.SemaphoreType.DMA,
            pltpu.SemaphoreType.DMA,
            pltpu.SemaphoreType.DMA,
            pltpu.VMEM_SHARED((_NPAD, 16), _f32),
        ],
    )
    def pass1(xw, src3, dst3, zr, p_out, dpart, sidx, didx,
              sr0, dr0, sr1, dr1, ebuf, ss0, ds0, ss1, ds1, dsp):
        cid = lax.axis_index("c")
        sid = lax.axis_index("s")
        wid = sid * _NC + cid
        pltpu.sync_copy(zr, dsp.at[pl.ds(sid * _RPT, _RPT)])
        plsc.subcore_barrier()
        lanes = lax.iota(_i32, _L)

        pltpu.sync_copy(src3.at[wid], sidx)
        pltpu.sync_copy(dst3.at[wid], didx)

        def zrow(b, c2):
            ebuf[b, :] = jnp.zeros((_L,), _f32)
            return c2

        lax.fori_loop(0, B, zrow, 0)
        hvecs = [jnp.full((_L,), h, _i32) for h in range(_H)]
        bufs = [(sr0, dr0, ss0, ds0), (sr1, dr1, ss1, ds1)]

        def fire(j, k):
            sr, dr, ss, ds = bufs[k]
            pltpu.async_copy(xw.at[sidx.at[j]], sr, ss)
            pltpu.async_copy(xw.at[didx.at[j]], dr, ds)

        def wait_compute(j, k):
            sr, dr, ss, ds = bufs[k]
            pltpu.make_async_copy(xw.at[sidx.at[j]], sr, ss).wait()
            pltpu.make_async_copy(xw.at[didx.at[j]], dr, ds).wait()

            def group(g, c2):
                bvec = g * _L + lanes

                def chan(c, carry):
                    rot = carry[0]
                    accs = carry[1:]
                    out = []
                    for h in range(_H):
                        cvec = rot + (h * hs)
                        sv = plsc.load_gather(sr, [bvec, cvec])
                        dv = plsc.load_gather(dr, [bvec, cvec])
                        out.append(accs[h] + sv * dv)
                    rot2 = rot + 1
                    rot2 = jnp.where(rot2 >= hs, rot2 - hs, rot2)
                    return (rot2, *out)

                res = lax.fori_loop(
                    0, hs, chan,
                    (lanes,) + tuple(jnp.zeros((_L,), _f32)
                                     for _ in range(_H)))
                for h in range(_H):
                    pv = jnp.exp(res[1 + h] * scale)
                    plsc.store_scatter(ebuf, [bvec, hvecs[h]], pv)
                return c2

            lax.fori_loop(0, B // _L, group, 0)
            ebase = wid * _EW + j * B
            pltpu.sync_copy(ebuf, p_out.at[pl.ds(ebase, B)])
            pltpu.sync_copy(ebuf, dsp.at[didx.at[j]], add=True)

        fire(0, 0)

        def pair(jj, carry):
            j0 = 2 * jj
            fire(j0 + 1, 1)
            wait_compute(j0, 0)
            fire(j0 + 2, 0)
            wait_compute(j0 + 1, 1)
            return carry

        lax.fori_loop(0, (CH - 1) // 2, pair, 0)
        if CH % 2 == 1:
            wait_compute(CH - 1, 0)
        else:
            fire(CH - 1, 1)
            wait_compute(CH - 2, 0)
            wait_compute(CH - 1, 1)
        plsc.subcore_barrier()
        pltpu.sync_copy(dsp.at[pl.ds(sid * _RPT, _RPT)],
                        dpart.at[cid, pl.ds(sid * _RPT, _RPT)])

    return pass1


@functools.partial(
    pl.kernel,
    out_type=jax.ShapeDtypeStruct((_NC, _NPAD, _D1), _f32),
    mesh=_mesh(),
    compiler_params=pltpu.CompilerParams(needs_layout_passes=False, use_tc_tiling_on_sc=False),
    scratch_types=[
        pltpu.VMEM((_B,), _i32),
        pltpu.VMEM((_B,), _i32),
        pltpu.VMEM((_B, _D1), _f32),
        pltpu.VMEM((_B, 16), _f32),
        pltpu.VMEM((_B, _D1), _f32),
        pltpu.VMEM_SHARED((_NPAD, _D1), _f32),
        pltpu.SemaphoreType.DMA,
    ],
)
def _pass2_l1(xw, src, dst, p_in, zr, m_out,
              sidx, didx, srows, pbuf, mbuf, msp, sem):
    cid = lax.axis_index("c")
    sid = lax.axis_index("s")
    wid = sid * _NC + cid
    hvecs = [jnp.full((_L,), h, _i32) for h in range(_H)]
    pltpu.sync_copy(zr, msp.at[pl.ds(sid * _RPT, _RPT)])
    plsc.subcore_barrier()

    def chunk(j, carry):
        ebase = wid * _EW + j * _B
        pltpu.sync_copy(src.at[pl.ds(ebase, _B)], sidx)
        pltpu.sync_copy(dst.at[pl.ds(ebase, _B)], didx)
        pltpu.async_copy(xw.at[sidx], srows, sem).wait()
        pltpu.sync_copy(p_in.at[pl.ds(ebase, _B)], pbuf)

        def edge(b, c2):
            prow = pbuf[b, :]
            for h in range(_H):
                asp = _take16(prow, hvecs[h])
                m = srows[b, pl.ds(h * _L, _L)] * asp
                mbuf[b, pl.ds(h * _L, _L)] = m
            return c2

        lax.fori_loop(0, _B, edge, 0)
        pltpu.sync_copy(mbuf, msp.at[didx], add=True)
        return carry

    lax.fori_loop(0, _CH, chunk, 0)
    plsc.subcore_barrier()
    pltpu.sync_copy(msp.at[pl.ds(sid * _RPT, _RPT)],
                    m_out.at[cid, pl.ds(sid * _RPT, _RPT)])


@functools.partial(
    pl.kernel,
    out_type=(
        jax.ShapeDtypeStruct((_EPAD, 16), _f32),
        jax.ShapeDtypeStruct((_NC, _NPAD, _C2P), _f32),
    ),
    mesh=_mesh(),
    compiler_params=pltpu.CompilerParams(needs_layout_passes=False, use_tc_tiling_on_sc=False),
    scratch_types=[
        pltpu.VMEM((_B,), _i32),
        pltpu.VMEM((_B,), _i32),
        pltpu.VMEM((_B, _D2), _f32),
        pltpu.VMEM((_B, 16), _f32),
        pltpu.VMEM((_B, 128), _f32),
        pltpu.VMEM((_B, 16), _f32),
        pltpu.VMEM((_B, _C2P), _f32),
        pltpu.VMEM_SHARED((_NPAD, _C2P), _f32),
        pltpu.SemaphoreType.DMA,
        pltpu.SemaphoreType.DMA,
    ],
)
def _pass2_l2(xw, src, dst, p_in, invd, zr, a_out, m_out,
              sidx, didx, srows, pbuf, ivd, abuf, mbuf, msp, sem, sem2):
    cid = lax.axis_index("c")
    sid = lax.axis_index("s")
    wid = sid * _NC + cid
    hvecs = [jnp.full((_L,), h, _i32) for h in range(_H)]
    pltpu.sync_copy(zr, msp.at[pl.ds(sid * _RPT, _RPT)])
    plsc.subcore_barrier()

    def chunk(j, carry):
        ebase = wid * _EW + j * _B
        pltpu.sync_copy(src.at[pl.ds(ebase, _B)], sidx)
        pltpu.sync_copy(dst.at[pl.ds(ebase, _B)], didx)
        cp1 = pltpu.async_copy(xw.at[sidx], srows, sem)
        cp2 = pltpu.async_copy(invd.at[didx], ivd, sem2)
        pltpu.sync_copy(p_in.at[pl.ds(ebase, _B)], pbuf)
        cp1.wait()
        cp2.wait()

        def edge(b, c2):
            arow = pbuf[b, :] * ivd[b, pl.ds(0, _L)]
            abuf[b, :] = arow
            macc = [jnp.zeros((_L,), _f32) for _ in range(3)]
            for h in range(_H):
                asp = _take16(arow, hvecs[h])
                for t in range(3):
                    o = h * _C2P + t * _L
                    macc[t] = macc[t] + srows[b, pl.ds(o, _L)] * asp
            for t in range(3):
                mbuf[b, pl.ds(t * _L, _L)] = macc[t]
            return c2

        lax.fori_loop(0, _B, edge, 0)
        pltpu.sync_copy(abuf, a_out.at[pl.ds(ebase, _B)])
        pltpu.sync_copy(mbuf, msp.at[didx], add=True)
        return carry

    lax.fori_loop(0, _CH, chunk, 0)
    plsc.subcore_barrier()
    pltpu.sync_copy(msp.at[pl.ds(sid * _RPT, _RPT)],
                    m_out.at[cid, pl.ds(sid * _RPT, _RPT)])


_RWI = _NPAD // _NW


@functools.partial(
    pl.kernel,
    out_type=jax.ShapeDtypeStruct((_NPAD, 128), _f32),
    mesh=_mesh(),
    compiler_params=pltpu.CompilerParams(needs_layout_passes=False, use_tc_tiling_on_sc=False),
    scratch_types=[
        pltpu.VMEM((_RWI, 16), _f32),
        pltpu.VMEM((_RWI, 16), _f32),
        pltpu.VMEM((_RWI, 128), _f32),
    ],
)
def _invd_table(dp, out, b0, b1, wide):
    cid = lax.axis_index("c")
    sid = lax.axis_index("s")
    wid = sid * _NC + cid
    base = wid * _RWI
    pltpu.sync_copy(dp.at[0, pl.ds(base, _RWI)], b0)
    pltpu.sync_copy(dp.at[1, pl.ds(base, _RWI)], b1)

    def row(r, carry):
        v = 1.0 / (b0[r, :] + b1[r, :] + 1e-16)
        for t in range(8):
            wide[r, pl.ds(t * _L, _L)] = v
        return carry

    lax.fori_loop(0, _RWI, row, 0)
    pltpu.sync_copy(wide, out.at[pl.ds(base, _RWI)])


_RB = 2504


def _mm1_body(x_ref, w_ref, o_ref):
    o_ref[...] = jnp.dot(x_ref[...], w_ref[...],
                         preferred_element_type=_f32)


def _tc_mm1(x_pad, W1):
    return pl.pallas_call(
        _mm1_body,
        grid=(_NPAD // _RB,),
        in_specs=[
            pl.BlockSpec((_RB, _D1), lambda i: (i, 0)),
            pl.BlockSpec((_D1, _D1), lambda i: (0, 0)),
        ],
        out_specs=pl.BlockSpec((_RB, _D1), lambda i: (i, 0)),
        out_shape=jax.ShapeDtypeStruct((_NPAD, _D1), _f32),
    )(x_pad, W1)


def _mm2_body(m0_ref, m1_ref, d0_ref, d1_ref, r_ref, b1_ref, w2_ref, o_ref):
    m0 = m0_ref[0]
    m1 = m1_ref[0]
    den = d0_ref[0] + d1_ref[0] + 1e-16
    den128 = jnp.dot(den, r_ref[...], preferred_element_type=_f32)
    s = (m0 + m1) / den128 + b1_ref[...]
    x1 = jnp.where(s > 0.0, s, jnp.exp(s) - 1.0)
    o_ref[...] = jnp.dot(x1, w2_ref[...], preferred_element_type=_f32)


def _tc_mm2(m1part, dpart1, R, b1, W2p):
    return pl.pallas_call(
        _mm2_body,
        grid=(_NPAD // _RB,),
        in_specs=[
            pl.BlockSpec((1, _RB, _D1), lambda i: (0, i, 0)),
            pl.BlockSpec((1, _RB, _D1), lambda i: (1, i, 0)),
            pl.BlockSpec((1, _RB, 16), lambda i: (0, i, 0)),
            pl.BlockSpec((1, _RB, 16), lambda i: (1, i, 0)),
            pl.BlockSpec((16, _D1), lambda i: (0, 0)),
            pl.BlockSpec((1, _D1), lambda i: (0, 0)),
            pl.BlockSpec((_D1, _D2), lambda i: (0, 0)),
        ],
        out_specs=pl.BlockSpec((_RB, _D2), lambda i: (i, 0)),
        out_shape=jax.ShapeDtypeStruct((_NPAD, _D2), _f32),
    )(m1part, m1part, dpart1, dpart1, R, b1, W2p)


def _copy_body(x_ref, o_ref):
    o_ref[...] = x_ref[...]


def _tc_slice_rows(x, rows, rb):
    w = x.shape[1]
    return pl.pallas_call(
        _copy_body,
        grid=(rows // rb,),
        in_specs=[pl.BlockSpec((rb, w), lambda i: (i, 0))],
        out_specs=pl.BlockSpec((rb, w), lambda i: (i, 0)),
        out_shape=jax.ShapeDtypeStruct((rows, w), _f32),
    )(x)


def _sel_body(x_ref, s_ref, o_ref):
    o_ref[...] = jnp.dot(x_ref[...], s_ref[...], preferred_element_type=_f32)


def _tc_select_cols(x, S, rows, rb):
    w = x.shape[1]
    w2 = S.shape[1]
    return pl.pallas_call(
        _sel_body,
        grid=(rows // rb,),
        in_specs=[
            pl.BlockSpec((rb, w), lambda i: (i, 0)),
            pl.BlockSpec((w, w2), lambda i: (0, 0)),
        ],
        out_specs=pl.BlockSpec((rb, w2), lambda i: (i, 0)),
        out_shape=jax.ShapeDtypeStruct((rows, w2), _f32),
    )(x, S)


def _out2_body(m0_ref, m1_ref, b2_ref, s_ref, o_ref):
    r = (m0_ref[0] + m1_ref[0]) * (1.0 / _H) + b2_ref[...]
    o_ref[...] = jnp.dot(r, s_ref[...], preferred_element_type=_f32)


def _tc_out2(m2part, b2p, S48):
    rb = 400
    return pl.pallas_call(
        _out2_body,
        grid=(_N // rb,),
        in_specs=[
            pl.BlockSpec((1, rb, _C2P), lambda i: (0, i, 0)),
            pl.BlockSpec((1, rb, _C2P), lambda i: (1, i, 0)),
            pl.BlockSpec((1, _C2P), lambda i: (0, 0)),
            pl.BlockSpec((_C2P, _C2), lambda i: (0, 0)),
        ],
        out_specs=pl.BlockSpec((rb, _C2), lambda i: (i, 0)),
        out_shape=jax.ShapeDtypeStruct((_N, _C2), _f32),
    )(m2part, m2part, b2p, S48)


_B1, _CH1 = 128, 81
_B2, _CH2 = 48, 216
_pass1_l1 = _make_pass1(_D1, 1, _SCALE1, _B1, _CH1)
_pass1_l2 = _make_pass1(_D2, 3, _SCALE2, _B2, _CH2)


def kernel(x, edge_index, W1, b1, W2, b2):
    x = x.astype(_f32)
    ei = edge_index.astype(_i32)
    loop = jnp.arange(_N, dtype=_i32)
    npad_e = _EPAD - _E_REAL
    src = jnp.concatenate([ei[0], loop, jnp.zeros((npad_e,), _i32)])
    dst = jnp.concatenate([ei[1], loop, jnp.full((npad_e,), _N, _i32)])

    x_pad = jnp.pad(x, ((0, _NPAD - _N), (0, 0)))
    W2p = jnp.pad(W2.reshape(_D1, _H, _C2).astype(_f32),
                  ((0, 0), (0, 0), (0, _C2P - _C2))).reshape(_D1, _D2)
    b1r = b1.astype(_f32).reshape(1, _D1)
    b2pr = jnp.pad(b2.astype(_f32), (0, _C2P - _C2)).reshape(1, _C2P)

    zr16 = jnp.zeros((_RPT, 16), _f32)
    zr128 = jnp.zeros((_RPT, _D1), _f32)
    zr48 = jnp.zeros((_RPT, _C2P), _f32)

    R = (jnp.repeat(jnp.eye(8, dtype=_f32), 16, axis=1))
    R = jnp.concatenate([R, jnp.zeros((8, _D1), _f32)], axis=0)
    eye48 = jnp.eye(_C2P, dtype=_f32)
    S48 = eye48[:, :_C2]
    Sh2 = jnp.zeros((_D2, _H * _C2), _f32)
    for h in range(_H):
        Sh2 = Sh2.at[h * _C2P:h * _C2P + _C2,
                     h * _C2:(h + 1) * _C2].set(jnp.eye(_C2, dtype=_f32))
    S16 = jnp.eye(16, dtype=_f32)[:, :_H]

    xw1 = _tc_mm1(x_pad, W1.astype(_f32))
    src3a = src.reshape(_NW, _CH1, _B1)
    dst3a = dst.reshape(_NW, _CH1, _B1)
    src3b = src.reshape(_NW, _CH2, _B2)
    dst3b = dst.reshape(_NW, _CH2, _B2)
    p1, dpart1 = _pass1_l1(xw1, src3a, dst3a, zr16)
    m1part = _pass2_l1(xw1, src, dst, p1, zr128)
    if isinstance(m1part, (tuple, list)):
        m1part = m1part[0]
    xw2 = _tc_mm2(m1part, dpart1, R, b1r, W2p)
    p2, dpart2 = _pass1_l2(xw2, src3b, dst3b, zr16)
    invd2 = _invd_table(dpart2)
    a2_16, m2part = _pass2_l2(xw2, src, dst, p2, invd2, zr48)

    out2 = _tc_out2(m2part, b2pr, S48)
    h1 = _tc_slice_rows(xw1, _N, 400).reshape(_N, _H, _C1)
    h2 = _tc_select_cols(xw2, Sh2, _N, 400).reshape(_N, _H, _C2)
    a2 = _tc_select_cols(a2_16, S16, _E_REAL, 2000)
    return (out2, h1, h2, a2)

# --- scband reference (transcript-rebuilt; emitter-appended) ---
"""Pipeline reference for scband-deep-gat-69690139344897 (READ-ONLY COPY).

The authoritative reference and input builder live on the scoring server;
editing this copy changes nothing except your own understanding.
"""

import jax, jax.numpy as jnp
import numpy as np

N_NODES = 10000
N_EDGES = 320000
D_FEAT = 128
N_HEAD = 8
N_HID = 16
N_CLASS = 40


def setup_inputs(seed: int = 0) -> dict:
    key = jax.random.key(seed)
    ks = jax.random.split(key, 5)
    x = jax.random.normal(ks[0], (N_NODES, D_FEAT), dtype=jnp.float32)
    edge_index = jax.random.randint(ks[1], (2, N_EDGES), 0, N_NODES)
    # inconv: in=128, heads=8, out=16, concat -> 128
    W1 = (jax.random.normal(ks[2], (D_FEAT, N_HEAD * N_HID)) / np.sqrt(D_FEAT)).astype(jnp.float32)
    b1 = jnp.zeros((N_HEAD * N_HID,), jnp.float32)
    # outconv: in=128, heads=8, out=40, mean -> 40
    W2 = (jax.random.normal(ks[3], (N_HEAD * N_HID, N_HEAD * N_CLASS)) / np.sqrt(N_HEAD * N_HID)).astype(jnp.float32)
    b2 = jnp.zeros((N_CLASS,), jnp.float32)
    return {"x": x, "edge_index": edge_index, "W1": W1, "b1": b1, "W2": W2, "b2": b2}


def _gat_conv(x, src, dst, W, b, heads, out_ch, concat, num_nodes):
    # linear transform per head
    xw = (x @ W).reshape(num_nodes, heads, out_ch)
    x_src = xw[src]  # [E, H, C] gather
    x_dst = xw[dst]
    # dot-product (DP) attention logits, scaled
    e = jnp.sum(x_src * x_dst, axis=-1) / jnp.sqrt(jnp.float32(out_ch))  # [E, H]
    # segment softmax over incoming edges (grouped by dst)
    e_max = jax.ops.segment_max(e, dst, num_segments=num_nodes)
    e_max = jnp.where(jnp.isfinite(e_max), e_max, 0.0)
    e_exp = jnp.exp(e - e_max[dst])
    denom = jax.ops.segment_sum(e_exp, dst, num_segments=num_nodes) + 1e-16
    alpha = e_exp / denom[dst]  # [E, H]
    msg = x_src * alpha[:, :, None]
    out = jax.ops.segment_sum(msg, dst, num_segments=num_nodes)  # [N, H, C]
    if concat:
        out = out.reshape(num_nodes, heads * out_ch)
    else:
        out = out.mean(axis=1)
    out = out + b
    return out, xw, alpha


def reference(x, edge_index, W1, b1, W2, b2):
    num_nodes = x.shape[0]
    loop = jnp.arange(num_nodes, dtype=edge_index.dtype)
    src = jnp.concatenate([edge_index[0], loop])  # add self-loops
    dst = jnp.concatenate([edge_index[1], loop])
    # in conv (dropout p=0.0 in cfg -> identity; norm='None' -> identity)
    out1, h1, a1 = _gat_conv(x, src, dst, W1, b1, N_HEAD, N_HID, True, num_nodes)
    x1 = jax.nn.elu(out1)
    # out conv (concat=False -> head mean)
    out2, h2, a2 = _gat_conv(x1, src, dst, W2, b2, N_HEAD, N_CLASS, False, num_nodes)
    # (x, hs, alpha_)
    return (out2, h1, h2, a2)

if __name__ == "__main__":
    import jax
    _d = setup_inputs()
    print(jax.jit(kernel)(*tuple(_d.values())))

</pallas_src>

<mosaic_0001>
#map = affine_map<(d0, d1) -> (0, 0, 0)>
#map1 = affine_map<(d0, d1) -> (0, 0)>
module attributes {stable_mosaic.version = 14 : i64} {
  func.func @_invd_table(%arg0: i32, %arg1: i32, %arg2: memref<2x10016x16xf32, #tpu.memory_space<hbm>>, %arg3: memref<10016x128xf32, #tpu.memory_space<hbm>>, %arg4: memref<313x16xf32, #tpu.memory_space<vmem>>, %arg5: memref<313x16xf32, #tpu.memory_space<vmem>>, %arg6: memref<313x128xf32, #tpu.memory_space<vmem>>) attributes {dimension_semantics = [#tpu.dimension_semantics<core_parallel>, #tpu.dimension_semantics<subcore_parallel>], iteration_bounds = array<i64: 2, 16>, scalar_prefetch = 0 : i64, scratch_operands = 3 : i64, tpu.core_type = #tpu.core_type<sc_vector_subcore>, window_params = [{transform_indices = #map}, {transform_indices = #map1}]} {
    %mul3A = arith.constant 2 : i32
    %mul3A_0 = arith.muli %arg1, %mul3A : i32
    %add3A = arith.addi %mul3A_0, %arg0 : i32
    %mul3A_1 = arith.constant 313 : i32
    %mul3A_2 = arith.muli %add3A, %mul3A_1 : i32
    %run_scoped3A = arith.constant 0 : i32
    "tpu.region"() ({
      %run_scoped3A_9 = tpu.sem_alloc : memref<!tpu.dma_semaphore, #tpu.memory_space<semaphore_mem>>
      %dma_start3A = arith.constant 0 : i32
      %dma_start3A_10 = tpu.memref_slice %arg2[%run_scoped3A, %mul3A_2, %dma_start3A] : memref<2x10016x16xf32, #tpu.memory_space<hbm>> -> memref<1x313x16xf32, #tpu.memory_space<hbm>>
      %dma_start3A_11 = tpu.memref_squeeze %dma_start3A_10 : memref<1x313x16xf32, #tpu.memory_space<hbm>> -> memref<313x16xf32, #tpu.memory_space<hbm>>
      %dma_start3A_12 = arith.constant 0 : i32
      %dma_start3A_13 = tpu.memref_slice %arg2[%run_scoped3A, %mul3A_2, %dma_start3A_12] : memref<2x10016x16xf32, #tpu.memory_space<hbm>> -> memref<1x313x16xf32, #tpu.memory_space<hbm>>
      %dma_start3A_14 = tpu.memref_squeeze %dma_start3A_13 : memref<1x313x16xf32, #tpu.memory_space<hbm>> -> memref<313x16xf32, #tpu.memory_space<hbm>>
      tpu.enqueue_dma source(%dma_start3A_14 : memref<313x16xf32, #tpu.memory_space<hbm>>) target(%arg4 : memref<313x16xf32, #tpu.memory_space<vmem>>) target_semaphore(%run_scoped3A_9 : memref<!tpu.dma_semaphore, #tpu.memory_space<semaphore_mem>>)
      %dma_wait3A = arith.constant 0 : i32
      %dma_wait3A_15 = tpu.memref_slice %arg2[%run_scoped3A, %mul3A_2, %dma_wait3A] : memref<2x10016x16xf32, #tpu.memory_space<hbm>> -> memref<1x313x16xf32, #tpu.memory_space<hbm>>
      %dma_wait3A_16 = tpu.memref_squeeze %dma_wait3A_15 : memref<1x313x16xf32, #tpu.memory_space<hbm>> -> memref<313x16xf32, #tpu.memory_space<hbm>>
      %dma_wait3A_17 = arith.constant 0 : i32
      %dma_wait3A_18 = tpu.memref_slice %arg2[%run_scoped3A, %mul3A_2, %dma_wait3A_17] : memref<2x10016x16xf32, #tpu.memory_space<hbm>> -> memref<1x313x16xf32, #tpu.memory_space<hbm>>
      %dma_wait3A_19 = tpu.memref_squeeze %dma_wait3A_18 : memref<1x313x16xf32, #tpu.memory_space<hbm>> -> memref<313x16xf32, #tpu.memory_space<hbm>>
      tpu.wait_dma2 semaphore(%run_scoped3A_9 : memref<!tpu.dma_semaphore, #tpu.memory_space<semaphore_mem>>) src(%dma_wait3A_19 : memref<313x16xf32, #tpu.memory_space<hbm>>) dst(%arg4 : memref<313x16xf32, #tpu.memory_space<vmem>>)
      tpu.yield
    }) : () -> ()
    %run_scoped3A_3 = arith.constant 1 : i32
    "tpu.region"() ({
      %run_scoped3A_9 = tpu.sem_alloc : memref<!tpu.dma_semaphore, #tpu.memory_space<semaphore_mem>>
      %dma_start3A = arith.constant 0 : i32
      %dma_start3A_10 = tpu.memref_slice %arg2[%run_scoped3A_3, %mul3A_2, %dma_start3A] : memref<2x10016x16xf32, #tpu.memory_space<hbm>> -> memref<1x313x16xf32, #tpu.memory_space<hbm>>
      %dma_start3A_11 = tpu.memref_squeeze %dma_start3A_10 : memref<1x313x16xf32, #tpu.memory_space<hbm>> -> memref<313x16xf32, #tpu.memory_space<hbm>>
      %dma_start3A_12 = arith.constant 0 : i32
      %dma_start3A_13 = tpu.memref_slice %arg2[%run_scoped3A_3, %mul3A_2, %dma_start3A_12] : memref<2x10016x16xf32, #tpu.memory_space<hbm>> -> memref<1x313x16xf32, #tpu.memory_space<hbm>>
      %dma_start3A_14 = tpu.memref_squeeze %dma_start3A_13 : memref<1x313x16xf32, #tpu.memory_space<hbm>> -> memref<313x16xf32, #tpu.memory_space<hbm>>
      tpu.enqueue_dma source(%dma_start3A_14 : memref<313x16xf32, #tpu.memory_space<hbm>>) target(%arg5 : memref<313x16xf32, #tpu.memory_space<vmem>>) target_semaphore(%run_scoped3A_9 : memref<!tpu.dma_semaphore, #tpu.memory_space<semaphore_mem>>)
      %dma_wait3A = arith.constant 0 : i32
      %dma_wait3A_15 = tpu.memref_slice %arg2[%run_scoped3A_3, %mul3A_2, %dma_wait3A] : memref<2x10016x16xf32, #tpu.memory_space<hbm>> -> memref<1x313x16xf32, #tpu.memory_space<hbm>>
      %dma_wait3A_16 = tpu.memref_squeeze %dma_wait3A_15 : memref<1x313x16xf32, #tpu.memory_space<hbm>> -> memref<313x16xf32, #tpu.memory_space<hbm>>
      %dma_wait3A_17 = arith.constant 0 : i32
      %dma_wait3A_18 = tpu.memref_slice %arg2[%run_scoped3A_3, %mul3A_2, %dma_wait3A_17] : memref<2x10016x16xf32, #tpu.memory_space<hbm>> -> memref<1x313x16xf32, #tpu.memory_space<hbm>>
      %dma_wait3A_19 = tpu.memref_squeeze %dma_wait3A_18 : memref<1x313x16xf32, #tpu.memory_space<hbm>> -> memref<313x16xf32, #tpu.memory_space<hbm>>
      tpu.wait_dma2 semaphore(%run_scoped3A_9 : memref<!tpu.dma_semaphore, #tpu.memory_space<semaphore_mem>>) src(%dma_wait3A_19 : memref<313x16xf32, #tpu.memory_space<hbm>>) dst(%arg5 : memref<313x16xf32, #tpu.memory_space<vmem>>)
      tpu.yield
    }) : () -> ()
    %scan3A = arith.constant 0 : i32
    %scan3A_4 = arith.constant 0 : i32
    %scan3A_5 = arith.constant 313 : i32
    %scan3A_6 = arith.addi %scan3A_4, %scan3A_5 : i32
    %scan3A_7 = arith.constant 1 : i32
    scf.for %scan3A_9 = %scan3A_4 to %scan3A_6 step %scan3A_7  : i32 {
      %get3A = arith.index_cast %scan3A_9 : i32 to index
      %get3A_10 = arith.constant 0 : index
      %get3A_11 = tpu.vector_load %arg4[%get3A, %get3A_10] {strides = array<i32>} : memref<313x16xf32, #tpu.memory_space<vmem>>, vector<16xf32>,
      %get3A_12 = arith.index_cast %scan3A_9 : i32 to index
      %get3A_13 = arith.constant 0 : index
      %get3A_14 = tpu.vector_load %arg5[%get3A_12, %get3A_13] {strides = array<i32>} : memref<313x16xf32, #tpu.memory_space<vmem>>, vector<16xf32>,
      %add3A_15 = arith.addf %get3A_11, %get3A_14 : vector<16xf32>
      %add3A_16 = arith.constant 1.000000e-16 : f32
      %add3A_17 = vector.broadcast %add3A_16 : f32 to vector<16xf32>
      %add3A_18 = arith.addf %add3A_15, %add3A_17 : vector<16xf32>
      %div3A = arith.constant 1.000000e+00 : f32
      %div3A_19 = vector.broadcast %div3A : f32 to vector<16xf32>
      %div3A_20 = arith.divf %div3A_19, %add3A_18 : vector<16xf32>
      %swap3A = arith.index_cast %scan3A_9 : i32 to index
      %swap3A_21 = arith.constant 0 : index
      %swap3A_22 = tpu.vector_load %arg6[%swap3A, %swap3A_21] {strides = array<i32>} : memref<313x128xf32, #tpu.memory_space<vmem>>, vector<16xf32>,
      tpu.vector_store %arg6[%swap3A, %swap3A_21], %div3A_20 {strides = array<i32>} : memref<313x128xf32, #tpu.memory_space<vmem>>, vector<16xf32>,
      %swap3A_23 = arith.index_cast %scan3A_9 : i32 to index
      %swap3A_24 = arith.constant 16 : index
      %swap3A_25 = tpu.vector_load %arg6[%swap3A_23, %swap3A_24] {strides = array<i32>} : memref<313x128xf32, #tpu.memory_space<vmem>>, vector<16xf32>,
      tpu.vector_store %arg6[%swap3A_23, %swap3A_24], %div3A_20 {strides = array<i32>} : memref<313x128xf32, #tpu.memory_space<vmem>>, vector<16xf32>,
      %swap3A_26 = arith.index_cast %scan3A_9 : i32 to index
      %swap3A_27 = arith.constant 32 : index
      %swap3A_28 = tpu.vector_load %arg6[%swap3A_26, %swap3A_27] {strides = array<i32>} : memref<313x128xf32, #tpu.memory_space<vmem>>, vector<16xf32>,
      tpu.vector_store %arg6[%swap3A_26, %swap3A_27], %div3A_20 {strides = array<i32>} : memref<313x128xf32, #tpu.memory_space<vmem>>, vector<16xf32>,
      %swap3A_29 = arith.index_cast %scan3A_9 : i32 to index
      %swap3A_30 = arith.constant 48 : index
      %swap3A_31 = tpu.vector_load %arg6[%swap3A_29, %swap3A_30] {strides = array<i32>} : memref<313x128xf32, #tpu.memory_space<vmem>>, vector<16xf32>,
      tpu.vector_store %arg6[%swap3A_29, %swap3A_30], %div3A_20 {strides = array<i32>} : memref<313x128xf32, #tpu.memory_space<vmem>>, vector<16xf32>,
      %swap3A_32 = arith.index_cast %scan3A_9 : i32 to index
      %swap3A_33 = arith.constant 64 : index
      %swap3A_34 = tpu.vector_load %arg6[%swap3A_32, %swap3A_33] {strides = array<i32>} : memref<313x128xf32, #tpu.memory_space<vmem>>, vector<16xf32>,
      tpu.vector_store %arg6[%swap3A_32, %swap3A_33], %div3A_20 {strides = array<i32>} : memref<313x128xf32, #tpu.memory_space<vmem>>, vector<16xf32>,
      %swap3A_35 = arith.index_cast %scan3A_9 : i32 to index
      %swap3A_36 = arith.constant 80 : index
      %swap3A_37 = tpu.vector_load %arg6[%swap3A_35, %swap3A_36] {strides = array<i32>} : memref<313x128xf32, #tpu.memory_space<vmem>>, vector<16xf32>,
      tpu.vector_store %arg6[%swap3A_35, %swap3A_36], %div3A_20 {strides = array<i32>} : memref<313x128xf32, #tpu.memory_space<vmem>>, vector<16xf32>,
      %swap3A_38 = arith.index_cast %scan3A_9 : i32 to index
      %swap3A_39 = arith.constant 96 : index
      %swap3A_40 = tpu.vector_load %arg6[%swap3A_38, %swap3A_39] {strides = array<i32>} : memref<313x128xf32, #tpu.memory_space<vmem>>, vector<16xf32>,
      tpu.vector_store %arg6[%swap3A_38, %swap3A_39], %div3A_20 {strides = array<i32>} : memref<313x128xf32, #tpu.memory_space<vmem>>, vector<16xf32>,
      %swap3A_41 = arith.index_cast %scan3A_9 : i32 to index
      %swap3A_42 = arith.constant 112 : index
      %swap3A_43 = tpu.vector_load %arg6[%swap3A_41, %swap3A_42] {strides = array<i32>} : memref<313x128xf32, #tpu.memory_space<vmem>>, vector<16xf32>,
      tpu.vector_store %arg6[%swap3A_41, %swap3A_42], %div3A_20 {strides = array<i32>} : memref<313x128xf32, #tpu.memory_space<vmem>>, vector<16xf32>,
    }
    %scan3A_8 = arith.constant 313 : i32
    "tpu.region"() ({
      %run_scoped3A_9 = tpu.sem_alloc : memref<!tpu.dma_semaphore, #tpu.memory_space<semaphore_mem>>
      %dma_start3A = arith.constant 0 : i32
      %dma_start3A_10 = tpu.memref_slice %arg3[%mul3A_2, %dma_start3A] : memref<10016x128xf32, #tpu.memory_space<hbm>> -> memref<313x128xf32, #tpu.memory_space<hbm>>
      %dma_start3A_11 = arith.constant 0 : i32
      %dma_start3A_12 = tpu.memref_slice %arg3[%mul3A_2, %dma_start3A_11] : memref<10016x128xf32, #tpu.memory_space<hbm>> -> memref<313x128xf32, #tpu.memory_space<hbm>>
      tpu.enqueue_dma source(%arg6 : memref<313x128xf32, #tpu.memory_space<vmem>>) target(%dma_start3A_12 : memref<313x128xf32, #tpu.memory_space<hbm>>) target_semaphore(%run_scoped3A_9 : memref<!tpu.dma_semaphore, #tpu.memory_space<semaphore_mem>>)
      %dma_wait3A = arith.constant 0 : i32
      %dma_wait3A_13 = tpu.memref_slice %arg3[%mul3A_2, %dma_wait3A] : memref<10016x128xf32, #tpu.memory_space<hbm>> -> memref<313x128xf32, #tpu.memory_space<hbm>>
      %dma_wait3A_14 = arith.constant 0 : i32
      %dma_wait3A_15 = tpu.memref_slice %arg3[%mul3A_2, %dma_wait3A_14] : memref<10016x128xf32, #tpu.memory_space<hbm>> -> memref<313x128xf32, #tpu.memory_space<hbm>>
      tpu.wait_dma2 semaphore(%run_scoped3A_9 : memref<!tpu.dma_semaphore, #tpu.memory_space<semaphore_mem>>) src(%arg6 : memref<313x128xf32, #tpu.memory_space<vmem>>) dst(%dma_wait3A_15 : memref<313x128xf32, #tpu.memory_space<hbm>>)
      tpu.yield
    }) : () -> ()
    return
  }
}

#map = affine_map<(d0, d1) -> (0, 0)>
#map1 = affine_map<(d0, d1) -> (0, 0, 0)>
module attributes {stable_mosaic.version = 14 : i64} {
  func.func @pass1(%arg0: i32, %arg1: i32, %arg2: memref<10016x384xf32, #tpu.memory_space<hbm>>, %arg3: memref<32x216x48xi32, #tpu.memory_space<hbm>>, %arg4: memref<32x216x48xi32, #tpu.memory_space<hbm>>, %arg5: memref<626x16xf32, #tpu.memory_space<hbm>>, %arg6: memref<331776x16xf32, #tpu.memory_space<hbm>>, %arg7: memref<2x10016x16xf32, #tpu.memory_space<hbm>>, %arg8: memref<216x48xi32, #tpu.memory_space<vmem>>, %arg9: memref<216x48xi32, #tpu.memory_space<vmem>>, %arg10: memref<48x384xf32, #tpu.memory_space<vmem>>, %arg11: memref<48x384xf32, #tpu.memory_space<vmem>>, %arg12: memref<48x384xf32, #tpu.memory_space<vmem>>, %arg13: memref<48x384xf32, #tpu.memory_space<vmem>>, %arg14: memref<48x16xf32, #tpu.memory_space<vmem>>, %arg15: memref<!tpu.dma_semaphore, #tpu.memory_space<semaphore_mem>>, %arg16: memref<!tpu.dma_semaphore, #tpu.memory_space<semaphore_mem>>, %arg17: memref<!tpu.dma_semaphore, #tpu.memory_space<semaphore_mem>>, %arg18: memref<!tpu.dma_semaphore, #tpu.memory_space<semaphore_mem>>, %arg19: memref<10016x16xf32, #tpu.memory_space<vmem_shared>>) attributes {dimension_semantics = [#tpu.dimension_semantics<core_parallel>, #tpu.dimension_semantics<subcore_parallel>], iteration_bounds = array<i64: 2, 16>, scalar_prefetch = 0 : i64, scratch_operands = 12 : i64, tpu.core_type = #tpu.core_type<sc_vector_subcore>, window_params = [{transform_indices = #map}, {transform_indices = #map1}, {transform_indices = #map1}, {transform_indices = #map}, {transform_indices = #map}, {transform_indices = #map1}]} {
    %mul3A = arith.constant 2 : i32
    %mul3A_0 = arith.muli %arg1, %mul3A : i32
    %add3A = arith.addi %mul3A_0, %arg0 : i32
    %mul3A_1 = arith.constant 626 : i32
    %mul3A_2 = arith.muli %arg1, %mul3A_1 : i32
    "tpu.region"() ({
      %run_scoped3A_109 = tpu.sem_alloc : memref<!tpu.dma_semaphore, #tpu.memory_space<semaphore_mem>>
      %dma_start3A_110 = arith.constant 0 : i32
      %dma_start3A_111 = tpu.memref_slice %arg19[%mul3A_2, %dma_start3A_110] : memref<10016x16xf32, #tpu.memory_space<vmem_shared>> -> memref<626x16xf32, #tpu.memory_space<vmem_shared>>
      tpu.enqueue_dma source(%arg5 : memref<626x16xf32, #tpu.memory_space<hbm>>) target(%dma_start3A_111 : memref<626x16xf32, #tpu.memory_space<vmem_shared>>) target_semaphore(%run_scoped3A_109 : memref<!tpu.dma_semaphore, #tpu.memory_space<semaphore_mem>>)
      %dma_wait3A_112 = arith.constant 0 : i32
      %dma_wait3A_113 = tpu.memref_slice %arg19[%mul3A_2, %dma_wait3A_112] : memref<10016x16xf32, #tpu.memory_space<vmem_shared>> -> memref<626x16xf32, #tpu.memory_space<vmem_shared>>
      tpu.wait_dma2 semaphore(%run_scoped3A_109 : memref<!tpu.dma_semaphore, #tpu.memory_space<semaphore_mem>>) src(%arg5 : memref<626x16xf32, #tpu.memory_space<hbm>>) dst(%dma_wait3A_113 : memref<626x16xf32, #tpu.memory_space<vmem_shared>>)
      tpu.yield
    }) : () -> ()
    %barrier3A = arith.constant 0 : index
    tpu.barrier barrier_id(%barrier3A)
    %iota3A = tpu.iota {dimensions = array<i32: 0>} : vector<16xi32>
    "tpu.region"() ({
      %run_scoped3A_109 = tpu.sem_alloc : memref<!tpu.dma_semaphore, #tpu.memory_space<semaphore_mem>>
      %dma_start3A_110 = arith.constant 0 : i32
      %dma_start3A_111 = arith.constant 0 : i32
      %dma_start3A_112 = tpu.memref_slice %arg3[%add3A, %dma_start3A_110, %dma_start3A_111] : memref<32x216x48xi32, #tpu.memory_space<hbm>> -> memref<1x216x48xi32, #tpu.memory_space<hbm>>
      %dma_start3A_113 = tpu.memref_squeeze %dma_start3A_112 : memref<1x216x48xi32, #tpu.memory_space<hbm>> -> memref<216x48xi32, #tpu.memory_space<hbm>>
      %dma_start3A_114 = arith.constant 0 : i32
      %dma_start3A_115 = arith.constant 0 : i32
      %dma_start3A_116 = tpu.memref_slice %arg3[%add3A, %dma_start3A_114, %dma_start3A_115] : memref<32x216x48xi32, #tpu.memory_space<hbm>> -> memref<1x216x48xi32, #tpu.memory_space<hbm>>
      %dma_start3A_117 = tpu.memref_squeeze %dma_start3A_116 : memref<1x216x48xi32, #tpu.memory_space<hbm>> -> memref<216x48xi32, #tpu.memory_space<hbm>>
      tpu.enqueue_dma source(%dma_start3A_117 : memref<216x48xi32, #tpu.memory_space<hbm>>) target(%arg8 : memref<216x48xi32, #tpu.memory_space<vmem>>) target_semaphore(%run_scoped3A_109 : memref<!tpu.dma_semaphore, #tpu.memory_space<semaphore_mem>>)
      %dma_wait3A_118 = arith.constant 0 : i32
      %dma_wait3A_119 = arith.constant 0 : i32
      %dma_wait3A_120 = tpu.memref_slice %arg3[%add3A, %dma_wait3A_118, %dma_wait3A_119] : memref<32x216x48xi32, #tpu.memory_space<hbm>> -> memref<1x216x48xi32, #tpu.memory_space<hbm>>
      %dma_wait3A_121 = tpu.memref_squeeze %dma_wait3A_120 : memref<1x216x48xi32, #tpu.memory_space<hbm>> -> memref<216x48xi32, #tpu.memory_space<hbm>>
      %dma_wait3A_122 = arith.constant 0 : i32
      %dma_wait3A_123 = arith.constant 0 : i32
      %dma_wait3A_124 = tpu.memref_slice %arg3[%add3A, %dma_wait3A_122, %dma_wait3A_123] : memref<32x216x48xi32, #tpu.memory_space<hbm>> -> memref<1x216x48xi32, #tpu.memory_space<hbm>>
      %dma_wait3A_125 = tpu.memref_squeeze %dma_wait3A_124 : memref<1x216x48xi32, #tpu.memory_space<hbm>> -> memref<216x48xi32, #tpu.memory_space<hbm>>
      tpu.wait_dma2 semaphore(%run_scoped3A_109 : memref<!tpu.dma_semaphore, #tpu.memory_space<semaphore_mem>>) src(%dma_wait3A_125 : memref<216x48xi32, #tpu.memory_space<hbm>>) dst(%arg8 : memref<216x48xi32, #tpu.memory_space<vmem>>)
      tpu.yield
    }) : () -> ()
    "tpu.region"() ({
      %run_scoped3A_109 = tpu.sem_alloc : memref<!tpu.dma_semaphore, #tpu.memory_space<semaphore_mem>>
      %dma_start3A_110 = arith.constant 0 : i32
      %dma_start3A_111 = arith.constant 0 : i32
      %dma_start3A_112 = tpu.memref_slice %arg4[%add3A, %dma_start3A_110, %dma_start3A_111] : memref<32x216x48xi32, #tpu.memory_space<hbm>> -> memref<1x216x48xi32, #tpu.memory_space<hbm>>
      %dma_start3A_113 = tpu.memref_squeeze %dma_start3A_112 : memref<1x216x48xi32, #tpu.memory_space<hbm>> -> memref<216x48xi32, #tpu.memory_space<hbm>>
      %dma_start3A_114 = arith.constant 0 : i32
      %dma_start3A_115 = arith.constant 0 : i32
      %dma_start3A_116 = tpu.memref_slice %arg4[%add3A, %dma_start3A_114, %dma_start3A_115] : memref<32x216x48xi32, #tpu.memory_space<hbm>> -> memref<1x216x48xi32, #tpu.memory_space<hbm>>
      %dma_start3A_117 = tpu.memref_squeeze %dma_start3A_116 : memref<1x216x48xi32, #tpu.memory_space<hbm>> -> memref<216x48xi32, #tpu.memory_space<hbm>>
      tpu.enqueue_dma source(%dma_start3A_117 : memref<216x48xi32, #tpu.memory_space<hbm>>) target(%arg9 : memref<216x48xi32, #tpu.memory_space<vmem>>) target_semaphore(%run_scoped3A_109 : memref<!tpu.dma_semaphore, #tpu.memory_space<semaphore_mem>>)
      %dma_wait3A_118 = arith.constant 0 : i32
      %dma_wait3A_119 = arith.constant 0 : i32
      %dma_wait3A_120 = tpu.memref_slice %arg4[%add3A, %dma_wait3A_118, %dma_wait3A_119] : memref<32x216x48xi32, #tpu.memory_space<hbm>> -> memref<1x216x48xi32, #tpu.memory_space<hbm>>
      %dma_wait3A_121 = tpu.memref_squeeze %dma_wait3A_120 : memref<1x216x48xi32, #tpu.memory_space<hbm>> -> memref<216x48xi32, #tpu.memory_space<hbm>>
      %dma_wait3A_122 = arith.constant 0 : i32
      %dma_wait3A_123 = arith.constant 0 : i32
      %dma_wait3A_124 = tpu.memref_slice %arg4[%add3A, %dma_wait3A_122, %dma_wait3A_123] : memref<32x216x48xi32, #tpu.memory_space<hbm>> -> memref<1x216x48xi32, #tpu.memory_space<hbm>>
      %dma_wait3A_125 = tpu.memref_squeeze %dma_wait3A_124 : memref<1x216x48xi32, #tpu.memory_space<hbm>> -> memref<216x48xi32, #tpu.memory_space<hbm>>
      tpu.wait_dma2 semaphore(%run_scoped3A_109 : memref<!tpu.dma_semaphore, #tpu.memory_space<semaphore_mem>>) src(%dma_wait3A_125 : memref<216x48xi32, #tpu.memory_space<hbm>>) dst(%arg9 : memref<216x48xi32, #tpu.memory_space<vmem>>)
      tpu.yield
    }) : () -> ()
    %scan3A = arith.constant 0 : i32
    %scan3A_3 = arith.constant 0 : i32
    %scan3A_4 = arith.constant 48 : i32
    %scan3A_5 = arith.addi %scan3A_3, %scan3A_4 : i32
    %scan3A_6 = arith.constant 1 : i32
    scf.for %scan3A_109 = %scan3A_3 to %scan3A_5 step %scan3A_6  : i32 {
      %broadcast_in_dim3A_110 = arith.constant 0.000000e+00 : f32
      %broadcast_in_dim3A_111 = vector.broadcast %broadcast_in_dim3A_110 : f32 to vector<16xf32>
      %swap3A = arith.index_cast %scan3A_109 : i32 to index
      %swap3A_112 = arith.constant 0 : index
      %swap3A_113 = tpu.vector_load %arg14[%swap3A, %swap3A_112] {strides = array<i32>} : memref<48x16xf32, #tpu.memory_space<vmem>>, vector<16xf32>,
      tpu.vector_store %arg14[%swap3A, %swap3A_112], %broadcast_in_dim3A_111 {strides = array<i32>} : memref<48x16xf32, #tpu.memory_space<vmem>>, vector<16xf32>,
    }
    %scan3A_7 = arith.constant 48 : i32
    %broadcast_in_dim3A = arith.constant 0 : i32
    %broadcast_in_dim3A_8 = vector.broadcast %broadcast_in_dim3A : i32 to vector<16xi32>
    %broadcast_in_dim3A_9 = arith.constant 1 : i32
    %broadcast_in_dim3A_10 = vector.broadcast %broadcast_in_dim3A_9 : i32 to vector<16xi32>
    %broadcast_in_dim3A_11 = arith.constant 2 : i32
    %broadcast_in_dim3A_12 = vector.broadcast %broadcast_in_dim3A_11 : i32 to vector<16xi32>
    %broadcast_in_dim3A_13 = arith.constant 3 : i32
    %broadcast_in_dim3A_14 = vector.broadcast %broadcast_in_dim3A_13 : i32 to vector<16xi32>
    %broadcast_in_dim3A_15 = arith.constant 4 : i32
    %broadcast_in_dim3A_16 = vector.broadcast %broadcast_in_dim3A_15 : i32 to vector<16xi32>
    %broadcast_in_dim3A_17 = arith.constant 5 : i32
    %broadcast_in_dim3A_18 = vector.broadcast %broadcast_in_dim3A_17 : i32 to vector<16xi32>
    %broadcast_in_dim3A_19 = arith.constant 6 : i32
    %broadcast_in_dim3A_20 = vector.broadcast %broadcast_in_dim3A_19 : i32 to vector<16xi32>
    %broadcast_in_dim3A_21 = arith.constant 7 : i32
    %broadcast_in_dim3A_22 = vector.broadcast %broadcast_in_dim3A_21 : i32 to vector<16xi32>
    %dma_start3A = arith.constant 0 : i32
    %dma_start3A_23 = arith.constant 0 : i32
    %dma_start3A_24 = tpu.memref_slice %arg8[%dma_start3A, %dma_start3A_23] : memref<216x48xi32, #tpu.memory_space<vmem>> -> memref<1x48xi32, #tpu.memory_space<vmem>>
    %dma_start3A_25 = tpu.memref_squeeze %dma_start3A_24 : memref<1x48xi32, #tpu.memory_space<vmem>> -> memref<48xi32, #tpu.memory_space<vmem>>
    %dma_start3A_26 = arith.constant 0 : i32
    %dma_start3A_27 = arith.constant 0 : i32
    %dma_start3A_28 = tpu.memref_slice %arg2[%dma_start3A_26, %dma_start3A_27] : memref<10016x384xf32, #tpu.memory_space<hbm>> -> memref<10016x384xf32, #tpu.memory_space<hbm>>
    tpu.enqueue_indirect_dma source(%dma_start3A_28 : memref<10016x384xf32, #tpu.memory_space<hbm>>) target(%arg10 : memref<48x384xf32, #tpu.memory_space<vmem>>) offsets(%dma_start3A_25 : memref<48xi32, #tpu.memory_space<vmem>>) semaphore(%arg15 : memref<!tpu.dma_semaphore, #tpu.memory_space<semaphore_mem>>)
    %dma_start3A_29 = arith.constant 0 : i32
    %dma_start3A_30 = arith.constant 0 : i32
    %dma_start3A_31 = tpu.memref_slice %arg9[%dma_start3A_29, %dma_start3A_30] : memref<216x48xi32, #tpu.memory_space<vmem>> -> memref<1x48xi32, #tpu.memory_space<vmem>>
    %dma_start3A_32 = tpu.memref_squeeze %dma_start3A_31 : memref<1x48xi32, #tpu.memory_space<vmem>> -> memref<48xi32, #tpu.memory_space<vmem>>
    %dma_start3A_33 = arith.constant 0 : i32
    %dma_start3A_34 = arith.constant 0 : i32
    %dma_start3A_35 = tpu.memref_slice %arg2[%dma_start3A_33, %dma_start3A_34] : memref<10016x384xf32, #tpu.memory_space<hbm>> -> memref<10016x384xf32, #tpu.memory_space<hbm>>
    tpu.enqueue_indirect_dma source(%dma_start3A_35 : memref<10016x384xf32, #tpu.memory_space<hbm>>) target(%arg11 : memref<48x384xf32, #tpu.memory_space<vmem>>) offsets(%dma_start3A_32 : memref<48xi32, #tpu.memory_space<vmem>>) semaphore(%arg16 : memref<!tpu.dma_semaphore, #tpu.memory_space<semaphore_mem>>)
    %scan3A_36 = arith.constant 0 : i32
    %scan3A_37 = arith.constant 0 : i32
    %scan3A_38 = arith.constant 107 : i32
    %scan3A_39 = arith.addi %scan3A_37, %scan3A_38 : i32
    %scan3A_40 = arith.constant 1 : i32
    scf.for %scan3A_109 = %scan3A_37 to %scan3A_39 step %scan3A_40  : i32 {
      %mul3A_110 = arith.constant 2 : i32
      %mul3A_111 = arith.muli %mul3A_110, %scan3A_109 : i32
      %add3A_112 = arith.constant 1 : i32
      %add3A_113 = arith.addi %mul3A_111, %add3A_112 : i32
      %dma_start3A_114 = arith.constant 0 : i32
      %dma_start3A_115 = tpu.memref_slice %arg8[%add3A_113, %dma_start3A_114] : memref<216x48xi32, #tpu.memory_space<vmem>> -> memref<1x48xi32, #tpu.memory_space<vmem>>
      %dma_start3A_116 = tpu.memref_squeeze %dma_start3A_115 : memref<1x48xi32, #tpu.memory_space<vmem>> -> memref<48xi32, #tpu.memory_space<vmem>>
      %dma_start3A_117 = arith.constant 0 : i32
      %dma_start3A_118 = arith.constant 0 : i32
      %dma_start3A_119 = tpu.memref_slice %arg2[%dma_start3A_117, %dma_start3A_118] : memref<10016x384xf32, #tpu.memory_space<hbm>> -> memref<10016x384xf32, #tpu.memory_space<hbm>>
      tpu.enqueue_indirect_dma source(%dma_start3A_119 : memref<10016x384xf32, #tpu.memory_space<hbm>>) target(%arg12 : memref<48x384xf32, #tpu.memory_space<vmem>>) offsets(%dma_start3A_116 : memref<48xi32, #tpu.memory_space<vmem>>) semaphore(%arg17 : memref<!tpu.dma_semaphore, #tpu.memory_space<semaphore_mem>>)
      %dma_start3A_120 = arith.constant 0 : i32
      %dma_start3A_121 = tpu.memref_slice %arg9[%add3A_113, %dma_start3A_120] : memref<216x48xi32, #tpu.memory_space<vmem>> -> memref<1x48xi32, #tpu.memory_space<vmem>>
      %dma_start3A_122 = tpu.memref_squeeze %dma_start3A_121 : memref<1x48xi32, #tpu.memory_space<vmem>> -> memref<48xi32, #tpu.memory_space<vmem>>
      %dma_start3A_123 = arith.constant 0 : i32
      %dma_start3A_124 = arith.constant 0 : i32
      %dma_start3A_125 = tpu.memref_slice %arg2[%dma_start3A_123, %dma_start3A_124] : memref<10016x384xf32, #tpu.memory_space<hbm>> -> memref<10016x384xf32, #tpu.memory_space<hbm>>
      tpu.enqueue_indirect_dma source(%dma_start3A_125 : memref<10016x384xf32, #tpu.memory_space<hbm>>) target(%arg13 : memref<48x384xf32, #tpu.memory_space<vmem>>) offsets(%dma_start3A_122 : memref<48xi32, #tpu.memory_space<vmem>>) semaphore(%arg18 : memref<!tpu.dma_semaphore, #tpu.memory_space<semaphore_mem>>)
      %dma_wait3A_126 = arith.constant 0 : i32
      %dma_wait3A_127 = tpu.memref_slice %arg8[%mul3A_111, %dma_wait3A_126] : memref<216x48xi32, #tpu.memory_space<vmem>> -> memref<1x48xi32, #tpu.memory_space<vmem>>
      %dma_wait3A_128 = tpu.memref_squeeze %dma_wait3A_127 : memref<1x48xi32, #tpu.memory_space<vmem>> -> memref<48xi32, #tpu.memory_space<vmem>>
      %dma_wait3A_129 = arith.constant 0 : i32
      %dma_wait3A_130 = arith.constant 0 : i32
      %dma_wait3A_131 = tpu.memref_slice %arg2[%dma_wait3A_129, %dma_wait3A_130] : memref<10016x384xf32, #tpu.memory_space<hbm>> -> memref<10016x384xf32, #tpu.memory_space<hbm>>
      tpu.wait_indirect_dma semaphore(%arg15 : memref<!tpu.dma_semaphore, #tpu.memory_space<semaphore_mem>>) src(%dma_wait3A_131 : memref<10016x384xf32, #tpu.memory_space<hbm>>) dst(%arg10 : memref<48x384xf32, #tpu.memory_space<vmem>>)
      %dma_wait3A_132 = arith.constant 0 : i32
      %dma_wait3A_133 = tpu.memref_slice %arg9[%mul3A_111, %dma_wait3A_132] : memref<216x48xi32, #tpu.memory_space<vmem>> -> memref<1x48xi32, #tpu.memory_space<vmem>>
      %dma_wait3A_134 = tpu.memref_squeeze %dma_wait3A_133 : memref<1x48xi32, #tpu.memory_space<vmem>> -> memref<48xi32, #tpu.memory_space<vmem>>
      %dma_wait3A_135 = arith.constant 0 : i32
      %dma_wait3A_136 = arith.constant 0 : i32
      %dma_wait3A_137 = tpu.memref_slice %arg2[%dma_wait3A_135, %dma_wait3A_136] : memref<10016x384xf32, #tpu.memory_space<hbm>> -> memref<10016x384xf32, #tpu.memory_space<hbm>>
      tpu.wait_indirect_dma semaphore(%arg16 : memref<!tpu.dma_semaphore, #tpu.memory_space<semaphore_mem>>) src(%dma_wait3A_137 : memref<10016x384xf32, #tpu.memory_space<hbm>>) dst(%arg11 : memref<48x384xf32, #tpu.memory_space<vmem>>)
      %scan3A_138 = arith.constant 0 : i32
      %scan3A_139 = arith.constant 0 : i32
      %scan3A_140 = arith.constant 3 : i32
      %scan3A_141 = arith.addi %scan3A_139, %scan3A_140 : i32
      %scan3A_142 = arith.constant 1 : i32
      scf.for %scan3A_188 = %scan3A_139 to %scan3A_141 step %scan3A_142  : i32 {
        %mul3A_189 = arith.constant 16 : i32
        %mul3A_190 = arith.muli %scan3A_188, %mul3A_189 : i32
        %add3A_191 = vector.broadcast %mul3A_190 : i32 to vector<16xi32>
        %add3A_192 = arith.addi %add3A_191, %iota3A : vector<16xi32>
        %broadcast_in_dim3A_193 = arith.constant 0.000000e+00 : f32
        %broadcast_in_dim3A_194 = vector.broadcast %broadcast_in_dim3A_193 : f32 to vector<16xf32>
        %broadcast_in_dim3A_195 = arith.constant 0.000000e+00 : f32
        %broadcast_in_dim3A_196 = vector.broadcast %broadcast_in_dim3A_195 : f32 to vector<16xf32>
        %broadcast_in_dim3A_197 = arith.constant 0.000000e+00 : f32
        %broadcast_in_dim3A_198 = vector.broadcast %broadcast_in_dim3A_197 : f32 to vector<16xf32>
        %broadcast_in_dim3A_199 = arith.constant 0.000000e+00 : f32
        %broadcast_in_dim3A_200 = vector.broadcast %broadcast_in_dim3A_199 : f32 to vector<16xf32>
        %broadcast_in_dim3A_201 = arith.constant 0.000000e+00 : f32
        %broadcast_in_dim3A_202 = vector.broadcast %broadcast_in_dim3A_201 : f32 to vector<16xf32>
        %broadcast_in_dim3A_203 = arith.constant 0.000000e+00 : f32
        %broadcast_in_dim3A_204 = vector.broadcast %broadcast_in_dim3A_203 : f32 to vector<16xf32>
        %broadcast_in_dim3A_205 = arith.constant 0.000000e+00 : f32
        %broadcast_in_dim3A_206 = vector.broadcast %broadcast_in_dim3A_205 : f32 to vector<16xf32>
        %broadcast_in_dim3A_207 = arith.constant 0.000000e+00 : f32
        %broadcast_in_dim3A_208 = vector.broadcast %broadcast_in_dim3A_207 : f32 to vector<16xf32>
        %scan3A_209 = arith.constant 0 : i32
        %scan3A_210 = arith.constant 48 : i32
        %scan3A_211 = arith.addi %scan3A_209, %scan3A_210 : i32
        %scan3A_212 = arith.constant 1 : i32
        %scan3A_213:9 = scf.for %scan3A_246 = %scan3A_209 to %scan3A_211 step %scan3A_212 iter_args(%scan3A_247 = %iota3A, %scan3A_248 = %broadcast_in_dim3A_194, %scan3A_249 = %broadcast_in_dim3A_196, %scan3A_250 = %broadcast_in_dim3A_198, %scan3A_251 = %broadcast_in_dim3A_200, %scan3A_252 = %broadcast_in_dim3A_202, %scan3A_253 = %broadcast_in_dim3A_204, %scan3A_254 = %broadcast_in_dim3A_206, %scan3A_255 = %broadcast_in_dim3A_208) -> (vector<16xi32>, vector<16xf32>, vector<16xf32>, vector<16xf32>, vector<16xf32>, vector<16xf32>, vector<16xf32>, vector<16xf32>, vector<16xf32>)  : i32 {
          %add3A_256 = arith.constant 0 : i32
          %add3A_257 = vector.broadcast %add3A_256 : i32 to vector<16xi32>
          %add3A_258 = arith.addi %scan3A_247, %add3A_257 : vector<16xi32>
          %gather3A = tpu.vector_load_idx %arg10[%add3A_192, %add3A_258] : memref<48x384xf32, #tpu.memory_space<vmem>>[vector<16xi32>, vector<16xi32>], vector<16xf32>,
          %gather3A_259 = tpu.vector_load_idx %arg11[%add3A_192, %add3A_258] : memref<48x384xf32, #tpu.memory_space<vmem>>[vector<16xi32>, vector<16xi32>], vector<16xf32>,
          %mul3A_260 = arith.mulf %gather3A, %gather3A_259 : vector<16xf32>
          %add3A_261 = arith.addf %scan3A_248, %mul3A_260 : vector<16xf32>
          %add3A_262 = arith.constant 48 : i32
          %add3A_263 = vector.broadcast %add3A_262 : i32 to vector<16xi32>
          %add3A_264 = arith.addi %scan3A_247, %add3A_263 : vector<16xi32>
          %gather3A_265 = tpu.vector_load_idx %arg10[%add3A_192, %add3A_264] : memref<48x384xf32, #tpu.memory_space<vmem>>[vector<16xi32>, vector<16xi32>], vector<16xf32>,
          %gather3A_266 = tpu.vector_load_idx %arg11[%add3A_192, %add3A_264] : memref<48x384xf32, #tpu.memory_space<vmem>>[vector<16xi32>, vector<16xi32>], vector<16xf32>,
          %mul3A_267 = arith.mulf %gather3A_265, %gather3A_266 : vector<16xf32>
          %add3A_268 = arith.addf %scan3A_249, %mul3A_267 : vector<16xf32>
          %add3A_269 = arith.constant 96 : i32
          %add3A_270 = vector.broadcast %add3A_269 : i32 to vector<16xi32>
          %add3A_271 = arith.addi %scan3A_247, %add3A_270 : vector<16xi32>
          %gather3A_272 = tpu.vector_load_idx %arg10[%add3A_192, %add3A_271] : memref<48x384xf32, #tpu.memory_space<vmem>>[vector<16xi32>, vector<16xi32>], vector<16xf32>,
          %gather3A_273 = tpu.vector_load_idx %arg11[%add3A_192, %add3A_271] : memref<48x384xf32, #tpu.memory_space<vmem>>[vector<16xi32>, vector<16xi32>], vector<16xf32>,
          %mul3A_274 = arith.mulf %gather3A_272, %gather3A_273 : vector<16xf32>
          %add3A_275 = arith.addf %scan3A_250, %mul3A_274 : vector<16xf32>
          %add3A_276 = arith.constant 144 : i32
          %add3A_277 = vector.broadcast %add3A_276 : i32 to vector<16xi32>
          %add3A_278 = arith.addi %scan3A_247, %add3A_277 : vector<16xi32>
          %gather3A_279 = tpu.vector_load_idx %arg10[%add3A_192, %add3A_278] : memref<48x384xf32, #tpu.memory_space<vmem>>[vector<16xi32>, vector<16xi32>], vector<16xf32>,
          %gather3A_280 = tpu.vector_load_idx %arg11[%add3A_192, %add3A_278] : memref<48x384xf32, #tpu.memory_space<vmem>>[vector<16xi32>, vector<16xi32>], vector<16xf32>,
          %mul3A_281 = arith.mulf %gather3A_279, %gather3A_280 : vector<16xf32>
          %add3A_282 = arith.addf %scan3A_251, %mul3A_281 : vector<16xf32>
          %add3A_283 = arith.constant 192 : i32
          %add3A_284 = vector.broadcast %add3A_283 : i32 to vector<16xi32>
          %add3A_285 = arith.addi %scan3A_247, %add3A_284 : vector<16xi32>
          %gather3A_286 = tpu.vector_load_idx %arg10[%add3A_192, %add3A_285] : memref<48x384xf32, #tpu.memory_space<vmem>>[vector<16xi32>, vector<16xi32>], vector<16xf32>,
          %gather3A_287 = tpu.vector_load_idx %arg11[%add3A_192, %add3A_285] : memref<48x384xf32, #tpu.memory_space<vmem>>[vector<16xi32>, vector<16xi32>], vector<16xf32>,
          %mul3A_288 = arith.mulf %gather3A_286, %gather3A_287 : vector<16xf32>
          %add3A_289 = arith.addf %scan3A_252, %mul3A_288 : vector<16xf32>
          %add3A_290 = arith.constant 240 : i32
          %add3A_291 = vector.broadcast %add3A_290 : i32 to vector<16xi32>
          %add3A_292 = arith.addi %scan3A_247, %add3A_291 : vector<16xi32>
          %gather3A_293 = tpu.vector_load_idx %arg10[%add3A_192, %add3A_292] : memref<48x384xf32, #tpu.memory_space<vmem>>[vector<16xi32>, vector<16xi32>], vector<16xf32>,
          %gather3A_294 = tpu.vector_load_idx %arg11[%add3A_192, %add3A_292] : memref<48x384xf32, #tpu.memory_space<vmem>>[vector<16xi32>, vector<16xi32>], vector<16xf32>,
          %mul3A_295 = arith.mulf %gather3A_293, %gather3A_294 : vector<16xf32>
          %add3A_296 = arith.addf %scan3A_253, %mul3A_295 : vector<16xf32>
          %add3A_297 = arith.constant 288 : i32
          %add3A_298 = vector.broadcast %add3A_297 : i32 to vector<16xi32>
          %add3A_299 = arith.addi %scan3A_247, %add3A_298 : vector<16xi32>
          %gather3A_300 = tpu.vector_load_idx %arg10[%add3A_192, %add3A_299] : memref<48x384xf32, #tpu.memory_space<vmem>>[vector<16xi32>, vector<16xi32>], vector<16xf32>,
          %gather3A_301 = tpu.vector_load_idx %arg11[%add3A_192, %add3A_299] : memref<48x384xf32, #tpu.memory_space<vmem>>[vector<16xi32>, vector<16xi32>], vector<16xf32>,
          %mul3A_302 = arith.mulf %gather3A_300, %gather3A_301 : vector<16xf32>
          %add3A_303 = arith.addf %scan3A_254, %mul3A_302 : vector<16xf32>
          %add3A_304 = arith.constant 336 : i32
          %add3A_305 = vector.broadcast %add3A_304 : i32 to vector<16xi32>
          %add3A_306 = arith.addi %scan3A_247, %add3A_305 : vector<16xi32>
          %gather3A_307 = tpu.vector_load_idx %arg10[%add3A_192, %add3A_306] : memref<48x384xf32, #tpu.memory_space<vmem>>[vector<16xi32>, vector<16xi32>], vector<16xf32>,
          %gather3A_308 = tpu.vector_load_idx %arg11[%add3A_192, %add3A_306] : memref<48x384xf32, #tpu.memory_space<vmem>>[vector<16xi32>, vector<16xi32>], vector<16xf32>,
          %mul3A_309 = arith.mulf %gather3A_307, %gather3A_308 : vector<16xf32>
          %add3A_310 = arith.addf %scan3A_255, %mul3A_309 : vector<16xf32>
          %add3A_311 = arith.constant 1 : i32
          %add3A_312 = vector.broadcast %add3A_311 : i32 to vector<16xi32>
          %add3A_313 = arith.addi %scan3A_247, %add3A_312 : vector<16xi32>
          %ge3A = arith.constant 48 : i32
          %ge3A_314 = vector.broadcast %ge3A : i32 to vector<16xi32>
          %ge3A_315 = arith.cmpi sge, %add3A_313, %ge3A_314 : vector<16xi32>
          %sub3A = arith.constant 48 : i32
          %sub3A_316 = vector.broadcast %sub3A : i32 to vector<16xi32>
          %sub3A_317 = arith.subi %add3A_313, %sub3A_316 : vector<16xi32>
          %select_n3A = arith.select %ge3A_315, %sub3A_317, %add3A_313 : vector<16xi1>, vector<16xi32>
          scf.yield %select_n3A, %add3A_261, %add3A_268, %add3A_275, %add3A_282, %add3A_289, %add3A_296, %add3A_303, %add3A_310 : vector<16xi32>, vector<16xf32>, vector<16xf32>, vector<16xf32>, vector<16xf32>, vector<16xf32>, vector<16xf32>, vector<16xf32>, vector<16xf32>
        }
        %scan3A_214 = arith.constant 48 : i32
        %mul3A_215 = arith.constant 0.158113882 : f32
        %mul3A_216 = vector.broadcast %mul3A_215 : f32 to vector<16xf32>
        %mul3A_217 = arith.mulf %scan3A_213#1, %mul3A_216 : vector<16xf32>
        %exp3A = math.exp %mul3A_217 : vector<16xf32>
        tpu.vector_store_idx %arg14[%add3A_192, %broadcast_in_dim3A_8], %exp3A : memref<48x16xf32, #tpu.memory_space<vmem>>[vector<16xi32>, vector<16xi32>], vector<16xf32>,
        %mul3A_218 = arith.constant 0.158113882 : f32
        %mul3A_219 = vector.broadcast %mul3A_218 : f32 to vector<16xf32>
        %mul3A_220 = arith.mulf %scan3A_213#2, %mul3A_219 : vector<16xf32>
        %exp3A_221 = math.exp %mul3A_220 : vector<16xf32>
        tpu.vector_store_idx %arg14[%add3A_192, %broadcast_in_dim3A_10], %exp3A_221 : memref<48x16xf32, #tpu.memory_space<vmem>>[vector<16xi32>, vector<16xi32>], vector<16xf32>,
        %mul3A_222 = arith.constant 0.158113882 : f32
        %mul3A_223 = vector.broadcast %mul3A_222 : f32 to vector<16xf32>
        %mul3A_224 = arith.mulf %scan3A_213#3, %mul3A_223 : vector<16xf32>
        %exp3A_225 = math.exp %mul3A_224 : vector<16xf32>
        tpu.vector_store_idx %arg14[%add3A_192, %broadcast_in_dim3A_12], %exp3A_225 : memref<48x16xf32, #tpu.memory_space<vmem>>[vector<16xi32>, vector<16xi32>], vector<16xf32>,
        %mul3A_226 = arith.constant 0.158113882 : f32
        %mul3A_227 = vector.broadcast %mul3A_226 : f32 to vector<16xf32>
        %mul3A_228 = arith.mulf %scan3A_213#4, %mul3A_227 : vector<16xf32>
        %exp3A_229 = math.exp %mul3A_228 : vector<16xf32>
        tpu.vector_store_idx %arg14[%add3A_192, %broadcast_in_dim3A_14], %exp3A_229 : memref<48x16xf32, #tpu.memory_space<vmem>>[vector<16xi32>, vector<16xi32>], vector<16xf32>,
        %mul3A_230 = arith.constant 0.158113882 : f32
        %mul3A_231 = vector.broadcast %mul3A_230 : f32 to vector<16xf32>
        %mul3A_232 = arith.mulf %scan3A_213#5, %mul3A_231 : vector<16xf32>
        %exp3A_233 = math.exp %mul3A_232 : vector<16xf32>
        tpu.vector_store_idx %arg14[%add3A_192, %broadcast_in_dim3A_16], %exp3A_233 : memref<48x16xf32, #tpu.memory_space<vmem>>[vector<16xi32>, vector<16xi32>], vector<16xf32>,
        %mul3A_234 = arith.constant 0.158113882 : f32
        %mul3A_235 = vector.broadcast %mul3A_234 : f32 to vector<16xf32>
        %mul3A_236 = arith.mulf %scan3A_213#6, %mul3A_235 : vector<16xf32>
        %exp3A_237 = math.exp %mul3A_236 : vector<16xf32>
        tpu.vector_store_idx %arg14[%add3A_192, %broadcast_in_dim3A_18], %exp3A_237 : memref<48x16xf32, #tpu.memory_space<vmem>>[vector<16xi32>, vector<16xi32>], vector<16xf32>,
        %mul3A_238 = arith.constant 0.158113882 : f32
        %mul3A_239 = vector.broadcast %mul3A_238 : f32 to vector<16xf32>
        %mul3A_240 = arith.mulf %scan3A_213#7, %mul3A_239 : vector<16xf32>
        %exp3A_241 = math.exp %mul3A_240 : vector<16xf32>
        tpu.vector_store_idx %arg14[%add3A_192, %broadcast_in_dim3A_20], %exp3A_241 : memref<48x16xf32, #tpu.memory_space<vmem>>[vector<16xi32>, vector<16xi32>], vector<16xf32>,
        %mul3A_242 = arith.constant 0.158113882 : f32
        %mul3A_243 = vector.broadcast %mul3A_242 : f32 to vector<16xf32>
        %mul3A_244 = arith.mulf %scan3A_213#8, %mul3A_243 : vector<16xf32>
        %exp3A_245 = math.exp %mul3A_244 : vector<16xf32>
        tpu.vector_store_idx %arg14[%add3A_192, %broadcast_in_dim3A_22], %exp3A_245 : memref<48x16xf32, #tpu.memory_space<vmem>>[vector<16xi32>, vector<16xi32>], vector<16xf32>,
      }
      %scan3A_143 = arith.constant 3 : i32
      %mul3A_144 = arith.constant 10368 : i32
      %mul3A_145 = arith.muli %add3A, %mul3A_144 : i32
      %mul3A_146 = arith.constant 48 : i32
      %mul3A_147 = arith.muli %mul3A_111, %mul3A_146 : i32
      %add3A_148 = arith.addi %mul3A_145, %mul3A_147 : i32
      "tpu.region"() ({
        %run_scoped3A_188 = tpu.sem_alloc : memref<!tpu.dma_semaphore, #tpu.memory_space<semaphore_mem>>
        %dma_start3A_189 = arith.constant 0 : i32
        %dma_start3A_190 = tpu.memref_slice %arg6[%add3A_148, %dma_start3A_189] : memref<331776x16xf32, #tpu.memory_space<hbm>> -> memref<48x16xf32, #tpu.memory_space<hbm>>
        %dma_start3A_191 = arith.constant 0 : i32
        %dma_start3A_192 = tpu.memref_slice %arg6[%add3A_148, %dma_start3A_191] : memref<331776x16xf32, #tpu.memory_space<hbm>> -> memref<48x16xf32, #tpu.memory_space<hbm>>
        tpu.enqueue_dma source(%arg14 : memref<48x16xf32, #tpu.memory_space<vmem>>) target(%dma_start3A_192 : memref<48x16xf32, #tpu.memory_space<hbm>>) target_semaphore(%run_scoped3A_188 : memref<!tpu.dma_semaphore, #tpu.memory_space<semaphore_mem>>)
        %dma_wait3A_193 = arith.constant 0 : i32
        %dma_wait3A_194 = tpu.memref_slice %arg6[%add3A_148, %dma_wait3A_193] : memref<331776x16xf32, #tpu.memory_space<hbm>> -> memref<48x16xf32, #tpu.memory_space<hbm>>
        %dma_wait3A_195 = arith.constant 0 : i32
        %dma_wait3A_196 = tpu.memref_slice %arg6[%add3A_148, %dma_wait3A_195] : memref<331776x16xf32, #tpu.memory_space<hbm>> -> memref<48x16xf32, #tpu.memory_space<hbm>>
        tpu.wait_dma2 semaphore(%run_scoped3A_188 : memref<!tpu.dma_semaphore, #tpu.memory_space<semaphore_mem>>) src(%arg14 : memref<48x16xf32, #tpu.memory_space<vmem>>) dst(%dma_wait3A_196 : memref<48x16xf32, #tpu.memory_space<hbm>>)
        tpu.yield
      }) : () -> ()
      "tpu.region"() ({
        %run_scoped3A_188 = tpu.sem_alloc : memref<!tpu.dma_semaphore, #tpu.memory_space<semaphore_mem>>
        %dma_start3A_189 = arith.constant 0 : i32
        %dma_start3A_190 = tpu.memref_slice %arg9[%mul3A_111, %dma_start3A_189] : memref<216x48xi32, #tpu.memory_space<vmem>> -> memref<1x48xi32, #tpu.memory_space<vmem>>
        %dma_start3A_191 = tpu.memref_squeeze %dma_start3A_190 : memref<1x48xi32, #tpu.memory_space<vmem>> -> memref<48xi32, #tpu.memory_space<vmem>>
        %dma_start3A_192 = arith.constant 0 : i32
        %dma_start3A_193 = arith.constant 0 : i32
        %dma_start3A_194 = tpu.memref_slice %arg19[%dma_start3A_192, %dma_start3A_193] : memref<10016x16xf32, #tpu.memory_space<vmem_shared>> -> memref<10016x16xf32, #tpu.memory_space<vmem_shared>>
        tpu.enqueue_indirect_dma source(%arg14 : memref<48x16xf32, #tpu.memory_space<vmem>>) target(%dma_start3A_194 : memref<10016x16xf32, #tpu.memory_space<vmem_shared>>) offsets(%dma_start3A_191 : memref<48xi32, #tpu.memory_space<vmem>>) semaphore(%run_scoped3A_188 : memref<!tpu.dma_semaphore, #tpu.memory_space<semaphore_mem>>) {add = true}
        %dma_wait3A_195 = arith.constant 0 : i32
        %dma_wait3A_196 = tpu.memref_slice %arg9[%mul3A_111, %dma_wait3A_195] : memref<216x48xi32, #tpu.memory_space<vmem>> -> memref<1x48xi32, #tpu.memory_space<vmem>>
        %dma_wait3A_197 = tpu.memref_squeeze %dma_wait3A_196 : memref<1x48xi32, #tpu.memory_space<vmem>> -> memref<48xi32, #tpu.memory_space<vmem>>
        %dma_wait3A_198 = arith.constant 0 : i32
        %dma_wait3A_199 = arith.constant 0 : i32
        %dma_wait3A_200 = tpu.memref_slice %arg19[%dma_wait3A_198, %dma_wait3A_199] : memref<10016x16xf32, #tpu.memory_space<vmem_shared>> -> memref<10016x16xf32, #tpu.memory_space<vmem_shared>>
        tpu.wait_indirect_dma semaphore(%run_scoped3A_188 : memref<!tpu.dma_semaphore, #tpu.memory_space<semaphore_mem>>) src(%arg14 : memref<48x16xf32, #tpu.memory_space<vmem>>) dst(%dma_wait3A_200 : memref<10016x16xf32, #tpu.memory_space<vmem_shared>>)
        tpu.yield
      }) : () -> ()
      %add3A_149 = arith.constant 2 : i32
      %add3A_150 = arith.addi %mul3A_111, %add3A_149 : i32
      %dma_start3A_151 = arith.constant 0 : i32
      %dma_start3A_152 = tpu.memref_slice %arg8[%add3A_150, %dma_start3A_151] : memref<216x48xi32, #tpu.memory_space<vmem>> -> memref<1x48xi32, #tpu.memory_space<vmem>>
      %dma_start3A_153 = tpu.memref_squeeze %dma_start3A_152 : memref<1x48xi32, #tpu.memory_space<vmem>> -> memref<48xi32, #tpu.memory_space<vmem>>
      %dma_start3A_154 = arith.constant 0 : i32
      %dma_start3A_155 = arith.constant 0 : i32
      %dma_start3A_156 = tpu.memref_slice %arg2[%dma_start3A_154, %dma_start3A_155] : memref<10016x384xf32, #tpu.memory_space<hbm>> -> memref<10016x384xf32, #tpu.memory_space<hbm>>
      tpu.enqueue_indirect_dma source(%dma_start3A_156 : memref<10016x384xf32, #tpu.memory_space<hbm>>) target(%arg10 : memref<48x384xf32, #tpu.memory_space<vmem>>) offsets(%dma_start3A_153 : memref<48xi32, #tpu.memory_space<vmem>>) semaphore(%arg15 : memref<!tpu.dma_semaphore, #tpu.memory_space<semaphore_mem>>)
      %dma_start3A_157 = arith.constant 0 : i32
      %dma_start3A_158 = tpu.memref_slice %arg9[%add3A_150, %dma_start3A_157] : memref<216x48xi32, #tpu.memory_space<vmem>> -> memref<1x48xi32, #tpu.memory_space<vmem>>
      %dma_start3A_159 = tpu.memref_squeeze %dma_start3A_158 : memref<1x48xi32, #tpu.memory_space<vmem>> -> memref<48xi32, #tpu.memory_space<vmem>>
      %dma_start3A_160 = arith.constant 0 : i32
      %dma_start3A_161 = arith.constant 0 : i32
      %dma_start3A_162 = tpu.memref_slice %arg2[%dma_start3A_160, %dma_start3A_161] : memref<10016x384xf32, #tpu.memory_space<hbm>> -> memref<10016x384xf32, #tpu.memory_space<hbm>>
      tpu.enqueue_indirect_dma source(%dma_start3A_162 : memref<10016x384xf32, #tpu.memory_space<hbm>>) target(%arg11 : memref<48x384xf32, #tpu.memory_space<vmem>>) offsets(%dma_start3A_159 : memref<48xi32, #tpu.memory_space<vmem>>) semaphore(%arg16 : memref<!tpu.dma_semaphore, #tpu.memory_space<semaphore_mem>>)
      %add3A_163 = arith.constant 1 : i32
      %add3A_164 = arith.addi %mul3A_111, %add3A_163 : i32
      %dma_wait3A_165 = arith.constant 0 : i32
      %dma_wait3A_166 = tpu.memref_slice %arg8[%add3A_164, %dma_wait3A_165] : memref<216x48xi32, #tpu.memory_space<vmem>> -> memref<1x48xi32, #tpu.memory_space<vmem>>
      %dma_wait3A_167 = tpu.memref_squeeze %dma_wait3A_166 : memref<1x48xi32, #tpu.memory_space<vmem>> -> memref<48xi32, #tpu.memory_space<vmem>>
      %dma_wait3A_168 = arith.constant 0 : i32
      %dma_wait3A_169 = arith.constant 0 : i32
      %dma_wait3A_170 = tpu.memref_slice %arg2[%dma_wait3A_168, %dma_wait3A_169] : memref<10016x384xf32, #tpu.memory_space<hbm>> -> memref<10016x384xf32, #tpu.memory_space<hbm>>
      tpu.wait_indirect_dma semaphore(%arg17 : memref<!tpu.dma_semaphore, #tpu.memory_space<semaphore_mem>>) src(%dma_wait3A_170 : memref<10016x384xf32, #tpu.memory_space<hbm>>) dst(%arg12 : memref<48x384xf32, #tpu.memory_space<vmem>>)
      %dma_wait3A_171 = arith.constant 0 : i32
      %dma_wait3A_172 = tpu.memref_slice %arg9[%add3A_164, %dma_wait3A_171] : memref<216x48xi32, #tpu.memory_space<vmem>> -> memref<1x48xi32, #tpu.memory_space<vmem>>
      %dma_wait3A_173 = tpu.memref_squeeze %dma_wait3A_172 : memref<1x48xi32, #tpu.memory_space<vmem>> -> memref<48xi32, #tpu.memory_space<vmem>>
      %dma_wait3A_174 = arith.constant 0 : i32
      %dma_wait3A_175 = arith.constant 0 : i32
      %dma_wait3A_176 = tpu.memref_slice %arg2[%dma_wait3A_174, %dma_wait3A_175] : memref<10016x384xf32, #tpu.memory_space<hbm>> -> memref<10016x384xf32, #tpu.memory_space<hbm>>
      tpu.wait_indirect_dma semaphore(%arg18 : memref<!tpu.dma_semaphore, #tpu.memory_space<semaphore_mem>>) src(%dma_wait3A_176 : memref<10016x384xf32, #tpu.memory_space<hbm>>) dst(%arg13 : memref<48x384xf32, #tpu.memory_space<vmem>>)
      %scan3A_177 = arith.constant 0 : i32
      %scan3A_178 = arith.constant 0 : i32
      %scan3A_179 = arith.constant 3 : i32
      %scan3A_180 = arith.addi %scan3A_178, %scan3A_179 : i32
      %scan3A_181 = arith.constant 1 : i32
      scf.for %scan3A_188 = %scan3A_178 to %scan3A_180 step %scan3A_181  : i32 {
        %mul3A_189 = arith.constant 16 : i32
        %mul3A_190 = arith.muli %scan3A_188, %mul3A_189 : i32
        %add3A_191 = vector.broadcast %mul3A_190 : i32 to vector<16xi32>
        %add3A_192 = arith.addi %add3A_191, %iota3A : vector<16xi32>
        %broadcast_in_dim3A_193 = arith.constant 0.000000e+00 : f32
        %broadcast_in_dim3A_194 = vector.broadcast %broadcast_in_dim3A_193 : f32 to vector<16xf32>
        %broadcast_in_dim3A_195 = arith.constant 0.000000e+00 : f32
        %broadcast_in_dim3A_196 = vector.broadcast %broadcast_in_dim3A_195 : f32 to vector<16xf32>
        %broadcast_in_dim3A_197 = arith.constant 0.000000e+00 : f32
        %broadcast_in_dim3A_198 = vector.broadcast %broadcast_in_dim3A_197 : f32 to vector<16xf32>
        %broadcast_in_dim3A_199 = arith.constant 0.000000e+00 : f32
        %broadcast_in_dim3A_200 = vector.broadcast %broadcast_in_dim3A_199 : f32 to vector<16xf32>
        %broadcast_in_dim3A_201 = arith.constant 0.000000e+00 : f32
        %broadcast_in_dim3A_202 = vector.broadcast %broadcast_in_dim3A_201 : f32 to vector<16xf32>
        %broadcast_in_dim3A_203 = arith.constant 0.000000e+00 : f32
        %broadcast_in_dim3A_204 = vector.broadcast %broadcast_in_dim3A_203 : f32 to vector<16xf32>
        %broadcast_in_dim3A_205 = arith.constant 0.000000e+00 : f32
        %broadcast_in_dim3A_206 = vector.broadcast %broadcast_in_dim3A_205 : f32 to vector<16xf32>
        %broadcast_in_dim3A_207 = arith.constant 0.000000e+00 : f32
        %broadcast_in_dim3A_208 = vector.broadcast %broadcast_in_dim3A_207 : f32 to vector<16xf32>
        %scan3A_209 = arith.constant 0 : i32
        %scan3A_210 = arith.constant 48 : i32
        %scan3A_211 = arith.addi %scan3A_209, %scan3A_210 : i32
        %scan3A_212 = arith.constant 1 : i32
        %scan3A_213:9 = scf.for %scan3A_246 = %scan3A_209 to %scan3A_211 step %scan3A_212 iter_args(%scan3A_247 = %iota3A, %scan3A_248 = %broadcast_in_dim3A_194, %scan3A_249 = %broadcast_in_dim3A_196, %scan3A_250 = %broadcast_in_dim3A_198, %scan3A_251 = %broadcast_in_dim3A_200, %scan3A_252 = %broadcast_in_dim3A_202, %scan3A_253 = %broadcast_in_dim3A_204, %scan3A_254 = %broadcast_in_dim3A_206, %scan3A_255 = %broadcast_in_dim3A_208) -> (vector<16xi32>, vector<16xf32>, vector<16xf32>, vector<16xf32>, vector<16xf32>, vector<16xf32>, vector<16xf32>, vector<16xf32>, vector<16xf32>)  : i32 {
          %add3A_256 = arith.constant 0 : i32
          %add3A_257 = vector.broadcast %add3A_256 : i32 to vector<16xi32>
          %add3A_258 = arith.addi %scan3A_247, %add3A_257 : vector<16xi32>
          %gather3A = tpu.vector_load_idx %arg12[%add3A_192, %add3A_258] : memref<48x384xf32, #tpu.memory_space<vmem>>[vector<16xi32>, vector<16xi32>], vector<16xf32>,
          %gather3A_259 = tpu.vector_load_idx %arg13[%add3A_192, %add3A_258] : memref<48x384xf32, #tpu.memory_space<vmem>>[vector<16xi32>, vector<16xi32>], vector<16xf32>,
          %mul3A_260 = arith.mulf %gather3A, %gather3A_259 : vector<16xf32>
          %add3A_261 = arith.addf %scan3A_248, %mul3A_260 : vector<16xf32>
          %add3A_262 = arith.constant 48 : i32
          %add3A_263 = vector.broadcast %add3A_262 : i32 to vector<16xi32>
          %add3A_264 = arith.addi %scan3A_247, %add3A_263 : vector<16xi32>
          %gather3A_265 = tpu.vector_load_idx %arg12[%add3A_192, %add3A_264] : memref<48x384xf32, #tpu.memory_space<vmem>>[vector<16xi32>, vector<16xi32>], vector<16xf32>,
          %gather3A_266 = tpu.vector_load_idx %arg13[%add3A_192, %add3A_264] : memref<48x384xf32, #tpu.memory_space<vmem>>[vector<16xi32>, vector<16xi32>], vector<16xf32>,
          %mul3A_267 = arith.mulf %gather3A_265, %gather3A_266 : vector<16xf32>
          %add3A_268 = arith.addf %scan3A_249, %mul3A_267 : vector<16xf32>
          %add3A_269 = arith.constant 96 : i32
          %add3A_270 = vector.broadcast %add3A_269 : i32 to vector<16xi32>
          %add3A_271 = arith.addi %scan3A_247, %add3A_270 : vector<16xi32>
          %gather3A_272 = tpu.vector_load_idx %arg12[%add3A_192, %add3A_271] : memref<48x384xf32, #tpu.memory_space<vmem>>[vector<16xi32>, vector<16xi32>], vector<16xf32>,
          %gather3A_273 = tpu.vector_load_idx %arg13[%add3A_192, %add3A_271] : memref<48x384xf32, #tpu.memory_space<vmem>>[vector<16xi32>, vector<16xi32>], vector<16xf32>,
          %mul3A_274 = arith.mulf %gather3A_272, %gather3A_273 : vector<16xf32>
          %add3A_275 = arith.addf %scan3A_250, %mul3A_274 : vector<16xf32>
          %add3A_276 = arith.constant 144 : i32
          %add3A_277 = vector.broadcast %add3A_276 : i32 to vector<16xi32>
          %add3A_278 = arith.addi %scan3A_247, %add3A_277 : vector<16xi32>
          %gather3A_279 = tpu.vector_load_idx %arg12[%add3A_192, %add3A_278] : memref<48x384xf32, #tpu.memory_space<vmem>>[vector<16xi32>, vector<16xi32>], vector<16xf32>,
          %gather3A_280 = tpu.vector_load_idx %arg13[%add3A_192, %add3A_278] : memref<48x384xf32, #tpu.memory_space<vmem>>[vector<16xi32>, vector<16xi32>], vector<16xf32>,
          %mul3A_281 = arith.mulf %gather3A_279, %gather3A_280 : vector<16xf32>
          %add3A_282 = arith.addf %scan3A_251, %mul3A_281 : vector<16xf32>
          %add3A_283 = arith.constant 192 : i32
          %add3A_284 = vector.broadcast %add3A_283 : i32 to vector<16xi32>
          %add3A_285 = arith.addi %scan3A_247, %add3A_284 : vector<16xi32>
          %gather3A_286 = tpu.vector_load_idx %arg12[%add3A_192, %add3A_285] : memref<48x384xf32, #tpu.memory_space<vmem>>[vector<16xi32>, vector<16xi32>], vector<16xf32>,
          %gather3A_287 = tpu.vector_load_idx %arg13[%add3A_192, %add3A_285] : memref<48x384xf32, #tpu.memory_space<vmem>>[vector<16xi32>, vector<16xi32>], vector<16xf32>,
          %mul3A_288 = arith.mulf %gather3A_286, %gather3A_287 : vector<16xf32>
          %add3A_289 = arith.addf %scan3A_252, %mul3A_288 : vector<16xf32>
          %add3A_290 = arith.constant 240 : i32
          %add3A_291 = vector.broadcast %add3A_290 : i32 to vector<16xi32>
          %add3A_292 = arith.addi %scan3A_247, %add3A_291 : vector<16xi32>
          %gather3A_293 = tpu.vector_load_idx %arg12[%add3A_192, %add3A_292] : memref<48x384xf32, #tpu.memory_space<vmem>>[vector<16xi32>, vector<16xi32>], vector<16xf32>,
          %gather3A_294 = tpu.vector_load_idx %arg13[%add3A_192, %add3A_292] : memref<48x384xf32, #tpu.memory_space<vmem>>[vector<16xi32>, vector<16xi32>], vector<16xf32>,
          %mul3A_295 = arith.mulf %gather3A_293, %gather3A_294 : vector<16xf32>
          %add3A_296 = arith.addf %scan3A_253, %mul3A_295 : vector<16xf32>
          %add3A_297 = arith.constant 288 : i32
          %add3A_298 = vector.broadcast %add3A_297 : i32 to vector<16xi32>
          %add3A_299 = arith.addi %scan3A_247, %add3A_298 : vector<16xi32>
          %gather3A_300 = tpu.vector_load_idx %arg12[%add3A_192, %add3A_299] : memref<48x384xf32, #tpu.memory_space<vmem>>[vector<16xi32>, vector<16xi32>], vector<16xf32>,
          %gather3A_301 = tpu.vector_load_idx %arg13[%add3A_192, %add3A_299] : memref<48x384xf32, #tpu.memory_space<vmem>>[vector<16xi32>, vector<16xi32>], vector<16xf32>,
          %mul3A_302 = arith.mulf %gather3A_300, %gather3A_301 : vector<16xf32>
          %add3A_303 = arith.addf %scan3A_254, %mul3A_302 : vector<16xf32>
          %add3A_304 = arith.constant 336 : i32
          %add3A_305 = vector.broadcast %add3A_304 : i32 to vector<16xi32>
          %add3A_306 = arith.addi %scan3A_247, %add3A_305 : vector<16xi32>
          %gather3A_307 = tpu.vector_load_idx %arg12[%add3A_192, %add3A_306] : memref<48x384xf32, #tpu.memory_space<vmem>>[vector<16xi32>, vector<16xi32>], vector<16xf32>,
          %gather3A_308 = tpu.vector_load_idx %arg13[%add3A_192, %add3A_306] : memref<48x384xf32, #tpu.memory_space<vmem>>[vector<16xi32>, vector<16xi32>], vector<16xf32>,
          %mul3A_309 = arith.mulf %gather3A_307, %gather3A_308 : vector<16xf32>
          %add3A_310 = arith.addf %scan3A_255, %mul3A_309 : vector<16xf32>
          %add3A_311 = arith.constant 1 : i32
          %add3A_312 = vector.broadcast %add3A_311 : i32 to vector<16xi32>
          %add3A_313 = arith.addi %scan3A_247, %add3A_312 : vector<16xi32>
          %ge3A = arith.constant 48 : i32
          %ge3A_314 = vector.broadcast %ge3A : i32 to vector<16xi32>
          %ge3A_315 = arith.cmpi sge, %add3A_313, %ge3A_314 : vector<16xi32>
          %sub3A = arith.constant 48 : i32
          %sub3A_316 = vector.broadcast %sub3A : i32 to vector<16xi32>
          %sub3A_317 = arith.subi %add3A_313, %sub3A_316 : vector<16xi32>
          %select_n3A = arith.select %ge3A_315, %sub3A_317, %add3A_313 : vector<16xi1>, vector<16xi32>
          scf.yield %select_n3A, %add3A_261, %add3A_268, %add3A_275, %add3A_282, %add3A_289, %add3A_296, %add3A_303, %add3A_310 : vector<16xi32>, vector<16xf32>, vector<16xf32>, vector<16xf32>, vector<16xf32>, vector<16xf32>, vector<16xf32>, vector<16xf32>, vector<16xf32>
        }
        %scan3A_214 = arith.constant 48 : i32
        %mul3A_215 = arith.constant 0.158113882 : f32
        %mul3A_216 = vector.broadcast %mul3A_215 : f32 to vector<16xf32>
        %mul3A_217 = arith.mulf %scan3A_213#1, %mul3A_216 : vector<16xf32>
        %exp3A = math.exp %mul3A_217 : vector<16xf32>
        tpu.vector_store_idx %arg14[%add3A_192, %broadcast_in_dim3A_8], %exp3A : memref<48x16xf32, #tpu.memory_space<vmem>>[vector<16xi32>, vector<16xi32>], vector<16xf32>,
        %mul3A_218 = arith.constant 0.158113882 : f32
        %mul3A_219 = vector.broadcast %mul3A_218 : f32 to vector<16xf32>
        %mul3A_220 = arith.mulf %scan3A_213#2, %mul3A_219 : vector<16xf32>
        %exp3A_221 = math.exp %mul3A_220 : vector<16xf32>
        tpu.vector_store_idx %arg14[%add3A_192, %broadcast_in_dim3A_10], %exp3A_221 : memref<48x16xf32, #tpu.memory_space<vmem>>[vector<16xi32>, vector<16xi32>], vector<16xf32>,
        %mul3A_222 = arith.constant 0.158113882 : f32
        %mul3A_223 = vector.broadcast %mul3A_222 : f32 to vector<16xf32>
        %mul3A_224 = arith.mulf %scan3A_213#3, %mul3A_223 : vector<16xf32>
        %exp3A_225 = math.exp %mul3A_224 : vector<16xf32>
        tpu.vector_store_idx %arg14[%add3A_192, %broadcast_in_dim3A_12], %exp3A_225 : memref<48x16xf32, #tpu.memory_space<vmem>>[vector<16xi32>, vector<16xi32>], vector<16xf32>,
        %mul3A_226 = arith.constant 0.158113882 : f32
        %mul3A_227 = vector.broadcast %mul3A_226 : f32 to vector<16xf32>
        %mul3A_228 = arith.mulf %scan3A_213#4, %mul3A_227 : vector<16xf32>
        %exp3A_229 = math.exp %mul3A_228 : vector<16xf32>
        tpu.vector_store_idx %arg14[%add3A_192, %broadcast_in_dim3A_14], %exp3A_229 : memref<48x16xf32, #tpu.memory_space<vmem>>[vector<16xi32>, vector<16xi32>], vector<16xf32>,
        %mul3A_230 = arith.constant 0.158113882 : f32
        %mul3A_231 = vector.broadcast %mul3A_230 : f32 to vector<16xf32>
        %mul3A_232 = arith.mulf %scan3A_213#5, %mul3A_231 : vector<16xf32>
        %exp3A_233 = math.exp %mul3A_232 : vector<16xf32>
        tpu.vector_store_idx %arg14[%add3A_192, %broadcast_in_dim3A_16], %exp3A_233 : memref<48x16xf32, #tpu.memory_space<vmem>>[vector<16xi32>, vector<16xi32>], vector<16xf32>,
        %mul3A_234 = arith.constant 0.158113882 : f32
        %mul3A_235 = vector.broadcast %mul3A_234 : f32 to vector<16xf32>
        %mul3A_236 = arith.mulf %scan3A_213#6, %mul3A_235 : vector<16xf32>
        %exp3A_237 = math.exp %mul3A_236 : vector<16xf32>
        tpu.vector_store_idx %arg14[%add3A_192, %broadcast_in_dim3A_18], %exp3A_237 : memref<48x16xf32, #tpu.memory_space<vmem>>[vector<16xi32>, vector<16xi32>], vector<16xf32>,
        %mul3A_238 = arith.constant 0.158113882 : f32
        %mul3A_239 = vector.broadcast %mul3A_238 : f32 to vector<16xf32>
        %mul3A_240 = arith.mulf %scan3A_213#7, %mul3A_239 : vector<16xf32>
        %exp3A_241 = math.exp %mul3A_240 : vector<16xf32>
        tpu.vector_store_idx %arg14[%add3A_192, %broadcast_in_dim3A_20], %exp3A_241 : memref<48x16xf32, #tpu.memory_space<vmem>>[vector<16xi32>, vector<16xi32>], vector<16xf32>,
        %mul3A_242 = arith.constant 0.158113882 : f32
        %mul3A_243 = vector.broadcast %mul3A_242 : f32 to vector<16xf32>
        %mul3A_244 = arith.mulf %scan3A_213#8, %mul3A_243 : vector<16xf32>
        %exp3A_245 = math.exp %mul3A_244 : vector<16xf32>
        tpu.vector_store_idx %arg14[%add3A_192, %broadcast_in_dim3A_22], %exp3A_245 : memref<48x16xf32, #tpu.memory_space<vmem>>[vector<16xi32>, vector<16xi32>], vector<16xf32>,
      }
      %scan3A_182 = arith.constant 3 : i32
      %mul3A_183 = arith.constant 10368 : i32
      %mul3A_184 = arith.muli %add3A, %mul3A_183 : i32
      %mul3A_185 = arith.constant 48 : i32
      %mul3A_186 = arith.muli %add3A_164, %mul3A_185 : i32
      %add3A_187 = arith.addi %mul3A_184, %mul3A_186 : i32
      "tpu.region"() ({
        %run_scoped3A_188 = tpu.sem_alloc : memref<!tpu.dma_semaphore, #tpu.memory_space<semaphore_mem>>
        %dma_start3A_189 = arith.constant 0 : i32
        %dma_start3A_190 = tpu.memref_slice %arg6[%add3A_187, %dma_start3A_189] : memref<331776x16xf32, #tpu.memory_space<hbm>> -> memref<48x16xf32, #tpu.memory_space<hbm>>
        %dma_start3A_191 = arith.constant 0 : i32
        %dma_start3A_192 = tpu.memref_slice %arg6[%add3A_187, %dma_start3A_191] : memref<331776x16xf32, #tpu.memory_space<hbm>> -> memref<48x16xf32, #tpu.memory_space<hbm>>
        tpu.enqueue_dma source(%arg14 : memref<48x16xf32, #tpu.memory_space<vmem>>) target(%dma_start3A_192 : memref<48x16xf32, #tpu.memory_space<hbm>>) target_semaphore(%run_scoped3A_188 : memref<!tpu.dma_semaphore, #tpu.memory_space<semaphore_mem>>)
        %dma_wait3A_193 = arith.constant 0 : i32
        %dma_wait3A_194 = tpu.memref_slice %arg6[%add3A_187, %dma_wait3A_193] : memref<331776x16xf32, #tpu.memory_space<hbm>> -> memref<48x16xf32, #tpu.memory_space<hbm>>
        %dma_wait3A_195 = arith.constant 0 : i32
        %dma_wait3A_196 = tpu.memref_slice %arg6[%add3A_187, %dma_wait3A_195] : memref<331776x16xf32, #tpu.memory_space<hbm>> -> memref<48x16xf32, #tpu.memory_space<hbm>>
        tpu.wait_dma2 semaphore(%run_scoped3A_188 : memref<!tpu.dma_semaphore, #tpu.memory_space<semaphore_mem>>) src(%arg14 : memref<48x16xf32, #tpu.memory_space<vmem>>) dst(%dma_wait3A_196 : memref<48x16xf32, #tpu.memory_space<hbm>>)
        tpu.yield
      }) : () -> ()
      "tpu.region"() ({
        %run_scoped3A_188 = tpu.sem_alloc : memref<!tpu.dma_semaphore, #tpu.memory_space<semaphore_mem>>
        %dma_start3A_189 = arith.constant 0 : i32
        %dma_start3A_190 = tpu.memref_slice %arg9[%add3A_164, %dma_start3A_189] : memref<216x48xi32, #tpu.memory_space<vmem>> -> memref<1x48xi32, #tpu.memory_space<vmem>>
        %dma_start3A_191 = tpu.memref_squeeze %dma_start3A_190 : memref<1x48xi32, #tpu.memory_space<vmem>> -> memref<48xi32, #tpu.memory_space<vmem>>
        %dma_start3A_192 = arith.constant 0 : i32
        %dma_start3A_193 = arith.constant 0 : i32
        %dma_start3A_194 = tpu.memref_slice %arg19[%dma_start3A_192, %dma_start3A_193] : memref<10016x16xf32, #tpu.memory_space<vmem_shared>> -> memref<10016x16xf32, #tpu.memory_space<vmem_shared>>
        tpu.enqueue_indirect_dma source(%arg14 : memref<48x16xf32, #tpu.memory_space<vmem>>) target(%dma_start3A_194 : memref<10016x16xf32, #tpu.memory_space<vmem_shared>>) offsets(%dma_start3A_191 : memref<48xi32, #tpu.memory_space<vmem>>) semaphore(%run_scoped3A_188 : memref<!tpu.dma_semaphore, #tpu.memory_space<semaphore_mem>>) {add = true}
        %dma_wait3A_195 = arith.constant 0 : i32
        %dma_wait3A_196 = tpu.memref_slice %arg9[%add3A_164, %dma_wait3A_195] : memref<216x48xi32, #tpu.memory_space<vmem>> -> memref<1x48xi32, #tpu.memory_space<vmem>>
        %dma_wait3A_197 = tpu.memref_squeeze %dma_wait3A_196 : memref<1x48xi32, #tpu.memory_space<vmem>> -> memref<48xi32, #tpu.memory_space<vmem>>
        %dma_wait3A_198 = arith.constant 0 : i32
        %dma_wait3A_199 = arith.constant 0 : i32
        %dma_wait3A_200 = tpu.memref_slice %arg19[%dma_wait3A_198, %dma_wait3A_199] : memref<10016x16xf32, #tpu.memory_space<vmem_shared>> -> memref<10016x16xf32, #tpu.memory_space<vmem_shared>>
        tpu.wait_indirect_dma semaphore(%run_scoped3A_188 : memref<!tpu.dma_semaphore, #tpu.memory_space<semaphore_mem>>) src(%arg14 : memref<48x16xf32, #tpu.memory_space<vmem>>) dst(%dma_wait3A_200 : memref<10016x16xf32, #tpu.memory_space<vmem_shared>>)
        tpu.yield
      }) : () -> ()
    }
    %scan3A_41 = arith.constant 107 : i32
    %dma_start3A_42 = arith.constant 215 : i32
    %dma_start3A_43 = arith.constant 0 : i32
    %dma_start3A_44 = tpu.memref_slice %arg8[%dma_start3A_42, %dma_start3A_43] : memref<216x48xi32, #tpu.memory_space<vmem>> -> memref<1x48xi32, #tpu.memory_space<vmem>>
    %dma_start3A_45 = tpu.memref_squeeze %dma_start3A_44 : memref<1x48xi32, #tpu.memory_space<vmem>> -> memref<48xi32, #tpu.memory_space<vmem>>
    %dma_start3A_46 = arith.constant 0 : i32
    %dma_start3A_47 = arith.constant 0 : i32
    %dma_start3A_48 = tpu.memref_slice %arg2[%dma_start3A_46, %dma_start3A_47] : memref<10016x384xf32, #tpu.memory_space<hbm>> -> memref<10016x384xf32, #tpu.memory_space<hbm>>
    tpu.enqueue_indirect_dma source(%dma_start3A_48 : memref<10016x384xf32, #tpu.memory_space<hbm>>) target(%arg12 : memref<48x384xf32, #tpu.memory_space<vmem>>) offsets(%dma_start3A_45 : memref<48xi32, #tpu.memory_space<vmem>>) semaphore(%arg17 : memref<!tpu.dma_semaphore, #tpu.memory_space<semaphore_mem>>)
    %dma_start3A_49 = arith.constant 215 : i32
    %dma_start3A_50 = arith.constant 0 : i32
    %dma_start3A_51 = tpu.memref_slice %arg9[%dma_start3A_49, %dma_start3A_50] : memref<216x48xi32, #tpu.memory_space<vmem>> -> memref<1x48xi32, #tpu.memory_space<vmem>>
    %dma_start3A_52 = tpu.memref_squeeze %dma_start3A_51 : memref<1x48xi32, #tpu.memory_space<vmem>> -> memref<48xi32, #tpu.memory_space<vmem>>
    %dma_start3A_53 = arith.constant 0 : i32
    %dma_start3A_54 = arith.constant 0 : i32
    %dma_start3A_55 = tpu.memref_slice %arg2[%dma_start3A_53, %dma_start3A_54] : memref<10016x384xf32, #tpu.memory_space<hbm>> -> memref<10016x384xf32, #tpu.memory_space<hbm>>
    tpu.enqueue_indirect_dma source(%dma_start3A_55 : memref<10016x384xf32, #tpu.memory_space<hbm>>) target(%arg13 : memref<48x384xf32, #tpu.memory_space<vmem>>) offsets(%dma_start3A_52 : memref<48xi32, #tpu.memory_space<vmem>>) semaphore(%arg18 : memref<!tpu.dma_semaphore, #tpu.memory_space<semaphore_mem>>)
    %dma_wait3A = arith.constant 214 : i32
    %dma_wait3A_56 = arith.constant 0 : i32
    %dma_wait3A_57 = tpu.memref_slice %arg8[%dma_wait3A, %dma_wait3A_56] : memref<216x48xi32, #tpu.memory_space<vmem>> -> memref<1x48xi32, #tpu.memory_space<vmem>>
    %dma_wait3A_58 = tpu.memref_squeeze %dma_wait3A_57 : memref<1x48xi32, #tpu.memory_space<vmem>> -> memref<48xi32, #tpu.memory_space<vmem>>
    %dma_wait3A_59 = arith.constant 0 : i32
    %dma_wait3A_60 = arith.constant 0 : i32
    %dma_wait3A_61 = tpu.memref_slice %arg2[%dma_wait3A_59, %dma_wait3A_60] : memref<10016x384xf32, #tpu.memory_space<hbm>> -> memref<10016x384xf32, #tpu.memory_space<hbm>>
    tpu.wait_indirect_dma semaphore(%arg15 : memref<!tpu.dma_semaphore, #tpu.memory_space<semaphore_mem>>) src(%dma_wait3A_61 : memref<10016x384xf32, #tpu.memory_space<hbm>>) dst(%arg10 : memref<48x384xf32, #tpu.memory_space<vmem>>)
    %dma_wait3A_62 = arith.constant 214 : i32
    %dma_wait3A_63 = arith.constant 0 : i32
    %dma_wait3A_64 = tpu.memref_slice %arg9[%dma_wait3A_62, %dma_wait3A_63] : memref<216x48xi32, #tpu.memory_space<vmem>> -> memref<1x48xi32, #tpu.memory_space<vmem>>
    %dma_wait3A_65 = tpu.memref_squeeze %dma_wait3A_64 : memref<1x48xi32, #tpu.memory_space<vmem>> -> memref<48xi32, #tpu.memory_space<vmem>>
    %dma_wait3A_66 = arith.constant 0 : i32
    %dma_wait3A_67 = arith.constant 0 : i32
    %dma_wait3A_68 = tpu.memref_slice %arg2[%dma_wait3A_66, %dma_wait3A_67] : memref<10016x384xf32, #tpu.memory_space<hbm>> -> memref<10016x384xf32, #tpu.memory_space<hbm>>
    tpu.wait_indirect_dma semaphore(%arg16 : memref<!tpu.dma_semaphore, #tpu.memory_space<semaphore_mem>>) src(%dma_wait3A_68 : memref<10016x384xf32, #tpu.memory_space<hbm>>) dst(%arg11 : memref<48x384xf32, #tpu.memory_space<vmem>>)
    %scan3A_69 = arith.constant 0 : i32
    %scan3A_70 = arith.constant 0 : i32
    %scan3A_71 = arith.constant 3 : i32
    %scan3A_72 = arith.addi %scan3A_70, %scan3A_71 : i32
    %scan3A_73 = arith.constant 1 : i32
    scf.for %scan3A_109 = %scan3A_70 to %scan3A_72 step %scan3A_73  : i32 {
      %mul3A_110 = arith.constant 16 : i32
      %mul3A_111 = arith.muli %scan3A_109, %mul3A_110 : i32
      %add3A_112 = vector.broadcast %mul3A_111 : i32 to vector<16xi32>
      %add3A_113 = arith.addi %add3A_112, %iota3A : vector<16xi32>
      %broadcast_in_dim3A_114 = arith.constant 0.000000e+00 : f32
      %broadcast_in_dim3A_115 = vector.broadcast %broadcast_in_dim3A_114 : f32 to vector<16xf32>
      %broadcast_in_dim3A_116 = arith.constant 0.000000e+00 : f32
      %broadcast_in_dim3A_117 = vector.broadcast %broadcast_in_dim3A_116 : f32 to vector<16xf32>
      %broadcast_in_dim3A_118 = arith.constant 0.000000e+00 : f32
      %broadcast_in_dim3A_119 = vector.broadcast %broadcast_in_dim3A_118 : f32 to vector<16xf32>
      %broadcast_in_dim3A_120 = arith.constant 0.000000e+00 : f32
      %broadcast_in_dim3A_121 = vector.broadcast %broadcast_in_dim3A_120 : f32 to vector<16xf32>
      %broadcast_in_dim3A_122 = arith.constant 0.000000e+00 : f32
      %broadcast_in_dim3A_123 = vector.broadcast %broadcast_in_dim3A_122 : f32 to vector<16xf32>
      %broadcast_in_dim3A_124 = arith.constant 0.000000e+00 : f32
      %broadcast_in_dim3A_125 = vector.broadcast %broadcast_in_dim3A_124 : f32 to vector<16xf32>
      %broadcast_in_dim3A_126 = arith.constant 0.000000e+00 : f32
      %broadcast_in_dim3A_127 = vector.broadcast %broadcast_in_dim3A_126 : f32 to vector<16xf32>
      %broadcast_in_dim3A_128 = arith.constant 0.000000e+00 : f32
      %broadcast_in_dim3A_129 = vector.broadcast %broadcast_in_dim3A_128 : f32 to vector<16xf32>
      %scan3A_130 = arith.constant 0 : i32
      %scan3A_131 = arith.constant 48 : i32
      %scan3A_132 = arith.addi %scan3A_130, %scan3A_131 : i32
      %scan3A_133 = arith.constant 1 : i32
      %scan3A_134:9 = scf.for %scan3A_167 = %scan3A_130 to %scan3A_132 step %scan3A_133 iter_args(%scan3A_168 = %iota3A, %scan3A_169 = %broadcast_in_dim3A_115, %scan3A_170 = %broadcast_in_dim3A_117, %scan3A_171 = %broadcast_in_dim3A_119, %scan3A_172 = %broadcast_in_dim3A_121, %scan3A_173 = %broadcast_in_dim3A_123, %scan3A_174 = %broadcast_in_dim3A_125, %scan3A_175 = %broadcast_in_dim3A_127, %scan3A_176 = %broadcast_in_dim3A_129) -> (vector<16xi32>, vector<16xf32>, vector<16xf32>, vector<16xf32>, vector<16xf32>, vector<16xf32>, vector<16xf32>, vector<16xf32>, vector<16xf32>)  : i32 {
        %add3A_177 = arith.constant 0 : i32
        %add3A_178 = vector.broadcast %add3A_177 : i32 to vector<16xi32>
        %add3A_179 = arith.addi %scan3A_168, %add3A_178 : vector<16xi32>
        %gather3A = tpu.vector_load_idx %arg10[%add3A_113, %add3A_179] : memref<48x384xf32, #tpu.memory_space<vmem>>[vector<16xi32>, vector<16xi32>], vector<16xf32>,
        %gather3A_180 = tpu.vector_load_idx %arg11[%add3A_113, %add3A_179] : memref<48x384xf32, #tpu.memory_space<vmem>>[vector<16xi32>, vector<16xi32>], vector<16xf32>,
        %mul3A_181 = arith.mulf %gather3A, %gather3A_180 : vector<16xf32>
        %add3A_182 = arith.addf %scan3A_169, %mul3A_181 : vector<16xf32>
        %add3A_183 = arith.constant 48 : i32
        %add3A_184 = vector.broadcast %add3A_183 : i32 to vector<16xi32>
        %add3A_185 = arith.addi %scan3A_168, %add3A_184 : vector<16xi32>
        %gather3A_186 = tpu.vector_load_idx %arg10[%add3A_113, %add3A_185] : memref<48x384xf32, #tpu.memory_space<vmem>>[vector<16xi32>, vector<16xi32>], vector<16xf32>,
        %gather3A_187 = tpu.vector_load_idx %arg11[%add3A_113, %add3A_185] : memref<48x384xf32, #tpu.memory_space<vmem>>[vector<16xi32>, vector<16xi32>], vector<16xf32>,
        %mul3A_188 = arith.mulf %gather3A_186, %gather3A_187 : vector<16xf32>
        %add3A_189 = arith.addf %scan3A_170, %mul3A_188 : vector<16xf32>
        %add3A_190 = arith.constant 96 : i32
        %add3A_191 = vector.broadcast %add3A_190 : i32 to vector<16xi32>
        %add3A_192 = arith.addi %scan3A_168, %add3A_191 : vector<16xi32>
        %gather3A_193 = tpu.vector_load_idx %arg10[%add3A_113, %add3A_192] : memref<48x384xf32, #tpu.memory_space<vmem>>[vector<16xi32>, vector<16xi32>], vector<16xf32>,
        %gather3A_194 = tpu.vector_load_idx %arg11[%add3A_113, %add3A_192] : memref<48x384xf32, #tpu.memory_space<vmem>>[vector<16xi32>, vector<16xi32>], vector<16xf32>,
        %mul3A_195 = arith.mulf %gather3A_193, %gather3A_194 : vector<16xf32>
        %add3A_196 = arith.addf %scan3A_171, %mul3A_195 : vector<16xf32>
        %add3A_197 = arith.constant 144 : i32
        %add3A_198 = vector.broadcast %add3A_197 : i32 to vector<16xi32>
        %add3A_199 = arith.addi %scan3A_168, %add3A_198 : vector<16xi32>
        %gather3A_200 = tpu.vector_load_idx %arg10[%add3A_113, %add3A_199] : memref<48x384xf32, #tpu.memory_space<vmem>>[vector<16xi32>, vector<16xi32>], vector<16xf32>,
        %gather3A_201 = tpu.vector_load_idx %arg11[%add3A_113, %add3A_199] : memref<48x384xf32, #tpu.memory_space<vmem>>[vector<16xi32>, vector<16xi32>], vector<16xf32>,
        %mul3A_202 = arith.mulf %gather3A_200, %gather3A_201 : vector<16xf32>
        %add3A_203 = arith.addf %scan3A_172, %mul3A_202 : vector<16xf32>
        %add3A_204 = arith.constant 192 : i32
        %add3A_205 = vector.broadcast %add3A_204 : i32 to vector<16xi32>
        %add3A_206 = arith.addi %scan3A_168, %add3A_205 : vector<16xi32>
        %gather3A_207 = tpu.vector_load_idx %arg10[%add3A_113, %add3A_206] : memref<48x384xf32, #tpu.memory_space<vmem>>[vector<16xi32>, vector<16xi32>], vector<16xf32>,
        %gather3A_208 = tpu.vector_load_idx %arg11[%add3A_113, %add3A_206] : memref<48x384xf32, #tpu.memory_space<vmem>>[vector<16xi32>, vector<16xi32>], vector<16xf32>,
        %mul3A_209 = arith.mulf %gather3A_207, %gather3A_208 : vector<16xf32>
        %add3A_210 = arith.addf %scan3A_173, %mul3A_209 : vector<16xf32>
        %add3A_211 = arith.constant 240 : i32
        %add3A_212 = vector.broadcast %add3A_211 : i32 to vector<16xi32>
        %add3A_213 = arith.addi %scan3A_168, %add3A_212 : vector<16xi32>
        %gather3A_214 = tpu.vector_load_idx %arg10[%add3A_113, %add3A_213] : memref<48x384xf32, #tpu.memory_space<vmem>>[vector<16xi32>, vector<16xi32>], vector<16xf32>,
        %gather3A_215 = tpu.vector_load_idx %arg11[%add3A_113, %add3A_213] : memref<48x384xf32, #tpu.memory_space<vmem>>[vector<16xi32>, vector<16xi32>], vector<16xf32>,
        %mul3A_216 = arith.mulf %gather3A_214, %gather3A_215 : vector<16xf32>
        %add3A_217 = arith.addf %scan3A_174, %mul3A_216 : vector<16xf32>
        %add3A_218 = arith.constant 288 : i32
        %add3A_219 = vector.broadcast %add3A_218 : i32 to vector<16xi32>
        %add3A_220 = arith.addi %scan3A_168, %add3A_219 : vector<16xi32>
        %gather3A_221 = tpu.vector_load_idx %arg10[%add3A_113, %add3A_220] : memref<48x384xf32, #tpu.memory_space<vmem>>[vector<16xi32>, vector<16xi32>], vector<16xf32>,
        %gather3A_222 = tpu.vector_load_idx %arg11[%add3A_113, %add3A_220] : memref<48x384xf32, #tpu.memory_space<vmem>>[vector<16xi32>, vector<16xi32>], vector<16xf32>,
        %mul3A_223 = arith.mulf %gather3A_221, %gather3A_222 : vector<16xf32>
        %add3A_224 = arith.addf %scan3A_175, %mul3A_223 : vector<16xf32>
        %add3A_225 = arith.constant 336 : i32
        %add3A_226 = vector.broadcast %add3A_225 : i32 to vector<16xi32>
        %add3A_227 = arith.addi %scan3A_168, %add3A_226 : vector<16xi32>
        %gather3A_228 = tpu.vector_load_idx %arg10[%add3A_113, %add3A_227] : memref<48x384xf32, #tpu.memory_space<vmem>>[vector<16xi32>, vector<16xi32>], vector<16xf32>,
        %gather3A_229 = tpu.vector_load_idx %arg11[%add3A_113, %add3A_227] : memref<48x384xf32, #tpu.memory_space<vmem>>[vector<16xi32>, vector<16xi32>], vector<16xf32>,
        %mul3A_230 = arith.mulf %gather3A_228, %gather3A_229 : vector<16xf32>
        %add3A_231 = arith.addf %scan3A_176, %mul3A_230 : vector<16xf32>
        %add3A_232 = arith.constant 1 : i32
        %add3A_233 = vector.broadcast %add3A_232 : i32 to vector<16xi32>
        %add3A_234 = arith.addi %scan3A_168, %add3A_233 : vector<16xi32>
        %ge3A = arith.constant 48 : i32
        %ge3A_235 = vector.broadcast %ge3A : i32 to vector<16xi32>
        %ge3A_236 = arith.cmpi sge, %add3A_234, %ge3A_235 : vector<16xi32>
        %sub3A = arith.constant 48 : i32
        %sub3A_237 = vector.broadcast %sub3A : i32 to vector<16xi32>
        %sub3A_238 = arith.subi %add3A_234, %sub3A_237 : vector<16xi32>
        %select_n3A = arith.select %ge3A_236, %sub3A_238, %add3A_234 : vector<16xi1>, vector<16xi32>
        scf.yield %select_n3A, %add3A_182, %add3A_189, %add3A_196, %add3A_203, %add3A_210, %add3A_217, %add3A_224, %add3A_231 : vector<16xi32>, vector<16xf32>, vector<16xf32>, vector<16xf32>, vector<16xf32>, vector<16xf32>, vector<16xf32>, vector<16xf32>, vector<16xf32>
      }
      %scan3A_135 = arith.constant 48 : i32
      %mul3A_136 = arith.constant 0.158113882 : f32
      %mul3A_137 = vector.broadcast %mul3A_136 : f32 to vector<16xf32>
      %mul3A_138 = arith.mulf %scan3A_134#1, %mul3A_137 : vector<16xf32>
      %exp3A = math.exp %mul3A_138 : vector<16xf32>
      tpu.vector_store_idx %arg14[%add3A_113, %broadcast_in_dim3A_8], %exp3A : memref<48x16xf32, #tpu.memory_space<vmem>>[vector<16xi32>, vector<16xi32>], vector<16xf32>,
      %mul3A_139 = arith.constant 0.158113882 : f32
      %mul3A_140 = vector.broadcast %mul3A_139 : f32 to vector<16xf32>
      %mul3A_141 = arith.mulf %scan3A_134#2, %mul3A_140 : vector<16xf32>
      %exp3A_142 = math.exp %mul3A_141 : vector<16xf32>
      tpu.vector_store_idx %arg14[%add3A_113, %broadcast_in_dim3A_10], %exp3A_142 : memref<48x16xf32, #tpu.memory_space<vmem>>[vector<16xi32>, vector<16xi32>], vector<16xf32>,
      %mul3A_143 = arith.constant 0.158113882 : f32
      %mul3A_144 = vector.broadcast %mul3A_143 : f32 to vector<16xf32>
      %mul3A_145 = arith.mulf %scan3A_134#3, %mul3A_144 : vector<16xf32>
      %exp3A_146 = math.exp %mul3A_145 : vector<16xf32>
      tpu.vector_store_idx %arg14[%add3A_113, %broadcast_in_dim3A_12], %exp3A_146 : memref<48x16xf32, #tpu.memory_space<vmem>>[vector<16xi32>, vector<16xi32>], vector<16xf32>,
      %mul3A_147 = arith.constant 0.158113882 : f32
      %mul3A_148 = vector.broadcast %mul3A_147 : f32 to vector<16xf32>
      %mul3A_149 = arith.mulf %scan3A_134#4, %mul3A_148 : vector<16xf32>
      %exp3A_150 = math.exp %mul3A_149 : vector<16xf32>
      tpu.vector_store_idx %arg14[%add3A_113, %broadcast_in_dim3A_14], %exp3A_150 : memref<48x16xf32, #tpu.memory_space<vmem>>[vector<16xi32>, vector<16xi32>], vector<16xf32>,
      %mul3A_151 = arith.constant 0.158113882 : f32
      %mul3A_152 = vector.broadcast %mul3A_151 : f32 to vector<16xf32>
      %mul3A_153 = arith.mulf %scan3A_134#5, %mul3A_152 : vector<16xf32>
      %exp3A_154 = math.exp %mul3A_153 : vector<16xf32>
      tpu.vector_store_idx %arg14[%add3A_113, %broadcast_in_dim3A_16], %exp3A_154 : memref<48x16xf32, #tpu.memory_space<vmem>>[vector<16xi32>, vector<16xi32>], vector<16xf32>,
      %mul3A_155 = arith.constant 0.158113882 : f32
      %mul3A_156 = vector.broadcast %mul3A_155 : f32 to vector<16xf32>
      %mul3A_157 = arith.mulf %scan3A_134#6, %mul3A_156 : vector<16xf32>
      %exp3A_158 = math.exp %mul3A_157 : vector<16xf32>
      tpu.vector_store_idx %arg14[%add3A_113, %broadcast_in_dim3A_18], %exp3A_158 : memref<48x16xf32, #tpu.memory_space<vmem>>[vector<16xi32>, vector<16xi32>], vector<16xf32>,
      %mul3A_159 = arith.constant 0.158113882 : f32
      %mul3A_160 = vector.broadcast %mul3A_159 : f32 to vector<16xf32>
      %mul3A_161 = arith.mulf %scan3A_134#7, %mul3A_160 : vector<16xf32>
      %exp3A_162 = math.exp %mul3A_161 : vector<16xf32>
      tpu.vector_store_idx %arg14[%add3A_113, %broadcast_in_dim3A_20], %exp3A_162 : memref<48x16xf32, #tpu.memory_space<vmem>>[vector<16xi32>, vector<16xi32>], vector<16xf32>,
      %mul3A_163 = arith.constant 0.158113882 : f32
      %mul3A_164 = vector.broadcast %mul3A_163 : f32 to vector<16xf32>
      %mul3A_165 = arith.mulf %scan3A_134#8, %mul3A_164 : vector<16xf32>
      %exp3A_166 = math.exp %mul3A_165 : vector<16xf32>
      tpu.vector_store_idx %arg14[%add3A_113, %broadcast_in_dim3A_22], %exp3A_166 : memref<48x16xf32, #tpu.memory_space<vmem>>[vector<16xi32>, vector<16xi32>], vector<16xf32>,
    }
    %scan3A_74 = arith.constant 3 : i32
    %mul3A_75 = arith.constant 10368 : i32
    %mul3A_76 = arith.muli %add3A, %mul3A_75 : i32
    %add3A_77 = arith.constant 10272 : i32
    %add3A_78 = arith.addi %mul3A_76, %add3A_77 : i32
    "tpu.region"() ({
      %run_scoped3A_109 = tpu.sem_alloc : memref<!tpu.dma_semaphore, #tpu.memory_space<semaphore_mem>>
      %dma_start3A_110 = arith.constant 0 : i32
      %dma_start3A_111 = tpu.memref_slice %arg6[%add3A_78, %dma_start3A_110] : memref<331776x16xf32, #tpu.memory_space<hbm>> -> memref<48x16xf32, #tpu.memory_space<hbm>>
      %dma_start3A_112 = arith.constant 0 : i32
      %dma_start3A_113 = tpu.memref_slice %arg6[%add3A_78, %dma_start3A_112] : memref<331776x16xf32, #tpu.memory_space<hbm>> -> memref<48x16xf32, #tpu.memory_space<hbm>>
      tpu.enqueue_dma source(%arg14 : memref<48x16xf32, #tpu.memory_space<vmem>>) target(%dma_start3A_113 : memref<48x16xf32, #tpu.memory_space<hbm>>) target_semaphore(%run_scoped3A_109 : memref<!tpu.dma_semaphore, #tpu.memory_space<semaphore_mem>>)
      %dma_wait3A_114 = arith.constant 0 : i32
      %dma_wait3A_115 = tpu.memref_slice %arg6[%add3A_78, %dma_wait3A_114] : memref<331776x16xf32, #tpu.memory_space<hbm>> -> memref<48x16xf32, #tpu.memory_space<hbm>>
      %dma_wait3A_116 = arith.constant 0 : i32
      %dma_wait3A_117 = tpu.memref_slice %arg6[%add3A_78, %dma_wait3A_116] : memref<331776x16xf32, #tpu.memory_space<hbm>> -> memref<48x16xf32, #tpu.memory_space<hbm>>
      tpu.wait_dma2 semaphore(%run_scoped3A_109 : memref<!tpu.dma_semaphore, #tpu.memory_space<semaphore_mem>>) src(%arg14 : memref<48x16xf32, #tpu.memory_space<vmem>>) dst(%dma_wait3A_117 : memref<48x16xf32, #tpu.memory_space<hbm>>)
      tpu.yield
    }) : () -> ()
    %run_scoped3A = arith.constant 214 : i32
    "tpu.region"() ({
      %run_scoped3A_109 = tpu.sem_alloc : memref<!tpu.dma_semaphore, #tpu.memory_space<semaphore_mem>>
      %dma_start3A_110 = arith.constant 0 : i32
      %dma_start3A_111 = tpu.memref_slice %arg9[%run_scoped3A, %dma_start3A_110] : memref<216x48xi32, #tpu.memory_space<vmem>> -> memref<1x48xi32, #tpu.memory_space<vmem>>
      %dma_start3A_112 = tpu.memref_squeeze %dma_start3A_111 : memref<1x48xi32, #tpu.memory_space<vmem>> -> memref<48xi32, #tpu.memory_space<vmem>>
      %dma_start3A_113 = arith.constant 0 : i32
      %dma_start3A_114 = arith.constant 0 : i32
      %dma_start3A_115 = tpu.memref_slice %arg19[%dma_start3A_113, %dma_start3A_114] : memref<10016x16xf32, #tpu.memory_space<vmem_shared>> -> memref<10016x16xf32, #tpu.memory_space<vmem_shared>>
      tpu.enqueue_indirect_dma source(%arg14 : memref<48x16xf32, #tpu.memory_space<vmem>>) target(%dma_start3A_115 : memref<10016x16xf32, #tpu.memory_space<vmem_shared>>) offsets(%dma_start3A_112 : memref<48xi32, #tpu.memory_space<vmem>>) semaphore(%run_scoped3A_109 : memref<!tpu.dma_semaphore, #tpu.memory_space<semaphore_mem>>) {add = true}
      %dma_wait3A_116 = arith.constant 0 : i32
      %dma_wait3A_117 = tpu.memref_slice %arg9[%run_scoped3A, %dma_wait3A_116] : memref<216x48xi32, #tpu.memory_space<vmem>> -> memref<1x48xi32, #tpu.memory_space<vmem>>
      %dma_wait3A_118 = tpu.memref_squeeze %dma_wait3A_117 : memref<1x48xi32, #tpu.memory_space<vmem>> -> memref<48xi32, #tpu.memory_space<vmem>>
      %dma_wait3A_119 = arith.constant 0 : i32
      %dma_wait3A_120 = arith.constant 0 : i32
      %dma_wait3A_121 = tpu.memref_slice %arg19[%dma_wait3A_119, %dma_wait3A_120] : memref<10016x16xf32, #tpu.memory_space<vmem_shared>> -> memref<10016x16xf32, #tpu.memory_space<vmem_shared>>
      tpu.wait_indirect_dma semaphore(%run_scoped3A_109 : memref<!tpu.dma_semaphore, #tpu.memory_space<semaphore_mem>>) src(%arg14 : memref<48x16xf32, #tpu.memory_space<vmem>>) dst(%dma_wait3A_121 : memref<10016x16xf32, #tpu.memory_space<vmem_shared>>)
      tpu.yield
    }) : () -> ()
    %dma_wait3A_79 = arith.constant 215 : i32
    %dma_wait3A_80 = arith.constant 0 : i32
    %dma_wait3A_81 = tpu.memref_slice %arg8[%dma_wait3A_79, %dma_wait3A_80] : memref<216x48xi32, #tpu.memory_space<vmem>> -> memref<1x48xi32, #tpu.memory_space<vmem>>
    %dma_wait3A_82 = tpu.memref_squeeze %dma_wait3A_81 : memref<1x48xi32, #tpu.memory_space<vmem>> -> memref<48xi32, #tpu.memory_space<vmem>>
    %dma_wait3A_83 = arith.constant 0 : i32
    %dma_wait3A_84 = arith.constant 0 : i32
    %dma_wait3A_85 = tpu.memref_slice %arg2[%dma_wait3A_83, %dma_wait3A_84] : memref<10016x384xf32, #tpu.memory_space<hbm>> -> memref<10016x384xf32, #tpu.memory_space<hbm>>
    tpu.wait_indirect_dma semaphore(%arg17 : memref<!tpu.dma_semaphore, #tpu.memory_space<semaphore_mem>>) src(%dma_wait3A_85 : memref<10016x384xf32, #tpu.memory_space<hbm>>) dst(%arg12 : memref<48x384xf32, #tpu.memory_space<vmem>>)
    %dma_wait3A_86 = arith.constant 215 : i32
    %dma_wait3A_87 = arith.constant 0 : i32
    %dma_wait3A_88 = tpu.memref_slice %arg9[%dma_wait3A_86, %dma_wait3A_87] : memref<216x48xi32, #tpu.memory_space<vmem>> -> memref<1x48xi32, #tpu.memory_space<vmem>>
    %dma_wait3A_89 = tpu.memref_squeeze %dma_wait3A_88 : memref<1x48xi32, #tpu.memory_space<vmem>> -> memref<48xi32, #tpu.memory_space<vmem>>
    %dma_wait3A_90 = arith.constant 0 : i32
    %dma_wait3A_91 = arith.constant 0 : i32
    %dma_wait3A_92 = tpu.memref_slice %arg2[%dma_wait3A_90, %dma_wait3A_91] : memref<10016x384xf32, #tpu.memory_space<hbm>> -> memref<10016x384xf32, #tpu.memory_space<hbm>>
    tpu.wait_indirect_dma semaphore(%arg18 : memref<!tpu.dma_semaphore, #tpu.memory_space<semaphore_mem>>) src(%dma_wait3A_92 : memref<10016x384xf32, #tpu.memory_space<hbm>>) dst(%arg13 : memref<48x384xf32, #tpu.memory_space<vmem>>)
    %scan3A_93 = arith.constant 0 : i32
    %scan3A_94 = arith.constant 0 : i32
    %scan3A_95 = arith.constant 3 : i32
    %scan3A_96 = arith.addi %scan3A_94, %scan3A_95 : i32
    %scan3A_97 = arith.constant 1 : i32
    scf.for %scan3A_109 = %scan3A_94 to %scan3A_96 step %scan3A_97  : i32 {
      %mul3A_110 = arith.constant 16 : i32
      %mul3A_111 = arith.muli %scan3A_109, %mul3A_110 : i32
      %add3A_112 = vector.broadcast %mul3A_111 : i32 to vector<16xi32>
      %add3A_113 = arith.addi %add3A_112, %iota3A : vector<16xi32>
      %broadcast_in_dim3A_114 = arith.constant 0.000000e+00 : f32
      %broadcast_in_dim3A_115 = vector.broadcast %broadcast_in_dim3A_114 : f32 to vector<16xf32>
      %broadcast_in_dim3A_116 = arith.constant 0.000000e+00 : f32
      %broadcast_in_dim3A_117 = vector.broadcast %broadcast_in_dim3A_116 : f32 to vector<16xf32>
      %broadcast_in_dim3A_118 = arith.constant 0.000000e+00 : f32
      %broadcast_in_dim3A_119 = vector.broadcast %broadcast_in_dim3A_118 : f32 to vector<16xf32>
      %broadcast_in_dim3A_120 = arith.constant 0.000000e+00 : f32
      %broadcast_in_dim3A_121 = vector.broadcast %broadcast_in_dim3A_120 : f32 to vector<16xf32>
      %broadcast_in_dim3A_122 = arith.constant 0.000000e+00 : f32
      %broadcast_in_dim3A_123 = vector.broadcast %broadcast_in_dim3A_122 : f32 to vector<16xf32>
      %broadcast_in_dim3A_124 = arith.constant 0.000000e+00 : f32
      %broadcast_in_dim3A_125 = vector.broadcast %broadcast_in_dim3A_124 : f32 to vector<16xf32>
      %broadcast_in_dim3A_126 = arith.constant 0.000000e+00 : f32
      %broadcast_in_dim3A_127 = vector.broadcast %broadcast_in_dim3A_126 : f32 to vector<16xf32>
      %broadcast_in_dim3A_128 = arith.constant 0.000000e+00 : f32
      %broadcast_in_dim3A_129 = vector.broadcast %broadcast_in_dim3A_128 : f32 to vector<16xf32>
      %scan3A_130 = arith.constant 0 : i32
      %scan3A_131 = arith.constant 48 : i32
      %scan3A_132 = arith.addi %scan3A_130, %scan3A_131 : i32
      %scan3A_133 = arith.constant 1 : i32
      %scan3A_134:9 = scf.for %scan3A_167 = %scan3A_130 to %scan3A_132 step %scan3A_133 iter_args(%scan3A_168 = %iota3A, %scan3A_169 = %broadcast_in_dim3A_115, %scan3A_170 = %broadcast_in_dim3A_117, %scan3A_171 = %broadcast_in_dim3A_119, %scan3A_172 = %broadcast_in_dim3A_121, %scan3A_173 = %broadcast_in_dim3A_123, %scan3A_174 = %broadcast_in_dim3A_125, %scan3A_175 = %broadcast_in_dim3A_127, %scan3A_176 = %broadcast_in_dim3A_129) -> (vector<16xi32>, vector<16xf32>, vector<16xf32>, vector<16xf32>, vector<16xf32>, vector<16xf32>, vector<16xf32>, vector<16xf32>, vector<16xf32>)  : i32 {
        %add3A_177 = arith.constant 0 : i32
        %add3A_178 = vector.broadcast %add3A_177 : i32 to vector<16xi32>
        %add3A_179 = arith.addi %scan3A_168, %add3A_178 : vector<16xi32>
        %gather3A = tpu.vector_load_idx %arg12[%add3A_113, %add3A_179] : memref<48x384xf32, #tpu.memory_space<vmem>>[vector<16xi32>, vector<16xi32>], vector<16xf32>,
        %gather3A_180 = tpu.vector_load_idx %arg13[%add3A_113, %add3A_179] : memref<48x384xf32, #tpu.memory_space<vmem>>[vector<16xi32>, vector<16xi32>], vector<16xf32>,
        %mul3A_181 = arith.mulf %gather3A, %gather3A_180 : vector<16xf32>
        %add3A_182 = arith.addf %scan3A_169, %mul3A_181 : vector<16xf32>
        %add3A_183 = arith.constant 48 : i32
        %add3A_184 = vector.broadcast %add3A_183 : i32 to vector<16xi32>
        %add3A_185 = arith.addi %scan3A_168, %add3A_184 : vector<16xi32>
        %gather3A_186 = tpu.vector_load_idx %arg12[%add3A_113, %add3A_185] : memref<48x384xf32, #tpu.memory_space<vmem>>[vector<16xi32>, vector<16xi32>], vector<16xf32>,
        %gather3A_187 = tpu.vector_load_idx %arg13[%add3A_113, %add3A_185] : memref<48x384xf32, #tpu.memory_space<vmem>>[vector<16xi32>, vector<16xi32>], vector<16xf32>,
        %mul3A_188 = arith.mulf %gather3A_186, %gather3A_187 : vector<16xf32>
        %add3A_189 = arith.addf %scan3A_170, %mul3A_188 : vector<16xf32>
        %add3A_190 = arith.constant 96 : i32
        %add3A_191 = vector.broadcast %add3A_190 : i32 to vector<16xi32>
        %add3A_192 = arith.addi %scan3A_168, %add3A_191 : vector<16xi32>
        %gather3A_193 = tpu.vector_load_idx %arg12[%add3A_113, %add3A_192] : memref<48x384xf32, #tpu.memory_space<vmem>>[vector<16xi32>, vector<16xi32>], vector<16xf32>,
        %gather3A_194 = tpu.vector_load_idx %arg13[%add3A_113, %add3A_192] : memref<48x384xf32, #tpu.memory_space<vmem>>[vector<16xi32>, vector<16xi32>], vector<16xf32>,
        %mul3A_195 = arith.mulf %gather3A_193, %gather3A_194 : vector<16xf32>
        %add3A_196 = arith.addf %scan3A_171, %mul3A_195 : vector<16xf32>
        %add3A_197 = arith.constant 144 : i32
        %add3A_198 = vector.broadcast %add3A_197 : i32 to vector<16xi32>
        %add3A_199 = arith.addi %scan3A_168, %add3A_198 : vector<16xi32>
        %gather3A_200 = tpu.vector_load_idx %arg12[%add3A_113, %add3A_199] : memref<48x384xf32, #tpu.memory_space<vmem>>[vector<16xi32>, vector<16xi32>], vector<16xf32>,
        %gather3A_201 = tpu.vector_load_idx %arg13[%add3A_113, %add3A_199] : memref<48x384xf32, #tpu.memory_space<vmem>>[vector<16xi32>, vector<16xi32>], vector<16xf32>,
        %mul3A_202 = arith.mulf %gather3A_200, %gather3A_201 : vector<16xf32>
        %add3A_203 = arith.addf %scan3A_172, %mul3A_202 : vector<16xf32>
        %add3A_204 = arith.constant 192 : i32
        %add3A_205 = vector.broadcast %add3A_204 : i32 to vector<16xi32>
        %add3A_206 = arith.addi %scan3A_168, %add3A_205 : vector<16xi32>
        %gather3A_207 = tpu.vector_load_idx %arg12[%add3A_113, %add3A_206] : memref<48x384xf32, #tpu.memory_space<vmem>>[vector<16xi32>, vector<16xi32>], vector<16xf32>,
        %gather3A_208 = tpu.vector_load_idx %arg13[%add3A_113, %add3A_206] : memref<48x384xf32, #tpu.memory_space<vmem>>[vector<16xi32>, vector<16xi32>], vector<16xf32>,
        %mul3A_209 = arith.mulf %gather3A_207, %gather3A_208 : vector<16xf32>
        %add3A_210 = arith.addf %scan3A_173, %mul3A_209 : vector<16xf32>
        %add3A_211 = arith.constant 240 : i32
        %add3A_212 = vector.broadcast %add3A_211 : i32 to vector<16xi32>
        %add3A_213 = arith.addi %scan3A_168, %add3A_212 : vector<16xi32>
        %gather3A_214 = tpu.vector_load_idx %arg12[%add3A_113, %add3A_213] : memref<48x384xf32, #tpu.memory_space<vmem>>[vector<16xi32>, vector<16xi32>], vector<16xf32>,
        %gather3A_215 = tpu.vector_load_idx %arg13[%add3A_113, %add3A_213] : memref<48x384xf32, #tpu.memory_space<vmem>>[vector<16xi32>, vector<16xi32>], vector<16xf32>,
        %mul3A_216 = arith.mulf %gather3A_214, %gather3A_215 : vector<16xf32>
        %add3A_217 = arith.addf %scan3A_174, %mul3A_216 : vector<16xf32>
        %add3A_218 = arith.constant 288 : i32
        %add3A_219 = vector.broadcast %add3A_218 : i32 to vector<16xi32>
        %add3A_220 = arith.addi %scan3A_168, %add3A_219 : vector<16xi32>
        %gather3A_221 = tpu.vector_load_idx %arg12[%add3A_113, %add3A_220] : memref<48x384xf32, #tpu.memory_space<vmem>>[vector<16xi32>, vector<16xi32>], vector<16xf32>,
        %gather3A_222 = tpu.vector_load_idx %arg13[%add3A_113, %add3A_220] : memref<48x384xf32, #tpu.memory_space<vmem>>[vector<16xi32>, vector<16xi32>], vector<16xf32>,
        %mul3A_223 = arith.mulf %gather3A_221, %gather3A_222 : vector<16xf32>
        %add3A_224 = arith.addf %scan3A_175, %mul3A_223 : vector<16xf32>
        %add3A_225 = arith.constant 336 : i32
        %add3A_226 = vector.broadcast %add3A_225 : i32 to vector<16xi32>
        %add3A_227 = arith.addi %scan3A_168, %add3A_226 : vector<16xi32>
        %gather3A_228 = tpu.vector_load_idx %arg12[%add3A_113, %add3A_227] : memref<48x384xf32, #tpu.memory_space<vmem>>[vector<16xi32>, vector<16xi32>], vector<16xf32>,
        %gather3A_229 = tpu.vector_load_idx %arg13[%add3A_113, %add3A_227] : memref<48x384xf32, #tpu.memory_space<vmem>>[vector<16xi32>, vector<16xi32>], vector<16xf32>,
        %mul3A_230 = arith.mulf %gather3A_228, %gather3A_229 : vector<16xf32>
        %add3A_231 = arith.addf %scan3A_176, %mul3A_230 : vector<16xf32>
        %add3A_232 = arith.constant 1 : i32
        %add3A_233 = vector.broadcast %add3A_232 : i32 to vector<16xi32>
        %add3A_234 = arith.addi %scan3A_168, %add3A_233 : vector<16xi32>
        %ge3A = arith.constant 48 : i32
        %ge3A_235 = vector.broadcast %ge3A : i32 to vector<16xi32>
        %ge3A_236 = arith.cmpi sge, %add3A_234, %ge3A_235 : vector<16xi32>
        %sub3A = arith.constant 48 : i32
        %sub3A_237 = vector.broadcast %sub3A : i32 to vector<16xi32>
        %sub3A_238 = arith.subi %add3A_234, %sub3A_237 : vector<16xi32>
        %select_n3A = arith.select %ge3A_236, %sub3A_238, %add3A_234 : vector<16xi1>, vector<16xi32>
        scf.yield %select_n3A, %add3A_182, %add3A_189, %add3A_196, %add3A_203, %add3A_210, %add3A_217, %add3A_224, %add3A_231 : vector<16xi32>, vector<16xf32>, vector<16xf32>, vector<16xf32>, vector<16xf32>, vector<16xf32>, vector<16xf32>, vector<16xf32>, vector<16xf32>
      }
      %scan3A_135 = arith.constant 48 : i32
      %mul3A_136 = arith.constant 0.158113882 : f32
      %mul3A_137 = vector.broadcast %mul3A_136 : f32 to vector<16xf32>
      %mul3A_138 = arith.mulf %scan3A_134#1, %mul3A_137 : vector<16xf32>
      %exp3A = math.exp %mul3A_138 : vector<16xf32>
      tpu.vector_store_idx %arg14[%add3A_113, %broadcast_in_dim3A_8], %exp3A : memref<48x16xf32, #tpu.memory_space<vmem>>[vector<16xi32>, vector<16xi32>], vector<16xf32>,
      %mul3A_139 = arith.constant 0.158113882 : f32
      %mul3A_140 = vector.broadcast %mul3A_139 : f32 to vector<16xf32>
      %mul3A_141 = arith.mulf %scan3A_134#2, %mul3A_140 : vector<16xf32>
      %exp3A_142 = math.exp %mul3A_141 : vector<16xf32>
      tpu.vector_store_idx %arg14[%add3A_113, %broadcast_in_dim3A_10], %exp3A_142 : memref<48x16xf32, #tpu.memory_space<vmem>>[vector<16xi32>, vector<16xi32>], vector<16xf32>,
      %mul3A_143 = arith.constant 0.158113882 : f32
      %mul3A_144 = vector.broadcast %mul3A_143 : f32 to vector<16xf32>
      %mul3A_145 = arith.mulf %scan3A_134#3, %mul3A_144 : vector<16xf32>
      %exp3A_146 = math.exp %mul3A_145 : vector<16xf32>
      tpu.vector_store_idx %arg14[%add3A_113, %broadcast_in_dim3A_12], %exp3A_146 : memref<48x16xf32, #tpu.memory_space<vmem>>[vector<16xi32>, vector<16xi32>], vector<16xf32>,
      %mul3A_147 = arith.constant 0.158113882 : f32
      %mul3A_148 = vector.broadcast %mul3A_147 : f32 to vector<16xf32>
      %mul3A_149 = arith.mulf %scan3A_134#4, %mul3A_148 : vector<16xf32>
      %exp3A_150 = math.exp %mul3A_149 : vector<16xf32>
      tpu.vector_store_idx %arg14[%add3A_113, %broadcast_in_dim3A_14], %exp3A_150 : memref<48x16xf32, #tpu.memory_space<vmem>>[vector<16xi32>, vector<16xi32>], vector<16xf32>,
      %mul3A_151 = arith.constant 0.158113882 : f32
      %mul3A_152 = vector.broadcast %mul3A_151 : f32 to vector<16xf32>
      %mul3A_153 = arith.mulf %scan3A_134#5, %mul3A_152 : vector<16xf32>
      %exp3A_154 = math.exp %mul3A_153 : vector<16xf32>
      tpu.vector_store_idx %arg14[%add3A_113, %broadcast_in_dim3A_16], %exp3A_154 : memref<48x16xf32, #tpu.memory_space<vmem>>[vector<16xi32>, vector<16xi32>], vector<16xf32>,
      %mul3A_155 = arith.constant 0.158113882 : f32
      %mul3A_156 = vector.broadcast %mul3A_155 : f32 to vector<16xf32>
      %mul3A_157 = arith.mulf %scan3A_134#6, %mul3A_156 : vector<16xf32>
      %exp3A_158 = math.exp %mul3A_157 : vector<16xf32>
      tpu.vector_store_idx %arg14[%add3A_113, %broadcast_in_dim3A_18], %exp3A_158 : memref<48x16xf32, #tpu.memory_space<vmem>>[vector<16xi32>, vector<16xi32>], vector<16xf32>,
      %mul3A_159 = arith.constant 0.158113882 : f32
      %mul3A_160 = vector.broadcast %mul3A_159 : f32 to vector<16xf32>
      %mul3A_161 = arith.mulf %scan3A_134#7, %mul3A_160 : vector<16xf32>
      %exp3A_162 = math.exp %mul3A_161 : vector<16xf32>
      tpu.vector_store_idx %arg14[%add3A_113, %broadcast_in_dim3A_20], %exp3A_162 : memref<48x16xf32, #tpu.memory_space<vmem>>[vector<16xi32>, vector<16xi32>], vector<16xf32>,
      %mul3A_163 = arith.constant 0.158113882 : f32
      %mul3A_164 = vector.broadcast %mul3A_163 : f32 to vector<16xf32>
      %mul3A_165 = arith.mulf %scan3A_134#8, %mul3A_164 : vector<16xf32>
      %exp3A_166 = math.exp %mul3A_165 : vector<16xf32>
      tpu.vector_store_idx %arg14[%add3A_113, %broadcast_in_dim3A_22], %exp3A_166 : memref<48x16xf32, #tpu.memory_space<vmem>>[vector<16xi32>, vector<16xi32>], vector<16xf32>,
    }
    %scan3A_98 = arith.constant 3 : i32
    %mul3A_99 = arith.constant 10368 : i32
    %mul3A_100 = arith.muli %add3A, %mul3A_99 : i32
    %add3A_101 = arith.constant 10320 : i32
    %add3A_102 = arith.addi %mul3A_100, %add3A_101 : i32
    "tpu.region"() ({
      %run_scoped3A_109 = tpu.sem_alloc : memref<!tpu.dma_semaphore, #tpu.memory_space<semaphore_mem>>
      %dma_start3A_110 = arith.constant 0 : i32
      %dma_start3A_111 = tpu.memref_slice %arg6[%add3A_102, %dma_start3A_110] : memref<331776x16xf32, #tpu.memory_space<hbm>> -> memref<48x16xf32, #tpu.memory_space<hbm>>
      %dma_start3A_112 = arith.constant 0 : i32
      %dma_start3A_113 = tpu.memref_slice %arg6[%add3A_102, %dma_start3A_112] : memref<331776x16xf32, #tpu.memory_space<hbm>> -> memref<48x16xf32, #tpu.memory_space<hbm>>
      tpu.enqueue_dma source(%arg14 : memref<48x16xf32, #tpu.memory_space<vmem>>) target(%dma_start3A_113 : memref<48x16xf32, #tpu.memory_space<hbm>>) target_semaphore(%run_scoped3A_109 : memref<!tpu.dma_semaphore, #tpu.memory_space<semaphore_mem>>)
      %dma_wait3A_114 = arith.constant 0 : i32
      %dma_wait3A_115 = tpu.memref_slice %arg6[%add3A_102, %dma_wait3A_114] : memref<331776x16xf32, #tpu.memory_space<hbm>> -> memref<48x16xf32, #tpu.memory_space<hbm>>
      %dma_wait3A_116 = arith.constant 0 : i32
      %dma_wait3A_117 = tpu.memref_slice %arg6[%add3A_102, %dma_wait3A_116] : memref<331776x16xf32, #tpu.memory_space<hbm>> -> memref<48x16xf32, #tpu.memory_space<hbm>>
      tpu.wait_dma2 semaphore(%run_scoped3A_109 : memref<!tpu.dma_semaphore, #tpu.memory_space<semaphore_mem>>) src(%arg14 : memref<48x16xf32, #tpu.memory_space<vmem>>) dst(%dma_wait3A_117 : memref<48x16xf32, #tpu.memory_space<hbm>>)
      tpu.yield
    }) : () -> ()
    %run_scoped3A_103 = arith.constant 215 : i32
    "tpu.region"() ({
      %run_scoped3A_109 = tpu.sem_alloc : memref<!tpu.dma_semaphore, #tpu.memory_space<semaphore_mem>>
      %dma_start3A_110 = arith.constant 0 : i32
      %dma_start3A_111 = tpu.memref_slice %arg9[%run_scoped3A_103, %dma_start3A_110] : memref<216x48xi32, #tpu.memory_space<vmem>> -> memref<1x48xi32, #tpu.memory_space<vmem>>
      %dma_start3A_112 = tpu.memref_squeeze %dma_start3A_111 : memref<1x48xi32, #tpu.memory_space<vmem>> -> memref<48xi32, #tpu.memory_space<vmem>>
      %dma_start3A_113 = arith.constant 0 : i32
      %dma_start3A_114 = arith.constant 0 : i32
      %dma_start3A_115 = tpu.memref_slice %arg19[%dma_start3A_113, %dma_start3A_114] : memref<10016x16xf32, #tpu.memory_space<vmem_shared>> -> memref<10016x16xf32, #tpu.memory_space<vmem_shared>>
      tpu.enqueue_indirect_dma source(%arg14 : memref<48x16xf32, #tpu.memory_space<vmem>>) target(%dma_start3A_115 : memref<10016x16xf32, #tpu.memory_space<vmem_shared>>) offsets(%dma_start3A_112 : memref<48xi32, #tpu.memory_space<vmem>>) semaphore(%run_scoped3A_109 : memref<!tpu.dma_semaphore, #tpu.memory_space<semaphore_mem>>) {add = true}
      %dma_wait3A_116 = arith.constant 0 : i32
      %dma_wait3A_117 = tpu.memref_slice %arg9[%run_scoped3A_103, %dma_wait3A_116] : memref<216x48xi32, #tpu.memory_space<vmem>> -> memref<1x48xi32, #tpu.memory_space<vmem>>
      %dma_wait3A_118 = tpu.memref_squeeze %dma_wait3A_117 : memref<1x48xi32, #tpu.memory_space<vmem>> -> memref<48xi32, #tpu.memory_space<vmem>>
      %dma_wait3A_119 = arith.constant 0 : i32
      %dma_wait3A_120 = arith.constant 0 : i32
      %dma_wait3A_121 = tpu.memref_slice %arg19[%dma_wait3A_119, %dma_wait3A_120] : memref<10016x16xf32, #tpu.memory_space<vmem_shared>> -> memref<10016x16xf32, #tpu.memory_space<vmem_shared>>
      tpu.wait_indirect_dma semaphore(%run_scoped3A_109 : memref<!tpu.dma_semaphore, #tpu.memory_space<semaphore_mem>>) src(%arg14 : memref<48x16xf32, #tpu.memory_space<vmem>>) dst(%dma_wait3A_121 : memref<10016x16xf32, #tpu.memory_space<vmem_shared>>)
      tpu.yield
    }) : () -> ()
    %barrier3A_104 = arith.constant 0 : index
    tpu.barrier barrier_id(%barrier3A_104)
    %mul3A_105 = arith.constant 626 : i32
    %mul3A_106 = arith.muli %arg1, %mul3A_105 : i32
    %mul3A_107 = arith.constant 626 : i32
    %mul3A_108 = arith.muli %arg1, %mul3A_107 : i32
    "tpu.region"() ({
      %run_scoped3A_109 = tpu.sem_alloc : memref<!tpu.dma_semaphore, #tpu.memory_space<semaphore_mem>>
      %dma_start3A_110 = arith.constant 0 : i32
      %dma_start3A_111 = tpu.memref_slice %arg7[%arg0, %mul3A_108, %dma_start3A_110] : memref<2x10016x16xf32, #tpu.memory_space<hbm>> -> memref<1x626x16xf32, #tpu.memory_space<hbm>>
      %dma_start3A_112 = tpu.memref_squeeze %dma_start3A_111 : memref<1x626x16xf32, #tpu.memory_space<hbm>> -> memref<626x16xf32, #tpu.memory_space<hbm>>
      %dma_start3A_113 = arith.constant 0 : i32
      %dma_start3A_114 = tpu.memref_slice %arg19[%mul3A_106, %dma_start3A_113] : memref<10016x16xf32, #tpu.memory_space<vmem_shared>> -> memref<626x16xf32, #tpu.memory_space<vmem_shared>>
      tpu.enqueue_dma source(%dma_start3A_114 : memref<626x16xf32, #tpu.memory_space<vmem_shared>>) target(%dma_start3A_112 : memref<626x16xf32, #tpu.memory_space<hbm>>) target_semaphore(%run_scoped3A_109 : memref<!tpu.dma_semaphore, #tpu.memory_space<semaphore_mem>>)
      %dma_wait3A_115 = arith.constant 0 : i32
      %dma_wait3A_116 = tpu.memref_slice %arg7[%arg0, %mul3A_108, %dma_wait3A_115] : memref<2x10016x16xf32, #tpu.memory_space<hbm>> -> memref<1x626x16xf32, #tpu.memory_space<hbm>>
      %dma_wait3A_117 = tpu.memref_squeeze %dma_wait3A_116 : memref<1x626x16xf32, #tpu.memory_space<hbm>> -> memref<626x16xf32, #tpu.memory_space<hbm>>
      %dma_wait3A_118 = arith.constant 0 : i32
      %dma_wait3A_119 = tpu.memref_slice %arg19[%mul3A_106, %dma_wait3A_118] : memref<10016x16xf32, #tpu.memory_space<vmem_shared>> -> memref<626x16xf32, #tpu.memory_space<vmem_shared>>
      tpu.wait_dma2 semaphore(%run_scoped3A_109 : memref<!tpu.dma_semaphore, #tpu.memory_space<semaphore_mem>>) src(%dma_wait3A_119 : memref<626x16xf32, #tpu.memory_space<vmem_shared>>) dst(%dma_wait3A_117 : memref<626x16xf32, #tpu.memory_space<hbm>>)
      tpu.yield
    }) : () -> ()
    return
  }
}

#map = affine_map<(d0, d1) -> (0, 0)>
#map1 = affine_map<(d0, d1) -> (0, 0, 0)>
module attributes {stable_mosaic.version = 14 : i64} {
  func.func @pass1(%arg0: i32, %arg1: i32, %arg2: memref<10016x128xf32, #tpu.memory_space<hbm>>, %arg3: memref<32x81x128xi32, #tpu.memory_space<hbm>>, %arg4: memref<32x81x128xi32, #tpu.memory_space<hbm>>, %arg5: memref<626x16xf32, #tpu.memory_space<hbm>>, %arg6: memref<331776x16xf32, #tpu.memory_space<hbm>>, %arg7: memref<2x10016x16xf32, #tpu.memory_space<hbm>>, %arg8: memref<81x128xi32, #tpu.memory_space<vmem>>, %arg9: memref<81x128xi32, #tpu.memory_space<vmem>>, %arg10: memref<128x128xf32, #tpu.memory_space<vmem>>, %arg11: memref<128x128xf32, #tpu.memory_space<vmem>>, %arg12: memref<128x128xf32, #tpu.memory_space<vmem>>, %arg13: memref<128x128xf32, #tpu.memory_space<vmem>>, %arg14: memref<128x16xf32, #tpu.memory_space<vmem>>, %arg15: memref<!tpu.dma_semaphore, #tpu.memory_space<semaphore_mem>>, %arg16: memref<!tpu.dma_semaphore, #tpu.memory_space<semaphore_mem>>, %arg17: memref<!tpu.dma_semaphore, #tpu.memory_space<semaphore_mem>>, %arg18: memref<!tpu.dma_semaphore, #tpu.memory_space<semaphore_mem>>, %arg19: memref<10016x16xf32, #tpu.memory_space<vmem_shared>>) attributes {dimension_semantics = [#tpu.dimension_semantics<core_parallel>, #tpu.dimension_semantics<subcore_parallel>], iteration_bounds = array<i64: 2, 16>, scalar_prefetch = 0 : i64, scratch_operands = 12 : i64, tpu.core_type = #tpu.core_type<sc_vector_subcore>, window_params = [{transform_indices = #map}, {transform_indices = #map1}, {transform_indices = #map1}, {transform_indices = #map}, {transform_indices = #map}, {transform_indices = #map1}]} {
    %mul3A = arith.constant 2 : i32
    %mul3A_0 = arith.muli %arg1, %mul3A : i32
    %add3A = arith.addi %mul3A_0, %arg0 : i32
    %mul3A_1 = arith.constant 626 : i32
    %mul3A_2 = arith.muli %arg1, %mul3A_1 : i32
    "tpu.region"() ({
      %run_scoped3A_70 = tpu.sem_alloc : memref<!tpu.dma_semaphore, #tpu.memory_space<semaphore_mem>>
      %dma_start3A_71 = arith.constant 0 : i32
      %dma_start3A_72 = tpu.memref_slice %arg19[%mul3A_2, %dma_start3A_71] : memref<10016x16xf32, #tpu.memory_space<vmem_shared>> -> memref<626x16xf32, #tpu.memory_space<vmem_shared>>
      tpu.enqueue_dma source(%arg5 : memref<626x16xf32, #tpu.memory_space<hbm>>) target(%dma_start3A_72 : memref<626x16xf32, #tpu.memory_space<vmem_shared>>) target_semaphore(%run_scoped3A_70 : memref<!tpu.dma_semaphore, #tpu.memory_space<semaphore_mem>>)
      %dma_wait3A_73 = arith.constant 0 : i32
      %dma_wait3A_74 = tpu.memref_slice %arg19[%mul3A_2, %dma_wait3A_73] : memref<10016x16xf32, #tpu.memory_space<vmem_shared>> -> memref<626x16xf32, #tpu.memory_space<vmem_shared>>
      tpu.wait_dma2 semaphore(%run_scoped3A_70 : memref<!tpu.dma_semaphore, #tpu.memory_space<semaphore_mem>>) src(%arg5 : memref<626x16xf32, #tpu.memory_space<hbm>>) dst(%dma_wait3A_74 : memref<626x16xf32, #tpu.memory_space<vmem_shared>>)
      tpu.yield
    }) : () -> ()
    %barrier3A = arith.constant 0 : index
    tpu.barrier barrier_id(%barrier3A)
    %iota3A = tpu.iota {dimensions = array<i32: 0>} : vector<16xi32>
    "tpu.region"() ({
      %run_scoped3A_70 = tpu.sem_alloc : memref<!tpu.dma_semaphore, #tpu.memory_space<semaphore_mem>>
      %dma_start3A_71 = arith.constant 0 : i32
      %dma_start3A_72 = arith.constant 0 : i32
      %dma_start3A_73 = tpu.memref_slice %arg3[%add3A, %dma_start3A_71, %dma_start3A_72] : memref<32x81x128xi32, #tpu.memory_space<hbm>> -> memref<1x81x128xi32, #tpu.memory_space<hbm>>
      %dma_start3A_74 = tpu.memref_squeeze %dma_start3A_73 : memref<1x81x128xi32, #tpu.memory_space<hbm>> -> memref<81x128xi32, #tpu.memory_space<hbm>>
      %dma_start3A_75 = arith.constant 0 : i32
      %dma_start3A_76 = arith.constant 0 : i32
      %dma_start3A_77 = tpu.memref_slice %arg3[%add3A, %dma_start3A_75, %dma_start3A_76] : memref<32x81x128xi32, #tpu.memory_space<hbm>> -> memref<1x81x128xi32, #tpu.memory_space<hbm>>
      %dma_start3A_78 = tpu.memref_squeeze %dma_start3A_77 : memref<1x81x128xi32, #tpu.memory_space<hbm>> -> memref<81x128xi32, #tpu.memory_space<hbm>>
      tpu.enqueue_dma source(%dma_start3A_78 : memref<81x128xi32, #tpu.memory_space<hbm>>) target(%arg8 : memref<81x128xi32, #tpu.memory_space<vmem>>) target_semaphore(%run_scoped3A_70 : memref<!tpu.dma_semaphore, #tpu.memory_space<semaphore_mem>>)
      %dma_wait3A_79 = arith.constant 0 : i32
      %dma_wait3A_80 = arith.constant 0 : i32
      %dma_wait3A_81 = tpu.memref_slice %arg3[%add3A, %dma_wait3A_79, %dma_wait3A_80] : memref<32x81x128xi32, #tpu.memory_space<hbm>> -> memref<1x81x128xi32, #tpu.memory_space<hbm>>
      %dma_wait3A_82 = tpu.memref_squeeze %dma_wait3A_81 : memref<1x81x128xi32, #tpu.memory_space<hbm>> -> memref<81x128xi32, #tpu.memory_space<hbm>>
      %dma_wait3A_83 = arith.constant 0 : i32
      %dma_wait3A_84 = arith.constant 0 : i32
      %dma_wait3A_85 = tpu.memref_slice %arg3[%add3A, %dma_wait3A_83, %dma_wait3A_84] : memref<32x81x128xi32, #tpu.memory_space<hbm>> -> memref<1x81x128xi32, #tpu.memory_space<hbm>>
      %dma_wait3A_86 = tpu.memref_squeeze %dma_wait3A_85 : memref<1x81x128xi32, #tpu.memory_space<hbm>> -> memref<81x128xi32, #tpu.memory_space<hbm>>
      tpu.wait_dma2 semaphore(%run_scoped3A_70 : memref<!tpu.dma_semaphore, #tpu.memory_space<semaphore_mem>>) src(%dma_wait3A_86 : memref<81x128xi32, #tpu.memory_space<hbm>>) dst(%arg8 : memref<81x128xi32, #tpu.memory_space<vmem>>)
      tpu.yield
    }) : () -> ()
    "tpu.region"() ({
      %run_scoped3A_70 = tpu.sem_alloc : memref<!tpu.dma_semaphore, #tpu.memory_space<semaphore_mem>>
      %dma_start3A_71 = arith.constant 0 : i32
      %dma_start3A_72 = arith.constant 0 : i32
      %dma_start3A_73 = tpu.memref_slice %arg4[%add3A, %dma_start3A_71, %dma_start3A_72] : memref<32x81x128xi32, #tpu.memory_space<hbm>> -> memref<1x81x128xi32, #tpu.memory_space<hbm>>
      %dma_start3A_74 = tpu.memref_squeeze %dma_start3A_73 : memref<1x81x128xi32, #tpu.memory_space<hbm>> -> memref<81x128xi32, #tpu.memory_space<hbm>>
      %dma_start3A_75 = arith.constant 0 : i32
      %dma_start3A_76 = arith.constant 0 : i32
      %dma_start3A_77 = tpu.memref_slice %arg4[%add3A, %dma_start3A_75, %dma_start3A_76] : memref<32x81x128xi32, #tpu.memory_space<hbm>> -> memref<1x81x128xi32, #tpu.memory_space<hbm>>
      %dma_start3A_78 = tpu.memref_squeeze %dma_start3A_77 : memref<1x81x128xi32, #tpu.memory_space<hbm>> -> memref<81x128xi32, #tpu.memory_space<hbm>>
      tpu.enqueue_dma source(%dma_start3A_78 : memref<81x128xi32, #tpu.memory_space<hbm>>) target(%arg9 : memref<81x128xi32, #tpu.memory_space<vmem>>) target_semaphore(%run_scoped3A_70 : memref<!tpu.dma_semaphore, #tpu.memory_space<semaphore_mem>>)
      %dma_wait3A_79 = arith.constant 0 : i32
      %dma_wait3A_80 = arith.constant 0 : i32
      %dma_wait3A_81 = tpu.memref_slice %arg4[%add3A, %dma_wait3A_79, %dma_wait3A_80] : memref<32x81x128xi32, #tpu.memory_space<hbm>> -> memref<1x81x128xi32, #tpu.memory_space<hbm>>
      %dma_wait3A_82 = tpu.memref_squeeze %dma_wait3A_81 : memref<1x81x128xi32, #tpu.memory_space<hbm>> -> memref<81x128xi32, #tpu.memory_space<hbm>>
      %dma_wait3A_83 = arith.constant 0 : i32
      %dma_wait3A_84 = arith.constant 0 : i32
      %dma_wait3A_85 = tpu.memref_slice %arg4[%add3A, %dma_wait3A_83, %dma_wait3A_84] : memref<32x81x128xi32, #tpu.memory_space<hbm>> -> memref<1x81x128xi32, #tpu.memory_space<hbm>>
      %dma_wait3A_86 = tpu.memref_squeeze %dma_wait3A_85 : memref<1x81x128xi32, #tpu.memory_space<hbm>> -> memref<81x128xi32, #tpu.memory_space<hbm>>
      tpu.wait_dma2 semaphore(%run_scoped3A_70 : memref<!tpu.dma_semaphore, #tpu.memory_space<semaphore_mem>>) src(%dma_wait3A_86 : memref<81x128xi32, #tpu.memory_space<hbm>>) dst(%arg9 : memref<81x128xi32, #tpu.memory_space<vmem>>)
      tpu.yield
    }) : () -> ()
    %scan3A = arith.constant 0 : i32
    %scan3A_3 = arith.constant 0 : i32
    %scan3A_4 = arith.constant 128 : i32
    %scan3A_5 = arith.addi %scan3A_3, %scan3A_4 : i32
    %scan3A_6 = arith.constant 1 : i32
    scf.for %scan3A_70 = %scan3A_3 to %scan3A_5 step %scan3A_6  : i32 {
      %broadcast_in_dim3A_71 = arith.constant 0.000000e+00 : f32
      %broadcast_in_dim3A_72 = vector.broadcast %broadcast_in_dim3A_71 : f32 to vector<16xf32>
      %swap3A = arith.index_cast %scan3A_70 : i32 to index
      %swap3A_73 = arith.constant 0 : index
      %swap3A_74 = tpu.vector_load %arg14[%swap3A, %swap3A_73] {strides = array<i32>} : memref<128x16xf32, #tpu.memory_space<vmem>>, vector<16xf32>,
      tpu.vector_store %arg14[%swap3A, %swap3A_73], %broadcast_in_dim3A_72 {strides = array<i32>} : memref<128x16xf32, #tpu.memory_space<vmem>>, vector<16xf32>,
    }
    %scan3A_7 = arith.constant 128 : i32
    %broadcast_in_dim3A = arith.constant 0 : i32
    %broadcast_in_dim3A_8 = vector.broadcast %broadcast_in_dim3A : i32 to vector<16xi32>
    %broadcast_in_dim3A_9 = arith.constant 1 : i32
    %broadcast_in_dim3A_10 = vector.broadcast %broadcast_in_dim3A_9 : i32 to vector<16xi32>
    %broadcast_in_dim3A_11 = arith.constant 2 : i32
    %broadcast_in_dim3A_12 = vector.broadcast %broadcast_in_dim3A_11 : i32 to vector<16xi32>
    %broadcast_in_dim3A_13 = arith.constant 3 : i32
    %broadcast_in_dim3A_14 = vector.broadcast %broadcast_in_dim3A_13 : i32 to vector<16xi32>
    %broadcast_in_dim3A_15 = arith.constant 4 : i32
    %broadcast_in_dim3A_16 = vector.broadcast %broadcast_in_dim3A_15 : i32 to vector<16xi32>
    %broadcast_in_dim3A_17 = arith.constant 5 : i32
    %broadcast_in_dim3A_18 = vector.broadcast %broadcast_in_dim3A_17 : i32 to vector<16xi32>
    %broadcast_in_dim3A_19 = arith.constant 6 : i32
    %broadcast_in_dim3A_20 = vector.broadcast %broadcast_in_dim3A_19 : i32 to vector<16xi32>
    %broadcast_in_dim3A_21 = arith.constant 7 : i32
    %broadcast_in_dim3A_22 = vector.broadcast %broadcast_in_dim3A_21 : i32 to vector<16xi32>
    %dma_start3A = arith.constant 0 : i32
    %dma_start3A_23 = arith.constant 0 : i32
    %dma_start3A_24 = tpu.memref_slice %arg8[%dma_start3A, %dma_start3A_23] : memref<81x128xi32, #tpu.memory_space<vmem>> -> memref<1x128xi32, #tpu.memory_space<vmem>>
    %dma_start3A_25 = tpu.memref_squeeze %dma_start3A_24 : memref<1x128xi32, #tpu.memory_space<vmem>> -> memref<128xi32, #tpu.memory_space<vmem>>
    %dma_start3A_26 = arith.constant 0 : i32
    %dma_start3A_27 = arith.constant 0 : i32
    %dma_start3A_28 = tpu.memref_slice %arg2[%dma_start3A_26, %dma_start3A_27] : memref<10016x128xf32, #tpu.memory_space<hbm>> -> memref<10016x128xf32, #tpu.memory_space<hbm>>
    tpu.enqueue_indirect_dma source(%dma_start3A_28 : memref<10016x128xf32, #tpu.memory_space<hbm>>) target(%arg10 : memref<128x128xf32, #tpu.memory_space<vmem>>) offsets(%dma_start3A_25 : memref<128xi32, #tpu.memory_space<vmem>>) semaphore(%arg15 : memref<!tpu.dma_semaphore, #tpu.memory_space<semaphore_mem>>)
    %dma_start3A_29 = arith.constant 0 : i32
    %dma_start3A_30 = arith.constant 0 : i32
    %dma_start3A_31 = tpu.memref_slice %arg9[%dma_start3A_29, %dma_start3A_30] : memref<81x128xi32, #tpu.memory_space<vmem>> -> memref<1x128xi32, #tpu.memory_space<vmem>>
    %dma_start3A_32 = tpu.memref_squeeze %dma_start3A_31 : memref<1x128xi32, #tpu.memory_space<vmem>> -> memref<128xi32, #tpu.memory_space<vmem>>
    %dma_start3A_33 = arith.constant 0 : i32
    %dma_start3A_34 = arith.constant 0 : i32
    %dma_start3A_35 = tpu.memref_slice %arg2[%dma_start3A_33, %dma_start3A_34] : memref<10016x128xf32, #tpu.memory_space<hbm>> -> memref<10016x128xf32, #tpu.memory_space<hbm>>
    tpu.enqueue_indirect_dma source(%dma_start3A_35 : memref<10016x128xf32, #tpu.memory_space<hbm>>) target(%arg11 : memref<128x128xf32, #tpu.memory_space<vmem>>) offsets(%dma_start3A_32 : memref<128xi32, #tpu.memory_space<vmem>>) semaphore(%arg16 : memref<!tpu.dma_semaphore, #tpu.memory_space<semaphore_mem>>)
    %scan3A_36 = arith.constant 0 : i32
    %scan3A_37 = arith.constant 0 : i32
    %scan3A_38 = arith.constant 40 : i32
    %scan3A_39 = arith.addi %scan3A_37, %scan3A_38 : i32
    %scan3A_40 = arith.constant 1 : i32
    scf.for %scan3A_70 = %scan3A_37 to %scan3A_39 step %scan3A_40  : i32 {
      %mul3A_71 = arith.constant 2 : i32
      %mul3A_72 = arith.muli %mul3A_71, %scan3A_70 : i32
      %add3A_73 = arith.constant 1 : i32
      %add3A_74 = arith.addi %mul3A_72, %add3A_73 : i32
      %dma_start3A_75 = arith.constant 0 : i32
      %dma_start3A_76 = tpu.memref_slice %arg8[%add3A_74, %dma_start3A_75] : memref<81x128xi32, #tpu.memory_space<vmem>> -> memref<1x128xi32, #tpu.memory_space<vmem>>
      %dma_start3A_77 = tpu.memref_squeeze %dma_start3A_76 : memref<1x128xi32, #tpu.memory_space<vmem>> -> memref<128xi32, #tpu.memory_space<vmem>>
      %dma_start3A_78 = arith.constant 0 : i32
      %dma_start3A_79 = arith.constant 0 : i32
      %dma_start3A_80 = tpu.memref_slice %arg2[%dma_start3A_78, %dma_start3A_79] : memref<10016x128xf32, #tpu.memory_space<hbm>> -> memref<10016x128xf32, #tpu.memory_space<hbm>>
      tpu.enqueue_indirect_dma source(%dma_start3A_80 : memref<10016x128xf32, #tpu.memory_space<hbm>>) target(%arg12 : memref<128x128xf32, #tpu.memory_space<vmem>>) offsets(%dma_start3A_77 : memref<128xi32, #tpu.memory_space<vmem>>) semaphore(%arg17 : memref<!tpu.dma_semaphore, #tpu.memory_space<semaphore_mem>>)
      %dma_start3A_81 = arith.constant 0 : i32
      %dma_start3A_82 = tpu.memref_slice %arg9[%add3A_74, %dma_start3A_81] : memref<81x128xi32, #tpu.memory_space<vmem>> -> memref<1x128xi32, #tpu.memory_space<vmem>>
      %dma_start3A_83 = tpu.memref_squeeze %dma_start3A_82 : memref<1x128xi32, #tpu.memory_space<vmem>> -> memref<128xi32, #tpu.memory_space<vmem>>
      %dma_start3A_84 = arith.constant 0 : i32
      %dma_start3A_85 = arith.constant 0 : i32
      %dma_start3A_86 = tpu.memref_slice %arg2[%dma_start3A_84, %dma_start3A_85] : memref<10016x128xf32, #tpu.memory_space<hbm>> -> memref<10016x128xf32, #tpu.memory_space<hbm>>
      tpu.enqueue_indirect_dma source(%dma_start3A_86 : memref<10016x128xf32, #tpu.memory_space<hbm>>) target(%arg13 : memref<128x128xf32, #tpu.memory_space<vmem>>) offsets(%dma_start3A_83 : memref<128xi32, #tpu.memory_space<vmem>>) semaphore(%arg18 : memref<!tpu.dma_semaphore, #tpu.memory_space<semaphore_mem>>)
      %dma_wait3A_87 = arith.constant 0 : i32
      %dma_wait3A_88 = tpu.memref_slice %arg8[%mul3A_72, %dma_wait3A_87] : memref<81x128xi32, #tpu.memory_space<vmem>> -> memref<1x128xi32, #tpu.memory_space<vmem>>
      %dma_wait3A_89 = tpu.memref_squeeze %dma_wait3A_88 : memref<1x128xi32, #tpu.memory_space<vmem>> -> memref<128xi32, #tpu.memory_space<vmem>>
      %dma_wait3A_90 = arith.constant 0 : i32
      %dma_wait3A_91 = arith.constant 0 : i32
      %dma_wait3A_92 = tpu.memref_slice %arg2[%dma_wait3A_90, %dma_wait3A_91] : memref<10016x128xf32, #tpu.memory_space<hbm>> -> memref<10016x128xf32, #tpu.memory_space<hbm>>
      tpu.wait_indirect_dma semaphore(%arg15 : memref<!tpu.dma_semaphore, #tpu.memory_space<semaphore_mem>>) src(%dma_wait3A_92 : memref<10016x128xf32, #tpu.memory_space<hbm>>) dst(%arg10 : memref<128x128xf32, #tpu.memory_space<vmem>>)
      %dma_wait3A_93 = arith.constant 0 : i32
      %dma_wait3A_94 = tpu.memref_slice %arg9[%mul3A_72, %dma_wait3A_93] : memref<81x128xi32, #tpu.memory_space<vmem>> -> memref<1x128xi32, #tpu.memory_space<vmem>>
      %dma_wait3A_95 = tpu.memref_squeeze %dma_wait3A_94 : memref<1x128xi32, #tpu.memory_space<vmem>> -> memref<128xi32, #tpu.memory_space<vmem>>
      %dma_wait3A_96 = arith.constant 0 : i32
      %dma_wait3A_97 = arith.constant 0 : i32
      %dma_wait3A_98 = tpu.memref_slice %arg2[%dma_wait3A_96, %dma_wait3A_97] : memref<10016x128xf32, #tpu.memory_space<hbm>> -> memref<10016x128xf32, #tpu.memory_space<hbm>>
      tpu.wait_indirect_dma semaphore(%arg16 : memref<!tpu.dma_semaphore, #tpu.memory_space<semaphore_mem>>) src(%dma_wait3A_98 : memref<10016x128xf32, #tpu.memory_space<hbm>>) dst(%arg11 : memref<128x128xf32, #tpu.memory_space<vmem>>)
      %scan3A_99 = arith.constant 0 : i32
      %scan3A_100 = arith.constant 0 : i32
      %scan3A_101 = arith.constant 8 : i32
      %scan3A_102 = arith.addi %scan3A_100, %scan3A_101 : i32
      %scan3A_103 = arith.constant 1 : i32
      scf.for %scan3A_149 = %scan3A_100 to %scan3A_102 step %scan3A_103  : i32 {
        %mul3A_150 = arith.constant 16 : i32
        %mul3A_151 = arith.muli %scan3A_149, %mul3A_150 : i32
        %add3A_152 = vector.broadcast %mul3A_151 : i32 to vector<16xi32>
        %add3A_153 = arith.addi %add3A_152, %iota3A : vector<16xi32>
        %broadcast_in_dim3A_154 = arith.constant 0.000000e+00 : f32
        %broadcast_in_dim3A_155 = vector.broadcast %broadcast_in_dim3A_154 : f32 to vector<16xf32>
        %broadcast_in_dim3A_156 = arith.constant 0.000000e+00 : f32
        %broadcast_in_dim3A_157 = vector.broadcast %broadcast_in_dim3A_156 : f32 to vector<16xf32>
        %broadcast_in_dim3A_158 = arith.constant 0.000000e+00 : f32
        %broadcast_in_dim3A_159 = vector.broadcast %broadcast_in_dim3A_158 : f32 to vector<16xf32>
        %broadcast_in_dim3A_160 = arith.constant 0.000000e+00 : f32
        %broadcast_in_dim3A_161 = vector.broadcast %broadcast_in_dim3A_160 : f32 to vector<16xf32>
        %broadcast_in_dim3A_162 = arith.constant 0.000000e+00 : f32
        %broadcast_in_dim3A_163 = vector.broadcast %broadcast_in_dim3A_162 : f32 to vector<16xf32>
        %broadcast_in_dim3A_164 = arith.constant 0.000000e+00 : f32
        %broadcast_in_dim3A_165 = vector.broadcast %broadcast_in_dim3A_164 : f32 to vector<16xf32>
        %broadcast_in_dim3A_166 = arith.constant 0.000000e+00 : f32
        %broadcast_in_dim3A_167 = vector.broadcast %broadcast_in_dim3A_166 : f32 to vector<16xf32>
        %broadcast_in_dim3A_168 = arith.constant 0.000000e+00 : f32
        %broadcast_in_dim3A_169 = vector.broadcast %broadcast_in_dim3A_168 : f32 to vector<16xf32>
        %scan3A_170 = arith.constant 0 : i32
        %scan3A_171 = arith.constant 16 : i32
        %scan3A_172 = arith.addi %scan3A_170, %scan3A_171 : i32
        %scan3A_173 = arith.constant 1 : i32
        %scan3A_174:9 = scf.for %scan3A_207 = %scan3A_170 to %scan3A_172 step %scan3A_173 iter_args(%scan3A_208 = %iota3A, %scan3A_209 = %broadcast_in_dim3A_155, %scan3A_210 = %broadcast_in_dim3A_157, %scan3A_211 = %broadcast_in_dim3A_159, %scan3A_212 = %broadcast_in_dim3A_161, %scan3A_213 = %broadcast_in_dim3A_163, %scan3A_214 = %broadcast_in_dim3A_165, %scan3A_215 = %broadcast_in_dim3A_167, %scan3A_216 = %broadcast_in_dim3A_169) -> (vector<16xi32>, vector<16xf32>, vector<16xf32>, vector<16xf32>, vector<16xf32>, vector<16xf32>, vector<16xf32>, vector<16xf32>, vector<16xf32>)  : i32 {
          %add3A_217 = arith.constant 0 : i32
          %add3A_218 = vector.broadcast %add3A_217 : i32 to vector<16xi32>
          %add3A_219 = arith.addi %scan3A_208, %add3A_218 : vector<16xi32>
          %gather3A = tpu.vector_load_idx %arg10[%add3A_153, %add3A_219] : memref<128x128xf32, #tpu.memory_space<vmem>>[vector<16xi32>, vector<16xi32>], vector<16xf32>,
          %gather3A_220 = tpu.vector_load_idx %arg11[%add3A_153, %add3A_219] : memref<128x128xf32, #tpu.memory_space<vmem>>[vector<16xi32>, vector<16xi32>], vector<16xf32>,
          %mul3A_221 = arith.mulf %gather3A, %gather3A_220 : vector<16xf32>
          %add3A_222 = arith.addf %scan3A_209, %mul3A_221 : vector<16xf32>
          %add3A_223 = arith.constant 16 : i32
          %add3A_224 = vector.broadcast %add3A_223 : i32 to vector<16xi32>
          %add3A_225 = arith.addi %scan3A_208, %add3A_224 : vector<16xi32>
          %gather3A_226 = tpu.vector_load_idx %arg10[%add3A_153, %add3A_225] : memref<128x128xf32, #tpu.memory_space<vmem>>[vector<16xi32>, vector<16xi32>], vector<16xf32>,
          %gather3A_227 = tpu.vector_load_idx %arg11[%add3A_153, %add3A_225] : memref<128x128xf32, #tpu.memory_space<vmem>>[vector<16xi32>, vector<16xi32>], vector<16xf32>,
          %mul3A_228 = arith.mulf %gather3A_226, %gather3A_227 : vector<16xf32>
          %add3A_229 = arith.addf %scan3A_210, %mul3A_228 : vector<16xf32>
          %add3A_230 = arith.constant 32 : i32
          %add3A_231 = vector.broadcast %add3A_230 : i32 to vector<16xi32>
          %add3A_232 = arith.addi %scan3A_208, %add3A_231 : vector<16xi32>
          %gather3A_233 = tpu.vector_load_idx %arg10[%add3A_153, %add3A_232] : memref<128x128xf32, #tpu.memory_space<vmem>>[vector<16xi32>, vector<16xi32>], vector<16xf32>,
          %gather3A_234 = tpu.vector_load_idx %arg11[%add3A_153, %add3A_232] : memref<128x128xf32, #tpu.memory_space<vmem>>[vector<16xi32>, vector<16xi32>], vector<16xf32>,
          %mul3A_235 = arith.mulf %gather3A_233, %gather3A_234 : vector<16xf32>
          %add3A_236 = arith.addf %scan3A_211, %mul3A_235 : vector<16xf32>
          %add3A_237 = arith.constant 48 : i32
          %add3A_238 = vector.broadcast %add3A_237 : i32 to vector<16xi32>
          %add3A_239 = arith.addi %scan3A_208, %add3A_238 : vector<16xi32>
          %gather3A_240 = tpu.vector_load_idx %arg10[%add3A_153, %add3A_239] : memref<128x128xf32, #tpu.memory_space<vmem>>[vector<16xi32>, vector<16xi32>], vector<16xf32>,
          %gather3A_241 = tpu.vector_load_idx %arg11[%add3A_153, %add3A_239] : memref<128x128xf32, #tpu.memory_space<vmem>>[vector<16xi32>, vector<16xi32>], vector<16xf32>,
          %mul3A_242 = arith.mulf %gather3A_240, %gather3A_241 : vector<16xf32>
          %add3A_243 = arith.addf %scan3A_212, %mul3A_242 : vector<16xf32>
          %add3A_244 = arith.constant 64 : i32
          %add3A_245 = vector.broadcast %add3A_244 : i32 to vector<16xi32>
          %add3A_246 = arith.addi %scan3A_208, %add3A_245 : vector<16xi32>
          %gather3A_247 = tpu.vector_load_idx %arg10[%add3A_153, %add3A_246] : memref<128x128xf32, #tpu.memory_space<vmem>>[vector<16xi32>, vector<16xi32>], vector<16xf32>,
          %gather3A_248 = tpu.vector_load_idx %arg11[%add3A_153, %add3A_246] : memref<128x128xf32, #tpu.memory_space<vmem>>[vector<16xi32>, vector<16xi32>], vector<16xf32>,
          %mul3A_249 = arith.mulf %gather3A_247, %gather3A_248 : vector<16xf32>
          %add3A_250 = arith.addf %scan3A_213, %mul3A_249 : vector<16xf32>
          %add3A_251 = arith.constant 80 : i32
          %add3A_252 = vector.broadcast %add3A_251 : i32 to vector<16xi32>
          %add3A_253 = arith.addi %scan3A_208, %add3A_252 : vector<16xi32>
          %gather3A_254 = tpu.vector_load_idx %arg10[%add3A_153, %add3A_253] : memref<128x128xf32, #tpu.memory_space<vmem>>[vector<16xi32>, vector<16xi32>], vector<16xf32>,
          %gather3A_255 = tpu.vector_load_idx %arg11[%add3A_153, %add3A_253] : memref<128x128xf32, #tpu.memory_space<vmem>>[vector<16xi32>, vector<16xi32>], vector<16xf32>,
          %mul3A_256 = arith.mulf %gather3A_254, %gather3A_255 : vector<16xf32>
          %add3A_257 = arith.addf %scan3A_214, %mul3A_256 : vector<16xf32>
          %add3A_258 = arith.constant 96 : i32
          %add3A_259 = vector.broadcast %add3A_258 : i32 to vector<16xi32>
          %add3A_260 = arith.addi %scan3A_208, %add3A_259 : vector<16xi32>
          %gather3A_261 = tpu.vector_load_idx %arg10[%add3A_153, %add3A_260] : memref<128x128xf32, #tpu.memory_space<vmem>>[vector<16xi32>, vector<16xi32>], vector<16xf32>,
          %gather3A_262 = tpu.vector_load_idx %arg11[%add3A_153, %add3A_260] : memref<128x128xf32, #tpu.memory_space<vmem>>[vector<16xi32>, vector<16xi32>], vector<16xf32>,
          %mul3A_263 = arith.mulf %gather3A_261, %gather3A_262 : vector<16xf32>
          %add3A_264 = arith.addf %scan3A_215, %mul3A_263 : vector<16xf32>
          %add3A_265 = arith.constant 112 : i32
          %add3A_266 = vector.broadcast %add3A_265 : i32 to vector<16xi32>
          %add3A_267 = arith.addi %scan3A_208, %add3A_266 : vector<16xi32>
          %gather3A_268 = tpu.vector_load_idx %arg10[%add3A_153, %add3A_267] : memref<128x128xf32, #tpu.memory_space<vmem>>[vector<16xi32>, vector<16xi32>], vector<16xf32>,
          %gather3A_269 = tpu.vector_load_idx %arg11[%add3A_153, %add3A_267] : memref<128x128xf32, #tpu.memory_space<vmem>>[vector<16xi32>, vector<16xi32>], vector<16xf32>,
          %mul3A_270 = arith.mulf %gather3A_268, %gather3A_269 : vector<16xf32>
          %add3A_271 = arith.addf %scan3A_216, %mul3A_270 : vector<16xf32>
          %add3A_272 = arith.constant 1 : i32
          %add3A_273 = vector.broadcast %add3A_272 : i32 to vector<16xi32>
          %add3A_274 = arith.addi %scan3A_208, %add3A_273 : vector<16xi32>
          %ge3A = arith.constant 16 : i32
          %ge3A_275 = vector.broadcast %ge3A : i32 to vector<16xi32>
          %ge3A_276 = arith.cmpi sge, %add3A_274, %ge3A_275 : vector<16xi32>
          %sub3A = arith.constant 16 : i32
          %sub3A_277 = vector.broadcast %sub3A : i32 to vector<16xi32>
          %sub3A_278 = arith.subi %add3A_274, %sub3A_277 : vector<16xi32>
          %select_n3A = arith.select %ge3A_276, %sub3A_278, %add3A_274 : vector<16xi1>, vector<16xi32>
          scf.yield %select_n3A, %add3A_222, %add3A_229, %add3A_236, %add3A_243, %add3A_250, %add3A_257, %add3A_264, %add3A_271 : vector<16xi32>, vector<16xf32>, vector<16xf32>, vector<16xf32>, vector<16xf32>, vector<16xf32>, vector<16xf32>, vector<16xf32>, vector<16xf32>
        }
        %scan3A_175 = arith.constant 16 : i32
        %mul3A_176 = arith.constant 2.500000e-01 : f32
        %mul3A_177 = vector.broadcast %mul3A_176 : f32 to vector<16xf32>
        %mul3A_178 = arith.mulf %scan3A_174#1, %mul3A_177 : vector<16xf32>
        %exp3A = math.exp %mul3A_178 : vector<16xf32>
        tpu.vector_store_idx %arg14[%add3A_153, %broadcast_in_dim3A_8], %exp3A : memref<128x16xf32, #tpu.memory_space<vmem>>[vector<16xi32>, vector<16xi32>], vector<16xf32>,
        %mul3A_179 = arith.constant 2.500000e-01 : f32
        %mul3A_180 = vector.broadcast %mul3A_179 : f32 to vector<16xf32>
        %mul3A_181 = arith.mulf %scan3A_174#2, %mul3A_180 : vector<16xf32>
        %exp3A_182 = math.exp %mul3A_181 : vector<16xf32>
        tpu.vector_store_idx %arg14[%add3A_153, %broadcast_in_dim3A_10], %exp3A_182 : memref<128x16xf32, #tpu.memory_space<vmem>>[vector<16xi32>, vector<16xi32>], vector<16xf32>,
        %mul3A_183 = arith.constant 2.500000e-01 : f32
        %mul3A_184 = vector.broadcast %mul3A_183 : f32 to vector<16xf32>
        %mul3A_185 = arith.mulf %scan3A_174#3, %mul3A_184 : vector<16xf32>
        %exp3A_186 = math.exp %mul3A_185 : vector<16xf32>
        tpu.vector_store_idx %arg14[%add3A_153, %broadcast_in_dim3A_12], %exp3A_186 : memref<128x16xf32, #tpu.memory_space<vmem>>[vector<16xi32>, vector<16xi32>], vector<16xf32>,
        %mul3A_187 = arith.constant 2.500000e-01 : f32
        %mul3A_188 = vector.broadcast %mul3A_187 : f32 to vector<16xf32>
        %mul3A_189 = arith.mulf %scan3A_174#4, %mul3A_188 : vector<16xf32>
        %exp3A_190 = math.exp %mul3A_189 : vector<16xf32>
        tpu.vector_store_idx %arg14[%add3A_153, %broadcast_in_dim3A_14], %exp3A_190 : memref<128x16xf32, #tpu.memory_space<vmem>>[vector<16xi32>, vector<16xi32>], vector<16xf32>,
        %mul3A_191 = arith.constant 2.500000e-01 : f32
        %mul3A_192 = vector.broadcast %mul3A_191 : f32 to vector<16xf32>
        %mul3A_193 = arith.mulf %scan3A_174#5, %mul3A_192 : vector<16xf32>
        %exp3A_194 = math.exp %mul3A_193 : vector<16xf32>
        tpu.vector_store_idx %arg14[%add3A_153, %broadcast_in_dim3A_16], %exp3A_194 : memref<128x16xf32, #tpu.memory_space<vmem>>[vector<16xi32>, vector<16xi32>], vector<16xf32>,
        %mul3A_195 = arith.constant 2.500000e-01 : f32
        %mul3A_196 = vector.broadcast %mul3A_195 : f32 to vector<16xf32>
        %mul3A_197 = arith.mulf %scan3A_174#6, %mul3A_196 : vector<16xf32>
        %exp3A_198 = math.exp %mul3A_197 : vector<16xf32>
        tpu.vector_store_idx %arg14[%add3A_153, %broadcast_in_dim3A_18], %exp3A_198 : memref<128x16xf32, #tpu.memory_space<vmem>>[vector<16xi32>, vector<16xi32>], vector<16xf32>,
        %mul3A_199 = arith.constant 2.500000e-01 : f32
        %mul3A_200 = vector.broadcast %mul3A_199 : f32 to vector<16xf32>
        %mul3A_201 = arith.mulf %scan3A_174#7, %mul3A_200 : vector<16xf32>
        %exp3A_202 = math.exp %mul3A_201 : vector<16xf32>
        tpu.vector_store_idx %arg14[%add3A_153, %broadcast_in_dim3A_20], %exp3A_202 : memref<128x16xf32, #tpu.memory_space<vmem>>[vector<16xi32>, vector<16xi32>], vector<16xf32>,
        %mul3A_203 = arith.constant 2.500000e-01 : f32
        %mul3A_204 = vector.broadcast %mul3A_203 : f32 to vector<16xf32>
        %mul3A_205 = arith.mulf %scan3A_174#8, %mul3A_204 : vector<16xf32>
        %exp3A_206 = math.exp %mul3A_205 : vector<16xf32>
        tpu.vector_store_idx %arg14[%add3A_153, %broadcast_in_dim3A_22], %exp3A_206 : memref<128x16xf32, #tpu.memory_space<vmem>>[vector<16xi32>, vector<16xi32>], vector<16xf32>,
      }
      %scan3A_104 = arith.constant 8 : i32
      %mul3A_105 = arith.constant 10368 : i32
      %mul3A_106 = arith.muli %add3A, %mul3A_105 : i32
      %mul3A_107 = arith.constant 128 : i32
      %mul3A_108 = arith.muli %mul3A_72, %mul3A_107 : i32
      %add3A_109 = arith.addi %mul3A_106, %mul3A_108 : i32
      "tpu.region"() ({
        %run_scoped3A_149 = tpu.sem_alloc : memref<!tpu.dma_semaphore, #tpu.memory_space<semaphore_mem>>
        %dma_start3A_150 = arith.constant 0 : i32
        %dma_start3A_151 = tpu.memref_slice %arg6[%add3A_109, %dma_start3A_150] : memref<331776x16xf32, #tpu.memory_space<hbm>> -> memref<128x16xf32, #tpu.memory_space<hbm>>
        %dma_start3A_152 = arith.constant 0 : i32
        %dma_start3A_153 = tpu.memref_slice %arg6[%add3A_109, %dma_start3A_152] : memref<331776x16xf32, #tpu.memory_space<hbm>> -> memref<128x16xf32, #tpu.memory_space<hbm>>
        tpu.enqueue_dma source(%arg14 : memref<128x16xf32, #tpu.memory_space<vmem>>) target(%dma_start3A_153 : memref<128x16xf32, #tpu.memory_space<hbm>>) target_semaphore(%run_scoped3A_149 : memref<!tpu.dma_semaphore, #tpu.memory_space<semaphore_mem>>)
        %dma_wait3A_154 = arith.constant 0 : i32
        %dma_wait3A_155 = tpu.memref_slice %arg6[%add3A_109, %dma_wait3A_154] : memref<331776x16xf32, #tpu.memory_space<hbm>> -> memref<128x16xf32, #tpu.memory_space<hbm>>
        %dma_wait3A_156 = arith.constant 0 : i32
        %dma_wait3A_157 = tpu.memref_slice %arg6[%add3A_109, %dma_wait3A_156] : memref<331776x16xf32, #tpu.memory_space<hbm>> -> memref<128x16xf32, #tpu.memory_space<hbm>>
        tpu.wait_dma2 semaphore(%run_scoped3A_149 : memref<!tpu.dma_semaphore, #tpu.memory_space<semaphore_mem>>) src(%arg14 : memref<128x16xf32, #tpu.memory_space<vmem>>) dst(%dma_wait3A_157 : memref<128x16xf32, #tpu.memory_space<hbm>>)
        tpu.yield
      }) : () -> ()
      "tpu.region"() ({
        %run_scoped3A_149 = tpu.sem_alloc : memref<!tpu.dma_semaphore, #tpu.memory_space<semaphore_mem>>
        %dma_start3A_150 = arith.constant 0 : i32
        %dma_start3A_151 = tpu.memref_slice %arg9[%mul3A_72, %dma_start3A_150] : memref<81x128xi32, #tpu.memory_space<vmem>> -> memref<1x128xi32, #tpu.memory_space<vmem>>
        %dma_start3A_152 = tpu.memref_squeeze %dma_start3A_151 : memref<1x128xi32, #tpu.memory_space<vmem>> -> memref<128xi32, #tpu.memory_space<vmem>>
        %dma_start3A_153 = arith.constant 0 : i32
        %dma_start3A_154 = arith.constant 0 : i32
        %dma_start3A_155 = tpu.memref_slice %arg19[%dma_start3A_153, %dma_start3A_154] : memref<10016x16xf32, #tpu.memory_space<vmem_shared>> -> memref<10016x16xf32, #tpu.memory_space<vmem_shared>>
        tpu.enqueue_indirect_dma source(%arg14 : memref<128x16xf32, #tpu.memory_space<vmem>>) target(%dma_start3A_155 : memref<10016x16xf32, #tpu.memory_space<vmem_shared>>) offsets(%dma_start3A_152 : memref<128xi32, #tpu.memory_space<vmem>>) semaphore(%run_scoped3A_149 : memref<!tpu.dma_semaphore, #tpu.memory_space<semaphore_mem>>) {add = true}
        %dma_wait3A_156 = arith.constant 0 : i32
        %dma_wait3A_157 = tpu.memref_slice %arg9[%mul3A_72, %dma_wait3A_156] : memref<81x128xi32, #tpu.memory_space<vmem>> -> memref<1x128xi32, #tpu.memory_space<vmem>>
        %dma_wait3A_158 = tpu.memref_squeeze %dma_wait3A_157 : memref<1x128xi32, #tpu.memory_space<vmem>> -> memref<128xi32, #tpu.memory_space<vmem>>
        %dma_wait3A_159 = arith.constant 0 : i32
        %dma_wait3A_160 = arith.constant 0 : i32
        %dma_wait3A_161 = tpu.memref_slice %arg19[%dma_wait3A_159, %dma_wait3A_160] : memref<10016x16xf32, #tpu.memory_space<vmem_shared>> -> memref<10016x16xf32, #tpu.memory_space<vmem_shared>>
        tpu.wait_indirect_dma semaphore(%run_scoped3A_149 : memref<!tpu.dma_semaphore, #tpu.memory_space<semaphore_mem>>) src(%arg14 : memref<128x16xf32, #tpu.memory_space<vmem>>) dst(%dma_wait3A_161 : memref<10016x16xf32, #tpu.memory_space<vmem_shared>>)
        tpu.yield
      }) : () -> ()
      %add3A_110 = arith.constant 2 : i32
      %add3A_111 = arith.addi %mul3A_72, %add3A_110 : i32
      %dma_start3A_112 = arith.constant 0 : i32
      %dma_start3A_113 = tpu.memref_slice %arg8[%add3A_111, %dma_start3A_112] : memref<81x128xi32, #tpu.memory_space<vmem>> -> memref<1x128xi32, #tpu.memory_space<vmem>>
      %dma_start3A_114 = tpu.memref_squeeze %dma_start3A_113 : memref<1x128xi32, #tpu.memory_space<vmem>> -> memref<128xi32, #tpu.memory_space<vmem>>
      %dma_start3A_115 = arith.constant 0 : i32
      %dma_start3A_116 = arith.constant 0 : i32
      %dma_start3A_117 = tpu.memref_slice %arg2[%dma_start3A_115, %dma_start3A_116] : memref<10016x128xf32, #tpu.memory_space<hbm>> -> memref<10016x128xf32, #tpu.memory_space<hbm>>
      tpu.enqueue_indirect_dma source(%dma_start3A_117 : memref<10016x128xf32, #tpu.memory_space<hbm>>) target(%arg10 : memref<128x128xf32, #tpu.memory_space<vmem>>) offsets(%dma_start3A_114 : memref<128xi32, #tpu.memory_space<vmem>>) semaphore(%arg15 : memref<!tpu.dma_semaphore, #tpu.memory_space<semaphore_mem>>)
      %dma_start3A_118 = arith.constant 0 : i32
      %dma_start3A_119 = tpu.memref_slice %arg9[%add3A_111, %dma_start3A_118] : memref<81x128xi32, #tpu.memory_space<vmem>> -> memref<1x128xi32, #tpu.memory_space<vmem>>
      %dma_start3A_120 = tpu.memref_squeeze %dma_start3A_119 : memref<1x128xi32, #tpu.memory_space<vmem>> -> memref<128xi32, #tpu.memory_space<vmem>>
      %dma_start3A_121 = arith.constant 0 : i32
      %dma_start3A_122 = arith.constant 0 : i32
      %dma_start3A_123 = tpu.memref_slice %arg2[%dma_start3A_121, %dma_start3A_122] : memref<10016x128xf32, #tpu.memory_space<hbm>> -> memref<10016x128xf32, #tpu.memory_space<hbm>>
      tpu.enqueue_indirect_dma source(%dma_start3A_123 : memref<10016x128xf32, #tpu.memory_space<hbm>>) target(%arg11 : memref<128x128xf32, #tpu.memory_space<vmem>>) offsets(%dma_start3A_120 : memref<128xi32, #tpu.memory_space<vmem>>) semaphore(%arg16 : memref<!tpu.dma_semaphore, #tpu.memory_space<semaphore_mem>>)
      %add3A_124 = arith.constant 1 : i32
      %add3A_125 = arith.addi %mul3A_72, %add3A_124 : i32
      %dma_wait3A_126 = arith.constant 0 : i32
      %dma_wait3A_127 = tpu.memref_slice %arg8[%add3A_125, %dma_wait3A_126] : memref<81x128xi32, #tpu.memory_space<vmem>> -> memref<1x128xi32, #tpu.memory_space<vmem>>
      %dma_wait3A_128 = tpu.memref_squeeze %dma_wait3A_127 : memref<1x128xi32, #tpu.memory_space<vmem>> -> memref<128xi32, #tpu.memory_space<vmem>>
      %dma_wait3A_129 = arith.constant 0 : i32
      %dma_wait3A_130 = arith.constant 0 : i32
      %dma_wait3A_131 = tpu.memref_slice %arg2[%dma_wait3A_129, %dma_wait3A_130] : memref<10016x128xf32, #tpu.memory_space<hbm>> -> memref<10016x128xf32, #tpu.memory_space<hbm>>
      tpu.wait_indirect_dma semaphore(%arg17 : memref<!tpu.dma_semaphore, #tpu.memory_space<semaphore_mem>>) src(%dma_wait3A_131 : memref<10016x128xf32, #tpu.memory_space<hbm>>) dst(%arg12 : memref<128x128xf32, #tpu.memory_space<vmem>>)
      %dma_wait3A_132 = arith.constant 0 : i32
      %dma_wait3A_133 = tpu.memref_slice %arg9[%add3A_125, %dma_wait3A_132] : memref<81x128xi32, #tpu.memory_space<vmem>> -> memref<1x128xi32, #tpu.memory_space<vmem>>
      %dma_wait3A_134 = tpu.memref_squeeze %dma_wait3A_133 : memref<1x128xi32, #tpu.memory_space<vmem>> -> memref<128xi32, #tpu.memory_space<vmem>>
      %dma_wait3A_135 = arith.constant 0 : i32
      %dma_wait3A_136 = arith.constant 0 : i32
      %dma_wait3A_137 = tpu.memref_slice %arg2[%dma_wait3A_135, %dma_wait3A_136] : memref<10016x128xf32, #tpu.memory_space<hbm>> -> memref<10016x128xf32, #tpu.memory_space<hbm>>
      tpu.wait_indirect_dma semaphore(%arg18 : memref<!tpu.dma_semaphore, #tpu.memory_space<semaphore_mem>>) src(%dma_wait3A_137 : memref<10016x128xf32, #tpu.memory_space<hbm>>) dst(%arg13 : memref<128x128xf32, #tpu.memory_space<vmem>>)
      %scan3A_138 = arith.constant 0 : i32
      %scan3A_139 = arith.constant 0 : i32
      %scan3A_140 = arith.constant 8 : i32
      %scan3A_141 = arith.addi %scan3A_139, %scan3A_140 : i32
      %scan3A_142 = arith.constant 1 : i32
      scf.for %scan3A_149 = %scan3A_139 to %scan3A_141 step %scan3A_142  : i32 {
        %mul3A_150 = arith.constant 16 : i32
        %mul3A_151 = arith.muli %scan3A_149, %mul3A_150 : i32
        %add3A_152 = vector.broadcast %mul3A_151 : i32 to vector<16xi32>
        %add3A_153 = arith.addi %add3A_152, %iota3A : vector<16xi32>
        %broadcast_in_dim3A_154 = arith.constant 0.000000e+00 : f32
        %broadcast_in_dim3A_155 = vector.broadcast %broadcast_in_dim3A_154 : f32 to vector<16xf32>
        %broadcast_in_dim3A_156 = arith.constant 0.000000e+00 : f32
        %broadcast_in_dim3A_157 = vector.broadcast %broadcast_in_dim3A_156 : f32 to vector<16xf32>
        %broadcast_in_dim3A_158 = arith.constant 0.000000e+00 : f32
        %broadcast_in_dim3A_159 = vector.broadcast %broadcast_in_dim3A_158 : f32 to vector<16xf32>
        %broadcast_in_dim3A_160 = arith.constant 0.000000e+00 : f32
        %broadcast_in_dim3A_161 = vector.broadcast %broadcast_in_dim3A_160 : f32 to vector<16xf32>
        %broadcast_in_dim3A_162 = arith.constant 0.000000e+00 : f32
        %broadcast_in_dim3A_163 = vector.broadcast %broadcast_in_dim3A_162 : f32 to vector<16xf32>
        %broadcast_in_dim3A_164 = arith.constant 0.000000e+00 : f32
        %broadcast_in_dim3A_165 = vector.broadcast %broadcast_in_dim3A_164 : f32 to vector<16xf32>
        %broadcast_in_dim3A_166 = arith.constant 0.000000e+00 : f32
        %broadcast_in_dim3A_167 = vector.broadcast %broadcast_in_dim3A_166 : f32 to vector<16xf32>
        %broadcast_in_dim3A_168 = arith.constant 0.000000e+00 : f32
        %broadcast_in_dim3A_169 = vector.broadcast %broadcast_in_dim3A_168 : f32 to vector<16xf32>
        %scan3A_170 = arith.constant 0 : i32
        %scan3A_171 = arith.constant 16 : i32
        %scan3A_172 = arith.addi %scan3A_170, %scan3A_171 : i32
        %scan3A_173 = arith.constant 1 : i32
        %scan3A_174:9 = scf.for %scan3A_207 = %scan3A_170 to %scan3A_172 step %scan3A_173 iter_args(%scan3A_208 = %iota3A, %scan3A_209 = %broadcast_in_dim3A_155, %scan3A_210 = %broadcast_in_dim3A_157, %scan3A_211 = %broadcast_in_dim3A_159, %scan3A_212 = %broadcast_in_dim3A_161, %scan3A_213 = %broadcast_in_dim3A_163, %scan3A_214 = %broadcast_in_dim3A_165, %scan3A_215 = %broadcast_in_dim3A_167, %scan3A_216 = %broadcast_in_dim3A_169) -> (vector<16xi32>, vector<16xf32>, vector<16xf32>, vector<16xf32>, vector<16xf32>, vector<16xf32>, vector<16xf32>, vector<16xf32>, vector<16xf32>)  : i32 {
          %add3A_217 = arith.constant 0 : i32
          %add3A_218 = vector.broadcast %add3A_217 : i32 to vector<16xi32>
          %add3A_219 = arith.addi %scan3A_208, %add3A_218 : vector<16xi32>
          %gather3A = tpu.vector_load_idx %arg12[%add3A_153, %add3A_219] : memref<128x128xf32, #tpu.memory_space<vmem>>[vector<16xi32>, vector<16xi32>], vector<16xf32>,
          %gather3A_220 = tpu.vector_load_idx %arg13[%add3A_153, %add3A_219] : memref<128x128xf32, #tpu.memory_space<vmem>>[vector<16xi32>, vector<16xi32>], vector<16xf32>,
          %mul3A_221 = arith.mulf %gather3A, %gather3A_220 : vector<16xf32>
          %add3A_222 = arith.addf %scan3A_209, %mul3A_221 : vector<16xf32>
          %add3A_223 = arith.constant 16 : i32
          %add3A_224 = vector.broadcast %add3A_223 : i32 to vector<16xi32>
          %add3A_225 = arith.addi %scan3A_208, %add3A_224 : vector<16xi32>
          %gather3A_226 = tpu.vector_load_idx %arg12[%add3A_153, %add3A_225] : memref<128x128xf32, #tpu.memory_space<vmem>>[vector<16xi32>, vector<16xi32>], vector<16xf32>,
          %gather3A_227 = tpu.vector_load_idx %arg13[%add3A_153, %add3A_225] : memref<128x128xf32, #tpu.memory_space<vmem>>[vector<16xi32>, vector<16xi32>], vector<16xf32>,
          %mul3A_228 = arith.mulf %gather3A_226, %gather3A_227 : vector<16xf32>
          %add3A_229 = arith.addf %scan3A_210, %mul3A_228 : vector<16xf32>
          %add3A_230 = arith.constant 32 : i32
          %add3A_231 = vector.broadcast %add3A_230 : i32 to vector<16xi32>
          %add3A_232 = arith.addi %scan3A_208, %add3A_231 : vector<16xi32>
          %gather3A_233 = tpu.vector_load_idx %arg12[%add3A_153, %add3A_232] : memref<128x128xf32, #tpu.memory_space<vmem>>[vector<16xi32>, vector<16xi32>], vector<16xf32>,
          %gather3A_234 = tpu.vector_load_idx %arg13[%add3A_153, %add3A_232] : memref<128x128xf32, #tpu.memory_space<vmem>>[vector<16xi32>, vector<16xi32>], vector<16xf32>,
          %mul3A_235 = arith.mulf %gather3A_233, %gather3A_234 : vector<16xf32>
          %add3A_236 = arith.addf %scan3A_211, %mul3A_235 : vector<16xf32>
          %add3A_237 = arith.constant 48 : i32
          %add3A_238 = vector.broadcast %add3A_237 : i32 to vector<16xi32>
          %add3A_239 = arith.addi %scan3A_208, %add3A_238 : vector<16xi32>
          %gather3A_240 = tpu.vector_load_idx %arg12[%add3A_153, %add3A_239] : memref<128x128xf32, #tpu.memory_space<vmem>>[vector<16xi32>, vector<16xi32>], vector<16xf32>,
          %gather3A_241 = tpu.vector_load_idx %arg13[%add3A_153, %add3A_239] : memref<128x128xf32, #tpu.memory_space<vmem>>[vector<16xi32>, vector<16xi32>], vector<16xf32>,
          %mul3A_242 = arith.mulf %gather3A_240, %gather3A_241 : vector<16xf32>
          %add3A_243 = arith.addf %scan3A_212, %mul3A_242 : vector<16xf32>
          %add3A_244 = arith.constant 64 : i32
          %add3A_245 = vector.broadcast %add3A_244 : i32 to vector<16xi32>
          %add3A_246 = arith.addi %scan3A_208, %add3A_245 : vector<16xi32>
          %gather3A_247 = tpu.vector_load_idx %arg12[%add3A_153, %add3A_246] : memref<128x128xf32, #tpu.memory_space<vmem>>[vector<16xi32>, vector<16xi32>], vector<16xf32>,
          %gather3A_248 = tpu.vector_load_idx %arg13[%add3A_153, %add3A_246] : memref<128x128xf32, #tpu.memory_space<vmem>>[vector<16xi32>, vector<16xi32>], vector<16xf32>,
          %mul3A_249 = arith.mulf %gather3A_247, %gather3A_248 : vector<16xf32>
          %add3A_250 = arith.addf %scan3A_213, %mul3A_249 : vector<16xf32>
          %add3A_251 = arith.constant 80 : i32
          %add3A_252 = vector.broadcast %add3A_251 : i32 to vector<16xi32>
          %add3A_253 = arith.addi %scan3A_208, %add3A_252 : vector<16xi32>
          %gather3A_254 = tpu.vector_load_idx %arg12[%add3A_153, %add3A_253] : memref<128x128xf32, #tpu.memory_space<vmem>>[vector<16xi32>, vector<16xi32>], vector<16xf32>,
          %gather3A_255 = tpu.vector_load_idx %arg13[%add3A_153, %add3A_253] : memref<128x128xf32, #tpu.memory_space<vmem>>[vector<16xi32>, vector<16xi32>], vector<16xf32>,
          %mul3A_256 = arith.mulf %gather3A_254, %gather3A_255 : vector<16xf32>
          %add3A_257 = arith.addf %scan3A_214, %mul3A_256 : vector<16xf32>
          %add3A_258 = arith.constant 96 : i32
          %add3A_259 = vector.broadcast %add3A_258 : i32 to vector<16xi32>
          %add3A_260 = arith.addi %scan3A_208, %add3A_259 : vector<16xi32>
          %gather3A_261 = tpu.vector_load_idx %arg12[%add3A_153, %add3A_260] : memref<128x128xf32, #tpu.memory_space<vmem>>[vector<16xi32>, vector<16xi32>], vector<16xf32>,
          %gather3A_262 = tpu.vector_load_idx %arg13[%add3A_153, %add3A_260] : memref<128x128xf32, #tpu.memory_space<vmem>>[vector<16xi32>, vector<16xi32>], vector<16xf32>,
          %mul3A_263 = arith.mulf %gather3A_261, %gather3A_262 : vector<16xf32>
          %add3A_264 = arith.addf %scan3A_215, %mul3A_263 : vector<16xf32>
          %add3A_265 = arith.constant 112 : i32
          %add3A_266 = vector.broadcast %add3A_265 : i32 to vector<16xi32>
          %add3A_267 = arith.addi %scan3A_208, %add3A_266 : vector<16xi32>
          %gather3A_268 = tpu.vector_load_idx %arg12[%add3A_153, %add3A_267] : memref<128x128xf32, #tpu.memory_space<vmem>>[vector<16xi32>, vector<16xi32>], vector<16xf32>,
          %gather3A_269 = tpu.vector_load_idx %arg13[%add3A_153, %add3A_267] : memref<128x128xf32, #tpu.memory_space<vmem>>[vector<16xi32>, vector<16xi32>], vector<16xf32>,
          %mul3A_270 = arith.mulf %gather3A_268, %gather3A_269 : vector<16xf32>
          %add3A_271 = arith.addf %scan3A_216, %mul3A_270 : vector<16xf32>
          %add3A_272 = arith.constant 1 : i32
          %add3A_273 = vector.broadcast %add3A_272 : i32 to vector<16xi32>
          %add3A_274 = arith.addi %scan3A_208, %add3A_273 : vector<16xi32>
          %ge3A = arith.constant 16 : i32
          %ge3A_275 = vector.broadcast %ge3A : i32 to vector<16xi32>
          %ge3A_276 = arith.cmpi sge, %add3A_274, %ge3A_275 : vector<16xi32>
          %sub3A = arith.constant 16 : i32
          %sub3A_277 = vector.broadcast %sub3A : i32 to vector<16xi32>
          %sub3A_278 = arith.subi %add3A_274, %sub3A_277 : vector<16xi32>
          %select_n3A = arith.select %ge3A_276, %sub3A_278, %add3A_274 : vector<16xi1>, vector<16xi32>
          scf.yield %select_n3A, %add3A_222, %add3A_229, %add3A_236, %add3A_243, %add3A_250, %add3A_257, %add3A_264, %add3A_271 : vector<16xi32>, vector<16xf32>, vector<16xf32>, vector<16xf32>, vector<16xf32>, vector<16xf32>, vector<16xf32>, vector<16xf32>, vector<16xf32>
        }
        %scan3A_175 = arith.constant 16 : i32
        %mul3A_176 = arith.constant 2.500000e-01 : f32
        %mul3A_177 = vector.broadcast %mul3A_176 : f32 to vector<16xf32>
        %mul3A_178 = arith.mulf %scan3A_174#1, %mul3A_177 : vector<16xf32>
        %exp3A = math.exp %mul3A_178 : vector<16xf32>
        tpu.vector_store_idx %arg14[%add3A_153, %broadcast_in_dim3A_8], %exp3A : memref<128x16xf32, #tpu.memory_space<vmem>>[vector<16xi32>, vector<16xi32>], vector<16xf32>,
        %mul3A_179 = arith.constant 2.500000e-01 : f32
        %mul3A_180 = vector.broadcast %mul3A_179 : f32 to vector<16xf32>
        %mul3A_181 = arith.mulf %scan3A_174#2, %mul3A_180 : vector<16xf32>
        %exp3A_182 = math.exp %mul3A_181 : vector<16xf32>
        tpu.vector_store_idx %arg14[%add3A_153, %broadcast_in_dim3A_10], %exp3A_182 : memref<128x16xf32, #tpu.memory_space<vmem>>[vector<16xi32>, vector<16xi32>], vector<16xf32>,
        %mul3A_183 = arith.constant 2.500000e-01 : f32
        %mul3A_184 = vector.broadcast %mul3A_183 : f32 to vector<16xf32>
        %mul3A_185 = arith.mulf %scan3A_174#3, %mul3A_184 : vector<16xf32>
        %exp3A_186 = math.exp %mul3A_185 : vector<16xf32>
        tpu.vector_store_idx %arg14[%add3A_153, %broadcast_in_dim3A_12], %exp3A_186 : memref<128x16xf32, #tpu.memory_space<vmem>>[vector<16xi32>, vector<16xi32>], vector<16xf32>,
        %mul3A_187 = arith.constant 2.500000e-01 : f32
        %mul3A_188 = vector.broadcast %mul3A_187 : f32 to vector<16xf32>
        %mul3A_189 = arith.mulf %scan3A_174#4, %mul3A_188 : vector<16xf32>
        %exp3A_190 = math.exp %mul3A_189 : vector<16xf32>
        tpu.vector_store_idx %arg14[%add3A_153, %broadcast_in_dim3A_14], %exp3A_190 : memref<128x16xf32, #tpu.memory_space<vmem>>[vector<16xi32>, vector<16xi32>], vector<16xf32>,
        %mul3A_191 = arith.constant 2.500000e-01 : f32
        %mul3A_192 = vector.broadcast %mul3A_191 : f32 to vector<16xf32>
        %mul3A_193 = arith.mulf %scan3A_174#5, %mul3A_192 : vector<16xf32>
        %exp3A_194 = math.exp %mul3A_193 : vector<16xf32>
        tpu.vector_store_idx %arg14[%add3A_153, %broadcast_in_dim3A_16], %exp3A_194 : memref<128x16xf32, #tpu.memory_space<vmem>>[vector<16xi32>, vector<16xi32>], vector<16xf32>,
        %mul3A_195 = arith.constant 2.500000e-01 : f32
        %mul3A_196 = vector.broadcast %mul3A_195 : f32 to vector<16xf32>
        %mul3A_197 = arith.mulf %scan3A_174#6, %mul3A_196 : vector<16xf32>
        %exp3A_198 = math.exp %mul3A_197 : vector<16xf32>
        tpu.vector_store_idx %arg14[%add3A_153, %broadcast_in_dim3A_18], %exp3A_198 : memref<128x16xf32, #tpu.memory_space<vmem>>[vector<16xi32>, vector<16xi32>], vector<16xf32>,
        %mul3A_199 = arith.constant 2.500000e-01 : f32
        %mul3A_200 = vector.broadcast %mul3A_199 : f32 to vector<16xf32>
        %mul3A_201 = arith.mulf %scan3A_174#7, %mul3A_200 : vector<16xf32>
        %exp3A_202 = math.exp %mul3A_201 : vector<16xf32>
        tpu.vector_store_idx %arg14[%add3A_153, %broadcast_in_dim3A_20], %exp3A_202 : memref<128x16xf32, #tpu.memory_space<vmem>>[vector<16xi32>, vector<16xi32>], vector<16xf32>,
        %mul3A_203 = arith.constant 2.500000e-01 : f32
        %mul3A_204 = vector.broadcast %mul3A_203 : f32 to vector<16xf32>
        %mul3A_205 = arith.mulf %scan3A_174#8, %mul3A_204 : vector<16xf32>
        %exp3A_206 = math.exp %mul3A_205 : vector<16xf32>
        tpu.vector_store_idx %arg14[%add3A_153, %broadcast_in_dim3A_22], %exp3A_206 : memref<128x16xf32, #tpu.memory_space<vmem>>[vector<16xi32>, vector<16xi32>], vector<16xf32>,
      }
      %scan3A_143 = arith.constant 8 : i32
      %mul3A_144 = arith.constant 10368 : i32
      %mul3A_145 = arith.muli %add3A, %mul3A_144 : i32
      %mul3A_146 = arith.constant 128 : i32
      %mul3A_147 = arith.muli %add3A_125, %mul3A_146 : i32
      %add3A_148 = arith.addi %mul3A_145, %mul3A_147 : i32
      "tpu.region"() ({
        %run_scoped3A_149 = tpu.sem_alloc : memref<!tpu.dma_semaphore, #tpu.memory_space<semaphore_mem>>
        %dma_start3A_150 = arith.constant 0 : i32
        %dma_start3A_151 = tpu.memref_slice %arg6[%add3A_148, %dma_start3A_150] : memref<331776x16xf32, #tpu.memory_space<hbm>> -> memref<128x16xf32, #tpu.memory_space<hbm>>
        %dma_start3A_152 = arith.constant 0 : i32
        %dma_start3A_153 = tpu.memref_slice %arg6[%add3A_148, %dma_start3A_152] : memref<331776x16xf32, #tpu.memory_space<hbm>> -> memref<128x16xf32, #tpu.memory_space<hbm>>
        tpu.enqueue_dma source(%arg14 : memref<128x16xf32, #tpu.memory_space<vmem>>) target(%dma_start3A_153 : memref<128x16xf32, #tpu.memory_space<hbm>>) target_semaphore(%run_scoped3A_149 : memref<!tpu.dma_semaphore, #tpu.memory_space<semaphore_mem>>)
        %dma_wait3A_154 = arith.constant 0 : i32
        %dma_wait3A_155 = tpu.memref_slice %arg6[%add3A_148, %dma_wait3A_154] : memref<331776x16xf32, #tpu.memory_space<hbm>> -> memref<128x16xf32, #tpu.memory_space<hbm>>
        %dma_wait3A_156 = arith.constant 0 : i32
        %dma_wait3A_157 = tpu.memref_slice %arg6[%add3A_148, %dma_wait3A_156] : memref<331776x16xf32, #tpu.memory_space<hbm>> -> memref<128x16xf32, #tpu.memory_space<hbm>>
        tpu.wait_dma2 semaphore(%run_scoped3A_149 : memref<!tpu.dma_semaphore, #tpu.memory_space<semaphore_mem>>) src(%arg14 : memref<128x16xf32, #tpu.memory_space<vmem>>) dst(%dma_wait3A_157 : memref<128x16xf32, #tpu.memory_space<hbm>>)
        tpu.yield
      }) : () -> ()
      "tpu.region"() ({
        %run_scoped3A_149 = tpu.sem_alloc : memref<!tpu.dma_semaphore, #tpu.memory_space<semaphore_mem>>
        %dma_start3A_150 = arith.constant 0 : i32
        %dma_start3A_151 = tpu.memref_slice %arg9[%add3A_125, %dma_start3A_150] : memref<81x128xi32, #tpu.memory_space<vmem>> -> memref<1x128xi32, #tpu.memory_space<vmem>>
        %dma_start3A_152 = tpu.memref_squeeze %dma_start3A_151 : memref<1x128xi32, #tpu.memory_space<vmem>> -> memref<128xi32, #tpu.memory_space<vmem>>
        %dma_start3A_153 = arith.constant 0 : i32
        %dma_start3A_154 = arith.constant 0 : i32
        %dma_start3A_155 = tpu.memref_slice %arg19[%dma_start3A_153, %dma_start3A_154] : memref<10016x16xf32, #tpu.memory_space<vmem_shared>> -> memref<10016x16xf32, #tpu.memory_space<vmem_shared>>
        tpu.enqueue_indirect_dma source(%arg14 : memref<128x16xf32, #tpu.memory_space<vmem>>) target(%dma_start3A_155 : memref<10016x16xf32, #tpu.memory_space<vmem_shared>>) offsets(%dma_start3A_152 : memref<128xi32, #tpu.memory_space<vmem>>) semaphore(%run_scoped3A_149 : memref<!tpu.dma_semaphore, #tpu.memory_space<semaphore_mem>>) {add = true}
        %dma_wait3A_156 = arith.constant 0 : i32
        %dma_wait3A_157 = tpu.memref_slice %arg9[%add3A_125, %dma_wait3A_156] : memref<81x128xi32, #tpu.memory_space<vmem>> -> memref<1x128xi32, #tpu.memory_space<vmem>>
        %dma_wait3A_158 = tpu.memref_squeeze %dma_wait3A_157 : memref<1x128xi32, #tpu.memory_space<vmem>> -> memref<128xi32, #tpu.memory_space<vmem>>
        %dma_wait3A_159 = arith.constant 0 : i32
        %dma_wait3A_160 = arith.constant 0 : i32
        %dma_wait3A_161 = tpu.memref_slice %arg19[%dma_wait3A_159, %dma_wait3A_160] : memref<10016x16xf32, #tpu.memory_space<vmem_shared>> -> memref<10016x16xf32, #tpu.memory_space<vmem_shared>>
        tpu.wait_indirect_dma semaphore(%run_scoped3A_149 : memref<!tpu.dma_semaphore, #tpu.memory_space<semaphore_mem>>) src(%arg14 : memref<128x16xf32, #tpu.memory_space<vmem>>) dst(%dma_wait3A_161 : memref<10016x16xf32, #tpu.memory_space<vmem_shared>>)
        tpu.yield
      }) : () -> ()
    }
    %scan3A_41 = arith.constant 40 : i32
    %dma_wait3A = arith.constant 80 : i32
    %dma_wait3A_42 = arith.constant 0 : i32
    %dma_wait3A_43 = tpu.memref_slice %arg8[%dma_wait3A, %dma_wait3A_42] : memref<81x128xi32, #tpu.memory_space<vmem>> -> memref<1x128xi32, #tpu.memory_space<vmem>>
    %dma_wait3A_44 = tpu.memref_squeeze %dma_wait3A_43 : memref<1x128xi32, #tpu.memory_space<vmem>> -> memref<128xi32, #tpu.memory_space<vmem>>
    %dma_wait3A_45 = arith.constant 0 : i32
    %dma_wait3A_46 = arith.constant 0 : i32
    %dma_wait3A_47 = tpu.memref_slice %arg2[%dma_wait3A_45, %dma_wait3A_46] : memref<10016x128xf32, #tpu.memory_space<hbm>> -> memref<10016x128xf32, #tpu.memory_space<hbm>>
    tpu.wait_indirect_dma semaphore(%arg15 : memref<!tpu.dma_semaphore, #tpu.memory_space<semaphore_mem>>) src(%dma_wait3A_47 : memref<10016x128xf32, #tpu.memory_space<hbm>>) dst(%arg10 : memref<128x128xf32, #tpu.memory_space<vmem>>)
    %dma_wait3A_48 = arith.constant 80 : i32
    %dma_wait3A_49 = arith.constant 0 : i32
    %dma_wait3A_50 = tpu.memref_slice %arg9[%dma_wait3A_48, %dma_wait3A_49] : memref<81x128xi32, #tpu.memory_space<vmem>> -> memref<1x128xi32, #tpu.memory_space<vmem>>
    %dma_wait3A_51 = tpu.memref_squeeze %dma_wait3A_50 : memref<1x128xi32, #tpu.memory_space<vmem>> -> memref<128xi32, #tpu.memory_space<vmem>>
    %dma_wait3A_52 = arith.constant 0 : i32
    %dma_wait3A_53 = arith.constant 0 : i32
    %dma_wait3A_54 = tpu.memref_slice %arg2[%dma_wait3A_52, %dma_wait3A_53] : memref<10016x128xf32, #tpu.memory_space<hbm>> -> memref<10016x128xf32, #tpu.memory_space<hbm>>
    tpu.wait_indirect_dma semaphore(%arg16 : memref<!tpu.dma_semaphore, #tpu.memory_space<semaphore_mem>>) src(%dma_wait3A_54 : memref<10016x128xf32, #tpu.memory_space<hbm>>) dst(%arg11 : memref<128x128xf32, #tpu.memory_space<vmem>>)
    %scan3A_55 = arith.constant 0 : i32
    %scan3A_56 = arith.constant 0 : i32
    %scan3A_57 = arith.constant 8 : i32
    %scan3A_58 = arith.addi %scan3A_56, %scan3A_57 : i32
    %scan3A_59 = arith.constant 1 : i32
    scf.for %scan3A_70 = %scan3A_56 to %scan3A_58 step %scan3A_59  : i32 {
      %mul3A_71 = arith.constant 16 : i32
      %mul3A_72 = arith.muli %scan3A_70, %mul3A_71 : i32
      %add3A_73 = vector.broadcast %mul3A_72 : i32 to vector<16xi32>
      %add3A_74 = arith.addi %add3A_73, %iota3A : vector<16xi32>
      %broadcast_in_dim3A_75 = arith.constant 0.000000e+00 : f32
      %broadcast_in_dim3A_76 = vector.broadcast %broadcast_in_dim3A_75 : f32 to vector<16xf32>
      %broadcast_in_dim3A_77 = arith.constant 0.000000e+00 : f32
      %broadcast_in_dim3A_78 = vector.broadcast %broadcast_in_dim3A_77 : f32 to vector<16xf32>
      %broadcast_in_dim3A_79 = arith.constant 0.000000e+00 : f32
      %broadcast_in_dim3A_80 = vector.broadcast %broadcast_in_dim3A_79 : f32 to vector<16xf32>
      %broadcast_in_dim3A_81 = arith.constant 0.000000e+00 : f32
      %broadcast_in_dim3A_82 = vector.broadcast %broadcast_in_dim3A_81 : f32 to vector<16xf32>
      %broadcast_in_dim3A_83 = arith.constant 0.000000e+00 : f32
      %broadcast_in_dim3A_84 = vector.broadcast %broadcast_in_dim3A_83 : f32 to vector<16xf32>
      %broadcast_in_dim3A_85 = arith.constant 0.000000e+00 : f32
      %broadcast_in_dim3A_86 = vector.broadcast %broadcast_in_dim3A_85 : f32 to vector<16xf32>
      %broadcast_in_dim3A_87 = arith.constant 0.000000e+00 : f32
      %broadcast_in_dim3A_88 = vector.broadcast %broadcast_in_dim3A_87 : f32 to vector<16xf32>
      %broadcast_in_dim3A_89 = arith.constant 0.000000e+00 : f32
      %broadcast_in_dim3A_90 = vector.broadcast %broadcast_in_dim3A_89 : f32 to vector<16xf32>
      %scan3A_91 = arith.constant 0 : i32
      %scan3A_92 = arith.constant 16 : i32
      %scan3A_93 = arith.addi %scan3A_91, %scan3A_92 : i32
      %scan3A_94 = arith.constant 1 : i32
      %scan3A_95:9 = scf.for %scan3A_128 = %scan3A_91 to %scan3A_93 step %scan3A_94 iter_args(%scan3A_129 = %iota3A, %scan3A_130 = %broadcast_in_dim3A_76, %scan3A_131 = %broadcast_in_dim3A_78, %scan3A_132 = %broadcast_in_dim3A_80, %scan3A_133 = %broadcast_in_dim3A_82, %scan3A_134 = %broadcast_in_dim3A_84, %scan3A_135 = %broadcast_in_dim3A_86, %scan3A_136 = %broadcast_in_dim3A_88, %scan3A_137 = %broadcast_in_dim3A_90) -> (vector<16xi32>, vector<16xf32>, vector<16xf32>, vector<16xf32>, vector<16xf32>, vector<16xf32>, vector<16xf32>, vector<16xf32>, vector<16xf32>)  : i32 {
        %add3A_138 = arith.constant 0 : i32
        %add3A_139 = vector.broadcast %add3A_138 : i32 to vector<16xi32>
        %add3A_140 = arith.addi %scan3A_129, %add3A_139 : vector<16xi32>
        %gather3A = tpu.vector_load_idx %arg10[%add3A_74, %add3A_140] : memref<128x128xf32, #tpu.memory_space<vmem>>[vector<16xi32>, vector<16xi32>], vector<16xf32>,
        %gather3A_141 = tpu.vector_load_idx %arg11[%add3A_74, %add3A_140] : memref<128x128xf32, #tpu.memory_space<vmem>>[vector<16xi32>, vector<16xi32>], vector<16xf32>,
        %mul3A_142 = arith.mulf %gather3A, %gather3A_141 : vector<16xf32>
        %add3A_143 = arith.addf %scan3A_130, %mul3A_142 : vector<16xf32>
        %add3A_144 = arith.constant 16 : i32
        %add3A_145 = vector.broadcast %add3A_144 : i32 to vector<16xi32>
        %add3A_146 = arith.addi %scan3A_129, %add3A_145 : vector<16xi32>
        %gather3A_147 = tpu.vector_load_idx %arg10[%add3A_74, %add3A_146] : memref<128x128xf32, #tpu.memory_space<vmem>>[vector<16xi32>, vector<16xi32>], vector<16xf32>,
        %gather3A_148 = tpu.vector_load_idx %arg11[%add3A_74, %add3A_146] : memref<128x128xf32, #tpu.memory_space<vmem>>[vector<16xi32>, vector<16xi32>], vector<16xf32>,
        %mul3A_149 = arith.mulf %gather3A_147, %gather3A_148 : vector<16xf32>
        %add3A_150 = arith.addf %scan3A_131, %mul3A_149 : vector<16xf32>
        %add3A_151 = arith.constant 32 : i32
        %add3A_152 = vector.broadcast %add3A_151 : i32 to vector<16xi32>
        %add3A_153 = arith.addi %scan3A_129, %add3A_152 : vector<16xi32>
        %gather3A_154 = tpu.vector_load_idx %arg10[%add3A_74, %add3A_153] : memref<128x128xf32, #tpu.memory_space<vmem>>[vector<16xi32>, vector<16xi32>], vector<16xf32>,
        %gather3A_155 = tpu.vector_load_idx %arg11[%add3A_74, %add3A_153] : memref<128x128xf32, #tpu.memory_space<vmem>>[vector<16xi32>, vector<16xi32>], vector<16xf32>,
        %mul3A_156 = arith.mulf %gather3A_154, %gather3A_155 : vector<16xf32>
        %add3A_157 = arith.addf %scan3A_132, %mul3A_156 : vector<16xf32>
        %add3A_158 = arith.constant 48 : i32
        %add3A_159 = vector.broadcast %add3A_158 : i32 to vector<16xi32>
        %add3A_160 = arith.addi %scan3A_129, %add3A_159 : vector<16xi32>
        %gather3A_161 = tpu.vector_load_idx %arg10[%add3A_74, %add3A_160] : memref<128x128xf32, #tpu.memory_space<vmem>>[vector<16xi32>, vector<16xi32>], vector<16xf32>,
        %gather3A_162 = tpu.vector_load_idx %arg11[%add3A_74, %add3A_160] : memref<128x128xf32, #tpu.memory_space<vmem>>[vector<16xi32>, vector<16xi32>], vector<16xf32>,
        %mul3A_163 = arith.mulf %gather3A_161, %gather3A_162 : vector<16xf32>
        %add3A_164 = arith.addf %scan3A_133, %mul3A_163 : vector<16xf32>
        %add3A_165 = arith.constant 64 : i32
        %add3A_166 = vector.broadcast %add3A_165 : i32 to vector<16xi32>
        %add3A_167 = arith.addi %scan3A_129, %add3A_166 : vector<16xi32>
        %gather3A_168 = tpu.vector_load_idx %arg10[%add3A_74, %add3A_167] : memref<128x128xf32, #tpu.memory_space<vmem>>[vector<16xi32>, vector<16xi32>], vector<16xf32>,
        %gather3A_169 = tpu.vector_load_idx %arg11[%add3A_74, %add3A_167] : memref<128x128xf32, #tpu.memory_space<vmem>>[vector<16xi32>, vector<16xi32>], vector<16xf32>,
        %mul3A_170 = arith.mulf %gather3A_168, %gather3A_169 : vector<16xf32>
        %add3A_171 = arith.addf %scan3A_134, %mul3A_170 : vector<16xf32>
        %add3A_172 = arith.constant 80 : i32
        %add3A_173 = vector.broadcast %add3A_172 : i32 to vector<16xi32>
        %add3A_174 = arith.addi %scan3A_129, %add3A_173 : vector<16xi32>
        %gather3A_175 = tpu.vector_load_idx %arg10[%add3A_74, %add3A_174] : memref<128x128xf32, #tpu.memory_space<vmem>>[vector<16xi32>, vector<16xi32>], vector<16xf32>,
        %gather3A_176 = tpu.vector_load_idx %arg11[%add3A_74, %add3A_174] : memref<128x128xf32, #tpu.memory_space<vmem>>[vector<16xi32>, vector<16xi32>], vector<16xf32>,
        %mul3A_177 = arith.mulf %gather3A_175, %gather3A_176 : vector<16xf32>
        %add3A_178 = arith.addf %scan3A_135, %mul3A_177 : vector<16xf32>
        %add3A_179 = arith.constant 96 : i32
        %add3A_180 = vector.broadcast %add3A_179 : i32 to vector<16xi32>
        %add3A_181 = arith.addi %scan3A_129, %add3A_180 : vector<16xi32>
        %gather3A_182 = tpu.vector_load_idx %arg10[%add3A_74, %add3A_181] : memref<128x128xf32, #tpu.memory_space<vmem>>[vector<16xi32>, vector<16xi32>], vector<16xf32>,
        %gather3A_183 = tpu.vector_load_idx %arg11[%add3A_74, %add3A_181] : memref<128x128xf32, #tpu.memory_space<vmem>>[vector<16xi32>, vector<16xi32>], vector<16xf32>,
        %mul3A_184 = arith.mulf %gather3A_182, %gather3A_183 : vector<16xf32>
        %add3A_185 = arith.addf %scan3A_136, %mul3A_184 : vector<16xf32>
        %add3A_186 = arith.constant 112 : i32
        %add3A_187 = vector.broadcast %add3A_186 : i32 to vector<16xi32>
        %add3A_188 = arith.addi %scan3A_129, %add3A_187 : vector<16xi32>
        %gather3A_189 = tpu.vector_load_idx %arg10[%add3A_74, %add3A_188] : memref<128x128xf32, #tpu.memory_space<vmem>>[vector<16xi32>, vector<16xi32>], vector<16xf32>,
        %gather3A_190 = tpu.vector_load_idx %arg11[%add3A_74, %add3A_188] : memref<128x128xf32, #tpu.memory_space<vmem>>[vector<16xi32>, vector<16xi32>], vector<16xf32>,
        %mul3A_191 = arith.mulf %gather3A_189, %gather3A_190 : vector<16xf32>
        %add3A_192 = arith.addf %scan3A_137, %mul3A_191 : vector<16xf32>
        %add3A_193 = arith.constant 1 : i32
        %add3A_194 = vector.broadcast %add3A_193 : i32 to vector<16xi32>
        %add3A_195 = arith.addi %scan3A_129, %add3A_194 : vector<16xi32>
        %ge3A = arith.constant 16 : i32
        %ge3A_196 = vector.broadcast %ge3A : i32 to vector<16xi32>
        %ge3A_197 = arith.cmpi sge, %add3A_195, %ge3A_196 : vector<16xi32>
        %sub3A = arith.constant 16 : i32
        %sub3A_198 = vector.broadcast %sub3A : i32 to vector<16xi32>
        %sub3A_199 = arith.subi %add3A_195, %sub3A_198 : vector<16xi32>
        %select_n3A = arith.select %ge3A_197, %sub3A_199, %add3A_195 : vector<16xi1>, vector<16xi32>
        scf.yield %select_n3A, %add3A_143, %add3A_150, %add3A_157, %add3A_164, %add3A_171, %add3A_178, %add3A_185, %add3A_192 : vector<16xi32>, vector<16xf32>, vector<16xf32>, vector<16xf32>, vector<16xf32>, vector<16xf32>, vector<16xf32>, vector<16xf32>, vector<16xf32>
      }
      %scan3A_96 = arith.constant 16 : i32
      %mul3A_97 = arith.constant 2.500000e-01 : f32
      %mul3A_98 = vector.broadcast %mul3A_97 : f32 to vector<16xf32>
      %mul3A_99 = arith.mulf %scan3A_95#1, %mul3A_98 : vector<16xf32>
      %exp3A = math.exp %mul3A_99 : vector<16xf32>
      tpu.vector_store_idx %arg14[%add3A_74, %broadcast_in_dim3A_8], %exp3A : memref<128x16xf32, #tpu.memory_space<vmem>>[vector<16xi32>, vector<16xi32>], vector<16xf32>,
      %mul3A_100 = arith.constant 2.500000e-01 : f32
      %mul3A_101 = vector.broadcast %mul3A_100 : f32 to vector<16xf32>
      %mul3A_102 = arith.mulf %scan3A_95#2, %mul3A_101 : vector<16xf32>
      %exp3A_103 = math.exp %mul3A_102 : vector<16xf32>
      tpu.vector_store_idx %arg14[%add3A_74, %broadcast_in_dim3A_10], %exp3A_103 : memref<128x16xf32, #tpu.memory_space<vmem>>[vector<16xi32>, vector<16xi32>], vector<16xf32>,
      %mul3A_104 = arith.constant 2.500000e-01 : f32
      %mul3A_105 = vector.broadcast %mul3A_104 : f32 to vector<16xf32>
      %mul3A_106 = arith.mulf %scan3A_95#3, %mul3A_105 : vector<16xf32>
      %exp3A_107 = math.exp %mul3A_106 : vector<16xf32>
      tpu.vector_store_idx %arg14[%add3A_74, %broadcast_in_dim3A_12], %exp3A_107 : memref<128x16xf32, #tpu.memory_space<vmem>>[vector<16xi32>, vector<16xi32>], vector<16xf32>,
      %mul3A_108 = arith.constant 2.500000e-01 : f32
      %mul3A_109 = vector.broadcast %mul3A_108 : f32 to vector<16xf32>
      %mul3A_110 = arith.mulf %scan3A_95#4, %mul3A_109 : vector<16xf32>
      %exp3A_111 = math.exp %mul3A_110 : vector<16xf32>
      tpu.vector_store_idx %arg14[%add3A_74, %broadcast_in_dim3A_14], %exp3A_111 : memref<128x16xf32, #tpu.memory_space<vmem>>[vector<16xi32>, vector<16xi32>], vector<16xf32>,
      %mul3A_112 = arith.constant 2.500000e-01 : f32
      %mul3A_113 = vector.broadcast %mul3A_112 : f32 to vector<16xf32>
      %mul3A_114 = arith.mulf %scan3A_95#5, %mul3A_113 : vector<16xf32>
      %exp3A_115 = math.exp %mul3A_114 : vector<16xf32>
      tpu.vector_store_idx %arg14[%add3A_74, %broadcast_in_dim3A_16], %exp3A_115 : memref<128x16xf32, #tpu.memory_space<vmem>>[vector<16xi32>, vector<16xi32>], vector<16xf32>,
      %mul3A_116 = arith.constant 2.500000e-01 : f32
      %mul3A_117 = vector.broadcast %mul3A_116 : f32 to vector<16xf32>
      %mul3A_118 = arith.mulf %scan3A_95#6, %mul3A_117 : vector<16xf32>
      %exp3A_119 = math.exp %mul3A_118 : vector<16xf32>
      tpu.vector_store_idx %arg14[%add3A_74, %broadcast_in_dim3A_18], %exp3A_119 : memref<128x16xf32, #tpu.memory_space<vmem>>[vector<16xi32>, vector<16xi32>], vector<16xf32>,
      %mul3A_120 = arith.constant 2.500000e-01 : f32
      %mul3A_121 = vector.broadcast %mul3A_120 : f32 to vector<16xf32>
      %mul3A_122 = arith.mulf %scan3A_95#7, %mul3A_121 : vector<16xf32>
      %exp3A_123 = math.exp %mul3A_122 : vector<16xf32>
      tpu.vector_store_idx %arg14[%add3A_74, %broadcast_in_dim3A_20], %exp3A_123 : memref<128x16xf32, #tpu.memory_space<vmem>>[vector<16xi32>, vector<16xi32>], vector<16xf32>,
      %mul3A_124 = arith.constant 2.500000e-01 : f32
      %mul3A_125 = vector.broadcast %mul3A_124 : f32 to vector<16xf32>
      %mul3A_126 = arith.mulf %scan3A_95#8, %mul3A_125 : vector<16xf32>
      %exp3A_127 = math.exp %mul3A_126 : vector<16xf32>
      tpu.vector_store_idx %arg14[%add3A_74, %broadcast_in_dim3A_22], %exp3A_127 : memref<128x16xf32, #tpu.memory_space<vmem>>[vector<16xi32>, vector<16xi32>], vector<16xf32>,
    }
    %scan3A_60 = arith.constant 8 : i32
    %mul3A_61 = arith.constant 10368 : i32
    %mul3A_62 = arith.muli %add3A, %mul3A_61 : i32
    %add3A_63 = arith.constant 10240 : i32
    %add3A_64 = arith.addi %mul3A_62, %add3A_63 : i32
    "tpu.region"() ({
      %run_scoped3A_70 = tpu.sem_alloc : memref<!tpu.dma_semaphore, #tpu.memory_space<semaphore_mem>>
      %dma_start3A_71 = arith.constant 0 : i32
      %dma_start3A_72 = tpu.memref_slice %arg6[%add3A_64, %dma_start3A_71] : memref<331776x16xf32, #tpu.memory_space<hbm>> -> memref<128x16xf32, #tpu.memory_space<hbm>>
      %dma_start3A_73 = arith.constant 0 : i32
      %dma_start3A_74 = tpu.memref_slice %arg6[%add3A_64, %dma_start3A_73] : memref<331776x16xf32, #tpu.memory_space<hbm>> -> memref<128x16xf32, #tpu.memory_space<hbm>>
      tpu.enqueue_dma source(%arg14 : memref<128x16xf32, #tpu.memory_space<vmem>>) target(%dma_start3A_74 : memref<128x16xf32, #tpu.memory_space<hbm>>) target_semaphore(%run_scoped3A_70 : memref<!tpu.dma_semaphore, #tpu.memory_space<semaphore_mem>>)
      %dma_wait3A_75 = arith.constant 0 : i32
      %dma_wait3A_76 = tpu.memref_slice %arg6[%add3A_64, %dma_wait3A_75] : memref<331776x16xf32, #tpu.memory_space<hbm>> -> memref<128x16xf32, #tpu.memory_space<hbm>>
      %dma_wait3A_77 = arith.constant 0 : i32
      %dma_wait3A_78 = tpu.memref_slice %arg6[%add3A_64, %dma_wait3A_77] : memref<331776x16xf32, #tpu.memory_space<hbm>> -> memref<128x16xf32, #tpu.memory_space<hbm>>
      tpu.wait_dma2 semaphore(%run_scoped3A_70 : memref<!tpu.dma_semaphore, #tpu.memory_space<semaphore_mem>>) src(%arg14 : memref<128x16xf32, #tpu.memory_space<vmem>>) dst(%dma_wait3A_78 : memref<128x16xf32, #tpu.memory_space<hbm>>)
      tpu.yield
    }) : () -> ()
    %run_scoped3A = arith.constant 80 : i32
    "tpu.region"() ({
      %run_scoped3A_70 = tpu.sem_alloc : memref<!tpu.dma_semaphore, #tpu.memory_space<semaphore_mem>>
      %dma_start3A_71 = arith.constant 0 : i32
      %dma_start3A_72 = tpu.memref_slice %arg9[%run_scoped3A, %dma_start3A_71] : memref<81x128xi32, #tpu.memory_space<vmem>> -> memref<1x128xi32, #tpu.memory_space<vmem>>
      %dma_start3A_73 = tpu.memref_squeeze %dma_start3A_72 : memref<1x128xi32, #tpu.memory_space<vmem>> -> memref<128xi32, #tpu.memory_space<vmem>>
      %dma_start3A_74 = arith.constant 0 : i32
      %dma_start3A_75 = arith.constant 0 : i32
      %dma_start3A_76 = tpu.memref_slice %arg19[%dma_start3A_74, %dma_start3A_75] : memref<10016x16xf32, #tpu.memory_space<vmem_shared>> -> memref<10016x16xf32, #tpu.memory_space<vmem_shared>>
      tpu.enqueue_indirect_dma source(%arg14 : memref<128x16xf32, #tpu.memory_space<vmem>>) target(%dma_start3A_76 : memref<10016x16xf32, #tpu.memory_space<vmem_shared>>) offsets(%dma_start3A_73 : memref<128xi32, #tpu.memory_space<vmem>>) semaphore(%run_scoped3A_70 : memref<!tpu.dma_semaphore, #tpu.memory_space<semaphore_mem>>) {add = true}
      %dma_wait3A_77 = arith.constant 0 : i32
      %dma_wait3A_78 = tpu.memref_slice %arg9[%run_scoped3A, %dma_wait3A_77] : memref<81x128xi32, #tpu.memory_space<vmem>> -> memref<1x128xi32, #tpu.memory_space<vmem>>
      %dma_wait3A_79 = tpu.memref_squeeze %dma_wait3A_78 : memref<1x128xi32, #tpu.memory_space<vmem>> -> memref<128xi32, #tpu.memory_space<vmem>>
      %dma_wait3A_80 = arith.constant 0 : i32
      %dma_wait3A_81 = arith.constant 0 : i32
      %dma_wait3A_82 = tpu.memref_slice %arg19[%dma_wait3A_80, %dma_wait3A_81] : memref<10016x16xf32, #tpu.memory_space<vmem_shared>> -> memref<10016x16xf32, #tpu.memory_space<vmem_shared>>
      tpu.wait_indirect_dma semaphore(%run_scoped3A_70 : memref<!tpu.dma_semaphore, #tpu.memory_space<semaphore_mem>>) src(%arg14 : memref<128x16xf32, #tpu.memory_space<vmem>>) dst(%dma_wait3A_82 : memref<10016x16xf32, #tpu.memory_space<vmem_shared>>)
      tpu.yield
    }) : () -> ()
    %barrier3A_65 = arith.constant 0 : index
    tpu.barrier barrier_id(%barrier3A_65)
    %mul3A_66 = arith.constant 626 : i32
    %mul3A_67 = arith.muli %arg1, %mul3A_66 : i32
    %mul3A_68 = arith.constant 626 : i32
    %mul3A_69 = arith.muli %arg1, %mul3A_68 : i32
    "tpu.region"() ({
      %run_scoped3A_70 = tpu.sem_alloc : memref<!tpu.dma_semaphore, #tpu.memory_space<semaphore_mem>>
      %dma_start3A_71 = arith.constant 0 : i32
      %dma_start3A_72 = tpu.memref_slice %arg7[%arg0, %mul3A_69, %dma_start3A_71] : memref<2x10016x16xf32, #tpu.memory_space<hbm>> -> memref<1x626x16xf32, #tpu.memory_space<hbm>>
      %dma_start3A_73 = tpu.memref_squeeze %dma_start3A_72 : memref<1x626x16xf32, #tpu.memory_space<hbm>> -> memref<626x16xf32, #tpu.memory_space<hbm>>
      %dma_start3A_74 = arith.constant 0 : i32
      %dma_start3A_75 = tpu.memref_slice %arg19[%mul3A_67, %dma_start3A_74] : memref<10016x16xf32, #tpu.memory_space<vmem_shared>> -> memref<626x16xf32, #tpu.memory_space<vmem_shared>>
      tpu.enqueue_dma source(%dma_start3A_75 : memref<626x16xf32, #tpu.memory_space<vmem_shared>>) target(%dma_start3A_73 : memref<626x16xf32, #tpu.memory_space<hbm>>) target_semaphore(%run_scoped3A_70 : memref<!tpu.dma_semaphore, #tpu.memory_space<semaphore_mem>>)
      %dma_wait3A_76 = arith.constant 0 : i32
      %dma_wait3A_77 = tpu.memref_slice %arg7[%arg0, %mul3A_69, %dma_wait3A_76] : memref<2x10016x16xf32, #tpu.memory_space<hbm>> -> memref<1x626x16xf32, #tpu.memory_space<hbm>>
      %dma_wait3A_78 = tpu.memref_squeeze %dma_wait3A_77 : memref<1x626x16xf32, #tpu.memory_space<hbm>> -> memref<626x16xf32, #tpu.memory_space<hbm>>
      %dma_wait3A_79 = arith.constant 0 : i32
      %dma_wait3A_80 = tpu.memref_slice %arg19[%mul3A_67, %dma_wait3A_79] : memref<10016x16xf32, #tpu.memory_space<vmem_shared>> -> memref<626x16xf32, #tpu.memory_space<vmem_shared>>
      tpu.wait_dma2 semaphore(%run_scoped3A_70 : memref<!tpu.dma_semaphore, #tpu.memory_space<semaphore_mem>>) src(%dma_wait3A_80 : memref<626x16xf32, #tpu.memory_space<vmem_shared>>) dst(%dma_wait3A_78 : memref<626x16xf32, #tpu.memory_space<hbm>>)
      tpu.yield
    }) : () -> ()
    return
  }
}

#map = affine_map<(d0, d1) -> (0, 0)>
#map1 = affine_map<(d0, d1) -> (0)>
#map2 = affine_map<(d0, d1) -> (0, 0, 0)>
module attributes {stable_mosaic.version = 14 : i64} {
  func.func @_pass2_l1(%arg0: i32, %arg1: i32, %arg2: memref<10016x128xf32, #tpu.memory_space<hbm>>, %arg3: memref<331776xi32, #tpu.memory_space<hbm>>, %arg4: memref<331776xi32, #tpu.memory_space<hbm>>, %arg5: memref<331776x16xf32, #tpu.memory_space<hbm>>, %arg6: memref<626x128xf32, #tpu.memory_space<hbm>>, %arg7: memref<2x10016x128xf32, #tpu.memory_space<hbm>>, %arg8: memref<128xi32, #tpu.memory_space<vmem>>, %arg9: memref<128xi32, #tpu.memory_space<vmem>>, %arg10: memref<128x128xf32, #tpu.memory_space<vmem>>, %arg11: memref<128x16xf32, #tpu.memory_space<vmem>>, %arg12: memref<128x128xf32, #tpu.memory_space<vmem>>, %arg13: memref<10016x128xf32, #tpu.memory_space<vmem_shared>>, %arg14: memref<!tpu.dma_semaphore, #tpu.memory_space<semaphore_mem>>) attributes {dimension_semantics = [#tpu.dimension_semantics<core_parallel>, #tpu.dimension_semantics<subcore_parallel>], iteration_bounds = array<i64: 2, 16>, scalar_prefetch = 0 : i64, scratch_operands = 7 : i64, tpu.core_type = #tpu.core_type<sc_vector_subcore>, window_params = [{transform_indices = #map}, {transform_indices = #map1}, {transform_indices = #map1}, {transform_indices = #map}, {transform_indices = #map}, {transform_indices = #map2}]} {
    %mul3A = arith.constant 2 : i32
    %mul3A_0 = arith.muli %arg1, %mul3A : i32
    %add3A = arith.addi %mul3A_0, %arg0 : i32
    %broadcast_in_dim3A = arith.constant 0 : i32
    %broadcast_in_dim3A_1 = vector.broadcast %broadcast_in_dim3A : i32 to vector<16xi32>
    %broadcast_in_dim3A_2 = arith.constant 1 : i32
    %broadcast_in_dim3A_3 = vector.broadcast %broadcast_in_dim3A_2 : i32 to vector<16xi32>
    %broadcast_in_dim3A_4 = arith.constant 2 : i32
    %broadcast_in_dim3A_5 = vector.broadcast %broadcast_in_dim3A_4 : i32 to vector<16xi32>
    %broadcast_in_dim3A_6 = arith.constant 3 : i32
    %broadcast_in_dim3A_7 = vector.broadcast %broadcast_in_dim3A_6 : i32 to vector<16xi32>
    %broadcast_in_dim3A_8 = arith.constant 4 : i32
    %broadcast_in_dim3A_9 = vector.broadcast %broadcast_in_dim3A_8 : i32 to vector<16xi32>
    %broadcast_in_dim3A_10 = arith.constant 5 : i32
    %broadcast_in_dim3A_11 = vector.broadcast %broadcast_in_dim3A_10 : i32 to vector<16xi32>
    %broadcast_in_dim3A_12 = arith.constant 6 : i32
    %broadcast_in_dim3A_13 = vector.broadcast %broadcast_in_dim3A_12 : i32 to vector<16xi32>
    %broadcast_in_dim3A_14 = arith.constant 7 : i32
    %broadcast_in_dim3A_15 = vector.broadcast %broadcast_in_dim3A_14 : i32 to vector<16xi32>
    %mul3A_16 = arith.constant 626 : i32
    %mul3A_17 = arith.muli %arg1, %mul3A_16 : i32
    "tpu.region"() ({
      %run_scoped3A = tpu.sem_alloc : memref<!tpu.dma_semaphore, #tpu.memory_space<semaphore_mem>>
      %dma_start3A = arith.constant 0 : i32
      %dma_start3A_28 = tpu.memref_slice %arg13[%mul3A_17, %dma_start3A] : memref<10016x128xf32, #tpu.memory_space<vmem_shared>> -> memref<626x128xf32, #tpu.memory_space<vmem_shared>>
      tpu.enqueue_dma source(%arg6 : memref<626x128xf32, #tpu.memory_space<hbm>>) target(%dma_start3A_28 : memref<626x128xf32, #tpu.memory_space<vmem_shared>>) target_semaphore(%run_scoped3A : memref<!tpu.dma_semaphore, #tpu.memory_space<semaphore_mem>>)
      %dma_wait3A = arith.constant 0 : i32
      %dma_wait3A_29 = tpu.memref_slice %arg13[%mul3A_17, %dma_wait3A] : memref<10016x128xf32, #tpu.memory_space<vmem_shared>> -> memref<626x128xf32, #tpu.memory_space<vmem_shared>>
      tpu.wait_dma2 semaphore(%run_scoped3A : memref<!tpu.dma_semaphore, #tpu.memory_space<semaphore_mem>>) src(%arg6 : memref<626x128xf32, #tpu.memory_space<hbm>>) dst(%dma_wait3A_29 : memref<626x128xf32, #tpu.memory_space<vmem_shared>>)
      tpu.yield
    }) : () -> ()
    %barrier3A = arith.constant 0 : index
    tpu.barrier barrier_id(%barrier3A)
    %scan3A = arith.constant 0 : i32
    %scan3A_18 = arith.constant 0 : i32
    %scan3A_19 = arith.constant 81 : i32
    %scan3A_20 = arith.addi %scan3A_18, %scan3A_19 : i32
    %scan3A_21 = arith.constant 1 : i32
    scf.for %scan3A_28 = %scan3A_18 to %scan3A_20 step %scan3A_21  : i32 {
      %mul3A_29 = arith.constant 10368 : i32
      %mul3A_30 = arith.muli %add3A, %mul3A_29 : i32
      %mul3A_31 = arith.constant 128 : i32
      %mul3A_32 = arith.muli %scan3A_28, %mul3A_31 : i32
      %add3A_33 = arith.addi %mul3A_30, %mul3A_32 : i32
      "tpu.region"() ({
        %run_scoped3A = tpu.sem_alloc : memref<!tpu.dma_semaphore, #tpu.memory_space<semaphore_mem>>
        %dma_start3A_44 = tpu.memref_slice %arg3[%add3A_33] : memref<331776xi32, #tpu.memory_space<hbm>> -> memref<128xi32, #tpu.memory_space<hbm>>
        %dma_start3A_45 = tpu.memref_slice %arg3[%add3A_33] : memref<331776xi32, #tpu.memory_space<hbm>> -> memref<128xi32, #tpu.memory_space<hbm>>
        tpu.enqueue_dma source(%dma_start3A_45 : memref<128xi32, #tpu.memory_space<hbm>>) target(%arg8 : memref<128xi32, #tpu.memory_space<vmem>>) target_semaphore(%run_scoped3A : memref<!tpu.dma_semaphore, #tpu.memory_space<semaphore_mem>>)
        %dma_wait3A_46 = tpu.memref_slice %arg3[%add3A_33] : memref<331776xi32, #tpu.memory_space<hbm>> -> memref<128xi32, #tpu.memory_space<hbm>>
        %dma_wait3A_47 = tpu.memref_slice %arg3[%add3A_33] : memref<331776xi32, #tpu.memory_space<hbm>> -> memref<128xi32, #tpu.memory_space<hbm>>
        tpu.wait_dma2 semaphore(%run_scoped3A : memref<!tpu.dma_semaphore, #tpu.memory_space<semaphore_mem>>) src(%dma_wait3A_47 : memref<128xi32, #tpu.memory_space<hbm>>) dst(%arg8 : memref<128xi32, #tpu.memory_space<vmem>>)
        tpu.yield
      }) : () -> ()
      "tpu.region"() ({
        %run_scoped3A = tpu.sem_alloc : memref<!tpu.dma_semaphore, #tpu.memory_space<semaphore_mem>>
        %dma_start3A_44 = tpu.memref_slice %arg4[%add3A_33] : memref<331776xi32, #tpu.memory_space<hbm>> -> memref<128xi32, #tpu.memory_space<hbm>>
        %dma_start3A_45 = tpu.memref_slice %arg4[%add3A_33] : memref<331776xi32, #tpu.memory_space<hbm>> -> memref<128xi32, #tpu.memory_space<hbm>>
        tpu.enqueue_dma source(%dma_start3A_45 : memref<128xi32, #tpu.memory_space<hbm>>) target(%arg9 : memref<128xi32, #tpu.memory_space<vmem>>) target_semaphore(%run_scoped3A : memref<!tpu.dma_semaphore, #tpu.memory_space<semaphore_mem>>)
        %dma_wait3A_46 = tpu.memref_slice %arg4[%add3A_33] : memref<331776xi32, #tpu.memory_space<hbm>> -> memref<128xi32, #tpu.memory_space<hbm>>
        %dma_wait3A_47 = tpu.memref_slice %arg4[%add3A_33] : memref<331776xi32, #tpu.memory_space<hbm>> -> memref<128xi32, #tpu.memory_space<hbm>>
        tpu.wait_dma2 semaphore(%run_scoped3A : memref<!tpu.dma_semaphore, #tpu.memory_space<semaphore_mem>>) src(%dma_wait3A_47 : memref<128xi32, #tpu.memory_space<hbm>>) dst(%arg9 : memref<128xi32, #tpu.memory_space<vmem>>)
        tpu.yield
      }) : () -> ()
      %dma_start3A = arith.constant 0 : i32
      %dma_start3A_34 = arith.constant 0 : i32
      %dma_start3A_35 = tpu.memref_slice %arg2[%dma_start3A, %dma_start3A_34] : memref<10016x128xf32, #tpu.memory_space<hbm>> -> memref<10016x128xf32, #tpu.memory_space<hbm>>
      tpu.enqueue_indirect_dma source(%dma_start3A_35 : memref<10016x128xf32, #tpu.memory_space<hbm>>) target(%arg10 : memref<128x128xf32, #tpu.memory_space<vmem>>) offsets(%arg8 : memref<128xi32, #tpu.memory_space<vmem>>) semaphore(%arg14 : memref<!tpu.dma_semaphore, #tpu.memory_space<semaphore_mem>>)
      %dma_wait3A = arith.constant 0 : i32
      %dma_wait3A_36 = arith.constant 0 : i32
      %dma_wait3A_37 = tpu.memref_slice %arg2[%dma_wait3A, %dma_wait3A_36] : memref<10016x128xf32, #tpu.memory_space<hbm>> -> memref<10016x128xf32, #tpu.memory_space<hbm>>
      tpu.wait_indirect_dma semaphore(%arg14 : memref<!tpu.dma_semaphore, #tpu.memory_space<semaphore_mem>>) src(%dma_wait3A_37 : memref<10016x128xf32, #tpu.memory_space<hbm>>) dst(%arg10 : memref<128x128xf32, #tpu.memory_space<vmem>>)
      "tpu.region"() ({
        %run_scoped3A = tpu.sem_alloc : memref<!tpu.dma_semaphore, #tpu.memory_space<semaphore_mem>>
        %dma_start3A_44 = arith.constant 0 : i32
        %dma_start3A_45 = tpu.memref_slice %arg5[%add3A_33, %dma_start3A_44] : memref<331776x16xf32, #tpu.memory_space<hbm>> -> memref<128x16xf32, #tpu.memory_space<hbm>>
        %dma_start3A_46 = arith.constant 0 : i32
        %dma_start3A_47 = tpu.memref_slice %arg5[%add3A_33, %dma_start3A_46] : memref<331776x16xf32, #tpu.memory_space<hbm>> -> memref<128x16xf32, #tpu.memory_space<hbm>>
        tpu.enqueue_dma source(%dma_start3A_47 : memref<128x16xf32, #tpu.memory_space<hbm>>) target(%arg11 : memref<128x16xf32, #tpu.memory_space<vmem>>) target_semaphore(%run_scoped3A : memref<!tpu.dma_semaphore, #tpu.memory_space<semaphore_mem>>)
        %dma_wait3A_48 = arith.constant 0 : i32
        %dma_wait3A_49 = tpu.memref_slice %arg5[%add3A_33, %dma_wait3A_48] : memref<331776x16xf32, #tpu.memory_space<hbm>> -> memref<128x16xf32, #tpu.memory_space<hbm>>
        %dma_wait3A_50 = arith.constant 0 : i32
        %dma_wait3A_51 = tpu.memref_slice %arg5[%add3A_33, %dma_wait3A_50] : memref<331776x16xf32, #tpu.memory_space<hbm>> -> memref<128x16xf32, #tpu.memory_space<hbm>>
        tpu.wait_dma2 semaphore(%run_scoped3A : memref<!tpu.dma_semaphore, #tpu.memory_space<semaphore_mem>>) src(%dma_wait3A_51 : memref<128x16xf32, #tpu.memory_space<hbm>>) dst(%arg11 : memref<128x16xf32, #tpu.memory_space<vmem>>)
        tpu.yield
      }) : () -> ()
      %scan3A_38 = arith.constant 0 : i32
      %scan3A_39 = arith.constant 0 : i32
      %scan3A_40 = arith.constant 128 : i32
      %scan3A_41 = arith.addi %scan3A_39, %scan3A_40 : i32
      %scan3A_42 = arith.constant 1 : i32
      scf.for %scan3A_44 = %scan3A_39 to %scan3A_41 step %scan3A_42  : i32 {
        %get3A = arith.index_cast %scan3A_44 : i32 to index
        %get3A_45 = arith.constant 0 : index
        %get3A_46 = tpu.vector_load %arg11[%get3A, %get3A_45] {strides = array<i32>} : memref<128x16xf32, #tpu.memory_space<vmem>>, vector<16xf32>,
        %broadcast_in_dim3A_47 = vector.shape_cast %broadcast_in_dim3A_1 : vector<16xi32> to vector<16x1xi32>
        %gather3A = vector.shape_cast %broadcast_in_dim3A_47 : vector<16x1xi32> to vector<16xi32>
        %gather3A_48 = tpu.dynamic_gather %get3A_46[%gather3A] in [0] : vector<16xf32>, vector<16xi32> -> vector<16xf32>
        %get3A_49 = arith.index_cast %scan3A_44 : i32 to index
        %get3A_50 = arith.constant 0 : index
        %get3A_51 = tpu.vector_load %arg10[%get3A_49, %get3A_50] {strides = array<i32>} : memref<128x128xf32, #tpu.memory_space<vmem>>, vector<16xf32>,
        %mul3A_52 = arith.mulf %get3A_51, %gather3A_48 : vector<16xf32>
        %swap3A = arith.index_cast %scan3A_44 : i32 to index
        %swap3A_53 = arith.constant 0 : index
        %swap3A_54 = tpu.vector_load %arg12[%swap3A, %swap3A_53] {strides = array<i32>} : memref<128x128xf32, #tpu.memory_space<vmem>>, vector<16xf32>,
        tpu.vector_store %arg12[%swap3A, %swap3A_53], %mul3A_52 {strides = array<i32>} : memref<128x128xf32, #tpu.memory_space<vmem>>, vector<16xf32>,
        %broadcast_in_dim3A_55 = vector.shape_cast %broadcast_in_dim3A_3 : vector<16xi32> to vector<16x1xi32>
        %gather3A_56 = vector.shape_cast %broadcast_in_dim3A_55 : vector<16x1xi32> to vector<16xi32>
        %gather3A_57 = tpu.dynamic_gather %get3A_46[%gather3A_56] in [0] : vector<16xf32>, vector<16xi32> -> vector<16xf32>
        %get3A_58 = arith.index_cast %scan3A_44 : i32 to index
        %get3A_59 = arith.constant 16 : index
        %get3A_60 = tpu.vector_load %arg10[%get3A_58, %get3A_59] {strides = array<i32>} : memref<128x128xf32, #tpu.memory_space<vmem>>, vector<16xf32>,
        %mul3A_61 = arith.mulf %get3A_60, %gather3A_57 : vector<16xf32>
        %swap3A_62 = arith.index_cast %scan3A_44 : i32 to index
        %swap3A_63 = arith.constant 16 : index
        %swap3A_64 = tpu.vector_load %arg12[%swap3A_62, %swap3A_63] {strides = array<i32>} : memref<128x128xf32, #tpu.memory_space<vmem>>, vector<16xf32>,
        tpu.vector_store %arg12[%swap3A_62, %swap3A_63], %mul3A_61 {strides = array<i32>} : memref<128x128xf32, #tpu.memory_space<vmem>>, vector<16xf32>,
        %broadcast_in_dim3A_65 = vector.shape_cast %broadcast_in_dim3A_5 : vector<16xi32> to vector<16x1xi32>
        %gather3A_66 = vector.shape_cast %broadcast_in_dim3A_65 : vector<16x1xi32> to vector<16xi32>
        %gather3A_67 = tpu.dynamic_gather %get3A_46[%gather3A_66] in [0] : vector<16xf32>, vector<16xi32> -> vector<16xf32>
        %get3A_68 = arith.index_cast %scan3A_44 : i32 to index
        %get3A_69 = arith.constant 32 : index
        %get3A_70 = tpu.vector_load %arg10[%get3A_68, %get3A_69] {strides = array<i32>} : memref<128x128xf32, #tpu.memory_space<vmem>>, vector<16xf32>,
        %mul3A_71 = arith.mulf %get3A_70, %gather3A_67 : vector<16xf32>
        %swap3A_72 = arith.index_cast %scan3A_44 : i32 to index
        %swap3A_73 = arith.constant 32 : index
        %swap3A_74 = tpu.vector_load %arg12[%swap3A_72, %swap3A_73] {strides = array<i32>} : memref<128x128xf32, #tpu.memory_space<vmem>>, vector<16xf32>,
        tpu.vector_store %arg12[%swap3A_72, %swap3A_73], %mul3A_71 {strides = array<i32>} : memref<128x128xf32, #tpu.memory_space<vmem>>, vector<16xf32>,
        %broadcast_in_dim3A_75 = vector.shape_cast %broadcast_in_dim3A_7 : vector<16xi32> to vector<16x1xi32>
        %gather3A_76 = vector.shape_cast %broadcast_in_dim3A_75 : vector<16x1xi32> to vector<16xi32>
        %gather3A_77 = tpu.dynamic_gather %get3A_46[%gather3A_76] in [0] : vector<16xf32>, vector<16xi32> -> vector<16xf32>
        %get3A_78 = arith.index_cast %scan3A_44 : i32 to index
        %get3A_79 = arith.constant 48 : index
        %get3A_80 = tpu.vector_load %arg10[%get3A_78, %get3A_79] {strides = array<i32>} : memref<128x128xf32, #tpu.memory_space<vmem>>, vector<16xf32>,
        %mul3A_81 = arith.mulf %get3A_80, %gather3A_77 : vector<16xf32>
        %swap3A_82 = arith.index_cast %scan3A_44 : i32 to index
        %swap3A_83 = arith.constant 48 : index
        %swap3A_84 = tpu.vector_load %arg12[%swap3A_82, %swap3A_83] {strides = array<i32>} : memref<128x128xf32, #tpu.memory_space<vmem>>, vector<16xf32>,
        tpu.vector_store %arg12[%swap3A_82, %swap3A_83], %mul3A_81 {strides = array<i32>} : memref<128x128xf32, #tpu.memory_space<vmem>>, vector<16xf32>,
        %broadcast_in_dim3A_85 = vector.shape_cast %broadcast_in_dim3A_9 : vector<16xi32> to vector<16x1xi32>
        %gather3A_86 = vector.shape_cast %broadcast_in_dim3A_85 : vector<16x1xi32> to vector<16xi32>
        %gather3A_87 = tpu.dynamic_gather %get3A_46[%gather3A_86] in [0] : vector<16xf32>, vector<16xi32> -> vector<16xf32>
        %get3A_88 = arith.index_cast %scan3A_44 : i32 to index
        %get3A_89 = arith.constant 64 : index
        %get3A_90 = tpu.vector_load %arg10[%get3A_88, %get3A_89] {strides = array<i32>} : memref<128x128xf32, #tpu.memory_space<vmem>>, vector<16xf32>,
        %mul3A_91 = arith.mulf %get3A_90, %gather3A_87 : vector<16xf32>
        %swap3A_92 = arith.index_cast %scan3A_44 : i32 to index
        %swap3A_93 = arith.constant 64 : index
        %swap3A_94 = tpu.vector_load %arg12[%swap3A_92, %swap3A_93] {strides = array<i32>} : memref<128x128xf32, #tpu.memory_space<vmem>>, vector<16xf32>,
        tpu.vector_store %arg12[%swap3A_92, %swap3A_93], %mul3A_91 {strides = array<i32>} : memref<128x128xf32, #tpu.memory_space<vmem>>, vector<16xf32>,
        %broadcast_in_dim3A_95 = vector.shape_cast %broadcast_in_dim3A_11 : vector<16xi32> to vector<16x1xi32>
        %gather3A_96 = vector.shape_cast %broadcast_in_dim3A_95 : vector<16x1xi32> to vector<16xi32>
        %gather3A_97 = tpu.dynamic_gather %get3A_46[%gather3A_96] in [0] : vector<16xf32>, vector<16xi32> -> vector<16xf32>
        %get3A_98 = arith.index_cast %scan3A_44 : i32 to index
        %get3A_99 = arith.constant 80 : index
        %get3A_100 = tpu.vector_load %arg10[%get3A_98, %get3A_99] {strides = array<i32>} : memref<128x128xf32, #tpu.memory_space<vmem>>, vector<16xf32>,
        %mul3A_101 = arith.mulf %get3A_100, %gather3A_97 : vector<16xf32>
        %swap3A_102 = arith.index_cast %scan3A_44 : i32 to index
        %swap3A_103 = arith.constant 80 : index
        %swap3A_104 = tpu.vector_load %arg12[%swap3A_102, %swap3A_103] {strides = array<i32>} : memref<128x128xf32, #tpu.memory_space<vmem>>, vector<16xf32>,
        tpu.vector_store %arg12[%swap3A_102, %swap3A_103], %mul3A_101 {strides = array<i32>} : memref<128x128xf32, #tpu.memory_space<vmem>>, vector<16xf32>,
        %broadcast_in_dim3A_105 = vector.shape_cast %broadcast_in_dim3A_13 : vector<16xi32> to vector<16x1xi32>
        %gather3A_106 = vector.shape_cast %broadcast_in_dim3A_105 : vector<16x1xi32> to vector<16xi32>
        %gather3A_107 = tpu.dynamic_gather %get3A_46[%gather3A_106] in [0] : vector<16xf32>, vector<16xi32> -> vector<16xf32>
        %get3A_108 = arith.index_cast %scan3A_44 : i32 to index
        %get3A_109 = arith.constant 96 : index
        %get3A_110 = tpu.vector_load %arg10[%get3A_108, %get3A_109] {strides = array<i32>} : memref<128x128xf32, #tpu.memory_space<vmem>>, vector<16xf32>,
        %mul3A_111 = arith.mulf %get3A_110, %gather3A_107 : vector<16xf32>
        %swap3A_112 = arith.index_cast %scan3A_44 : i32 to index
        %swap3A_113 = arith.constant 96 : index
        %swap3A_114 = tpu.vector_load %arg12[%swap3A_112, %swap3A_113] {strides = array<i32>} : memref<128x128xf32, #tpu.memory_space<vmem>>, vector<16xf32>,
        tpu.vector_store %arg12[%swap3A_112, %swap3A_113], %mul3A_111 {strides = array<i32>} : memref<128x128xf32, #tpu.memory_space<vmem>>, vector<16xf32>,
        %broadcast_in_dim3A_115 = vector.shape_cast %broadcast_in_dim3A_15 : vector<16xi32> to vector<16x1xi32>
        %gather3A_116 = vector.shape_cast %broadcast_in_dim3A_115 : vector<16x1xi32> to vector<16xi32>
        %gather3A_117 = tpu.dynamic_gather %get3A_46[%gather3A_116] in [0] : vector<16xf32>, vector<16xi32> -> vector<16xf32>
        %get3A_118 = arith.index_cast %scan3A_44 : i32 to index
        %get3A_119 = arith.constant 112 : index
        %get3A_120 = tpu.vector_load %arg10[%get3A_118, %get3A_119] {strides = array<i32>} : memref<128x128xf32, #tpu.memory_space<vmem>>, vector<16xf32>,
        %mul3A_121 = arith.mulf %get3A_120, %gather3A_117 : vector<16xf32>
        %swap3A_122 = arith.index_cast %scan3A_44 : i32 to index
        %swap3A_123 = arith.constant 112 : index
        %swap3A_124 = tpu.vector_load %arg12[%swap3A_122, %swap3A_123] {strides = array<i32>} : memref<128x128xf32, #tpu.memory_space<vmem>>, vector<16xf32>,
        tpu.vector_store %arg12[%swap3A_122, %swap3A_123], %mul3A_121 {strides = array<i32>} : memref<128x128xf32, #tpu.memory_space<vmem>>, vector<16xf32>,
      }
      %scan3A_43 = arith.constant 128 : i32
      "tpu.region"() ({
        %run_scoped3A = tpu.sem_alloc : memref<!tpu.dma_semaphore, #tpu.memory_space<semaphore_mem>>
        %dma_start3A_44 = arith.constant 0 : i32
        %dma_start3A_45 = arith.constant 0 : i32
        %dma_start3A_46 = tpu.memref_slice %arg13[%dma_start3A_44, %dma_start3A_45] : memref<10016x128xf32, #tpu.memory_space<vmem_shared>> -> memref<10016x128xf32, #tpu.memory_space<vmem_shared>>
        tpu.enqueue_indirect_dma source(%arg12 : memref<128x128xf32, #tpu.memory_space<vmem>>) target(%dma_start3A_46 : memref<10016x128xf32, #tpu.memory_space<vmem_shared>>) offsets(%arg9 : memref<128xi32, #tpu.memory_space<vmem>>) semaphore(%run_scoped3A : memref<!tpu.dma_semaphore, #tpu.memory_space<semaphore_mem>>) {add = true}
        %dma_wait3A_47 = arith.constant 0 : i32
        %dma_wait3A_48 = arith.constant 0 : i32
        %dma_wait3A_49 = tpu.memref_slice %arg13[%dma_wait3A_47, %dma_wait3A_48] : memref<10016x128xf32, #tpu.memory_space<vmem_shared>> -> memref<10016x128xf32, #tpu.memory_space<vmem_shared>>
        tpu.wait_indirect_dma semaphore(%run_scoped3A : memref<!tpu.dma_semaphore, #tpu.memory_space<semaphore_mem>>) src(%arg12 : memref<128x128xf32, #tpu.memory_space<vmem>>) dst(%dma_wait3A_49 : memref<10016x128xf32, #tpu.memory_space<vmem_shared>>)
        tpu.yield
      }) : () -> ()
    }
    %scan3A_22 = arith.constant 81 : i32
    %barrier3A_23 = arith.constant 0 : index
    tpu.barrier barrier_id(%barrier3A_23)
    %mul3A_24 = arith.constant 626 : i32
    %mul3A_25 = arith.muli %arg1, %mul3A_24 : i32
    %mul3A_26 = arith.constant 626 : i32
    %mul3A_27 = arith.muli %arg1, %mul3A_26 : i32
    "tpu.region"() ({
      %run_scoped3A = tpu.sem_alloc : memref<!tpu.dma_semaphore, #tpu.memory_space<semaphore_mem>>
      %dma_start3A = arith.constant 0 : i32
      %dma_start3A_28 = tpu.memref_slice %arg7[%arg0, %mul3A_27, %dma_start3A] : memref<2x10016x128xf32, #tpu.memory_space<hbm>> -> memref<1x626x128xf32, #tpu.memory_space<hbm>>
      %dma_start3A_29 = tpu.memref_squeeze %dma_start3A_28 : memref<1x626x128xf32, #tpu.memory_space<hbm>> -> memref<626x128xf32, #tpu.memory_space<hbm>>
      %dma_start3A_30 = arith.constant 0 : i32
      %dma_start3A_31 = tpu.memref_slice %arg13[%mul3A_25, %dma_start3A_30] : memref<10016x128xf32, #tpu.memory_space<vmem_shared>> -> memref<626x128xf32, #tpu.memory_space<vmem_shared>>
      tpu.enqueue_dma source(%dma_start3A_31 : memref<626x128xf32, #tpu.memory_space<vmem_shared>>) target(%dma_start3A_29 : memref<626x128xf32, #tpu.memory_space<hbm>>) target_semaphore(%run_scoped3A : memref<!tpu.dma_semaphore, #tpu.memory_space<semaphore_mem>>)
      %dma_wait3A = arith.constant 0 : i32
      %dma_wait3A_32 = tpu.memref_slice %arg7[%arg0, %mul3A_27, %dma_wait3A] : memref<2x10016x128xf32, #tpu.memory_space<hbm>> -> memref<1x626x128xf32, #tpu.memory_space<hbm>>
      %dma_wait3A_33 = tpu.memref_squeeze %dma_wait3A_32 : memref<1x626x128xf32, #tpu.memory_space<hbm>> -> memref<626x128xf32, #tpu.memory_space<hbm>>
      %dma_wait3A_34 = arith.constant 0 : i32
      %dma_wait3A_35 = tpu.memref_slice %arg13[%mul3A_25, %dma_wait3A_34] : memref<10016x128xf32, #tpu.memory_space<vmem_shared>> -> memref<626x128xf32, #tpu.memory_space<vmem_shared>>
      tpu.wait_dma2 semaphore(%run_scoped3A : memref<!tpu.dma_semaphore, #tpu.memory_space<semaphore_mem>>) src(%dma_wait3A_35 : memref<626x128xf32, #tpu.memory_space<vmem_shared>>) dst(%dma_wait3A_33 : memref<626x128xf32, #tpu.memory_space<hbm>>)
      tpu.yield
    }) : () -> ()
    return
  }
}

#map = affine_map<(d0, d1) -> (0, 0)>
#map1 = affine_map<(d0, d1) -> (0)>
#map2 = affine_map<(d0, d1) -> (0, 0, 0)>
module attributes {stable_mosaic.version = 14 : i64} {
  func.func @_pass2_l2(%arg0: i32, %arg1: i32, %arg2: memref<10016x384xf32, #tpu.memory_space<hbm>>, %arg3: memref<331776xi32, #tpu.memory_space<hbm>>, %arg4: memref<331776xi32, #tpu.memory_space<hbm>>, %arg5: memref<331776x16xf32, #tpu.memory_space<hbm>>, %arg6: memref<10016x128xf32, #tpu.memory_space<hbm>>, %arg7: memref<626x48xf32, #tpu.memory_space<hbm>>, %arg8: memref<331776x16xf32, #tpu.memory_space<hbm>>, %arg9: memref<2x10016x48xf32, #tpu.memory_space<hbm>>, %arg10: memref<128xi32, #tpu.memory_space<vmem>>, %arg11: memref<128xi32, #tpu.memory_space<vmem>>, %arg12: memref<128x384xf32, #tpu.memory_space<vmem>>, %arg13: memref<128x16xf32, #tpu.memory_space<vmem>>, %arg14: memref<128x128xf32, #tpu.memory_space<vmem>>, %arg15: memref<128x16xf32, #tpu.memory_space<vmem>>, %arg16: memref<128x48xf32, #tpu.memory_space<vmem>>, %arg17: memref<10016x48xf32, #tpu.memory_space<vmem_shared>>, %arg18: memref<!tpu.dma_semaphore, #tpu.memory_space<semaphore_mem>>, %arg19: memref<!tpu.dma_semaphore, #tpu.memory_space<semaphore_mem>>) attributes {dimension_semantics = [#tpu.dimension_semantics<core_parallel>, #tpu.dimension_semantics<subcore_parallel>], iteration_bounds = array<i64: 2, 16>, scalar_prefetch = 0 : i64, scratch_operands = 10 : i64, tpu.core_type = #tpu.core_type<sc_vector_subcore>, window_params = [{transform_indices = #map}, {transform_indices = #map1}, {transform_indices = #map1}, {transform_indices = #map}, {transform_indices = #map}, {transform_indices = #map}, {transform_indices = #map}, {transform_indices = #map2}]} {
    %mul3A = arith.constant 2 : i32
    %mul3A_0 = arith.muli %arg1, %mul3A : i32
    %add3A = arith.addi %mul3A_0, %arg0 : i32
    %broadcast_in_dim3A = arith.constant 0 : i32
    %broadcast_in_dim3A_1 = vector.broadcast %broadcast_in_dim3A : i32 to vector<16xi32>
    %broadcast_in_dim3A_2 = arith.constant 1 : i32
    %broadcast_in_dim3A_3 = vector.broadcast %broadcast_in_dim3A_2 : i32 to vector<16xi32>
    %broadcast_in_dim3A_4 = arith.constant 2 : i32
    %broadcast_in_dim3A_5 = vector.broadcast %broadcast_in_dim3A_4 : i32 to vector<16xi32>
    %broadcast_in_dim3A_6 = arith.constant 3 : i32
    %broadcast_in_dim3A_7 = vector.broadcast %broadcast_in_dim3A_6 : i32 to vector<16xi32>
    %broadcast_in_dim3A_8 = arith.constant 4 : i32
    %broadcast_in_dim3A_9 = vector.broadcast %broadcast_in_dim3A_8 : i32 to vector<16xi32>
    %broadcast_in_dim3A_10 = arith.constant 5 : i32
    %broadcast_in_dim3A_11 = vector.broadcast %broadcast_in_dim3A_10 : i32 to vector<16xi32>
    %broadcast_in_dim3A_12 = arith.constant 6 : i32
    %broadcast_in_dim3A_13 = vector.broadcast %broadcast_in_dim3A_12 : i32 to vector<16xi32>
    %broadcast_in_dim3A_14 = arith.constant 7 : i32
    %broadcast_in_dim3A_15 = vector.broadcast %broadcast_in_dim3A_14 : i32 to vector<16xi32>
    %mul3A_16 = arith.constant 626 : i32
    %mul3A_17 = arith.muli %arg1, %mul3A_16 : i32
    "tpu.region"() ({
      %run_scoped3A = tpu.sem_alloc : memref<!tpu.dma_semaphore, #tpu.memory_space<semaphore_mem>>
      %dma_start3A = arith.constant 0 : i32
      %dma_start3A_28 = tpu.memref_slice %arg17[%mul3A_17, %dma_start3A] : memref<10016x48xf32, #tpu.memory_space<vmem_shared>> -> memref<626x48xf32, #tpu.memory_space<vmem_shared>>
      tpu.enqueue_dma source(%arg7 : memref<626x48xf32, #tpu.memory_space<hbm>>) target(%dma_start3A_28 : memref<626x48xf32, #tpu.memory_space<vmem_shared>>) target_semaphore(%run_scoped3A : memref<!tpu.dma_semaphore, #tpu.memory_space<semaphore_mem>>)
      %dma_wait3A = arith.constant 0 : i32
      %dma_wait3A_29 = tpu.memref_slice %arg17[%mul3A_17, %dma_wait3A] : memref<10016x48xf32, #tpu.memory_space<vmem_shared>> -> memref<626x48xf32, #tpu.memory_space<vmem_shared>>
      tpu.wait_dma2 semaphore(%run_scoped3A : memref<!tpu.dma_semaphore, #tpu.memory_space<semaphore_mem>>) src(%arg7 : memref<626x48xf32, #tpu.memory_space<hbm>>) dst(%dma_wait3A_29 : memref<626x48xf32, #tpu.memory_space<vmem_shared>>)
      tpu.yield
    }) : () -> ()
    %barrier3A = arith.constant 0 : index
    tpu.barrier barrier_id(%barrier3A)
    %scan3A = arith.constant 0 : i32
    %scan3A_18 = arith.constant 0 : i32
    %scan3A_19 = arith.constant 81 : i32
    %scan3A_20 = arith.addi %scan3A_18, %scan3A_19 : i32
    %scan3A_21 = arith.constant 1 : i32
    scf.for %scan3A_28 = %scan3A_18 to %scan3A_20 step %scan3A_21  : i32 {
      %mul3A_29 = arith.constant 10368 : i32
      %mul3A_30 = arith.muli %add3A, %mul3A_29 : i32
      %mul3A_31 = arith.constant 128 : i32
      %mul3A_32 = arith.muli %scan3A_28, %mul3A_31 : i32
      %add3A_33 = arith.addi %mul3A_30, %mul3A_32 : i32
      "tpu.region"() ({
        %run_scoped3A = tpu.sem_alloc : memref<!tpu.dma_semaphore, #tpu.memory_space<semaphore_mem>>
        %dma_start3A_50 = tpu.memref_slice %arg3[%add3A_33] : memref<331776xi32, #tpu.memory_space<hbm>> -> memref<128xi32, #tpu.memory_space<hbm>>
        %dma_start3A_51 = tpu.memref_slice %arg3[%add3A_33] : memref<331776xi32, #tpu.memory_space<hbm>> -> memref<128xi32, #tpu.memory_space<hbm>>
        tpu.enqueue_dma source(%dma_start3A_51 : memref<128xi32, #tpu.memory_space<hbm>>) target(%arg10 : memref<128xi32, #tpu.memory_space<vmem>>) target_semaphore(%run_scoped3A : memref<!tpu.dma_semaphore, #tpu.memory_space<semaphore_mem>>)
        %dma_wait3A_52 = tpu.memref_slice %arg3[%add3A_33] : memref<331776xi32, #tpu.memory_space<hbm>> -> memref<128xi32, #tpu.memory_space<hbm>>
        %dma_wait3A_53 = tpu.memref_slice %arg3[%add3A_33] : memref<331776xi32, #tpu.memory_space<hbm>> -> memref<128xi32, #tpu.memory_space<hbm>>
        tpu.wait_dma2 semaphore(%run_scoped3A : memref<!tpu.dma_semaphore, #tpu.memory_space<semaphore_mem>>) src(%dma_wait3A_53 : memref<128xi32, #tpu.memory_space<hbm>>) dst(%arg10 : memref<128xi32, #tpu.memory_space<vmem>>)
        tpu.yield
      }) : () -> ()
      "tpu.region"() ({
        %run_scoped3A = tpu.sem_alloc : memref<!tpu.dma_semaphore, #tpu.memory_space<semaphore_mem>>
        %dma_start3A_50 = tpu.memref_slice %arg4[%add3A_33] : memref<331776xi32, #tpu.memory_space<hbm>> -> memref<128xi32, #tpu.memory_space<hbm>>
        %dma_start3A_51 = tpu.memref_slice %arg4[%add3A_33] : memref<331776xi32, #tpu.memory_space<hbm>> -> memref<128xi32, #tpu.memory_space<hbm>>
        tpu.enqueue_dma source(%dma_start3A_51 : memref<128xi32, #tpu.memory_space<hbm>>) target(%arg11 : memref<128xi32, #tpu.memory_space<vmem>>) target_semaphore(%run_scoped3A : memref<!tpu.dma_semaphore, #tpu.memory_space<semaphore_mem>>)
        %dma_wait3A_52 = tpu.memref_slice %arg4[%add3A_33] : memref<331776xi32, #tpu.memory_space<hbm>> -> memref<128xi32, #tpu.memory_space<hbm>>
        %dma_wait3A_53 = tpu.memref_slice %arg4[%add3A_33] : memref<331776xi32, #tpu.memory_space<hbm>> -> memref<128xi32, #tpu.memory_space<hbm>>
        tpu.wait_dma2 semaphore(%run_scoped3A : memref<!tpu.dma_semaphore, #tpu.memory_space<semaphore_mem>>) src(%dma_wait3A_53 : memref<128xi32, #tpu.memory_space<hbm>>) dst(%arg11 : memref<128xi32, #tpu.memory_space<vmem>>)
        tpu.yield
      }) : () -> ()
      %dma_start3A = arith.constant 0 : i32
      %dma_start3A_34 = arith.constant 0 : i32
      %dma_start3A_35 = tpu.memref_slice %arg2[%dma_start3A, %dma_start3A_34] : memref<10016x384xf32, #tpu.memory_space<hbm>> -> memref<10016x384xf32, #tpu.memory_space<hbm>>
      tpu.enqueue_indirect_dma source(%dma_start3A_35 : memref<10016x384xf32, #tpu.memory_space<hbm>>) target(%arg12 : memref<128x384xf32, #tpu.memory_space<vmem>>) offsets(%arg10 : memref<128xi32, #tpu.memory_space<vmem>>) semaphore(%arg18 : memref<!tpu.dma_semaphore, #tpu.memory_space<semaphore_mem>>)
      %dma_start3A_36 = arith.constant 0 : i32
      %dma_start3A_37 = arith.constant 0 : i32
      %dma_start3A_38 = tpu.memref_slice %arg6[%dma_start3A_36, %dma_start3A_37] : memref<10016x128xf32, #tpu.memory_space<hbm>> -> memref<10016x128xf32, #tpu.memory_space<hbm>>
      tpu.enqueue_indirect_dma source(%dma_start3A_38 : memref<10016x128xf32, #tpu.memory_space<hbm>>) target(%arg14 : memref<128x128xf32, #tpu.memory_space<vmem>>) offsets(%arg11 : memref<128xi32, #tpu.memory_space<vmem>>) semaphore(%arg19 : memref<!tpu.dma_semaphore, #tpu.memory_space<semaphore_mem>>)
      "tpu.region"() ({
        %run_scoped3A = tpu.sem_alloc : memref<!tpu.dma_semaphore, #tpu.memory_space<semaphore_mem>>
        %dma_start3A_50 = arith.constant 0 : i32
        %dma_start3A_51 = tpu.memref_slice %arg5[%add3A_33, %dma_start3A_50] : memref<331776x16xf32, #tpu.memory_space<hbm>> -> memref<128x16xf32, #tpu.memory_space<hbm>>
        %dma_start3A_52 = arith.constant 0 : i32
        %dma_start3A_53 = tpu.memref_slice %arg5[%add3A_33, %dma_start3A_52] : memref<331776x16xf32, #tpu.memory_space<hbm>> -> memref<128x16xf32, #tpu.memory_space<hbm>>
        tpu.enqueue_dma source(%dma_start3A_53 : memref<128x16xf32, #tpu.memory_space<hbm>>) target(%arg13 : memref<128x16xf32, #tpu.memory_space<vmem>>) target_semaphore(%run_scoped3A : memref<!tpu.dma_semaphore, #tpu.memory_space<semaphore_mem>>)
        %dma_wait3A_54 = arith.constant 0 : i32
        %dma_wait3A_55 = tpu.memref_slice %arg5[%add3A_33, %dma_wait3A_54] : memref<331776x16xf32, #tpu.memory_space<hbm>> -> memref<128x16xf32, #tpu.memory_space<hbm>>
        %dma_wait3A_56 = arith.constant 0 : i32
        %dma_wait3A_57 = tpu.memref_slice %arg5[%add3A_33, %dma_wait3A_56] : memref<331776x16xf32, #tpu.memory_space<hbm>> -> memref<128x16xf32, #tpu.memory_space<hbm>>
        tpu.wait_dma2 semaphore(%run_scoped3A : memref<!tpu.dma_semaphore, #tpu.memory_space<semaphore_mem>>) src(%dma_wait3A_57 : memref<128x16xf32, #tpu.memory_space<hbm>>) dst(%arg13 : memref<128x16xf32, #tpu.memory_space<vmem>>)
        tpu.yield
      }) : () -> ()
      %dma_wait3A = arith.constant 0 : i32
      %dma_wait3A_39 = arith.constant 0 : i32
      %dma_wait3A_40 = tpu.memref_slice %arg2[%dma_wait3A, %dma_wait3A_39] : memref<10016x384xf32, #tpu.memory_space<hbm>> -> memref<10016x384xf32, #tpu.memory_space<hbm>>
      tpu.wait_indirect_dma semaphore(%arg18 : memref<!tpu.dma_semaphore, #tpu.memory_space<semaphore_mem>>) src(%dma_wait3A_40 : memref<10016x384xf32, #tpu.memory_space<hbm>>) dst(%arg12 : memref<128x384xf32, #tpu.memory_space<vmem>>)
      %dma_wait3A_41 = arith.constant 0 : i32
      %dma_wait3A_42 = arith.constant 0 : i32
      %dma_wait3A_43 = tpu.memref_slice %arg6[%dma_wait3A_41, %dma_wait3A_42] : memref<10016x128xf32, #tpu.memory_space<hbm>> -> memref<10016x128xf32, #tpu.memory_space<hbm>>
      tpu.wait_indirect_dma semaphore(%arg19 : memref<!tpu.dma_semaphore, #tpu.memory_space<semaphore_mem>>) src(%dma_wait3A_43 : memref<10016x128xf32, #tpu.memory_space<hbm>>) dst(%arg14 : memref<128x128xf32, #tpu.memory_space<vmem>>)
      %scan3A_44 = arith.constant 0 : i32
      %scan3A_45 = arith.constant 0 : i32
      %scan3A_46 = arith.constant 128 : i32
      %scan3A_47 = arith.addi %scan3A_45, %scan3A_46 : i32
      %scan3A_48 = arith.constant 1 : i32
      scf.for %scan3A_50 = %scan3A_45 to %scan3A_47 step %scan3A_48  : i32 {
        %get3A = arith.index_cast %scan3A_50 : i32 to index
        %get3A_51 = arith.constant 0 : index
        %get3A_52 = tpu.vector_load %arg13[%get3A, %get3A_51] {strides = array<i32>} : memref<128x16xf32, #tpu.memory_space<vmem>>, vector<16xf32>,
        %get3A_53 = arith.index_cast %scan3A_50 : i32 to index
        %get3A_54 = arith.constant 0 : index
        %get3A_55 = tpu.vector_load %arg14[%get3A_53, %get3A_54] {strides = array<i32>} : memref<128x128xf32, #tpu.memory_space<vmem>>, vector<16xf32>,
        %mul3A_56 = arith.mulf %get3A_52, %get3A_55 : vector<16xf32>
        %swap3A = arith.index_cast %scan3A_50 : i32 to index
        %swap3A_57 = arith.constant 0 : index
        %swap3A_58 = tpu.vector_load %arg15[%swap3A, %swap3A_57] {strides = array<i32>} : memref<128x16xf32, #tpu.memory_space<vmem>>, vector<16xf32>,
        tpu.vector_store %arg15[%swap3A, %swap3A_57], %mul3A_56 {strides = array<i32>} : memref<128x16xf32, #tpu.memory_space<vmem>>, vector<16xf32>,
        %broadcast_in_dim3A_59 = arith.constant 0.000000e+00 : f32
        %broadcast_in_dim3A_60 = vector.broadcast %broadcast_in_dim3A_59 : f32 to vector<16xf32>
        %broadcast_in_dim3A_61 = arith.constant 0.000000e+00 : f32
        %broadcast_in_dim3A_62 = vector.broadcast %broadcast_in_dim3A_61 : f32 to vector<16xf32>
        %broadcast_in_dim3A_63 = arith.constant 0.000000e+00 : f32
        %broadcast_in_dim3A_64 = vector.broadcast %broadcast_in_dim3A_63 : f32 to vector<16xf32>
        %broadcast_in_dim3A_65 = vector.shape_cast %broadcast_in_dim3A_1 : vector<16xi32> to vector<16x1xi32>
        %gather3A = vector.shape_cast %broadcast_in_dim3A_65 : vector<16x1xi32> to vector<16xi32>
        %gather3A_66 = tpu.dynamic_gather %mul3A_56[%gather3A] in [0] : vector<16xf32>, vector<16xi32> -> vector<16xf32>
        %get3A_67 = arith.index_cast %scan3A_50 : i32 to index
        %get3A_68 = arith.constant 0 : index
        %get3A_69 = tpu.vector_load %arg12[%get3A_67, %get3A_68] {strides = array<i32>} : memref<128x384xf32, #tpu.memory_space<vmem>>, vector<16xf32>,
        %mul3A_70 = arith.mulf %get3A_69, %gather3A_66 : vector<16xf32>
        %add3A_71 = arith.addf %broadcast_in_dim3A_60, %mul3A_70 : vector<16xf32>
        %get3A_72 = arith.index_cast %scan3A_50 : i32 to index
        %get3A_73 = arith.constant 16 : index
        %get3A_74 = tpu.vector_load %arg12[%get3A_72, %get3A_73] {strides = array<i32>} : memref<128x384xf32, #tpu.memory_space<vmem>>, vector<16xf32>,
        %mul3A_75 = arith.mulf %get3A_74, %gather3A_66 : vector<16xf32>
        %add3A_76 = arith.addf %broadcast_in_dim3A_62, %mul3A_75 : vector<16xf32>
        %get3A_77 = arith.index_cast %scan3A_50 : i32 to index
        %get3A_78 = arith.constant 32 : index
        %get3A_79 = tpu.vector_load %arg12[%get3A_77, %get3A_78] {strides = array<i32>} : memref<128x384xf32, #tpu.memory_space<vmem>>, vector<16xf32>,
        %mul3A_80 = arith.mulf %get3A_79, %gather3A_66 : vector<16xf32>
        %add3A_81 = arith.addf %broadcast_in_dim3A_64, %mul3A_80 : vector<16xf32>
        %broadcast_in_dim3A_82 = vector.shape_cast %broadcast_in_dim3A_3 : vector<16xi32> to vector<16x1xi32>
        %gather3A_83 = vector.shape_cast %broadcast_in_dim3A_82 : vector<16x1xi32> to vector<16xi32>
        %gather3A_84 = tpu.dynamic_gather %mul3A_56[%gather3A_83] in [0] : vector<16xf32>, vector<16xi32> -> vector<16xf32>
        %get3A_85 = arith.index_cast %scan3A_50 : i32 to index
        %get3A_86 = arith.constant 48 : index
        %get3A_87 = tpu.vector_load %arg12[%get3A_85, %get3A_86] {strides = array<i32>} : memref<128x384xf32, #tpu.memory_space<vmem>>, vector<16xf32>,
        %mul3A_88 = arith.mulf %get3A_87, %gather3A_84 : vector<16xf32>
        %add3A_89 = arith.addf %add3A_71, %mul3A_88 : vector<16xf32>
        %get3A_90 = arith.index_cast %scan3A_50 : i32 to index
        %get3A_91 = arith.constant 64 : index
        %get3A_92 = tpu.vector_load %arg12[%get3A_90, %get3A_91] {strides = array<i32>} : memref<128x384xf32, #tpu.memory_space<vmem>>, vector<16xf32>,
        %mul3A_93 = arith.mulf %get3A_92, %gather3A_84 : vector<16xf32>
        %add3A_94 = arith.addf %add3A_76, %mul3A_93 : vector<16xf32>
        %get3A_95 = arith.index_cast %scan3A_50 : i32 to index
        %get3A_96 = arith.constant 80 : index
        %get3A_97 = tpu.vector_load %arg12[%get3A_95, %get3A_96] {strides = array<i32>} : memref<128x384xf32, #tpu.memory_space<vmem>>, vector<16xf32>,
        %mul3A_98 = arith.mulf %get3A_97, %gather3A_84 : vector<16xf32>
        %add3A_99 = arith.addf %add3A_81, %mul3A_98 : vector<16xf32>
        %broadcast_in_dim3A_100 = vector.shape_cast %broadcast_in_dim3A_5 : vector<16xi32> to vector<16x1xi32>
        %gather3A_101 = vector.shape_cast %broadcast_in_dim3A_100 : vector<16x1xi32> to vector<16xi32>
        %gather3A_102 = tpu.dynamic_gather %mul3A_56[%gather3A_101] in [0] : vector<16xf32>, vector<16xi32> -> vector<16xf32>
        %get3A_103 = arith.index_cast %scan3A_50 : i32 to index
        %get3A_104 = arith.constant 96 : index
        %get3A_105 = tpu.vector_load %arg12[%get3A_103, %get3A_104] {strides = array<i32>} : memref<128x384xf32, #tpu.memory_space<vmem>>, vector<16xf32>,
        %mul3A_106 = arith.mulf %get3A_105, %gather3A_102 : vector<16xf32>
        %add3A_107 = arith.addf %add3A_89, %mul3A_106 : vector<16xf32>
        %get3A_108 = arith.index_cast %scan3A_50 : i32 to index
        %get3A_109 = arith.constant 112 : index
        %get3A_110 = tpu.vector_load %arg12[%get3A_108, %get3A_109] {strides = array<i32>} : memref<128x384xf32, #tpu.memory_space<vmem>>, vector<16xf32>,
        %mul3A_111 = arith.mulf %get3A_110, %gather3A_102 : vector<16xf32>
        %add3A_112 = arith.addf %add3A_94, %mul3A_111 : vector<16xf32>
        %get3A_113 = arith.index_cast %scan3A_50 : i32 to index
        %get3A_114 = arith.constant 128 : index
        %get3A_115 = tpu.vector_load %arg12[%get3A_113, %get3A_114] {strides = array<i32>} : memref<128x384xf32, #tpu.memory_space<vmem>>, vector<16xf32>,
        %mul3A_116 = arith.mulf %get3A_115, %gather3A_102 : vector<16xf32>
        %add3A_117 = arith.addf %add3A_99, %mul3A_116 : vector<16xf32>
        %broadcast_in_dim3A_118 = vector.shape_cast %broadcast_in_dim3A_7 : vector<16xi32> to vector<16x1xi32>
        %gather3A_119 = vector.shape_cast %broadcast_in_dim3A_118 : vector<16x1xi32> to vector<16xi32>
        %gather3A_120 = tpu.dynamic_gather %mul3A_56[%gather3A_119] in [0] : vector<16xf32>, vector<16xi32> -> vector<16xf32>
        %get3A_121 = arith.index_cast %scan3A_50 : i32 to index
        %get3A_122 = arith.constant 144 : index
        %get3A_123 = tpu.vector_load %arg12[%get3A_121, %get3A_122] {strides = array<i32>} : memref<128x384xf32, #tpu.memory_space<vmem>>, vector<16xf32>,
        %mul3A_124 = arith.mulf %get3A_123, %gather3A_120 : vector<16xf32>
        %add3A_125 = arith.addf %add3A_107, %mul3A_124 : vector<16xf32>
        %get3A_126 = arith.index_cast %scan3A_50 : i32 to index
        %get3A_127 = arith.constant 160 : index
        %get3A_128 = tpu.vector_load %arg12[%get3A_126, %get3A_127] {strides = array<i32>} : memref<128x384xf32, #tpu.memory_space<vmem>>, vector<16xf32>,
        %mul3A_129 = arith.mulf %get3A_128, %gather3A_120 : vector<16xf32>
        %add3A_130 = arith.addf %add3A_112, %mul3A_129 : vector<16xf32>
        %get3A_131 = arith.index_cast %scan3A_50 : i32 to index
        %get3A_132 = arith.constant 176 : index
        %get3A_133 = tpu.vector_load %arg12[%get3A_131, %get3A_132] {strides = array<i32>} : memref<128x384xf32, #tpu.memory_space<vmem>>, vector<16xf32>,
        %mul3A_134 = arith.mulf %get3A_133, %gather3A_120 : vector<16xf32>
        %add3A_135 = arith.addf %add3A_117, %mul3A_134 : vector<16xf32>
        %broadcast_in_dim3A_136 = vector.shape_cast %broadcast_in_dim3A_9 : vector<16xi32> to vector<16x1xi32>
        %gather3A_137 = vector.shape_cast %broadcast_in_dim3A_136 : vector<16x1xi32> to vector<16xi32>
        %gather3A_138 = tpu.dynamic_gather %mul3A_56[%gather3A_137] in [0] : vector<16xf32>, vector<16xi32> -> vector<16xf32>
        %get3A_139 = arith.index_cast %scan3A_50 : i32 to index
        %get3A_140 = arith.constant 192 : index
        %get3A_141 = tpu.vector_load %arg12[%get3A_139, %get3A_140] {strides = array<i32>} : memref<128x384xf32, #tpu.memory_space<vmem>>, vector<16xf32>,
        %mul3A_142 = arith.mulf %get3A_141, %gather3A_138 : vector<16xf32>
        %add3A_143 = arith.addf %add3A_125, %mul3A_142 : vector<16xf32>
        %get3A_144 = arith.index_cast %scan3A_50 : i32 to index
        %get3A_145 = arith.constant 208 : index
        %get3A_146 = tpu.vector_load %arg12[%get3A_144, %get3A_145] {strides = array<i32>} : memref<128x384xf32, #tpu.memory_space<vmem>>, vector<16xf32>,
        %mul3A_147 = arith.mulf %get3A_146, %gather3A_138 : vector<16xf32>
        %add3A_148 = arith.addf %add3A_130, %mul3A_147 : vector<16xf32>
        %get3A_149 = arith.index_cast %scan3A_50 : i32 to index
        %get3A_150 = arith.constant 224 : index
        %get3A_151 = tpu.vector_load %arg12[%get3A_149, %get3A_150] {strides = array<i32>} : memref<128x384xf32, #tpu.memory_space<vmem>>, vector<16xf32>,
        %mul3A_152 = arith.mulf %get3A_151, %gather3A_138 : vector<16xf32>
        %add3A_153 = arith.addf %add3A_135, %mul3A_152 : vector<16xf32>
        %broadcast_in_dim3A_154 = vector.shape_cast %broadcast_in_dim3A_11 : vector<16xi32> to vector<16x1xi32>
        %gather3A_155 = vector.shape_cast %broadcast_in_dim3A_154 : vector<16x1xi32> to vector<16xi32>
        %gather3A_156 = tpu.dynamic_gather %mul3A_56[%gather3A_155] in [0] : vector<16xf32>, vector<16xi32> -> vector<16xf32>
        %get3A_157 = arith.index_cast %scan3A_50 : i32 to index
        %get3A_158 = arith.constant 240 : index
        %get3A_159 = tpu.vector_load %arg12[%get3A_157, %get3A_158] {strides = array<i32>} : memref<128x384xf32, #tpu.memory_space<vmem>>, vector<16xf32>,
        %mul3A_160 = arith.mulf %get3A_159, %gather3A_156 : vector<16xf32>
        %add3A_161 = arith.addf %add3A_143, %mul3A_160 : vector<16xf32>
        %get3A_162 = arith.index_cast %scan3A_50 : i32 to index
        %get3A_163 = arith.constant 256 : index
        %get3A_164 = tpu.vector_load %arg12[%get3A_162, %get3A_163] {strides = array<i32>} : memref<128x384xf32, #tpu.memory_space<vmem>>, vector<16xf32>,
        %mul3A_165 = arith.mulf %get3A_164, %gather3A_156 : vector<16xf32>
        %add3A_166 = arith.addf %add3A_148, %mul3A_165 : vector<16xf32>
        %get3A_167 = arith.index_cast %scan3A_50 : i32 to index
        %get3A_168 = arith.constant 272 : index
        %get3A_169 = tpu.vector_load %arg12[%get3A_167, %get3A_168] {strides = array<i32>} : memref<128x384xf32, #tpu.memory_space<vmem>>, vector<16xf32>,
        %mul3A_170 = arith.mulf %get3A_169, %gather3A_156 : vector<16xf32>
        %add3A_171 = arith.addf %add3A_153, %mul3A_170 : vector<16xf32>
        %broadcast_in_dim3A_172 = vector.shape_cast %broadcast_in_dim3A_13 : vector<16xi32> to vector<16x1xi32>
        %gather3A_173 = vector.shape_cast %broadcast_in_dim3A_172 : vector<16x1xi32> to vector<16xi32>
        %gather3A_174 = tpu.dynamic_gather %mul3A_56[%gather3A_173] in [0] : vector<16xf32>, vector<16xi32> -> vector<16xf32>
        %get3A_175 = arith.index_cast %scan3A_50 : i32 to index
        %get3A_176 = arith.constant 288 : index
        %get3A_177 = tpu.vector_load %arg12[%get3A_175, %get3A_176] {strides = array<i32>} : memref<128x384xf32, #tpu.memory_space<vmem>>, vector<16xf32>,
        %mul3A_178 = arith.mulf %get3A_177, %gather3A_174 : vector<16xf32>
        %add3A_179 = arith.addf %add3A_161, %mul3A_178 : vector<16xf32>
        %get3A_180 = arith.index_cast %scan3A_50 : i32 to index
        %get3A_181 = arith.constant 304 : index
        %get3A_182 = tpu.vector_load %arg12[%get3A_180, %get3A_181] {strides = array<i32>} : memref<128x384xf32, #tpu.memory_space<vmem>>, vector<16xf32>,
        %mul3A_183 = arith.mulf %get3A_182, %gather3A_174 : vector<16xf32>
        %add3A_184 = arith.addf %add3A_166, %mul3A_183 : vector<16xf32>
        %get3A_185 = arith.index_cast %scan3A_50 : i32 to index
        %get3A_186 = arith.constant 320 : index
        %get3A_187 = tpu.vector_load %arg12[%get3A_185, %get3A_186] {strides = array<i32>} : memref<128x384xf32, #tpu.memory_space<vmem>>, vector<16xf32>,
        %mul3A_188 = arith.mulf %get3A_187, %gather3A_174 : vector<16xf32>
        %add3A_189 = arith.addf %add3A_171, %mul3A_188 : vector<16xf32>
        %broadcast_in_dim3A_190 = vector.shape_cast %broadcast_in_dim3A_15 : vector<16xi32> to vector<16x1xi32>
        %gather3A_191 = vector.shape_cast %broadcast_in_dim3A_190 : vector<16x1xi32> to vector<16xi32>
        %gather3A_192 = tpu.dynamic_gather %mul3A_56[%gather3A_191] in [0] : vector<16xf32>, vector<16xi32> -> vector<16xf32>
        %get3A_193 = arith.index_cast %scan3A_50 : i32 to index
        %get3A_194 = arith.constant 336 : index
        %get3A_195 = tpu.vector_load %arg12[%get3A_193, %get3A_194] {strides = array<i32>} : memref<128x384xf32, #tpu.memory_space<vmem>>, vector<16xf32>,
        %mul3A_196 = arith.mulf %get3A_195, %gather3A_192 : vector<16xf32>
        %add3A_197 = arith.addf %add3A_179, %mul3A_196 : vector<16xf32>
        %get3A_198 = arith.index_cast %scan3A_50 : i32 to index
        %get3A_199 = arith.constant 352 : index
        %get3A_200 = tpu.vector_load %arg12[%get3A_198, %get3A_199] {strides = array<i32>} : memref<128x384xf32, #tpu.memory_space<vmem>>, vector<16xf32>,
        %mul3A_201 = arith.mulf %get3A_200, %gather3A_192 : vector<16xf32>
        %add3A_202 = arith.addf %add3A_184, %mul3A_201 : vector<16xf32>
        %get3A_203 = arith.index_cast %scan3A_50 : i32 to index
        %get3A_204 = arith.constant 368 : index
        %get3A_205 = tpu.vector_load %arg12[%get3A_203, %get3A_204] {strides = array<i32>} : memref<128x384xf32, #tpu.memory_space<vmem>>, vector<16xf32>,
        %mul3A_206 = arith.mulf %get3A_205, %gather3A_192 : vector<16xf32>
        %add3A_207 = arith.addf %add3A_189, %mul3A_206 : vector<16xf32>
        %swap3A_208 = arith.index_cast %scan3A_50 : i32 to index
        %swap3A_209 = arith.constant 0 : index
        %swap3A_210 = tpu.vector_load %arg16[%swap3A_208, %swap3A_209] {strides = array<i32>} : memref<128x48xf32, #tpu.memory_space<vmem>>, vector<16xf32>,
        tpu.vector_store %arg16[%swap3A_208, %swap3A_209], %add3A_197 {strides = array<i32>} : memref<128x48xf32, #tpu.memory_space<vmem>>, vector<16xf32>,
        %swap3A_211 = arith.index_cast %scan3A_50 : i32 to index
        %swap3A_212 = arith.constant 16 : index
        %swap3A_213 = tpu.vector_load %arg16[%swap3A_211, %swap3A_212] {strides = array<i32>} : memref<128x48xf32, #tpu.memory_space<vmem>>, vector<16xf32>,
        tpu.vector_store %arg16[%swap3A_211, %swap3A_212], %add3A_202 {strides = array<i32>} : memref<128x48xf32, #tpu.memory_space<vmem>>, vector<16xf32>,
        %swap3A_214 = arith.index_cast %scan3A_50 : i32 to index
        %swap3A_215 = arith.constant 32 : index
        %swap3A_216 = tpu.vector_load %arg16[%swap3A_214, %swap3A_215] {strides = array<i32>} : memref<128x48xf32, #tpu.memory_space<vmem>>, vector<16xf32>,
        tpu.vector_store %arg16[%swap3A_214, %swap3A_215], %add3A_207 {strides = array<i32>} : memref<128x48xf32, #tpu.memory_space<vmem>>, vector<16xf32>,
      }
      %scan3A_49 = arith.constant 128 : i32
      "tpu.region"() ({
        %run_scoped3A = tpu.sem_alloc : memref<!tpu.dma_semaphore, #tpu.memory_space<semaphore_mem>>
        %dma_start3A_50 = arith.constant 0 : i32
        %dma_start3A_51 = tpu.memref_slice %arg8[%add3A_33, %dma_start3A_50] : memref<331776x16xf32, #tpu.memory_space<hbm>> -> memref<128x16xf32, #tpu.memory_space<hbm>>
        %dma_start3A_52 = arith.constant 0 : i32
        %dma_start3A_53 = tpu.memref_slice %arg8[%add3A_33, %dma_start3A_52] : memref<331776x16xf32, #tpu.memory_space<hbm>> -> memref<128x16xf32, #tpu.memory_space<hbm>>
        tpu.enqueue_dma source(%arg15 : memref<128x16xf32, #tpu.memory_space<vmem>>) target(%dma_start3A_53 : memref<128x16xf32, #tpu.memory_space<hbm>>) target_semaphore(%run_scoped3A : memref<!tpu.dma_semaphore, #tpu.memory_space<semaphore_mem>>)
        %dma_wait3A_54 = arith.constant 0 : i32
        %dma_wait3A_55 = tpu.memref_slice %arg8[%add3A_33, %dma_wait3A_54] : memref<331776x16xf32, #tpu.memory_space<hbm>> -> memref<128x16xf32, #tpu.memory_space<hbm>>
        %dma_wait3A_56 = arith.constant 0 : i32
        %dma_wait3A_57 = tpu.memref_slice %arg8[%add3A_33, %dma_wait3A_56] : memref<331776x16xf32, #tpu.memory_space<hbm>> -> memref<128x16xf32, #tpu.memory_space<hbm>>
        tpu.wait_dma2 semaphore(%run_scoped3A : memref<!tpu.dma_semaphore, #tpu.memory_space<semaphore_mem>>) src(%arg15 : memref<128x16xf32, #tpu.memory_space<vmem>>) dst(%dma_wait3A_57 : memref<128x16xf32, #tpu.memory_space<hbm>>)
        tpu.yield
      }) : () -> ()
      "tpu.region"() ({
        %run_scoped3A = tpu.sem_alloc : memref<!tpu.dma_semaphore, #tpu.memory_space<semaphore_mem>>
        %dma_start3A_50 = arith.constant 0 : i32
        %dma_start3A_51 = arith.constant 0 : i32
        %dma_start3A_52 = tpu.memref_slice %arg17[%dma_start3A_50, %dma_start3A_51] : memref<10016x48xf32, #tpu.memory_space<vmem_shared>> -> memref<10016x48xf32, #tpu.memory_space<vmem_shared>>
        tpu.enqueue_indirect_dma source(%arg16 : memref<128x48xf32, #tpu.memory_space<vmem>>) target(%dma_start3A_52 : memref<10016x48xf32, #tpu.memory_space<vmem_shared>>) offsets(%arg11 : memref<128xi32, #tpu.memory_space<vmem>>) semaphore(%run_scoped3A : memref<!tpu.dma_semaphore, #tpu.memory_space<semaphore_mem>>) {add = true}
        %dma_wait3A_53 = arith.constant 0 : i32
        %dma_wait3A_54 = arith.constant 0 : i32
        %dma_wait3A_55 = tpu.memref_slice %arg17[%dma_wait3A_53, %dma_wait3A_54] : memref<10016x48xf32, #tpu.memory_space<vmem_shared>> -> memref<10016x48xf32, #tpu.memory_space<vmem_shared>>
        tpu.wait_indirect_dma semaphore(%run_scoped3A : memref<!tpu.dma_semaphore, #tpu.memory_space<semaphore_mem>>) src(%arg16 : memref<128x48xf32, #tpu.memory_space<vmem>>) dst(%dma_wait3A_55 : memref<10016x48xf32, #tpu.memory_space<vmem_shared>>)
        tpu.yield
      }) : () -> ()
    }
    %scan3A_22 = arith.constant 81 : i32
    %barrier3A_23 = arith.constant 0 : index
    tpu.barrier barrier_id(%barrier3A_23)
    %mul3A_24 = arith.constant 626 : i32
    %mul3A_25 = arith.muli %arg1, %mul3A_24 : i32
    %mul3A_26 = arith.constant 626 : i32
    %mul3A_27 = arith.muli %arg1, %mul3A_26 : i32
    "tpu.region"() ({
      %run_scoped3A = tpu.sem_alloc : memref<!tpu.dma_semaphore, #tpu.memory_space<semaphore_mem>>
      %dma_start3A = arith.constant 0 : i32
      %dma_start3A_28 = tpu.memref_slice %arg9[%arg0, %mul3A_27, %dma_start3A] : memref<2x10016x48xf32, #tpu.memory_space<hbm>> -> memref<1x626x48xf32, #tpu.memory_space<hbm>>
      %dma_start3A_29 = tpu.memref_squeeze %dma_start3A_28 : memref<1x626x48xf32, #tpu.memory_space<hbm>> -> memref<626x48xf32, #tpu.memory_space<hbm>>
      %dma_start3A_30 = arith.constant 0 : i32
      %dma_start3A_31 = tpu.memref_slice %arg17[%mul3A_25, %dma_start3A_30] : memref<10016x48xf32, #tpu.memory_space<vmem_shared>> -> memref<626x48xf32, #tpu.memory_space<vmem_shared>>
      tpu.enqueue_dma source(%dma_start3A_31 : memref<626x48xf32, #tpu.memory_space<vmem_shared>>) target(%dma_start3A_29 : memref<626x48xf32, #tpu.memory_space<hbm>>) target_semaphore(%run_scoped3A : memref<!tpu.dma_semaphore, #tpu.memory_space<semaphore_mem>>)
      %dma_wait3A = arith.constant 0 : i32
      %dma_wait3A_32 = tpu.memref_slice %arg9[%arg0, %mul3A_27, %dma_wait3A] : memref<2x10016x48xf32, #tpu.memory_space<hbm>> -> memref<1x626x48xf32, #tpu.memory_space<hbm>>
      %dma_wait3A_33 = tpu.memref_squeeze %dma_wait3A_32 : memref<1x626x48xf32, #tpu.memory_space<hbm>> -> memref<626x48xf32, #tpu.memory_space<hbm>>
      %dma_wait3A_34 = arith.constant 0 : i32
      %dma_wait3A_35 = tpu.memref_slice %arg17[%mul3A_25, %dma_wait3A_34] : memref<10016x48xf32, #tpu.memory_space<vmem_shared>> -> memref<626x48xf32, #tpu.memory_space<vmem_shared>>
      tpu.wait_dma2 semaphore(%run_scoped3A : memref<!tpu.dma_semaphore, #tpu.memory_space<semaphore_mem>>) src(%dma_wait3A_35 : memref<626x48xf32, #tpu.memory_space<vmem_shared>>) dst(%dma_wait3A_33 : memref<626x48xf32, #tpu.memory_space<hbm>>)
      tpu.yield
    }) : () -> ()
    return
  }
}

module attributes {stable_mosaic.version = 14 : i64} {
  func.func @_mm1_body(%arg0: i32, %arg1: memref<2504x128xf32, #tpu.memory_space<vmem>>, %arg2: memref<128x128xf32, #tpu.memory_space<vmem>>, %arg3: memref<2504x128xf32, #tpu.memory_space<vmem>>) attributes {dimension_semantics = [#tpu.dimension_semantics<arbitrary>], iteration_bounds = array<i64: 4>, scalar_prefetch = 0 : i64, scratch_operands = 0 : i64, tpu.core_type = #tpu.core_type<tc>, window_params = [{transform_indices = @transform_0, window_bounds = array<i64: 2504, 128>}, {pipeline_mode = #tpu.pipeline_mode<synchronous>, transform_indices = @transform_1, window_bounds = array<i64: 128, 128>}, {transform_indices = @transform_2, window_bounds = array<i64: 2504, 128>}]} {
    %get3A = arith.constant 0 : index
    %get3A_0 = arith.constant 0 : index
    %get3A_1 = vector.load %arg1[%get3A, %get3A_0] : memref<2504x128xf32, #tpu.memory_space<vmem>>, vector<2504x128xf32>
    %get3A_2 = arith.constant 0 : index
    %get3A_3 = arith.constant 0 : index
    %get3A_4 = vector.load %arg2[%get3A_2, %get3A_3] : memref<128x128xf32, #tpu.memory_space<vmem>>, vector<128x128xf32>
    %dot_general3A = arith.constant dense<0.000000e+00> : vector<2504x128xf32>
    %dot_general3A_5 = tpu.matmul %get3A_1, %get3A_4, %dot_general3A {dimension_numbers = #tpu.dot_dimension_numbers<[1], [0], [0], [1], [0, 0, 1, 1], [], []>, transpose_lhs_hint = false} : vector<2504x128xf32>, vector<128x128xf32>, vector<2504x128xf32> -> vector<2504x128xf32>
    %swap3A = arith.constant 0 : index
    %swap3A_6 = arith.constant 0 : index
    %swap3A_7 = vector.load %arg3[%swap3A, %swap3A_6] : memref<2504x128xf32, #tpu.memory_space<vmem>>, vector<2504x128xf32>
    tpu.vector_store %arg3[%swap3A, %swap3A_6], %dot_general3A_5 {strides = array<i32>} : memref<2504x128xf32, #tpu.memory_space<vmem>>, vector<2504x128xf32>,
    return
  }
  func.func @transform_0(%arg0: i32) -> (i32, i32) {
    %c0_i32 = arith.constant 0 : i32
    %c0_i32_0 = arith.constant 0 : i32
    return %arg0, %c0_i32 : i32, i32
  }
  func.func @transform_1(%arg0: i32) -> (i32, i32) {
    %c0_i32 = arith.constant 0 : i32
    %c0_i32_0 = arith.constant 0 : i32
    %c0_i32_1 = arith.constant 0 : i32
    return %c0_i32, %c0_i32_0 : i32, i32
  }
  func.func @transform_2(%arg0: i32) -> (i32, i32) {
    %c0_i32 = arith.constant 0 : i32
    %c0_i32_0 = arith.constant 0 : i32
    return %arg0, %c0_i32 : i32, i32
  }
}

module attributes {stable_mosaic.version = 14 : i64} {
  func.func @_mm2_body(%arg0: i32, %arg1: memref<1x2504x128xf32, #tpu.memory_space<vmem>>, %arg2: memref<1x2504x128xf32, #tpu.memory_space<vmem>>, %arg3: memref<1x2504x16xf32, #tpu.memory_space<vmem>>, %arg4: memref<1x2504x16xf32, #tpu.memory_space<vmem>>, %arg5: memref<16x128xf32, #tpu.memory_space<vmem>>, %arg6: memref<1x128xf32, #tpu.memory_space<vmem>>, %arg7: memref<128x384xf32, #tpu.memory_space<vmem>>, %arg8: memref<2504x384xf32, #tpu.memory_space<vmem>>) attributes {dimension_semantics = [#tpu.dimension_semantics<arbitrary>], iteration_bounds = array<i64: 4>, scalar_prefetch = 0 : i64, scratch_operands = 0 : i64, tpu.core_type = #tpu.core_type<tc>, window_params = [{transform_indices = @transform_0, window_bounds = array<i64: 1, 2504, 128>}, {transform_indices = @transform_1, window_bounds = array<i64: 1, 2504, 128>}, {transform_indices = @transform_2, window_bounds = array<i64: 1, 2504, 16>}, {transform_indices = @transform_3, window_bounds = array<i64: 1, 2504, 16>}, {pipeline_mode = #tpu.pipeline_mode<synchronous>, transform_indices = @transform_4, window_bounds = array<i64: 16, 128>}, {pipeline_mode = #tpu.pipeline_mode<synchronous>, transform_indices = @transform_5, window_bounds = array<i64: 1, 128>}, {pipeline_mode = #tpu.pipeline_mode<synchronous>, transform_indices = @transform_6, window_bounds = array<i64: 128, 384>}, {transform_indices = @transform_7, window_bounds = array<i64: 2504, 384>}]} {
    %get3A = arith.constant 0 : index
    %get3A_0 = arith.constant 0 : index
    %get3A_1 = arith.constant 0 : index
    %get3A_2 = vector.load %arg1[%get3A, %get3A_0, %get3A_1] : memref<1x2504x128xf32, #tpu.memory_space<vmem>>, vector<1x2504x128xf32>
    %get3A_3 = vector.shape_cast %get3A_2 : vector<1x2504x128xf32> to vector<2504x128xf32>
    %get3A_4 = arith.constant 0 : index
    %get3A_5 = arith.constant 0 : index
    %get3A_6 = arith.constant 0 : index
    %get3A_7 = vector.load %arg2[%get3A_4, %get3A_5, %get3A_6] : memref<1x2504x128xf32, #tpu.memory_space<vmem>>, vector<1x2504x128xf32>
    %get3A_8 = vector.shape_cast %get3A_7 : vector<1x2504x128xf32> to vector<2504x128xf32>
    %get3A_9 = arith.constant 0 : index
    %get3A_10 = arith.constant 0 : index
    %get3A_11 = arith.constant 0 : index
    %get3A_12 = vector.load %arg3[%get3A_9, %get3A_10, %get3A_11] : memref<1x2504x16xf32, #tpu.memory_space<vmem>>, vector<1x2504x16xf32>
    %get3A_13 = vector.shape_cast %get3A_12 : vector<1x2504x16xf32> to vector<2504x16xf32>
    %get3A_14 = arith.constant 0 : index
    %get3A_15 = arith.constant 0 : index
    %get3A_16 = arith.constant 0 : index
    %get3A_17 = vector.load %arg4[%get3A_14, %get3A_15, %get3A_16] : memref<1x2504x16xf32, #tpu.memory_space<vmem>>, vector<1x2504x16xf32>
    %get3A_18 = vector.shape_cast %get3A_17 : vector<1x2504x16xf32> to vector<2504x16xf32>
    %add3A = arith.addf %get3A_13, %get3A_18 : vector<2504x16xf32>
    %add3A_19 = arith.constant 1.000000e-16 : f32
    %add3A_20 = vector.broadcast %add3A_19 : f32 to vector<2504x16xf32>
    %add3A_21 = arith.addf %add3A, %add3A_20 : vector<2504x16xf32>
    %get3A_22 = arith.constant 0 : index
    %get3A_23 = arith.constant 0 : index
    %get3A_24 = vector.load %arg5[%get3A_22, %get3A_23] : memref<16x128xf32, #tpu.memory_space<vmem>>, vector<16x128xf32>
    %dot_general3A = arith.constant dense<0.000000e+00> : vector<2504x128xf32>
    %dot_general3A_25 = tpu.matmul %add3A_21, %get3A_24, %dot_general3A {dimension_numbers = #tpu.dot_dimension_numbers<[1], [0], [0], [1], [0, 0, 1, 1], [], []>, transpose_lhs_hint = false} : vector<2504x16xf32>, vector<16x128xf32>, vector<2504x128xf32> -> vector<2504x128xf32>
    %add3A_26 = arith.addf %get3A_3, %get3A_8 : vector<2504x128xf32>
    %div3A = arith.divf %add3A_26, %dot_general3A_25 : vector<2504x128xf32>
    %get3A_27 = arith.constant 0 : index
    %get3A_28 = arith.constant 0 : index
    %get3A_29 = vector.load %arg6[%get3A_27, %get3A_28] : memref<1x128xf32, #tpu.memory_space<vmem>>, vector<1x128xf32>
    %add3A_30 = vector.broadcast %get3A_29 : vector<1x128xf32> to vector<2504x128xf32>
    %add3A_31 = arith.addf %div3A, %add3A_30 : vector<2504x128xf32>
    %gt3A = arith.constant 0.000000e+00 : f32
    %gt3A_32 = vector.broadcast %gt3A : f32 to vector<2504x128xf32>
    %gt3A_33 = arith.cmpf ogt, %add3A_31, %gt3A_32 : vector<2504x128xf32>
    %exp3A = math.exp %add3A_31 : vector<2504x128xf32>
    %sub3A = arith.constant 1.000000e+00 : f32
    %sub3A_34 = vector.broadcast %sub3A : f32 to vector<2504x128xf32>
    %sub3A_35 = arith.subf %exp3A, %sub3A_34 : vector<2504x128xf32>
    %select_n3A = arith.select %gt3A_33, %add3A_31, %sub3A_35 : vector<2504x128xi1>, vector<2504x128xf32>
    %get3A_36 = arith.constant 0 : index
    %get3A_37 = arith.constant 0 : index
    %get3A_38 = vector.load %arg7[%get3A_36, %get3A_37] : memref<128x384xf32, #tpu.memory_space<vmem>>, vector<128x384xf32>
    %dot_general3A_39 = arith.constant dense<0.000000e+00> : vector<2504x384xf32>
    %dot_general3A_40 = tpu.matmul %select_n3A, %get3A_38, %dot_general3A_39 {dimension_numbers = #tpu.dot_dimension_numbers<[1], [0], [0], [1], [0, 0, 1, 1], [], []>, transpose_lhs_hint = false} : vector<2504x128xf32>, vector<128x384xf32>, vector<2504x384xf32> -> vector<2504x384xf32>
    %swap3A = arith.constant 0 : index
    %swap3A_41 = arith.constant 0 : index
    %swap3A_42 = vector.load %arg8[%swap3A, %swap3A_41] : memref<2504x384xf32, #tpu.memory_space<vmem>>, vector<2504x384xf32>
    tpu.vector_store %arg8[%swap3A, %swap3A_41], %dot_general3A_40 {strides = array<i32>} : memref<2504x384xf32, #tpu.memory_space<vmem>>, vector<2504x384xf32>,
    return
  }
  func.func @transform_0(%arg0: i32) -> (i32, i32, i32) {
    %c0_i32 = arith.constant 0 : i32
    %c0_i32_0 = arith.constant 0 : i32
    %c0_i32_1 = arith.constant 0 : i32
    return %c0_i32, %arg0, %c0_i32_0 : i32, i32, i32
  }
  func.func @transform_1(%arg0: i32) -> (i32, i32, i32) {
    %c1_i32 = arith.constant 1 : i32
    %c0_i32 = arith.constant 0 : i32
    %c0_i32_0 = arith.constant 0 : i32
    return %c1_i32, %arg0, %c0_i32 : i32, i32, i32
  }
  func.func @transform_2(%arg0: i32) -> (i32, i32, i32) {
    %c0_i32 = arith.constant 0 : i32
    %c0_i32_0 = arith.constant 0 : i32
    %c0_i32_1 = arith.constant 0 : i32
    return %c0_i32, %arg0, %c0_i32_0 : i32, i32, i32
  }
  func.func @transform_3(%arg0: i32) -> (i32, i32, i32) {
    %c1_i32 = arith.constant 1 : i32
    %c0_i32 = arith.constant 0 : i32
    %c0_i32_0 = arith.constant 0 : i32
    return %c1_i32, %arg0, %c0_i32 : i32, i32, i32
  }
  func.func @transform_4(%arg0: i32) -> (i32, i32) {
    %c0_i32 = arith.constant 0 : i32
    %c0_i32_0 = arith.constant 0 : i32
    %c0_i32_1 = arith.constant 0 : i32
    return %c0_i32, %c0_i32_0 : i32, i32
  }
  func.func @transform_5(%arg0: i32) -> (i32, i32) {
    %c0_i32 = arith.constant 0 : i32
    %c0_i32_0 = arith.constant 0 : i32
    %c0_i32_1 = arith.constant 0 : i32
    return %c0_i32, %c0_i32_0 : i32, i32
  }
  func.func @transform_6(%arg0: i32) -> (i32, i32) {
    %c0_i32 = arith.constant 0 : i32
    %c0_i32_0 = arith.constant 0 : i32
    %c0_i32_1 = arith.constant 0 : i32
    return %c0_i32, %c0_i32_0 : i32, i32
  }
  func.func @transform_7(%arg0: i32) -> (i32, i32) {
    %c0_i32 = arith.constant 0 : i32
    %c0_i32_0 = arith.constant 0 : i32
    return %arg0, %c0_i32 : i32, i32
  }
}

module attributes {stable_mosaic.version = 14 : i64} {
  func.func @_copy_body(%arg0: i32, %arg1: memref<400x128xf32, #tpu.memory_space<vmem>>, %arg2: memref<400x128xf32, #tpu.memory_space<vmem>>) attributes {dimension_semantics = [#tpu.dimension_semantics<arbitrary>], iteration_bounds = array<i64: 25>, scalar_prefetch = 0 : i64, scratch_operands = 0 : i64, tpu.core_type = #tpu.core_type<tc>, window_params = [{transform_indices = @transform_0, window_bounds = array<i64: 400, 128>}, {transform_indices = @transform_1, window_bounds = array<i64: 400, 128>}]} {
    %get3A = arith.constant 0 : index
    %get3A_0 = arith.constant 0 : index
    %get3A_1 = vector.load %arg1[%get3A, %get3A_0] : memref<400x128xf32, #tpu.memory_space<vmem>>, vector<400x128xf32>
    %swap3A = arith.constant 0 : index
    %swap3A_2 = arith.constant 0 : index
    %swap3A_3 = vector.load %arg2[%swap3A, %swap3A_2] : memref<400x128xf32, #tpu.memory_space<vmem>>, vector<400x128xf32>
    tpu.vector_store %arg2[%swap3A, %swap3A_2], %get3A_1 {strides = array<i32>} : memref<400x128xf32, #tpu.memory_space<vmem>>, vector<400x128xf32>,
    return
  }
  func.func @transform_0(%arg0: i32) -> (i32, i32) {
    %c0_i32 = arith.constant 0 : i32
    %c0_i32_0 = arith.constant 0 : i32
    return %arg0, %c0_i32 : i32, i32
  }
  func.func @transform_1(%arg0: i32) -> (i32, i32) {
    %c0_i32 = arith.constant 0 : i32
    %c0_i32_0 = arith.constant 0 : i32
    return %arg0, %c0_i32 : i32, i32
  }
}

module attributes {stable_mosaic.version = 14 : i64} {
  func.func @_sel_body(%arg0: i32, %arg1: memref<400x384xf32, #tpu.memory_space<vmem>>, %arg2: memref<384x320xf32, #tpu.memory_space<vmem>>, %arg3: memref<400x320xf32, #tpu.memory_space<vmem>>) attributes {dimension_semantics = [#tpu.dimension_semantics<arbitrary>], iteration_bounds = array<i64: 25>, scalar_prefetch = 0 : i64, scratch_operands = 0 : i64, tpu.core_type = #tpu.core_type<tc>, window_params = [{transform_indices = @transform_0, window_bounds = array<i64: 400, 384>}, {pipeline_mode = #tpu.pipeline_mode<synchronous>, transform_indices = @transform_1, window_bounds = array<i64: 384, 320>}, {transform_indices = @transform_2, window_bounds = array<i64: 400, 320>}]} {
    %get3A = arith.constant 0 : index
    %get3A_0 = arith.constant 0 : index
    %get3A_1 = vector.load %arg1[%get3A, %get3A_0] : memref<400x384xf32, #tpu.memory_space<vmem>>, vector<400x384xf32>
    %get3A_2 = arith.constant 0 : index
    %get3A_3 = arith.constant 0 : index
    %get3A_4 = vector.load %arg2[%get3A_2, %get3A_3] : memref<384x320xf32, #tpu.memory_space<vmem>>, vector<384x320xf32>
    %dot_general3A = arith.constant dense<0.000000e+00> : vector<400x320xf32>
    %dot_general3A_5 = tpu.matmul %get3A_1, %get3A_4, %dot_general3A {dimension_numbers = #tpu.dot_dimension_numbers<[1], [0], [0], [1], [0, 0, 1, 1], [], []>, transpose_lhs_hint = false} : vector<400x384xf32>, vector<384x320xf32>, vector<400x320xf32> -> vector<400x320xf32>
    %swap3A = arith.constant 0 : index
    %swap3A_6 = arith.constant 0 : index
    %swap3A_7 = vector.load %arg3[%swap3A, %swap3A_6] : memref<400x320xf32, #tpu.memory_space<vmem>>, vector<400x320xf32>
    tpu.vector_store %arg3[%swap3A, %swap3A_6], %dot_general3A_5 {strides = array<i32>} : memref<400x320xf32, #tpu.memory_space<vmem>>, vector<400x320xf32>,
    return
  }
  func.func @transform_0(%arg0: i32) -> (i32, i32) {
    %c0_i32 = arith.constant 0 : i32
    %c0_i32_0 = arith.constant 0 : i32
    return %arg0, %c0_i32 : i32, i32
  }
  func.func @transform_1(%arg0: i32) -> (i32, i32) {
    %c0_i32 = arith.constant 0 : i32
    %c0_i32_0 = arith.constant 0 : i32
    %c0_i32_1 = arith.constant 0 : i32
    return %c0_i32, %c0_i32_0 : i32, i32
  }
  func.func @transform_2(%arg0: i32) -> (i32, i32) {
    %c0_i32 = arith.constant 0 : i32
    %c0_i32_0 = arith.constant 0 : i32
    return %arg0, %c0_i32 : i32, i32
  }
}

module attributes {stable_mosaic.version = 14 : i64} {
  func.func @_out2_body(%arg0: i32, %arg1: memref<1x400x48xf32, #tpu.memory_space<vmem>>, %arg2: memref<1x400x48xf32, #tpu.memory_space<vmem>>, %arg3: memref<1x48xf32, #tpu.memory_space<vmem>>, %arg4: memref<48x40xf32, #tpu.memory_space<vmem>>, %arg5: memref<400x40xf32, #tpu.memory_space<vmem>>) attributes {dimension_semantics = [#tpu.dimension_semantics<arbitrary>], iteration_bounds = array<i64: 25>, scalar_prefetch = 0 : i64, scratch_operands = 0 : i64, tpu.core_type = #tpu.core_type<tc>, window_params = [{transform_indices = @transform_0, window_bounds = array<i64: 1, 400, 48>}, {transform_indices = @transform_1, window_bounds = array<i64: 1, 400, 48>}, {pipeline_mode = #tpu.pipeline_mode<synchronous>, transform_indices = @transform_2, window_bounds = array<i64: 1, 48>}, {pipeline_mode = #tpu.pipeline_mode<synchronous>, transform_indices = @transform_3, window_bounds = array<i64: 48, 40>}, {transform_indices = @transform_4, window_bounds = array<i64: 400, 40>}]} {
    %get3A = arith.constant 0 : index
    %get3A_0 = arith.constant 0 : index
    %get3A_1 = arith.constant 0 : index
    %get3A_2 = vector.load %arg1[%get3A, %get3A_0, %get3A_1] : memref<1x400x48xf32, #tpu.memory_space<vmem>>, vector<1x400x48xf32>
    %get3A_3 = vector.shape_cast %get3A_2 : vector<1x400x48xf32> to vector<400x48xf32>
    %get3A_4 = arith.constant 0 : index
    %get3A_5 = arith.constant 0 : index
    %get3A_6 = arith.constant 0 : index
    %get3A_7 = vector.load %arg2[%get3A_4, %get3A_5, %get3A_6] : memref<1x400x48xf32, #tpu.memory_space<vmem>>, vector<1x400x48xf32>
    %get3A_8 = vector.shape_cast %get3A_7 : vector<1x400x48xf32> to vector<400x48xf32>
    %add3A = arith.addf %get3A_3, %get3A_8 : vector<400x48xf32>
    %mul3A = arith.constant 1.250000e-01 : f32
    %mul3A_9 = vector.broadcast %mul3A : f32 to vector<400x48xf32>
    %mul3A_10 = arith.mulf %add3A, %mul3A_9 : vector<400x48xf32>
    %get3A_11 = arith.constant 0 : index
    %get3A_12 = arith.constant 0 : index
    %get3A_13 = vector.load %arg3[%get3A_11, %get3A_12] : memref<1x48xf32, #tpu.memory_space<vmem>>, vector<1x48xf32>
    %add3A_14 = vector.broadcast %get3A_13 : vector<1x48xf32> to vector<400x48xf32>
    %add3A_15 = arith.addf %mul3A_10, %add3A_14 : vector<400x48xf32>
    %get3A_16 = arith.constant 0 : index
    %get3A_17 = arith.constant 0 : index
    %get3A_18 = vector.load %arg4[%get3A_16, %get3A_17] : memref<48x40xf32, #tpu.memory_space<vmem>>, vector<48x40xf32>
    %dot_general3A = arith.constant dense<0.000000e+00> : vector<400x40xf32>
    %dot_general3A_19 = tpu.matmul %add3A_15, %get3A_18, %dot_general3A {dimension_numbers = #tpu.dot_dimension_numbers<[1], [0], [0], [1], [0, 0, 1, 1], [], []>, transpose_lhs_hint = false} : vector<400x48xf32>, vector<48x40xf32>, vector<400x40xf32> -> vector<400x40xf32>
    %swap3A = arith.constant 0 : index
    %swap3A_20 = arith.constant 0 : index
    %swap3A_21 = vector.load %arg5[%swap3A, %swap3A_20] : memref<400x40xf32, #tpu.memory_space<vmem>>, vector<400x40xf32>
    tpu.vector_store %arg5[%swap3A, %swap3A_20], %dot_general3A_19 {strides = array<i32>} : memref<400x40xf32, #tpu.memory_space<vmem>>, vector<400x40xf32>,
    return
  }
  func.func @transform_0(%arg0: i32) -> (i32, i32, i32) {
    %c0_i32 = arith.constant 0 : i32
    %c0_i32_0 = arith.constant 0 : i32
    %c0_i32_1 = arith.constant 0 : i32
    return %c0_i32, %arg0, %c0_i32_0 : i32, i32, i32
  }
  func.func @transform_1(%arg0: i32) -> (i32, i32, i32) {
    %c1_i32 = arith.constant 1 : i32
    %c0_i32 = arith.constant 0 : i32
    %c0_i32_0 = arith.constant 0 : i32
    return %c1_i32, %arg0, %c0_i32 : i32, i32, i32
  }
  func.func @transform_2(%arg0: i32) -> (i32, i32) {
    %c0_i32 = arith.constant 0 : i32
    %c0_i32_0 = arith.constant 0 : i32
    %c0_i32_1 = arith.constant 0 : i32
    return %c0_i32, %c0_i32_0 : i32, i32
  }
  func.func @transform_3(%arg0: i32) -> (i32, i32) {
    %c0_i32 = arith.constant 0 : i32
    %c0_i32_0 = arith.constant 0 : i32
    %c0_i32_1 = arith.constant 0 : i32
    return %c0_i32, %c0_i32_0 : i32, i32
  }
  func.func @transform_4(%arg0: i32) -> (i32, i32) {
    %c0_i32 = arith.constant 0 : i32
    %c0_i32_0 = arith.constant 0 : i32
    return %arg0, %c0_i32 : i32, i32
  }
}

module attributes {stable_mosaic.version = 14 : i64} {
  func.func @_sel_body(%arg0: i32, %arg1: memref<2000x16xf32, #tpu.memory_space<vmem>>, %arg2: memref<16x8xf32, #tpu.memory_space<vmem>>, %arg3: memref<2000x8xf32, #tpu.memory_space<vmem>>) attributes {dimension_semantics = [#tpu.dimension_semantics<arbitrary>], iteration_bounds = array<i64: 165>, scalar_prefetch = 0 : i64, scratch_operands = 0 : i64, tpu.core_type = #tpu.core_type<tc>, window_params = [{transform_indices = @transform_0, window_bounds = array<i64: 2000, 16>}, {pipeline_mode = #tpu.pipeline_mode<synchronous>, transform_indices = @transform_1, window_bounds = array<i64: 16, 8>}, {transform_indices = @transform_2, window_bounds = array<i64: 2000, 8>}]} {
    %get3A = arith.constant 0 : index
    %get3A_0 = arith.constant 0 : index
    %get3A_1 = vector.load %arg1[%get3A, %get3A_0] : memref<2000x16xf32, #tpu.memory_space<vmem>>, vector<2000x16xf32>
    %get3A_2 = arith.constant 0 : index
    %get3A_3 = arith.constant 0 : index
    %get3A_4 = vector.load %arg2[%get3A_2, %get3A_3] : memref<16x8xf32, #tpu.memory_space<vmem>>, vector<16x8xf32>
    %dot_general3A = arith.constant dense<0.000000e+00> : vector<2000x8xf32>
    %dot_general3A_5 = tpu.matmul %get3A_1, %get3A_4, %dot_general3A {dimension_numbers = #tpu.dot_dimension_numbers<[1], [0], [0], [1], [0, 0, 1, 1], [], []>, transpose_lhs_hint = false} : vector<2000x16xf32>, vector<16x8xf32>, vector<2000x8xf32> -> vector<2000x8xf32>
    %swap3A = arith.constant 0 : index
    %swap3A_6 = arith.constant 0 : index
    %swap3A_7 = vector.load %arg3[%swap3A, %swap3A_6] : memref<2000x8xf32, #tpu.memory_space<vmem>>, vector<2000x8xf32>
    tpu.vector_store %arg3[%swap3A, %swap3A_6], %dot_general3A_5 {strides = array<i32>} : memref<2000x8xf32, #tpu.memory_space<vmem>>, vector<2000x8xf32>,
    return
  }
  func.func @transform_0(%arg0: i32) -> (i32, i32) {
    %c0_i32 = arith.constant 0 : i32
    %c0_i32_0 = arith.constant 0 : i32
    return %arg0, %c0_i32 : i32, i32
  }
  func.func @transform_1(%arg0: i32) -> (i32, i32) {
    %c0_i32 = arith.constant 0 : i32
    %c0_i32_0 = arith.constant 0 : i32
    %c0_i32_1 = arith.constant 0 : i32
    return %c0_i32, %c0_i32_0 : i32, i32
  }
  func.func @transform_2(%arg0: i32) -> (i32, i32) {
    %c0_i32 = arith.constant 0 : i32
    %c0_i32_0 = arith.constant 0 : i32
    return %arg0, %c0_i32 : i32, i32
  }
}

</mosaic_0001>

<sc_bundles>
// kernel: kernel.13.cloned.1.call-start
scs
__scs_entry_jumppad:
0x0: {  	(pc) =	sbr.rel $0x88, $3  }
0x1: {  	(tag) =	ssettag $0x0;
	lr =	simm.s32 $0x1  }
0x2: {  	[smem:$0x3F9B] =	sst lr;
	_ =	strace $0xD0000000  }
0x3: {  	_ = 	snop  }
0x4: {  	_ = 	snop  }
0x5: {  	_ = 	snop  }
0x6: {  	_ = 	snop  }
0x7: {  	_ = 	snop  }
__scs_overlays_trampoline_lowered:
0x8: {  	[smem:$0x3FAA] =	sst s0  }
0x9: {  	[smem:$0x3FAB] =	sst s1  }
0xa: {  	[smem:$0x3FAC] =	sst s2  }
0xb: {  	[smem:$0x3FAD] =	sst s3  }
0xc: {  	[smem:$0x3FAE] =	sst s4  }
0xd: {  	[smem:$0x3FAF] =	sst s5  }
0xe: {  	[smem:$0x3FB0] =	sst s6  }
0xf: {  	[smem:$0x3FB1] =	sst s7  }
0x10: {  	[smem:$0x3FB2] =	sst s8  }
0x11: {  	[smem:$0x3FB3] =	sst s9;
	s0 =	simm.s32 @!p0 $0x0  }
0x12: {  	s1 =	sld [smem:$0x3F99];
	s0 =	simm.s32 @p0 $0x1  }
0x13: {  	[smem:$0x3FB4] =	sst s0;
	s0 =	simm.s32 @!p1 $0x0  }
0x14: {  	s2 =	sld [smem:$0x3F98];
	s0 =	simm.s32 @p1 $0x1  }
0x15: {  	[smem:$0x3FB5] =	sst s0;
	s0 =	simm.s32 @!p2 $0x0  }
0x16: {  	s3 =	sld [smem:$0x3FDB];
	s0 =	simm.s32 @p2 $0x1  }
0x17: {  	s4 =	simm.s32 $0x1BF5;
	[smem:$0x3FB7] =	sst s0  }
0x18: {  	s0 =	sld [smem:$0x3F9A];
	_ =	swait.ge [sflag:s4], $0x0  }
0x19: {  	s7 =	sld [smem:$0x3F9B]  }
0x1a: {  	s8 =	sadd.s32 $0xFFFFE003, lr  }
0x1b: {  	s9 =	sadd.s32 $0xFFFFFEF7, lr;
	s5 =	simm.s32 $0xFFFFFFFF;
	p2 =	slt.u32 s8, $0xFFFFF086  }
0x1c: {  	p1 =	slt.u32 s9, $0xF7A;
	s5 =	simm.s32 @!p2 $0x0  }
0x1d: {  	s5 =	simm.s32 @p1 $0x1;
	p0 =	seq.s32 s7, s2  }
0x1e: {  	s7 =	smul.u32 @!p0 $0xF7A, s2;
	p2 =	seq.s32 @!p0 s5, $0x0  }
0x1f: {  	s9 =	smul.u32 $0xF7A, s1;
	s8 =	simm.s32 @!p0 $0x1BF5;
	p2 =	por !p2, p0  }
0x20: {  	[sflag:s8] =	ssyncset.s32 @!p0 $0xFFFFF086;
	s6 =	sadd.s32 @!p0 s3, s7;
	s7 =	simm.s32 @!p0 $0x108  }
0x21: {  	s3 =	sadd.s32 s3, s9;
	s6 =	sadd.s32 @!p0 $0x88, s6;
	s7 =	simm.s32 @p2 $0x1082  }
0x22: {  	[simem:s7], [sflag:s8] =	dma.local @!p0 [hbm:s6], $0xF7A  }
0x23: {  	s9 =	sor.u32 $0xD0000000, s2;
	s6 =	simm.s32 $0x108;
	_ =	swait.ge @!p0 [sflag:s8], $0x0  }
0x24: {  	s3 =	sadd.s32 $0x88, s3;
	s6 =	simm.s32 @!p1 $0x1082;
	[sflag:s4] =	ssyncset.s32 $0xFFFFF086  }
0x25: {  	[simem:s6], [sflag:s4] =	dma.local [hbm:s3], $0xF7A  }
0x26: {  	[smem:$0x3F9B] =	sst s1;
	(tag) =	ssettag s2;
	_ =	strace s9  }
0x27: {  	s1 =	sld [smem:$0x3FAB]  }
0x28: {  	s2 =	sld [smem:$0x3FAC]  }
0x29: {  	s4 =	sld [smem:$0x3FAE]  }
0x2a: {  	p0 =	seq.s32 s5, $0x0;
	s5 =	sld [smem:$0x3FAF]  }
0x2b: {  	s6 =	sld [smem:$0x3FB0]  }
0x2c: {  	s7 =	sld [smem:$0x3FB1]  }
0x2d: {  	s3 =	simm.s32 $0x108;
	s8 =	sld [smem:$0x3FB2]  }
0x2e: {  	s3 =	simm.s32 @!p0 $0x1082;
	s9 =	sld [smem:$0x3FB3]  }
0x2f: {  	lr =	sadd.s32 s0, s3;
	s0 =	sld [smem:$0x3FAA]  }
0x30: {  	s3 =	sld [smem:$0x3FAD]  }
0x31: {  	[smem:$0x3FB6] =	sst s10  }
0x32: {  	s10 =	sld [smem:$0x3FB4];
	_ =	sdelay $0x3  }
0x33: {  	p0 =	seq.s32 s10, $0x1;
	s10 =	sld [smem:$0x3FB6];
	_ =	sdelay $0x3  }
0x34: {  	[smem:$0x3FB6] =	sst s10  }
0x35: {  	s10 =	sld [smem:$0x3FB5];
	_ =	sdelay $0x3  }
0x36: {  	p1 =	seq.s32 s10, $0x1;
	s10 =	sld [smem:$0x3FB6];
	_ =	sdelay $0x3  }
0x37: {  	[smem:$0x3FB6] =	sst s10  }
0x38: {  	s10 =	sld [smem:$0x3FB7]  }
0x39: {  	_ = 	snop;
	(pc) =	sbr.ind lr, $3  }
0x3a: {  	_ = 	snop  }
0x3b: {  	_ = 	snop  }
0x3c: {  	p2 =	seq.s32 s10, $0x1;
	s10 =	sld [smem:$0x3FB6]  }
0x3d: {  	_ =	shalt  }
0x3e: {  	_ =	shalt  }
0x3f: {  	_ =	shalt  }
0x40: {  	_ =	shalt  }
0x41: {  	_ =	shalt  }
0x42: {  	_ =	shalt  }
0x43: {  	_ =	shalt  }
0x44: {  	_ =	shalt  }
0x45: {  	_ =	shalt  }
0x46: {  	_ =	shalt  }
0x47: {  	_ =	shalt  }
0x48: {  	_ =	shalt  }
0x49: {  	_ =	shalt  }
0x4a: {  	_ =	shalt  }
0x4b: {  	_ =	shalt  }
0x4c: {  	_ =	shalt  }
0x4d: {  	_ =	shalt  }
0x4e: {  	_ =	shalt  }
0x4f: {  	_ =	shalt  }
0x50: {  	_ =	shalt  }
0x51: {  	_ =	shalt  }
0x52: {  	_ =	shalt  }
0x53: {  	_ =	shalt  }
0x54: {  	_ =	shalt  }
0x55: {  	_ =	shalt  }
0x56: {  	_ =	shalt  }
0x57: {  	_ =	shalt  }
0x58: {  	_ =	shalt  }
0x59: {  	_ =	shalt  }
0x5a: {  	_ =	shalt  }
0x5b: {  	_ =	shalt  }
0x5c: {  	_ =	shalt  }
0x5d: {  	_ =	shalt  }
0x5e: {  	_ =	shalt  }
0x5f: {  	_ =	shalt  }
0x60: {  	_ =	shalt  }
0x61: {  	_ =	shalt  }
0x62: {  	_ =	shalt  }
0x63: {  	_ =	shalt  }
0x64: {  	_ =	shalt  }
0x65: {  	_ =	shalt  }
0x66: {  	_ =	shalt  }
0x67: {  	_ =	shalt  }
0x68: {  	_ =	shalt  }
0x69: {  	_ =	shalt  }
0x6a: {  	_ =	shalt  }
0x6b: {  	_ =	shalt  }
0x6c: {  	_ =	shalt  }
0x6d: {  	_ =	shalt  }
0x6e: {  	_ =	shalt  }
0x6f: {  	_ =	shalt  }
0x70: {  	_ =	shalt  }
0x71: {  	_ =	shalt  }
0x72: {  	_ =	shalt  }
0x73: {  	_ =	shalt  }
0x74: {  	_ =	shalt  }
0x75: {  	_ =	shalt  }
0x76: {  	_ =	shalt  }
0x77: {  	_ =	shalt  }
0x78: {  	_ =	shalt  }
0x79: {  	_ =	shalt  }
0x7a: {  	_ =	shalt  }
0x7b: {  	_ =	shalt  }
0x7c: {  	_ =	shalt  }
0x7d: {  	_ =	shalt  }
0x7e: {  	_ =	shalt  }
0x7f: {  	_ =	shalt  }
0x80: {  	_ =	shalt  }
0x81: {  	_ =	shalt  }
0x82: {  	_ =	shalt  }
0x83: {  	_ =	shalt  }
0x84: {  	_ =	shalt  }
0x85: {  	_ =	shalt  }
0x86: {  	_ =	shalt  }
0x87: {  	_ =	shalt  }
.Lfunc_end0:
.L_simem_size_0:
called_computation_lowered:
.L_overlay_start_0:
0x88: {  	s2 =	sld [smem:$0x3FD9]  }
0x89: {  	s3 =	sld [smem:$0x3FFE];
	_ =	sdelay $0x1  }
0x8a: {  	s1 =	srdreg.scid  }
0x8b: {  	s0 =	sand.u32 $0x1, s1  }
0x8c: {  	s14 =	sshll.u32 s0, $0xA;
	s2 =	sadd.s32 s3, s2  }
0x8d: {  	s2 =	sadd.s32 s2, s14  }
0x8e: {  	[smem:$0x3FC2] =	sst s2  }
0x8f: {  	_ = 	snop  }
0x90: {  	s2 =	sld [smem:$0x3FD0];
	_ =	sdelay $0x2  }
0x91: {  	s15 =	simm.s32 $0xA;
	s4 =	simm.s32 $0x10  }
0x92: {  	[smem:s4], [sflag:s15] =	dma.local [hbm:s2], $0x1  }
0x93: {  	_ =	swait.eq [sflag:s15], $0x1  }
0x94: {  	s16 =	sld [smem:$0x10];
	[sflag:s15] =	ssyncset.done $0x0  }
0x95: {  	s17 =	sld [smem:$0x11];
	[sflag:s15] =	ssyncadd.s32 $0xFFFFFFFF  }
0x96: {  	s18 =	sld [smem:$0x12];
	(tm) =	ssettm $0x1  }
0x97: {  	s5 =	sld [smem:$0x3FFB];
	_ =	sdelay $0x3  }
0x98: {  	_ =	strace s5  }
0x99: {  	s5 =	sld [smem:$0x3FFC];
	_ =	sdelay $0x3  }
0x9a: {  	_ =	strace s5  }
0x9b: {  	s5 =	sld [smem:$0x3FFD];
	_ =	sdelay $0x3  }
0x9c: {  	_ =	strace s5  }
0x9d: {  	_ =	strace $0x8FFFFFFF  }
0x9e: {  	s19 =	sld [smem:$0x3FDB];
	_ =	sdelay $0x1  }
0x9f: {  	s6 =	simm.s32 $_scs_section_size  }
0xa0: {  	s7 =	simm.s32 $_size__tile_overlayer_lowered;
	s8 =	simm.s32 $_tile_overlayer_lowered  }
0xa1: {  	s22 =	simm.s32 $0x1BFF;
	s21 =	sshll.u32 s8, $0x1;
	s5 =	sadd.s32 s6, s19  }
0xa2: {  	s9 =	simm.s32 $0x0;
	s20 =	sshll.u32 s7, $0x1;
	s7 =	sadd.s32 s21, s5  }
0xa3: {  	[timem:s9], [sflag:s22] =	dma.local [hbm:s7], s20  }
0xa4: {  	_ =	swait.ge [sflag:s22], s20  }
0xa5: {  	s6 =	ssub.s32 $0x0, s20;
	[sflag:s22] =	ssyncset.done $0x0  }
0xa6: {  	[sflag:s22] =	ssyncadd.s32 s6;
	_ =	sdelay $0x1  }
0xa7: {  	s23 =	simm.s32 $0x1B8B  }
0xa8: {  	_ =	swait.ge [sflag:s23], $0x1  }
0xa9: {  	[sflag:s23] =	ssyncset.done $0x0  }
0xaa: {  	s25 =	simm.s32 $0x1B8E;
	s24 =	sld [smem:$0x3FFE];
	[sflag:s23] =	ssyncadd.s32 $0xFFFFFFFF  }
0xab: {  	s26 =	simm.s32 $execute0_lowered;
	[smem:$0x3FD2] =	sst s25  }
0xac: {  	s7 =	sshll.u32 s26, $0x1;
	_ =	strace $0x80000046;
	[dreg:$0x1] =	wrdreg $0xFFFFFFFF  }
0xad: {  	s28 =	simm.s32 $_size_execute0_lowered;
	s5 =	sadd.s32 s5, s7;
	[dreg:$0x0] =	wrdreg $0x0  }
0xae: {  	s7 =	sshll.u32 s28, $0x1;
	[dreg:$0x2] =	wrdreg s5  }
0xaf: {  	[dreg:$0x3] =	wrdreg s7  }
0xb0: {  	[dreg:$0x4] =	wrdreg $0xC0  }
0xb1: {  	_ =	task [dreg:s9], $0x5FFFF  }
0xb2: {  	[dreg:$0x1] =	wrdreg $0xFFFFFFFF  }
0xb3: {  	[dreg:$0x0] =	wrdreg $0x60  }
0xb4: {  	[dreg:$0x2] =	wrdreg s17  }
0xb5: {  	[dreg:$0x3] =	wrdreg s16  }
0xb6: {  	[dreg:$0x4] =	wrdreg s24  }
0xb7: {  	[dreg:$0x5] =	wrdreg s18  }
0xb8: {  	[dreg:$0x6] =	wrdreg $0x159000  }
0xb9: {  	[dreg:$0x7] =	wrdreg $0x9  }
0xba: {  	_ =	task.clear_ibuf [dreg:s9], $0x8FFFF;
	_ =	strace $0x90000046  }
0xbb: {  	s29 =	simm.s32 $0x9;
	_ =	strace $0x80000048  }
0xbc: {  	_ =	swait.ge [sflag:s29], $0x1  }
0xbd: {  	[sflag:s29] =	ssyncadd.s32 $0xFFFFFFFF  }
0xbe: {  	_ =	strace $0x90000048  }
0xbf: {  	_ =	sfence  }
0xc0: {  	s30 =	sld [smem:$0x0];
	_ =	sdelay $0x2  }
0xc1: {  	s31 =	sshll.u32 s1, $0xD;
	s1 =	sshrl.u32 s1, $0x2  }
0xc2: {  	s3 =	sand.u32 $0x4000, s31;
	s1 =	sadd.s32 s1, s30  }
0xc3: {  	s0 =	sor.u32 s3, s0;
	s1 =	sshll.u32 s1, $0x11  }
0xc4: {  	s0 =	sor.u32 s1, s0  }
0xc5: {  	s0 =	sadd.s32 $0x8F2B, s0  }
0xc6: {  	[sflag:s0] =	ssyncadd.remote.s32 $0x1  }
0xc7: {  	_ =	sfence.sel $0xFFFF  }
0xc8: {  	[dreg:$0x0] =	wrdreg $0xFFFFFFFF;
	(pc) =	sbr.abs _section_cstart, $3  }
0xc9: {  	[dreg:$0x1] =	wrdreg $0xFFFFFFFF  }
0xca: {  	_ =	task.clear_ibuf [dreg:s9], $0x2FFFF;
	_ =	strace $0x9FFFFFFF  }
0xcb: {  	(tm) =	ssettm $0x7FFFFFFF  }
tec
execute0_lowered:
.L_overlay_start_1:
0x0: {  	(tag) =	ssettag $0x1  }
0x1: {  	s1 =	rddreg [dreg:$0x0]  }
0x2: {  	s0 =	rddreg [dreg:$0x1]  }
0x3: {  	s2 =	rddreg [dreg:$0x2];
	s3 =	srdreg.scid  }
0x4: {  	s14 =	stileid.u32;
	s6 =	rddreg [dreg:$0x3]  }
0x5: {  	s18 =	simm.s32 $0x80;
	s19 =	simm.s32 $0x5100;
	s20 =	simm.s32 $0x9100  }
0x6: {  	s21 =	simm.s32 $0xD100;
	s22 =	simm.s32 $0x11100;
	s23 =	simm.s32 $0x1  }
0x7: {  	s24 =	simm.s32 $0x2;
	s25 =	simm.s32 $0x15100;
	s28 =	simm.s32 $0x4  }
0x8: {  	s30 =	simm.s32 $0x0;
	s9 =	sand.u32 $0x1, s3;
	s4 =	sshll.u32 s14, $0x1  }
0x9: {  	s3 =	rddreg [dreg:$0x4];
	s7 =	sadd.s32 $0xD200, s2;
	s12 =	smul.u32 $0x2720, s14  }
0xa: {  	s14 =	sshll.u32 s14, $0x6;
	s8 =	sor.u32 s9, s4;
	s15 =	smul.u32 $0x27200, s9  }
0xb: {  	s4 =	simm.s32 $0x0;
	s26 =	ssub.s32 $0x2, s9;
	s5 =	smul.u32 $0x2880, s8  }
0xc: {  	s9 =	sor.u32 $0x1C05, s14;
	[smem:$0x7FF] =	sst s4;
	s8 =	smul.u32 $0x28800, s8  }
0xd: {  	s13 =	sshrl.u32 s26, $0x1;
	s16 =	sadd.s32 s12, s3;
	_ =	strace $0x80000047  }
0xe: {  	[dreg:$0x6] =	wrdreg s7;
	s7 =	sadd.s32 $0xD800, s2;
	s12 =	sadd.s32 s12, s15  }
0xf: {  	s15 =	sshrl.u32 s16, $0x3;
	s16 =	simm.s32 $0x5;
	s10 =	sshrl.u32 s5, $0x3  }
0x10: {  	s29 =	sshrl.u32 s8, $0x3;
	s31 =	sshrl.u32 s12, $0x3;
	s11 =	sadd.s32 s10, s2  }
0x11: {  	s2 =	ssub.s32 s26, s13;
	s10 =	sadd.s32 s0, s10;
	s0 =	sadd.s32 s7, s29  }
0x12: {  	s13 =	sadd.s32 s6, s31;
	s6 =	simm.s32 $0x2880;
	s26 =	simm.s32 $0x3  }
0x13: {  	v0 =	vimm.f32 $0.0e+00;
	s11 =	sadd.s32 $0x3000, s11;
	s12 =	sadd.s32 $0x5000, s0;
	s14 =	smax.u32 s2, $0x1  }
.LBB2_1:
0x14: {  	s0 =	rddreg [dreg:$0x6]  }
0x15: {  	[spmem:s15], [sflag:s9] =	dma.local [hbm:s0], $0x4E4  }
0x16: {  	_ =	swait.ge [sflag:s16], $0x4E4  }
0x17: {  	[sflag:s16] =	ssyncset.done $0x0  }
0x18: {  	[sflag:s16] =	ssyncadd.s32 $0xFFFFFB1C  }
0x19: {  	[bflag:$0x0] =	sbarrier.arrive $0xFFFF  }
0x1a: {  	[tilespmem:s4], [sflag:$0x5] =	stream.linear.gather [hbm4b:s10+s4], $0x2880, $0x38;
	[tilespmem:$0x18020] =	vst v63  }
0x1b: {  	_ =	swait.ge [sflag:s16], $0x2880  }
0x1c: {  	[sflag:s16] =	ssyncset.done $0x0  }
0x1d: {  	[sflag:s16] =	ssyncadd.s32 $0xFFFFD780  }
0x1e: {  	[tilespmem:s6], [sflag:$0x5] =	stream.linear.gather [hbm4b:s11+s4], $0x2880, $0x38;
	[tilespmem:$0x18020] =	vst v63  }
0x1f: {  	_ =	swait.ge [sflag:s16], $0x2880  }
0x20: {  	[sflag:s16] =	ssyncset.done $0x0  }
0x21: {  	s2 =	simm.s32 $0x0;
	s0 =	simm.s32 $0x40;
	[sflag:s16] =	ssyncadd.s32 $0xFFFFD780  }
.LBB2_2:
0x22: {  	p0 =	sne.s32 s0, $0x1FC0;
	[tilespmem:s2+$0x15100] =	vst v0;
	s2 =	smov.u32 s0;
	s0 =	sadd.s32 $0x40, s0  }
.Ltmp0:
0x23: {  	(pc) =	sbr.rel @p0 .LBB2_2-.Ltmp0, $2  }
0x24: {  	_ =	sdelay $0x2  }
0x25: {  	s2 =	sshra.s32 s2, $0x2  }
0x26: {  	[tilespmem:s2+$0x15100] =	vst v0;
	s31 =	simm.s32 $0x0  }
0x27: {  	[tilespmem:s19], [sflag:$0x1] =	stream.indirect.gather [hbm4b:s1+s18], $0x80, s31, s18, $0xb8;
	[tilespmem:$0x18020] =	vst v63  }
0x28: {  	_ = 	snop  }
0x29: {  	[tilespmem:s20], [sflag:$0x2] =	stream.indirect.gather [hbm4b:s1+s18], $0x80, s6, s18, $0xb8;
	[tilespmem:$0x18020] =	vst v63  }
.LBB2_4:
0x2a: {  	s29 =	sshll.u32 s31, $0x8  }
0x2b: {  	s0 =	sor.u32 $0x80, s29  }
0x2c: {  	[tilespmem:s21], [sflag:$0x3] =	stream.indirect.gather [hbm4b:s1+s18], $0x80, s0, s18, $0xb8;
	[tilespmem:$0x18020] =	vst v63  }
0x2d: {  	s2 =	sadd.s32 $0x2900, s29  }
0x2e: {  	[tilespmem:s22], [sflag:$0x4] =	stream.indirect.gather [hbm4b:s1+s18], $0x80, s2, s18, $0xb8;
	[tilespmem:$0x18020] =	vst v63  }
0x2f: {  	_ =	swait.ge [sflag:s23], $0x4000  }
0x30: {  	[sflag:s23] =	ssyncset.done $0x0  }
0x31: {  	[sflag:s23] =	ssyncadd.s32 $0xFFFFC000  }
0x32: {  	_ =	swait.ge [sflag:s24], $0x4000  }
0x33: {  	[sflag:s24] =	ssyncset.done $0x0  }
0x34: {  	s6 =	simm.s32 $0x0;
	[sflag:s24] =	ssyncadd.s32 $0xFFFFC000  }
.LBB2_5:
0x35: {  	s17 =	sshll.u32 s6, $0x4;
	v3 =	vlaneseq.u32  }
0x36: {  	v1 =	vor.u32 s17, v3  }
0x37: {  	v4 =	vand.u32 $0xFFFFFFF8, v3;
	v13 =	vshll.u32 v1, $0x7  }
0x38: {  	v10 =	vand.u32 $0x7, v3;
	v2 =	vadd.s32 v13, v4  }
0x39: {  	v14 =	vor.u32 $0x10, v13;
	v2 =	vor.u32 v10, v2  }
0x3a: {  	v5 =	vadd.s32 v14, v4  }
0x3b: {  	v9 =	vor.u32 $0x30, v13;
	v12 =	vor.u32 v10, v5  }
0x3c: {  	v11 =	vor.u32 $0x20, v13;
	v17 =	vadd.s32 v9, v4  }
0x3d: {  	v8 =	vor.u32 $0x40, v13;
	v5 =	vadd.s32 v11, v4;
	v17 =	vor.u32 v10, v17  }
0x3e: {  	v7 =	vor.u32 $0x50, v13;
	v6 =	vor.u32 $0x60, v13;
	v15 =	vor.u32 v10, v5;
	v16 =	vld.idx.msk [tilespmem:v2+s19+$0x0], $0xffff  }
0x3f: {  	v19 =	vadd.s32 v8, v4;
	v20 =	vadd.s32 v7, v4;
	v5 =	vor.u32 $0x70, v13;
	v24 =	vld.idx.msk [tilespmem:v2+s20+$0x0], $0xffff  }
0x40: {  	v21 =	vadd.s32 v6, v4;
	v29 =	vor.u32 v10, v19;
	v4 =	vadd.s32 v5, v4;
	v18 =	vld.idx.msk [tilespmem:v12+s19+$0x0], $0xffff  }
0x41: {  	v26 =	vor.u32 v10, v20;
	v21 =	vor.u32 v10, v21;
	v23 =	vor.u32 v10, v4;
	v19 =	vld.idx.msk [tilespmem:v12+s20+$0x0], $0xffff  }
0x42: {  	v10 =	vimm.f32 $0.0e+00;
	v4 =	vimm.f32 $0.0e+00;
	v12 =	vadd.s32 $0x1, v3;
	v27 =	vld.idx.msk [tilespmem:v17+s20+$0x0], $0xffff  }
0x43: {  	v2 =	vimm.f32 $0.0e+00;
	v3 =	vadd.s32 $0xFFFFFFF1, v3;
	v20 =	vld.idx.msk [tilespmem:v15+s19+$0x0], $0xffff;
	vm0 =	vgt.s32 v12, $0xF  }
0x44: {  	v22 =	vld.idx.msk [tilespmem:v15+s20+$0x0], $0xffff;
	v15 =	vimm.f32 $0.0e+00;
	v28 =	vsel vm0, v3, v12;
	v12 =	vimm.f32 $0.0e+00  }
0x45: {  	v30 =	vld.idx.msk [tilespmem:v29+s19+$0x0], $0xffff;
	v3 =	vimm.f32 $0.0e+00;
	v32 =	vand.u32 $0xFFFFFFF8, v28;
	v31 =	vand.u32 $0x7, v28  }
0x46: {  	s17 =	simm.s32 $0xE;
	v25 =	vmul.f32 v24, v16;
	v24 =	vld.idx.msk [tilespmem:v17+s19+$0x0], $0xffff;
	v16 =	vimm.f32 $0.0e+00;
	v17 =	vimm.f32 $0.0e+00  }
.LBB2_6:
0x47: {  	p0 =	sne.s32 s17, $0x1;
	v33 =	vadd.s32 v13, v32;
	v34 =	vadd.s32 v14, v32;
	v35 =	vadd.s32 v11, v32;
	v36 =	vld.idx.msk [tilespmem:v29+s20+$0x0], $0xffff  }
0x48: {  	v29 =	vadd.s32 v9, v32;
	v37 =	vadd.s32 v8, v32;
	v38 =	vadd.s32 v7, v32;
	v39 =	vld.idx.msk [tilespmem:v26+s19+$0x0], $0xffff  }
0x49: {  	v40 =	vadd.s32 v6, v32;
	v32 =	vadd.s32 v5, v32;
	v33 =	vor.u32 v31, v33;
	v41 =	vld.idx.msk [tilespmem:v26+s20+$0x0], $0xffff  }
0x4a: {  	v34 =	vor.u32 v31, v34;
	v35 =	vor.u32 v31, v35;
	v42 =	vor.u32 v31, v29;
	v43 =	vld.idx.msk [tilespmem:v21+s19+$0x0], $0xffff  }
0x4b: {  	v29 =	vor.u32 v31, v37;
	v26 =	vor.u32 v31, v38;
	v37 =	vld.idx.msk [tilespmem:v21+s20+$0x0], $0xffff;
	v21 =	vor.u32 v31, v40  }
0x4c: {  	v18 =	vmul.f32 v19, v18;
	v19 =	vmul.f32 v22, v20;
	v31 =	vor.u32 v31, v32;
	v32 =	vld.idx.msk [tilespmem:v23+s19+$0x0], $0xffff  }
0x4d: {  	v2 =	vadd.f32 v25, v2;
	v20 =	vmul.f32 v27, v24;
	v22 =	vmul.f32 v36, v30;
	v24 =	vld.idx.msk [tilespmem:v23+s20+$0x0], $0xffff  }
0x4e: {  	v15 =	vadd.f32 v18, v15;
	v16 =	vadd.f32 v19, v16;
	v23 =	vmov v31;
	v25 =	vld.idx.msk [tilespmem:v33+s19+$0x0], $0xffff  }
0x4f: {  	v17 =	vadd.f32 v20, v17;
	v12 =	vadd.f32 v22, v12;
	v20 =	vmul.f32 v41, v39;
	v27 =	vld.idx.msk [tilespmem:v33+s20+$0x0], $0xffff  }
0x50: {  	v18 =	vld.idx.msk [tilespmem:v34+s19+$0x0], $0xffff  }
0x51: {  	v10 =	vadd.f32 v20, v10;
	v30 =	vmul.f32 v37, v43;
	v19 =	vld.idx.msk [tilespmem:v34+s20+$0x0], $0xffff  }
.Ltmp1:
0x52: {  	v20 =	vld.idx.msk [tilespmem:v35+s19+$0x0], $0xffff;
	(pc) =	sbr.rel @p0 .LBB2_6-.Ltmp1, $4  }
0x53: {  	v31 =	vadd.s32 $0x1, v28;
	v4 =	vadd.f32 v30, v4;
	v30 =	vmul.f32 v24, v32;
	v22 =	vld.idx.msk [tilespmem:v35+s20+$0x0], $0xffff  }
0x54: {  	v28 =	vadd.s32 $0xFFFFFFF1, v28;
	vm0 =	vgt.s32 v31, $0xF;
	v24 =	vld.idx.msk [tilespmem:v42+s19+$0x0], $0xffff  }
0x55: {  	v28 =	vsel vm0, v28, v31;
	v25 =	vmul.f32 v27, v25;
	v3 =	vadd.f32 v30, v3;
	v27 =	vld.idx.msk [tilespmem:v42+s20+$0x0], $0xffff  }
0x56: {  	s17 =	sadd.s32 $0xFFFFFFFF, s17;
	v31 =	vand.u32 $0x7, v28;
	v32 =	vand.u32 $0xFFFFFFF8, v28;
	v30 =	vld.idx.msk [tilespmem:v29+s19+$0x0], $0xffff  }
0x57: {  	_ =	sdelay $0x3  }
0x58: {  	v28 =	vld.idx.msk [tilespmem:v29+s20+$0x0], $0xffff  }
0x59: {  	v13 =	vadd.s32 v13, v32;
	v40 =	vld.idx.msk [tilespmem:v26+s19+$0x0], $0xffff  }
0x5a: {  	v41 =	vld.idx.msk [tilespmem:v26+s20+$0x0], $0xffff;
	v13 =	vor.u32 v31, v13  }
0x5b: {  	v14 =	vadd.s32 v14, v32;
	v33 =	vld.idx.msk [tilespmem:v21+s19+$0x0], $0xffff  }
0x5c: {  	v42 =	vld.idx.msk [tilespmem:v21+s20+$0x0], $0xffff;
	v14 =	vor.u32 v31, v14  }
0x5d: {  	v11 =	vadd.s32 v11, v32;
	v34 =	vld.idx.msk [tilespmem:v23+s19+$0x0], $0xffff  }
0x5e: {  	v43 =	vld.idx.msk [tilespmem:v23+s20+$0x0], $0xffff;
	v11 =	vor.u32 v31, v11  }
0x5f: {  	v9 =	vadd.s32 v9, v32;
	v35 =	vld.idx.msk [tilespmem:v13+s19+$0x0], $0xffff  }
0x60: {  	v9 =	vor.u32 v31, v9;
	v13 =	vld.idx.msk [tilespmem:v13+s20+$0x0], $0xffff  }
0x61: {  	v8 =	vadd.s32 v8, v32;
	v36 =	vld.idx.msk [tilespmem:v14+s19+$0x0], $0xffff  }
0x62: {  	v8 =	vor.u32 v31, v8;
	v14 =	vld.idx.msk [tilespmem:v14+s20+$0x0], $0xffff  }
0x63: {  	v7 =	vadd.s32 v7, v32;
	v37 =	vld.idx.msk [tilespmem:v11+s19+$0x0], $0xffff  }
0x64: {  	v7 =	vor.u32 v31, v7;
	v11 =	vld.idx.msk [tilespmem:v11+s20+$0x0], $0xffff  }
0x65: {  	v6 =	vadd.s32 v6, v32;
	v38 =	vld.idx.msk [tilespmem:v9+s19+$0x0], $0xffff  }
0x66: {  	v6 =	vor.u32 v31, v6;
	v9 =	vld.idx.msk [tilespmem:v9+s20+$0x0], $0xffff  }
0x67: {  	v5 =	vadd.s32 v5, v32;
	v44 =	vld.idx.msk [tilespmem:v8+s19+$0x0], $0xffff  }
0x68: {  	v5 =	vor.u32 v31, v5;
	v8 =	vld.idx.msk [tilespmem:v8+s20+$0x0], $0xffff  }
0x69: {  	v45 =	vld.idx.msk [tilespmem:v7+s19+$0x0], $0xffff  }
0x6a: {  	v18 =	vmul.f32 v19, v18;
	v46 =	vmul.f32 v22, v20;
	v7 =	vld.idx.msk [tilespmem:v7+s20+$0x0], $0xffff  }
0x6b: {  	v2 =	vadd.f32 v25, v2;
	v47 =	vmul.f32 v27, v24;
	v48 =	vld.idx.msk [tilespmem:v6+s19+$0x0], $0xffff  }
0x6c: {  	v15 =	vadd.f32 v18, v15;
	v16 =	vadd.f32 v46, v16;
	v49 =	vmul.f32 v28, v30;
	v6 =	vld.idx.msk [tilespmem:v6+s20+$0x0], $0xffff  }
0x6d: {  	v17 =	vadd.f32 v47, v17;
	v50 =	vmul.f32 v41, v40;
	v52 =	vmul.f32 v42, v33;
	v51 =	vld.idx.msk [tilespmem:v5+s19+$0x0], $0xffff  }
0x6e: {  	v53 =	vmul.f32 v43, v34;
	v5 =	vld.idx.msk [tilespmem:v5+s20+$0x0], $0xffff;
	v12 =	vadd.f32 v49, v12;
	v13 =	vmul.f32 v13, v35  }
0x6f: {  	v10 =	vadd.f32 v50, v10;
	v4 =	vadd.f32 v52, v4;
	v14 =	vmul.f32 v14, v36  }
0x70: {  	v11 =	vmul.f32 v11, v37;
	v9 =	vmul.f32 v9, v38;
	v2 =	vadd.f32 v13, v2  }
0x71: {  	v8 =	vmul.f32 v8, v44;
	v7 =	vmul.f32 v7, v45;
	v54 =	vadd.f32 v14, v15  }
0x72: {  	v6 =	vmul.f32 v6, v48;
	v11 =	vadd.f32 v11, v16;
	v2 =	vmul.f32 $2.500000000e-01, v2  }
0x73: {  	v5 =	vmul.f32 v5, v51;
	v9 =	vadd.f32 v9, v17;
	v13 =	vmul.f32 $2.500000000e-01, v54  }
0x74: {  	v3 =	vadd.f32 v53, v3;
	v11 =	vmul.f32 $2.500000000e-01, v11;
	v2 =	vmul.f32 $1.442695020e+00, v2  }
0x75: {  	v7 =	vadd.f32 v7, v10;
	v9 =	vmul.f32 $2.500000000e-01, v9;
	v13 =	vmul.f32 $1.442695020e+00, v13  }
0x76: {  	v8 =	vadd.f32 v8, v12;
	(erf) = vpow2.f32 v2;
	v2 =	vmul.f32 $1.442695020e+00, v11  }
0x77: {  	v4 =	vadd.f32 v6, v4;
	v55 =	vmul.f32 $2.500000000e-01, v7;
	(erf) = vpow2.f32 v13  }
0x78: {  	v3 =	vadd.f32 v5, v3;
	(erf) = vpow2.f32 v2;
	v2 =	vmul.f32 $2.500000000e-01, v8  }
0x79: {  	v4 =	vmul.f32 $2.500000000e-01, v4;
	v9 =	vmul.f32 $1.442695020e+00, v9  }
0x7a: {  	v3 =	vmul.f32 $2.500000000e-01, v3;
	v2 =	vmul.f32 $1.442695020e+00, v2  }
0x7b: {  	v5 =	vmul.f32 $1.442695020e+00, v55;
	(erf) = vpow2.f32 v9  }
0x7c: {  	(erf) = vpow2.f32 v2;
	v2 =	vmul.f32 $1.442695020e+00, v4  }
0x7d: {  	v1 =	vshll.u32 v1, $0x4;
	v3 =	vmul.f32 $1.442695020e+00, v3;
	(erf) = vpow2.f32 v5  }
0x7e: {  	v56 =	vor.u32 $0x1, v1;
	(erf) = vpow2.f32 v2  }
0x7f: {  	v2 =	vor.u32 $0x2, v1;
	(erf) = vpow2.f32 v3  }
0x80: {  	v3 =	vor.u32 $0x3, v1  }
0x81: {  	v58 =	vor.u32 $0x4, v1;
	v57 =	vpop (erf)  }
0x82: {  	v60 =	vor.u32 $0x5, v1;
	v59 =	vpop (erf);
	[tilespmem:v1+s25+$0x0] =	vst.idx.msk $0xffff, v57  }
0x83: {  	s6 =	sadd.s32 $0x1, s6;
	v62 =	vor.u32 $0x6, v1;
	v61 =	vpop (erf);
	[tilespmem:v56+s25+$0x0] =	vst.idx.msk $0xffff, v59  }
0x84: {  	p0 =	sne.s32 s6, $0x8;
	v1 =	vor.u32 $0x7, v1;
	v63 =	vpop (erf);
	[tilespmem:v2+s25+$0x0] =	vst.idx.msk $0xffff, v61  }
.Ltmp2:
0x85: {  	[tilespmem:v3+s25+$0x0] =	vst.idx.msk $0xffff, v63;
	v2 =	vpop (erf);
	(pc) =	sbr.rel @p0 .LBB2_5-.Ltmp2, $4  }
0x86: {  	v3 =	vpop (erf);
	[tilespmem:v58+s25+$0x0] =	vst.idx.msk $0xffff, v2  }
0x87: {  	v2 =	vpop (erf);
	[tilespmem:v60+s25+$0x0] =	vst.idx.msk $0xffff, v3  }
0x88: {  	[tilespmem:v62+s25+$0x0] =	vst.idx.msk $0xffff, v2;
	v2 =	vpop (erf)  }
0x89: {  	[tilespmem:v1+s25+$0x0] =	vst.idx.msk $0xffff, v2  }
0x8a: {  	s6 =	sshll.u32 s31, $0xC  }
0x8b: {  	s6 =	sadd.s32 s8, s6  }
0x8c: {  	s6 =	sshrl.u32 s6, $0x3  }
0x8d: {  	s17 =	sadd.s32 s7, s6;
	s6 =	simm.s32 $0x0  }
0x8e: {  	[hbm4b:s17+s6] =	stream.linear.scatter [tilespmem:s25], [sflag:$0x5], $0x800, $0x38;
	[tilespmem:$0x18020] =	vst v63  }
0x8f: {  	_ =	swait.ge [sflag:s16], $0x800  }
0x90: {  	s17 =	sand.u32 $0x3FFFFF00, s29;
	[sflag:s16] =	ssyncset.done $0x0  }
0x91: {  	s17 =	sadd.s32 $0x2880, s17;
	[sflag:s16] =	ssyncadd.s32 $0xFFFFF800  }
0x92: {  	[spmem:s3] =	stream.indirect.scatter.add.f32 [tilespmem:s25], [sflag:$0x5], $0x10, s17, s18, $0xb8;
	[tilespmem:$0x18020] =	vst v63  }
0x93: {  	_ =	swait.ge [sflag:s16], $0x800  }
0x94: {  	[sflag:s16] =	ssyncset.done $0x0  }
0x95: {  	s17 =	sadd.s32 $0x100, s29;
	[sflag:s16] =	ssyncadd.s32 $0xFFFFF800  }
0x96: {  	[tilespmem:s19], [sflag:$0x1] =	stream.indirect.gather [hbm4b:s1+s18], $0x80, s17, s18, $0xb8;
	[tilespmem:$0x18020] =	vst v63  }
0x97: {  	s29 =	sadd.s32 $0x2980, s29  }
0x98: {  	[tilespmem:s20], [sflag:$0x2] =	stream.indirect.gather [hbm4b:s1+s18], $0x80, s29, s18, $0xb8;
	[tilespmem:$0x18020] =	vst v63  }
0x99: {  	_ =	swait.ge [sflag:s26], $0x4000  }
0x9a: {  	[sflag:s26] =	ssyncset.done $0x0  }
0x9b: {  	[sflag:s26] =	ssyncadd.s32 $0xFFFFC000  }
0x9c: {  	_ =	swait.ge [sflag:s28], $0x4000  }
0x9d: {  	[sflag:s28] =	ssyncset.done $0x0  }
0x9e: {  	[sflag:s28] =	ssyncadd.s32 $0xFFFFC000  }
.LBB2_9:
0x9f: {  	s17 =	sshll.u32 s6, $0x4;
	v3 =	vlaneseq.u32  }
0xa0: {  	v1 =	vor.u32 s17, v3  }
0xa1: {  	v4 =	vand.u32 $0xFFFFFFF8, v3;
	v13 =	vshll.u32 v1, $0x7  }
0xa2: {  	v10 =	vand.u32 $0x7, v3;
	v2 =	vadd.s32 v13, v4  }
0xa3: {  	v14 =	vor.u32 $0x10, v13;
	v2 =	vor.u32 v10, v2  }
0xa4: {  	v5 =	vadd.s32 v14, v4  }
0xa5: {  	v9 =	vor.u32 $0x30, v13;
	v12 =	vor.u32 v10, v5  }
0xa6: {  	v11 =	vor.u32 $0x20, v13;
	v17 =	vadd.s32 v9, v4  }
0xa7: {  	v8 =	vor.u32 $0x40, v13;
	v5 =	vadd.s32 v11, v4;
	v17 =	vor.u32 v10, v17  }
0xa8: {  	v7 =	vor.u32 $0x50, v13;
	v6 =	vor.u32 $0x60, v13;
	v15 =	vor.u32 v10, v5;
	v16 =	vld.idx.msk [tilespmem:v2+s21+$0x0], $0xffff  }
0xa9: {  	v19 =	vadd.s32 v8, v4;
	v20 =	vadd.s32 v7, v4;
	v5 =	vor.u32 $0x70, v13;
	v24 =	vld.idx.msk [tilespmem:v2+s22+$0x0], $0xffff  }
0xaa: {  	v21 =	vadd.s32 v6, v4;
	v29 =	vor.u32 v10, v19;
	v4 =	vadd.s32 v5, v4;
	v18 =	vld.idx.msk [tilespmem:v12+s21+$0x0], $0xffff  }
0xab: {  	v26 =	vor.u32 v10, v20;
	v21 =	vor.u32 v10, v21;
	v23 =	vor.u32 v10, v4;
	v19 =	vld.idx.msk [tilespmem:v12+s22+$0x0], $0xffff  }
0xac: {  	v10 =	vimm.f32 $0.0e+00;
	v4 =	vimm.f32 $0.0e+00;
	v12 =	vadd.s32 $0x1, v3;
	v27 =	vld.idx.msk [tilespmem:v17+s22+$0x0], $0xffff  }
0xad: {  	v2 =	vimm.f32 $0.0e+00;
	v3 =	vadd.s32 $0xFFFFFFF1, v3;
	v20 =	vld.idx.msk [tilespmem:v15+s21+$0x0], $0xffff;
	vm0 =	vgt.s32 v12, $0xF  }
0xae: {  	v22 =	vld.idx.msk [tilespmem:v15+s22+$0x0], $0xffff;
	v15 =	vimm.f32 $0.0e+00;
	v28 =	vsel vm0, v3, v12;
	v12 =	vimm.f32 $0.0e+00  }
0xaf: {  	v30 =	vld.idx.msk [tilespmem:v29+s21+$0x0], $0xffff;
	v3 =	vimm.f32 $0.0e+00;
	v32 =	vand.u32 $0xFFFFFFF8, v28;
	v31 =	vand.u32 $0x7, v28  }
0xb0: {  	s17 =	simm.s32 $0xE;
	v25 =	vmul.f32 v24, v16;
	v24 =	vld.idx.msk [tilespmem:v17+s21+$0x0], $0xffff;
	v16 =	vimm.f32 $0.0e+00;
	v17 =	vimm.f32 $0.0e+00  }
.LBB2_10:
0xb1: {  	p0 =	sne.s32 s17, $0x1;
	v33 =	vadd.s32 v13, v32;
	v34 =	vadd.s32 v14, v32;
	v35 =	vadd.s32 v11, v32;
	v36 =	vld.idx.msk [tilespmem:v29+s22+$0x0], $0xffff  }
0xb2: {  	v29 =	vadd.s32 v9, v32;
	v37 =	vadd.s32 v8, v32;
	v38 =	vadd.s32 v7, v32;
	v39 =	vld.idx.msk [tilespmem:v26+s21+$0x0], $0xffff  }
0xb3: {  	v40 =	vadd.s32 v6, v32;
	v32 =	vadd.s32 v5, v32;
	v33 =	vor.u32 v31, v33;
	v41 =	vld.idx.msk [tilespmem:v26+s22+$0x0], $0xffff  }
0xb4: {  	v34 =	vor.u32 v31, v34;
	v35 =	vor.u32 v31, v35;
	v42 =	vor.u32 v31, v29;
	v43 =	vld.idx.msk [tilespmem:v21+s21+$0x0], $0xffff  }
0xb5: {  	v29 =	vor.u32 v31, v37;
	v26 =	vor.u32 v31, v38;
	v37 =	vld.idx.msk [tilespmem:v21+s22+$0x0], $0xffff;
	v21 =	vor.u32 v31, v40  }
0xb6: {  	v18 =	vmul.f32 v19, v18;
	v19 =	vmul.f32 v22, v20;
	v31 =	vor.u32 v31, v32;
	v32 =	vld.idx.msk [tilespmem:v23+s21+$0x0], $0xffff  }
0xb7: {  	v2 =	vadd.f32 v25, v2;
	v20 =	vmul.f32 v27, v24;
	v22 =	vmul.f32 v36, v30;
	v24 =	vld.idx.msk [tilespmem:v23+s22+$0x0], $0xffff  }
0xb8: {  	v15 =	vadd.f32 v18, v15;
	v16 =	vadd.f32 v19, v16;
	v23 =	vmov v31;
	v25 =	vld.idx.msk [tilespmem:v33+s21+$0x0], $0xffff  }
0xb9: {  	v17 =	vadd.f32 v20, v17;
	v12 =	vadd.f32 v22, v12;
	v20 =	vmul.f32 v41, v39;
	v27 =	vld.idx.msk [tilespmem:v33+s22+$0x0], $0xffff  }
0xba: {  	v18 =	vld.idx.msk [tilespmem:v34+s21+$0x0], $0xffff  }
0xbb: {  	v10 =	vadd.f32 v20, v10;
	v30 =	vmul.f32 v37, v43;
	v19 =	vld.idx.msk [tilespmem:v34+s22+$0x0], $0xffff  }
.Ltmp3:
0xbc: {  	v20 =	vld.idx.msk [tilespmem:v35+s21+$0x0], $0xffff;
	(pc) =	sbr.rel @p0 .LBB2_10-.Ltmp3, $4  }
0xbd: {  	v31 =	vadd.s32 $0x1, v28;
	v4 =	vadd.f32 v30, v4;
	v30 =	vmul.f32 v24, v32;
	v22 =	vld.idx.msk [tilespmem:v35+s22+$0x0], $0xffff  }
0xbe: {  	v28 =	vadd.s32 $0xFFFFFFF1, v28;
	vm0 =	vgt.s32 v31, $0xF;
	v24 =	vld.idx.msk [tilespmem:v42+s21+$0x0], $0xffff  }
0xbf: {  	v28 =	vsel vm0, v28, v31;
	v25 =	vmul.f32 v27, v25;
	v3 =	vadd.f32 v30, v3;
	v27 =	vld.idx.msk [tilespmem:v42+s22+$0x0], $0xffff  }
0xc0: {  	s17 =	sadd.s32 $0xFFFFFFFF, s17;
	v31 =	vand.u32 $0x7, v28;
	v32 =	vand.u32 $0xFFFFFFF8, v28;
	v30 =	vld.idx.msk [tilespmem:v29+s21+$0x0], $0xffff  }
0xc1: {  	_ =	sdelay $0x3  }
0xc2: {  	v28 =	vld.idx.msk [tilespmem:v29+s22+$0x0], $0xffff  }
0xc3: {  	v13 =	vadd.s32 v13, v32;
	v40 =	vld.idx.msk [tilespmem:v26+s21+$0x0], $0xffff  }
0xc4: {  	v41 =	vld.idx.msk [tilespmem:v26+s22+$0x0], $0xffff;
	v13 =	vor.u32 v31, v13  }
0xc5: {  	v14 =	vadd.s32 v14, v32;
	v33 =	vld.idx.msk [tilespmem:v21+s21+$0x0], $0xffff  }
0xc6: {  	v42 =	vld.idx.msk [tilespmem:v21+s22+$0x0], $0xffff;
	v14 =	vor.u32 v31, v14  }
0xc7: {  	v11 =	vadd.s32 v11, v32;
	v34 =	vld.idx.msk [tilespmem:v23+s21+$0x0], $0xffff  }
0xc8: {  	v43 =	vld.idx.msk [tilespmem:v23+s22+$0x0], $0xffff;
	v11 =	vor.u32 v31, v11  }
0xc9: {  	v9 =	vadd.s32 v9, v32;
	v35 =	vld.idx.msk [tilespmem:v13+s21+$0x0], $0xffff  }
0xca: {  	v9 =	vor.u32 v31, v9;
	v13 =	vld.idx.msk [tilespmem:v13+s22+$0x0], $0xffff  }
0xcb: {  	v8 =	vadd.s32 v8, v32;
	v36 =	vld.idx.msk [tilespmem:v14+s21+$0x0], $0xffff  }
0xcc: {  	v8 =	vor.u32 v31, v8;
	v14 =	vld.idx.msk [tilespmem:v14+s22+$0x0], $0xffff  }
0xcd: {  	v7 =	vadd.s32 v7, v32;
	v37 =	vld.idx.msk [tilespmem:v11+s21+$0x0], $0xffff  }
0xce: {  	v7 =	vor.u32 v31, v7;
	v11 =	vld.idx.msk [tilespmem:v11+s22+$0x0], $0xffff  }
0xcf: {  	v6 =	vadd.s32 v6, v32;
	v38 =	vld.idx.msk [tilespmem:v9+s21+$0x0], $0xffff  }
0xd0: {  	v6 =	vor.u32 v31, v6;
	v9 =	vld.idx.msk [tilespmem:v9+s22+$0x0], $0xffff  }
0xd1: {  	v5 =	vadd.s32 v5, v32;
	v44 =	vld.idx.msk [tilespmem:v8+s21+$0x0], $0xffff  }
0xd2: {  	v5 =	vor.u32 v31, v5;
	v8 =	vld.idx.msk [tilespmem:v8+s22+$0x0], $0xffff  }
0xd3: {  	v45 =	vld.idx.msk [tilespmem:v7+s21+$0x0], $0xffff  }
0xd4: {  	v18 =	vmul.f32 v19, v18;
	v46 =	vmul.f32 v22, v20;
	v7 =	vld.idx.msk [tilespmem:v7+s22+$0x0], $0xffff  }
0xd5: {  	v2 =	vadd.f32 v25, v2;
	v47 =	vmul.f32 v27, v24;
	v48 =	vld.idx.msk [tilespmem:v6+s21+$0x0], $0xffff  }
0xd6: {  	v15 =	vadd.f32 v18, v15;
	v16 =	vadd.f32 v46, v16;
	v49 =	vmul.f32 v28, v30;
	v6 =	vld.idx.msk [tilespmem:v6+s22+$0x0], $0xffff  }
0xd7: {  	v17 =	vadd.f32 v47, v17;
	v50 =	vmul.f32 v41, v40;
	v52 =	vmul.f32 v42, v33;
	v51 =	vld.idx.msk [tilespmem:v5+s21+$0x0], $0xffff  }
0xd8: {  	v53 =	vmul.f32 v43, v34;
	v5 =	vld.idx.msk [tilespmem:v5+s22+$0x0], $0xffff;
	v12 =	vadd.f32 v49, v12;
	v13 =	vmul.f32 v13, v35  }
0xd9: {  	v10 =	vadd.f32 v50, v10;
	v4 =	vadd.f32 v52, v4;
	v14 =	vmul.f32 v14, v36  }
0xda: {  	v11 =	vmul.f32 v11, v37;
	v9 =	vmul.f32 v9, v38;
	v2 =	vadd.f32 v13, v2  }
0xdb: {  	v8 =	vmul.f32 v8, v44;
	v7 =	vmul.f32 v7, v45;
	v54 =	vadd.f32 v14, v15  }
0xdc: {  	v6 =	vmul.f32 v6, v48;
	v11 =	vadd.f32 v11, v16;
	v2 =	vmul.f32 $2.500000000e-01, v2  }
0xdd: {  	v5 =	vmul.f32 v5, v51;
	v9 =	vadd.f32 v9, v17;
	v13 =	vmul.f32 $2.500000000e-01, v54  }
0xde: {  	v3 =	vadd.f32 v53, v3;
	v11 =	vmul.f32 $2.500000000e-01, v11;
	v2 =	vmul.f32 $1.442695020e+00, v2  }
0xdf: {  	v7 =	vadd.f32 v7, v10;
	v9 =	vmul.f32 $2.500000000e-01, v9;
	v13 =	vmul.f32 $1.442695020e+00, v13  }
0xe0: {  	v8 =	vadd.f32 v8, v12;
	(erf) = vpow2.f32 v2;
	v2 =	vmul.f32 $1.442695020e+00, v11  }
0xe1: {  	v4 =	vadd.f32 v6, v4;
	v55 =	vmul.f32 $2.500000000e-01, v7;
	(erf) = vpow2.f32 v13  }
0xe2: {  	v3 =	vadd.f32 v5, v3;
	(erf) = vpow2.f32 v2;
	v2 =	vmul.f32 $2.500000000e-01, v8  }
0xe3: {  	v4 =	vmul.f32 $2.500000000e-01, v4;
	v9 =	vmul.f32 $1.442695020e+00, v9  }
0xe4: {  	v3 =	vmul.f32 $2.500000000e-01, v3;
	v2 =	vmul.f32 $1.442695020e+00, v2  }
0xe5: {  	v5 =	vmul.f32 $1.442695020e+00, v55;
	(erf) = vpow2.f32 v9  }
0xe6: {  	(erf) = vpow2.f32 v2;
	v2 =	vmul.f32 $1.442695020e+00, v4  }
0xe7: {  	v1 =	vshll.u32 v1, $0x4;
	v3 =	vmul.f32 $1.442695020e+00, v3;
	(erf) = vpow2.f32 v5  }
0xe8: {  	v56 =	vor.u32 $0x1, v1;
	(erf) = vpow2.f32 v2  }
0xe9: {  	v2 =	vor.u32 $0x2, v1;
	(erf) = vpow2.f32 v3  }
0xea: {  	v3 =	vor.u32 $0x3, v1  }
0xeb: {  	v58 =	vor.u32 $0x4, v1;
	v57 =	vpop (erf)  }
0xec: {  	v60 =	vor.u32 $0x5, v1;
	v59 =	vpop (erf);
	[tilespmem:v1+s25+$0x0] =	vst.idx.msk $0xffff, v57  }
0xed: {  	s6 =	sadd.s32 $0x1, s6;
	v62 =	vor.u32 $0x6, v1;
	v61 =	vpop (erf);
	[tilespmem:v56+s25+$0x0] =	vst.idx.msk $0xffff, v59  }
0xee: {  	p0 =	sne.s32 s6, $0x8;
	v1 =	vor.u32 $0x7, v1;
	v63 =	vpop (erf);
	[tilespmem:v2+s25+$0x0] =	vst.idx.msk $0xffff, v61  }
.Ltmp4:
0xef: {  	[tilespmem:v3+s25+$0x0] =	vst.idx.msk $0xffff, v63;
	v2 =	vpop (erf);
	(pc) =	sbr.rel @p0 .LBB2_9-.Ltmp4, $4  }
0xf0: {  	v3 =	vpop (erf);
	[tilespmem:v58+s25+$0x0] =	vst.idx.msk $0xffff, v2  }
0xf1: {  	v2 =	vpop (erf);
	[tilespmem:v60+s25+$0x0] =	vst.idx.msk $0xffff, v3  }
0xf2: {  	[tilespmem:v62+s25+$0x0] =	vst.idx.msk $0xffff, v2;
	v2 =	vpop (erf)  }
0xf3: {  	[tilespmem:v1+s25+$0x0] =	vst.idx.msk $0xffff, v2  }
0xf4: {  	s0 =	sadd.s32 s5, s0  }
0xf5: {  	s0 =	sshll.u32 s0, $0x1  }
0xf6: {  	s0 =	sand.u32 $0x1FFFFF00, s0  }
0xf7: {  	s0 =	sadd.s32 s7, s0  }
0xf8: {  	[hbm4b:s0+s4] =	stream.linear.scatter [tilespmem:s25], [sflag:$0x5], $0x800, $0x38;
	[tilespmem:$0x18020] =	vst v63  }
0xf9: {  	s31 =	sadd.s32 $0x1, s31;
	_ =	swait.ge [sflag:s16], $0x800  }
0xfa: {  	p0 =	sne.s32 s31, $0x28;
	[sflag:s16] =	ssyncset.done $0x0  }
.Ltmp5:
0xfb: {  	[sflag:s16] =	ssyncadd.s32 $0xFFFFF800;
	(pc) =	sbr.rel @p0 .LBB2_4-.Ltmp5, $4  }
0xfc: {  	[spmem:s3] =	stream.indirect.scatter.add.f32 [tilespmem:s25], [sflag:$0x5], $0x10, s2, s18, $0xb8;
	[tilespmem:$0x18020] =	vst v63  }
0xfd: {  	_ =	swait.ge [sflag:s16], $0x800  }
0xfe: {  	[sflag:s16] =	ssyncset.done $0x0  }
0xff: {  	[sflag:s16] =	ssyncadd.s32 $0xFFFFF800  }
0x100: {  	_ =	swait.ge [sflag:s23], $0x4000  }
0x101: {  	[sflag:s23] =	ssyncset.done $0x0  }
0x102: {  	[sflag:s23] =	ssyncadd.s32 $0xFFFFC000  }
0x103: {  	_ =	swait.ge [sflag:s24], $0x4000  }
0x104: {  	[sflag:s24] =	ssyncset.done $0x0  }
0x105: {  	s0 =	simm.s32 $0x0;
	s6 =	simm.s32 $0x2880;
	[sflag:s24] =	ssyncadd.s32 $0xFFFFC000  }
.LBB2_14:
0x106: {  	s2 =	sshll.u32 s0, $0x4;
	v3 =	vlaneseq.u32  }
0x107: {  	v1 =	vor.u32 s2, v3  }
0x108: {  	v4 =	vand.u32 $0xFFFFFFF8, v3;
	v13 =	vshll.u32 v1, $0x7  }
0x109: {  	v10 =	vand.u32 $0x7, v3;
	v2 =	vadd.s32 v13, v4  }
0x10a: {  	v14 =	vor.u32 $0x10, v13;
	v2 =	vor.u32 v10, v2  }
0x10b: {  	v5 =	vadd.s32 v14, v4  }
0x10c: {  	v9 =	vor.u32 $0x30, v13;
	v12 =	vor.u32 v10, v5  }
0x10d: {  	v11 =	vor.u32 $0x20, v13;
	v17 =	vadd.s32 v9, v4  }
0x10e: {  	v8 =	vor.u32 $0x40, v13;
	v5 =	vadd.s32 v11, v4;
	v17 =	vor.u32 v10, v17  }
0x10f: {  	v7 =	vor.u32 $0x50, v13;
	v6 =	vor.u32 $0x60, v13;
	v15 =	vor.u32 v10, v5;
	v16 =	vld.idx.msk [tilespmem:v2+s19+$0x0], $0xffff  }
0x110: {  	v19 =	vadd.s32 v8, v4;
	v20 =	vadd.s32 v7, v4;
	v5 =	vor.u32 $0x70, v13;
	v24 =	vld.idx.msk [tilespmem:v2+s20+$0x0], $0xffff  }
0x111: {  	v21 =	vadd.s32 v6, v4;
	v29 =	vor.u32 v10, v19;
	v4 =	vadd.s32 v5, v4;
	v18 =	vld.idx.msk [tilespmem:v12+s19+$0x0], $0xffff  }
0x112: {  	v26 =	vor.u32 v10, v20;
	v21 =	vor.u32 v10, v21;
	v23 =	vor.u32 v10, v4;
	v19 =	vld.idx.msk [tilespmem:v12+s20+$0x0], $0xffff  }
0x113: {  	v10 =	vimm.f32 $0.0e+00;
	v4 =	vimm.f32 $0.0e+00;
	v12 =	vadd.s32 $0x1, v3;
	v27 =	vld.idx.msk [tilespmem:v17+s20+$0x0], $0xffff  }
0x114: {  	v2 =	vimm.f32 $0.0e+00;
	v3 =	vadd.s32 $0xFFFFFFF1, v3;
	v20 =	vld.idx.msk [tilespmem:v15+s19+$0x0], $0xffff;
	vm0 =	vgt.s32 v12, $0xF  }
0x115: {  	v22 =	vld.idx.msk [tilespmem:v15+s20+$0x0], $0xffff;
	v15 =	vimm.f32 $0.0e+00;
	v28 =	vsel vm0, v3, v12;
	v12 =	vimm.f32 $0.0e+00  }
0x116: {  	v30 =	vld.idx.msk [tilespmem:v29+s19+$0x0], $0xffff;
	v3 =	vimm.f32 $0.0e+00;
	v32 =	vand.u32 $0xFFFFFFF8, v28;
	v31 =	vand.u32 $0x7, v28  }
0x117: {  	s2 =	simm.s32 $0xE;
	v25 =	vmul.f32 v24, v16;
	v24 =	vld.idx.msk [tilespmem:v17+s19+$0x0], $0xffff;
	v16 =	vimm.f32 $0.0e+00;
	v17 =	vimm.f32 $0.0e+00  }
.LBB2_15:
0x118: {  	p0 =	sne.s32 s2, $0x1;
	v33 =	vadd.s32 v13, v32;
	v34 =	vadd.s32 v14, v32;
	v35 =	vadd.s32 v11, v32;
	v36 =	vld.idx.msk [tilespmem:v29+s20+$0x0], $0xffff  }
0x119: {  	v29 =	vadd.s32 v9, v32;
	v37 =	vadd.s32 v8, v32;
	v38 =	vadd.s32 v7, v32;
	v39 =	vld.idx.msk [tilespmem:v26+s19+$0x0], $0xffff  }
0x11a: {  	v40 =	vadd.s32 v6, v32;
	v32 =	vadd.s32 v5, v32;
	v33 =	vor.u32 v31, v33;
	v41 =	vld.idx.msk [tilespmem:v26+s20+$0x0], $0xffff  }
0x11b: {  	v34 =	vor.u32 v31, v34;
	v35 =	vor.u32 v31, v35;
	v42 =	vor.u32 v31, v29;
	v43 =	vld.idx.msk [tilespmem:v21+s19+$0x0], $0xffff  }
0x11c: {  	v29 =	vor.u32 v31, v37;
	v26 =	vor.u32 v31, v38;
	v37 =	vld.idx.msk [tilespmem:v21+s20+$0x0], $0xffff;
	v21 =	vor.u32 v31, v40  }
0x11d: {  	v18 =	vmul.f32 v19, v18;
	v19 =	vmul.f32 v22, v20;
	v31 =	vor.u32 v31, v32;
	v32 =	vld.idx.msk [tilespmem:v23+s19+$0x0], $0xffff  }
0x11e: {  	v2 =	vadd.f32 v25, v2;
	v20 =	vmul.f32 v27, v24;
	v22 =	vmul.f32 v36, v30;
	v24 =	vld.idx.msk [tilespmem:v23+s20+$0x0], $0xffff  }
0x11f: {  	v15 =	vadd.f32 v18, v15;
	v16 =	vadd.f32 v19, v16;
	v23 =	vmov v31;
	v25 =	vld.idx.msk [tilespmem:v33+s19+$0x0], $0xffff  }
0x120: {  	v17 =	vadd.f32 v20, v17;
	v12 =	vadd.f32 v22, v12;
	v20 =	vmul.f32 v41, v39;
	v27 =	vld.idx.msk [tilespmem:v33+s20+$0x0], $0xffff  }
0x121: {  	v18 =	vld.idx.msk [tilespmem:v34+s19+$0x0], $0xffff  }
0x122: {  	v10 =	vadd.f32 v20, v10;
	v30 =	vmul.f32 v37, v43;
	v19 =	vld.idx.msk [tilespmem:v34+s20+$0x0], $0xffff  }
.Ltmp6:
0x123: {  	v20 =	vld.idx.msk [tilespmem:v35+s19+$0x0], $0xffff;
	(pc) =	sbr.rel @p0 .LBB2_15-.Ltmp6, $4  }
0x124: {  	v31 =	vadd.s32 $0x1, v28;
	v4 =	vadd.f32 v30, v4;
	v30 =	vmul.f32 v24, v32;
	v22 =	vld.idx.msk [tilespmem:v35+s20+$0x0], $0xffff  }
0x125: {  	v28 =	vadd.s32 $0xFFFFFFF1, v28;
	vm0 =	vgt.s32 v31, $0xF;
	v24 =	vld.idx.msk [tilespmem:v42+s19+$0x0], $0xffff  }
0x126: {  	v28 =	vsel vm0, v28, v31;
	v25 =	vmul.f32 v27, v25;
	v3 =	vadd.f32 v30, v3;
	v27 =	vld.idx.msk [tilespmem:v42+s20+$0x0], $0xffff  }
0x127: {  	s2 =	sadd.s32 $0xFFFFFFFF, s2;
	v31 =	vand.u32 $0x7, v28;
	v32 =	vand.u32 $0xFFFFFFF8, v28;
	v30 =	vld.idx.msk [tilespmem:v29+s19+$0x0], $0xffff  }
0x128: {  	_ =	sdelay $0x3  }
0x129: {  	v28 =	vld.idx.msk [tilespmem:v29+s20+$0x0], $0xffff  }
0x12a: {  	v13 =	vadd.s32 v13, v32;
	v40 =	vld.idx.msk [tilespmem:v26+s19+$0x0], $0xffff  }
0x12b: {  	v41 =	vld.idx.msk [tilespmem:v26+s20+$0x0], $0xffff;
	v13 =	vor.u32 v31, v13  }
0x12c: {  	v14 =	vadd.s32 v14, v32;
	v33 =	vld.idx.msk [tilespmem:v21+s19+$0x0], $0xffff  }
0x12d: {  	v42 =	vld.idx.msk [tilespmem:v21+s20+$0x0], $0xffff;
	v14 =	vor.u32 v31, v14  }
0x12e: {  	v11 =	vadd.s32 v11, v32;
	v34 =	vld.idx.msk [tilespmem:v23+s19+$0x0], $0xffff  }
0x12f: {  	v43 =	vld.idx.msk [tilespmem:v23+s20+$0x0], $0xffff;
	v11 =	vor.u32 v31, v11  }
0x130: {  	v9 =	vadd.s32 v9, v32;
	v35 =	vld.idx.msk [tilespmem:v13+s19+$0x0], $0xffff  }
0x131: {  	v9 =	vor.u32 v31, v9;
	v13 =	vld.idx.msk [tilespmem:v13+s20+$0x0], $0xffff  }
0x132: {  	v8 =	vadd.s32 v8, v32;
	v36 =	vld.idx.msk [tilespmem:v14+s19+$0x0], $0xffff  }
0x133: {  	v8 =	vor.u32 v31, v8;
	v14 =	vld.idx.msk [tilespmem:v14+s20+$0x0], $0xffff  }
0x134: {  	v7 =	vadd.s32 v7, v32;
	v37 =	vld.idx.msk [tilespmem:v11+s19+$0x0], $0xffff  }
0x135: {  	v7 =	vor.u32 v31, v7;
	v11 =	vld.idx.msk [tilespmem:v11+s20+$0x0], $0xffff  }
0x136: {  	v6 =	vadd.s32 v6, v32;
	v38 =	vld.idx.msk [tilespmem:v9+s19+$0x0], $0xffff  }
0x137: {  	v6 =	vor.u32 v31, v6;
	v9 =	vld.idx.msk [tilespmem:v9+s20+$0x0], $0xffff  }
0x138: {  	v5 =	vadd.s32 v5, v32;
	v44 =	vld.idx.msk [tilespmem:v8+s19+$0x0], $0xffff  }
0x139: {  	v5 =	vor.u32 v31, v5;
	v8 =	vld.idx.msk [tilespmem:v8+s20+$0x0], $0xffff  }
0x13a: {  	v45 =	vld.idx.msk [tilespmem:v7+s19+$0x0], $0xffff  }
0x13b: {  	v18 =	vmul.f32 v19, v18;
	v46 =	vmul.f32 v22, v20;
	v7 =	vld.idx.msk [tilespmem:v7+s20+$0x0], $0xffff  }
0x13c: {  	v2 =	vadd.f32 v25, v2;
	v47 =	vmul.f32 v27, v24;
	v48 =	vld.idx.msk [tilespmem:v6+s19+$0x0], $0xffff  }
0x13d: {  	v15 =	vadd.f32 v18, v15;
	v16 =	vadd.f32 v46, v16;
	v49 =	vmul.f32 v28, v30;
	v6 =	vld.idx.msk [tilespmem:v6+s20+$0x0], $0xffff  }
0x13e: {  	v17 =	vadd.f32 v47, v17;
	v50 =	vmul.f32 v41, v40;
	v52 =	vmul.f32 v42, v33;
	v51 =	vld.idx.msk [tilespmem:v5+s19+$0x0], $0xffff  }
0x13f: {  	v53 =	vmul.f32 v43, v34;
	v5 =	vld.idx.msk [tilespmem:v5+s20+$0x0], $0xffff;
	v12 =	vadd.f32 v49, v12;
	v13 =	vmul.f32 v13, v35  }
0x140: {  	v10 =	vadd.f32 v50, v10;
	v4 =	vadd.f32 v52, v4;
	v14 =	vmul.f32 v14, v36  }
0x141: {  	v11 =	vmul.f32 v11, v37;
	v9 =	vmul.f32 v9, v38;
	v2 =	vadd.f32 v13, v2  }
0x142: {  	v8 =	vmul.f32 v8, v44;
	v7 =	vmul.f32 v7, v45;
	v54 =	vadd.f32 v14, v15  }
0x143: {  	v6 =	vmul.f32 v6, v48;
	v11 =	vadd.f32 v11, v16;
	v2 =	vmul.f32 $2.500000000e-01, v2  }
0x144: {  	v5 =	vmul.f32 v5, v51;
	v9 =	vadd.f32 v9, v17;
	v13 =	vmul.f32 $2.500000000e-01, v54  }
0x145: {  	v3 =	vadd.f32 v53, v3;
	v11 =	vmul.f32 $2.500000000e-01, v11;
	v2 =	vmul.f32 $1.442695020e+00, v2  }
0x146: {  	v7 =	vadd.f32 v7, v10;
	v9 =	vmul.f32 $2.500000000e-01, v9;
	v13 =	vmul.f32 $1.442695020e+00, v13  }
0x147: {  	v8 =	vadd.f32 v8, v12;
	(erf) = vpow2.f32 v2;
	v2 =	vmul.f32 $1.442695020e+00, v11  }
0x148: {  	v4 =	vadd.f32 v6, v4;
	v55 =	vmul.f32 $2.500000000e-01, v7;
	(erf) = vpow2.f32 v13  }
0x149: {  	v3 =	vadd.f32 v5, v3;
	(erf) = vpow2.f32 v2;
	v2 =	vmul.f32 $2.500000000e-01, v8  }
0x14a: {  	v4 =	vmul.f32 $2.500000000e-01, v4;
	v9 =	vmul.f32 $1.442695020e+00, v9  }
0x14b: {  	v3 =	vmul.f32 $2.500000000e-01, v3;
	v2 =	vmul.f32 $1.442695020e+00, v2  }
0x14c: {  	v5 =	vmul.f32 $1.442695020e+00, v55;
	(erf) = vpow2.f32 v9  }
0x14d: {  	(erf) = vpow2.f32 v2;
	v2 =	vmul.f32 $1.442695020e+00, v4  }
0x14e: {  	v1 =	vshll.u32 v1, $0x4;
	v3 =	vmul.f32 $1.442695020e+00, v3;
	(erf) = vpow2.f32 v5  }
0x14f: {  	v56 =	vor.u32 $0x1, v1;
	(erf) = vpow2.f32 v2  }
0x150: {  	v2 =	vor.u32 $0x2, v1;
	(erf) = vpow2.f32 v3  }
0x151: {  	v3 =	vor.u32 $0x3, v1  }
0x152: {  	v58 =	vor.u32 $0x4, v1;
	v57 =	vpop (erf)  }
0x153: {  	v60 =	vor.u32 $0x5, v1;
	v59 =	vpop (erf);
	[tilespmem:v1+s25+$0x0] =	vst.idx.msk $0xffff, v57  }
0x154: {  	s0 =	sadd.s32 $0x1, s0;
	v62 =	vor.u32 $0x6, v1;
	v61 =	vpop (erf);
	[tilespmem:v56+s25+$0x0] =	vst.idx.msk $0xffff, v59  }
0x155: {  	p0 =	sne.s32 s0, $0x8;
	v1 =	vor.u32 $0x7, v1;
	v63 =	vpop (erf);
	[tilespmem:v2+s25+$0x0] =	vst.idx.msk $0xffff, v61  }
.Ltmp7:
0x156: {  	[tilespmem:v3+s25+$0x0] =	vst.idx.msk $0xffff, v63;
	v2 =	vpop (erf);
	(pc) =	sbr.rel @p0 .LBB2_14-.Ltmp7, $4  }
0x157: {  	v3 =	vpop (erf);
	[tilespmem:v58+s25+$0x0] =	vst.idx.msk $0xffff, v2  }
0x158: {  	v2 =	vpop (erf);
	[tilespmem:v60+s25+$0x0] =	vst.idx.msk $0xffff, v3  }
0x159: {  	[tilespmem:v62+s25+$0x0] =	vst.idx.msk $0xffff, v2;
	v2 =	vpop (erf)  }
0x15a: {  	[tilespmem:v1+s25+$0x0] =	vst.idx.msk $0xffff, v2  }
0x15b: {  	[hbm4b:s12+s4] =	stream.linear.scatter [tilespmem:s25], [sflag:$0x5], $0x800, $0x38;
	[tilespmem:$0x18020] =	vst v63  }
0x15c: {  	_ =	swait.ge [sflag:s16], $0x800  }
0x15d: {  	[sflag:s16] =	ssyncset.done $0x0  }
0x15e: {  	s0 =	simm.s32 $0x5080;
	[sflag:s16] =	ssyncadd.s32 $0xFFFFF800  }
0x15f: {  	[spmem:s3] =	stream.indirect.scatter.add.f32 [tilespmem:s25], [sflag:$0x5], $0x10, s0, s18, $0xb8;
	[tilespmem:$0x18020] =	vst v63  }
0x160: {  	_ =	swait.ge [sflag:s16], $0x800  }
0x161: {  	s30 =	sadd.s32 $0x1, s30;
	[sflag:s16] =	ssyncset.done $0x0  }
0x162: {  	p0 =	sne.s32 s30, s14;
	[sflag:s16] =	ssyncadd.s32 $0xFFFFF800  }
.Ltmp8:
0x163: {  	[bflag:$0x0] =	sbarrier.arrive $0xFFFF;
	(pc) =	sbr.rel @p0 .LBB2_1-.Ltmp8, $4  }
0x164: {  	[hbm:s13], [sflag:s9] =	dma.local [spmem:s15], $0x4E4  }
0x165: {  	_ =	swait.ge [sflag:s16], $0x4E4  }
0x166: {  	[sflag:s16] =	ssyncset.done $0x0  }
0x167: {  	[sflag:s16] =	ssyncadd.s32 $0xFFFFFB1C  }
0x168: {  	_ =	sfence.sel $0x180000  }
0x169: {  	[bflag:$0x0] =	sbarrier.arrive $0xFFFF  }
0x16a: {  	_ =	strace $0x90000047  }
0x16b: {  	s0 =	stileid.u32;
	[bflag:$0x2] =	sbarrier.arrive $0xFFFF  }
0x16c: {  	p0 =	sne.s32 s0, $0x0;
	s0 =	rddreg [dreg:$0x5]  }
0x16d: {  	s0 =	sadd.s32 @!p0 $0x100000, s0  }
0x16e: {  	[sflag:s0] =	ssyncadd.tile.s32 @!p0 $0x1;
	_ =	shalt  }
.Lfunc_end2:
_tile_overlayer_lowered:
.L_overlay_start_2:
0x16f: {  	(tag) =	ssettag $0x2  }
0x170: {  	s0 =	rddreg [dreg:$0x0];
	s2 =	stileid.u32  }
0x171: {  	s1 =	rddreg [dreg:$0x1];
	p0 =	sne.s32 s2, $0x0  }
0x172: {  	s3 =	rddreg [dreg:$0x2];
	[bflag:$0x3] =	sbarrier.arrive $0xFFFF;
	s2 =	simm.s32 @!p0 $0x1C05  }
0x173: {  	[timem:s3], [sflag:s2] =	dma.local @!p0 [hbm:s0], s1  }
0x174: {  	s0 =	simm.s32 @!p0 $0x5  }
0x175: {  	_ =	swait.ge @!p0 [sflag:s0], s1  }
0x176: {  	s1 =	ssub.s32 @!p0 $0x0, s1;
	[sflag:s0] =	ssyncset.done @!p0 $0x0  }
0x177: {  	[sflag:s0] =	ssyncadd.s32 @!p0 s1  }
0x178: {  	[bflag:$0x3] =	sbarrier.arrive $0xFFFF  }
0x179: {  	_ =	shalt  }

// kernel: kernel.16.cloned.1.call-start
scs
__scs_entry_jumppad:
0x0: {  	(pc) =	sbr.rel $0x88, $3  }
0x1: {  	(tag) =	ssettag $0x0;
	lr =	simm.s32 $0x1  }
0x2: {  	[smem:$0x3F9B] =	sst lr;
	_ =	strace $0xD0000000  }
0x3: {  	_ = 	snop  }
0x4: {  	_ = 	snop  }
0x5: {  	_ = 	snop  }
0x6: {  	_ = 	snop  }
0x7: {  	_ = 	snop  }
__scs_overlays_trampoline_lowered:
0x8: {  	[smem:$0x3FAA] =	sst s0  }
0x9: {  	[smem:$0x3FAB] =	sst s1  }
0xa: {  	[smem:$0x3FAC] =	sst s2  }
0xb: {  	[smem:$0x3FAD] =	sst s3  }
0xc: {  	[smem:$0x3FAE] =	sst s4  }
0xd: {  	[smem:$0x3FAF] =	sst s5  }
0xe: {  	[smem:$0x3FB0] =	sst s6  }
0xf: {  	[smem:$0x3FB1] =	sst s7  }
0x10: {  	[smem:$0x3FB2] =	sst s8  }
0x11: {  	[smem:$0x3FB3] =	sst s9;
	s0 =	simm.s32 @!p0 $0x0  }
0x12: {  	s1 =	sld [smem:$0x3F99];
	s0 =	simm.s32 @p0 $0x1  }
0x13: {  	[smem:$0x3FB4] =	sst s0;
	s0 =	simm.s32 @!p1 $0x0  }
0x14: {  	s2 =	sld [smem:$0x3F98];
	s0 =	simm.s32 @p1 $0x1  }
0x15: {  	[smem:$0x3FB5] =	sst s0;
	s0 =	simm.s32 @!p2 $0x0  }
0x16: {  	s3 =	sld [smem:$0x3FDB];
	s0 =	simm.s32 @p2 $0x1  }
0x17: {  	s4 =	simm.s32 $0x1BF5;
	[smem:$0x3FB7] =	sst s0  }
0x18: {  	s0 =	sld [smem:$0x3F9A];
	_ =	swait.ge [sflag:s4], $0x0  }
0x19: {  	s7 =	sld [smem:$0x3F9B]  }
0x1a: {  	s8 =	sadd.s32 $0xFFFFE003, lr  }
0x1b: {  	s9 =	sadd.s32 $0xFFFFFEF7, lr;
	s5 =	simm.s32 $0xFFFFFFFF;
	p2 =	slt.u32 s8, $0xFFFFF086  }
0x1c: {  	p1 =	slt.u32 s9, $0xF7A;
	s5 =	simm.s32 @!p2 $0x0  }
0x1d: {  	s5 =	simm.s32 @p1 $0x1;
	p0 =	seq.s32 s7, s2  }
0x1e: {  	s7 =	smul.u32 @!p0 $0xF7A, s2;
	p2 =	seq.s32 @!p0 s5, $0x0  }
0x1f: {  	s9 =	smul.u32 $0xF7A, s1;
	s8 =	simm.s32 @!p0 $0x1BF5;
	p2 =	por !p2, p0  }
0x20: {  	[sflag:s8] =	ssyncset.s32 @!p0 $0xFFFFF086;
	s6 =	sadd.s32 @!p0 s3, s7;
	s7 =	simm.s32 @!p0 $0x108  }
0x21: {  	s3 =	sadd.s32 s3, s9;
	s6 =	sadd.s32 @!p0 $0x88, s6;
	s7 =	simm.s32 @p2 $0x1082  }
0x22: {  	[simem:s7], [sflag:s8] =	dma.local @!p0 [hbm:s6], $0xF7A  }
0x23: {  	s9 =	sor.u32 $0xD0000000, s2;
	s6 =	simm.s32 $0x108;
	_ =	swait.ge @!p0 [sflag:s8], $0x0  }
0x24: {  	s3 =	sadd.s32 $0x88, s3;
	s6 =	simm.s32 @!p1 $0x1082;
	[sflag:s4] =	ssyncset.s32 $0xFFFFF086  }
0x25: {  	[simem:s6], [sflag:s4] =	dma.local [hbm:s3], $0xF7A  }
0x26: {  	[smem:$0x3F9B] =	sst s1;
	(tag) =	ssettag s2;
	_ =	strace s9  }
0x27: {  	s1 =	sld [smem:$0x3FAB]  }
0x28: {  	s2 =	sld [smem:$0x3FAC]  }
0x29: {  	s4 =	sld [smem:$0x3FAE]  }
0x2a: {  	p0 =	seq.s32 s5, $0x0;
	s5 =	sld [smem:$0x3FAF]  }
0x2b: {  	s6 =	sld [smem:$0x3FB0]  }
0x2c: {  	s7 =	sld [smem:$0x3FB1]  }
0x2d: {  	s3 =	simm.s32 $0x108;
	s8 =	sld [smem:$0x3FB2]  }
0x2e: {  	s3 =	simm.s32 @!p0 $0x1082;
	s9 =	sld [smem:$0x3FB3]  }
0x2f: {  	lr =	sadd.s32 s0, s3;
	s0 =	sld [smem:$0x3FAA]  }
0x30: {  	s3 =	sld [smem:$0x3FAD]  }
0x31: {  	[smem:$0x3FB6] =	sst s10  }
0x32: {  	s10 =	sld [smem:$0x3FB4];
	_ =	sdelay $0x3  }
0x33: {  	p0 =	seq.s32 s10, $0x1;
	s10 =	sld [smem:$0x3FB6];
	_ =	sdelay $0x3  }
0x34: {  	[smem:$0x3FB6] =	sst s10  }
0x35: {  	s10 =	sld [smem:$0x3FB5];
	_ =	sdelay $0x3  }
0x36: {  	p1 =	seq.s32 s10, $0x1;
	s10 =	sld [smem:$0x3FB6];
	_ =	sdelay $0x3  }
0x37: {  	[smem:$0x3FB6] =	sst s10  }
0x38: {  	s10 =	sld [smem:$0x3FB7]  }
0x39: {  	_ = 	snop;
	(pc) =	sbr.ind lr, $3  }
0x3a: {  	_ = 	snop  }
0x3b: {  	_ = 	snop  }
0x3c: {  	p2 =	seq.s32 s10, $0x1;
	s10 =	sld [smem:$0x3FB6]  }
0x3d: {  	_ =	shalt  }
0x3e: {  	_ =	shalt  }
0x3f: {  	_ =	shalt  }
0x40: {  	_ =	shalt  }
0x41: {  	_ =	shalt  }
0x42: {  	_ =	shalt  }
0x43: {  	_ =	shalt  }
0x44: {  	_ =	shalt  }
0x45: {  	_ =	shalt  }
0x46: {  	_ =	shalt  }
0x47: {  	_ =	shalt  }
0x48: {  	_ =	shalt  }
0x49: {  	_ =	shalt  }
0x4a: {  	_ =	shalt  }
0x4b: {  	_ =	shalt  }
0x4c: {  	_ =	shalt  }
0x4d: {  	_ =	shalt  }
0x4e: {  	_ =	shalt  }
0x4f: {  	_ =	shalt  }
0x50: {  	_ =	shalt  }
0x51: {  	_ =	shalt  }
0x52: {  	_ =	shalt  }
0x53: {  	_ =	shalt  }
0x54: {  	_ =	shalt  }
0x55: {  	_ =	shalt  }
0x56: {  	_ =	shalt  }
0x57: {  	_ =	shalt  }
0x58: {  	_ =	shalt  }
0x59: {  	_ =	shalt  }
0x5a: {  	_ =	shalt  }
0x5b: {  	_ =	shalt  }
0x5c: {  	_ =	shalt  }
0x5d: {  	_ =	shalt  }
0x5e: {  	_ =	shalt  }
0x5f: {  	_ =	shalt  }
0x60: {  	_ =	shalt  }
0x61: {  	_ =	shalt  }
0x62: {  	_ =	shalt  }
0x63: {  	_ =	shalt  }
0x64: {  	_ =	shalt  }
0x65: {  	_ =	shalt  }
0x66: {  	_ =	shalt  }
0x67: {  	_ =	shalt  }
0x68: {  	_ =	shalt  }
0x69: {  	_ =	shalt  }
0x6a: {  	_ =	shalt  }
0x6b: {  	_ =	shalt  }
0x6c: {  	_ =	shalt  }
0x6d: {  	_ =	shalt  }
0x6e: {  	_ =	shalt  }
0x6f: {  	_ =	shalt  }
0x70: {  	_ =	shalt  }
0x71: {  	_ =	shalt  }
0x72: {  	_ =	shalt  }
0x73: {  	_ =	shalt  }
0x74: {  	_ =	shalt  }
0x75: {  	_ =	shalt  }
0x76: {  	_ =	shalt  }
0x77: {  	_ =	shalt  }
0x78: {  	_ =	shalt  }
0x79: {  	_ =	shalt  }
0x7a: {  	_ =	shalt  }
0x7b: {  	_ =	shalt  }
0x7c: {  	_ =	shalt  }
0x7d: {  	_ =	shalt  }
0x7e: {  	_ =	shalt  }
0x7f: {  	_ =	shalt  }
0x80: {  	_ =	shalt  }
0x81: {  	_ =	shalt  }
0x82: {  	_ =	shalt  }
0x83: {  	_ =	shalt  }
0x84: {  	_ =	shalt  }
0x85: {  	_ =	shalt  }
0x86: {  	_ =	shalt  }
0x87: {  	_ =	shalt  }
.Lfunc_end0:
.L_simem_size_0:
called_computation.1_lowered:
.L_overlay_start_0:
0x88: {  	s2 =	sld [smem:$0x3FD9]  }
0x89: {  	s3 =	sld [smem:$0x3FFE];
	_ =	sdelay $0x1  }
0x8a: {  	s1 =	srdreg.scid  }
0x8b: {  	s0 =	sand.u32 $0x1, s1  }
0x8c: {  	s14 =	sshll.u32 s0, $0xA;
	s2 =	sadd.s32 s3, s2  }
0x8d: {  	s2 =	sadd.s32 s2, s14  }
0x8e: {  	[smem:$0x3FC2] =	sst s2  }
0x8f: {  	_ = 	snop  }
0x90: {  	s2 =	sld [smem:$0x3FD0];
	_ =	sdelay $0x2  }
0x91: {  	s15 =	simm.s32 $0xA;
	s4 =	simm.s32 $0x10  }
0x92: {  	[smem:s4], [sflag:s15] =	dma.local [hbm:s2], $0x1  }
0x93: {  	_ =	swait.eq [sflag:s15], $0x1  }
0x94: {  	s16 =	sld [smem:$0x10];
	[sflag:s15] =	ssyncset.done $0x0  }
0x95: {  	s17 =	sld [smem:$0x11];
	[sflag:s15] =	ssyncadd.s32 $0xFFFFFFFF  }
0x96: {  	s18 =	sld [smem:$0x13];
	(tm) =	ssettm $0x1  }
0x97: {  	s5 =	sld [smem:$0x3FFB];
	_ =	sdelay $0x3  }
0x98: {  	_ =	strace s5  }
0x99: {  	s5 =	sld [smem:$0x3FFC];
	_ =	sdelay $0x3  }
0x9a: {  	_ =	strace s5  }
0x9b: {  	s5 =	sld [smem:$0x3FFD];
	_ =	sdelay $0x3  }
0x9c: {  	_ =	strace s5  }
0x9d: {  	_ =	strace $0x8FFFFFFF  }
0x9e: {  	s19 =	sld [smem:$0x3FDB];
	_ =	sdelay $0x1  }
0x9f: {  	s6 =	simm.s32 $_scs_section_size  }
0xa0: {  	s7 =	simm.s32 $_size__tile_overlayer_lowered;
	s8 =	simm.s32 $_tile_overlayer_lowered  }
0xa1: {  	s22 =	simm.s32 $0x1BFF;
	s21 =	sshll.u32 s8, $0x1;
	s5 =	sadd.s32 s6, s19  }
0xa2: {  	s9 =	simm.s32 $0x0;
	s20 =	sshll.u32 s7, $0x1;
	s7 =	sadd.s32 s21, s5  }
0xa3: {  	[timem:s9], [sflag:s22] =	dma.local [hbm:s7], s20  }
0xa4: {  	_ =	swait.ge [sflag:s22], s20  }
0xa5: {  	s6 =	ssub.s32 $0x0, s20;
	[sflag:s22] =	ssyncset.done $0x0  }
0xa6: {  	[sflag:s22] =	ssyncadd.s32 s6;
	_ =	sdelay $0x1  }
0xa7: {  	s23 =	simm.s32 $0x1B8B  }
0xa8: {  	_ =	swait.ge [sflag:s23], $0x1  }
0xa9: {  	[sflag:s23] =	ssyncset.done $0x0  }
0xaa: {  	s25 =	simm.s32 $0x1B8E;
	s24 =	sld [smem:$0x3FFE];
	[sflag:s23] =	ssyncadd.s32 $0xFFFFFFFF  }
0xab: {  	s26 =	simm.s32 $execute0_lowered;
	[smem:$0x3FD2] =	sst s25  }
0xac: {  	s7 =	sshll.u32 s26, $0x1;
	_ =	strace $0x80000049;
	[dreg:$0x1] =	wrdreg $0xFFFFFFFF  }
0xad: {  	s28 =	simm.s32 $_size_execute0_lowered;
	s5 =	sadd.s32 s5, s7;
	[dreg:$0x0] =	wrdreg $0x0  }
0xae: {  	s7 =	sshll.u32 s28, $0x1;
	[dreg:$0x2] =	wrdreg s5  }
0xaf: {  	[dreg:$0x3] =	wrdreg s7  }
0xb0: {  	[dreg:$0x4] =	wrdreg $0xC0  }
0xb1: {  	_ =	task [dreg:s9], $0x5FFFF  }
0xb2: {  	[dreg:$0x1] =	wrdreg $0xFFFFFFFF  }
0xb3: {  	[dreg:$0x0] =	wrdreg $0x60  }
0xb4: {  	[dreg:$0x2] =	wrdreg s17  }
0xb5: {  	[dreg:$0x3] =	wrdreg s16  }
0xb6: {  	[dreg:$0x4] =	wrdreg s24  }
0xb7: {  	[dreg:$0x5] =	wrdreg s18  }
0xb8: {  	[dreg:$0x6] =	wrdreg $0x89000  }
0xb9: {  	[dreg:$0x7] =	wrdreg $0x9  }
0xba: {  	_ =	task.clear_ibuf [dreg:s9], $0x8FFFF;
	_ =	strace $0x90000049  }
0xbb: {  	s29 =	simm.s32 $0x9;
	_ =	strace $0x8000004B  }
0xbc: {  	_ =	swait.ge [sflag:s29], $0x1  }
0xbd: {  	[sflag:s29] =	ssyncadd.s32 $0xFFFFFFFF  }
0xbe: {  	_ =	strace $0x9000004B  }
0xbf: {  	_ =	sfence  }
0xc0: {  	s30 =	sld [smem:$0x0];
	_ =	sdelay $0x2  }
0xc1: {  	s31 =	sshll.u32 s1, $0xD;
	s1 =	sshrl.u32 s1, $0x2  }
0xc2: {  	s3 =	sand.u32 $0x4000, s31;
	s1 =	sadd.s32 s1, s30  }
0xc3: {  	s0 =	sor.u32 s3, s0;
	s1 =	sshll.u32 s1, $0x11  }
0xc4: {  	s0 =	sor.u32 s1, s0  }
0xc5: {  	s0 =	sadd.s32 $0x8F2B, s0  }
0xc6: {  	[sflag:s0] =	ssyncadd.remote.s32 $0x1  }
0xc7: {  	_ =	sfence.sel $0xFFFF  }
0xc8: {  	[dreg:$0x0] =	wrdreg $0xFFFFFFFF;
	(pc) =	sbr.abs _section_cstart, $3  }
0xc9: {  	[dreg:$0x1] =	wrdreg $0xFFFFFFFF  }
0xca: {  	_ =	task.clear_ibuf [dreg:s9], $0x2FFFF;
	_ =	strace $0x9FFFFFFF  }
0xcb: {  	(tm) =	ssettm $0x7FFFFFFF  }
tec
execute0_lowered:
.L_overlay_start_1:
0x0: {  	(tag) =	ssettag $0x1  }
0x1: {  	s1 =	rddreg [dreg:$0x0]  }
0x2: {  	s2 =	rddreg [dreg:$0x1]  }
0x3: {  	s8 =	rddreg [dreg:$0x2]  }
0x4: {  	s11 =	rddreg [dreg:$0x3]  }
0x5: {  	s3 =	rddreg [dreg:$0x4]  }
0x6: {  	s0 =	rddreg [dreg:$0x5]  }
0x7: {  	s5 =	simm.s32 $0x0;
	s6 =	srdreg.scid;
	s4 =	stileid.u32  }
0x8: {  	s16 =	simm.s32 $0x100;
	s17 =	simm.s32 $0x1;
	s18 =	simm.s32 $0x4900  }
0x9: {  	[smem:$0x7FF] =	sst s5;
	s9 =	sand.u32 $0x1, s6;
	s6 =	sadd.s32 $0x3000, s8  }
0xa: {  	s12 =	smul.u32 $0x13900, s4;
	s7 =	sadd.s32 $0xD800, s8;
	s8 =	sadd.s32 $0xAF800, s8  }
0xb: {  	s29 =	sshll.u32 s4, $0x1;
	s10 =	ssub.s32 $0x2, s9;
	s14 =	smul.u32 $0x139000, s9  }
0xc: {  	s30 =	sshll.u32 s4, $0x6;
	_ =	strace $0x8000004A;
	s13 =	sshrl.u32 s10, $0x1  }
0xd: {  	s15 =	sadd.s32 s12, s3;
	s13 =	ssub.s32 s10, s13;
	s14 =	sadd.s32 s12, s14  }
0xe: {  	v0 =	vimm.s32 $0x0;
	v1 =	vimm.s32 $0x1;
	s10 =	sor.u32 s9, s29;
	s9 =	sor.u32 $0x1C02, s30;
	s31 =	sshrl.u32 s14, $0x3  }
0xf: {  	v2 =	vimm.s32 $0x2;
	v3 =	vimm.s32 $0x3;
	v4 =	vimm.s32 $0x4;
	s10 =	smul.u32 $0x2880, s10;
	s12 =	smax.u32 s13, $0x1;
	s13 =	sshrl.u32 s15, $0x3  }
0x10: {  	v5 =	vimm.s32 $0x5;
	v6 =	vimm.s32 $0x6;
	v7 =	vimm.s32 $0x7;
	s14 =	simm.s32 $0x2;
	s15 =	simm.s32 $0x80;
	s11 =	sadd.s32 s11, s31  }
.LBB2_1:
0x11: {  	[spmem:s13], [sflag:s9] =	dma.local [hbm:s8], $0x2720  }
0x12: {  	_ =	swait.ge [sflag:s14], $0x2720  }
0x13: {  	[sflag:s14] =	ssyncset.done $0x0  }
0x14: {  	[sflag:s14] =	ssyncadd.s32 $0xFFFFD8E0  }
0x15: {  	s19 =	simm.s32 $0x0;
	[bflag:$0x0] =	sbarrier.arrive $0xFFFF  }
.LBB2_2:
0x16: {  	s20 =	sshll.u32 s19, $0x7  }
0x17: {  	s20 =	sadd.s32 s10, s20  }
0x18: {  	s21 =	sshrl.u32 s20, $0x3  }
0x19: {  	s23 =	simm.s32 $0x0;
	s22 =	sadd.s32 s2, s21  }
0x1a: {  	[tilespmem:s23], [sflag:$0x2] =	stream.linear.gather [hbm4b:s22+s23], $0x80, $0x38;
	[tilespmem:$0x1C200] =	vst v63  }
0x1b: {  	_ =	swait.ge [sflag:s14], $0x80  }
0x1c: {  	[sflag:s14] =	ssyncset.done $0x0  }
0x1d: {  	s21 =	sadd.s32 s6, s21;
	[sflag:s14] =	ssyncadd.s32 $0xFFFFFF80  }
0x1e: {  	[tilespmem:s15], [sflag:$0x2] =	stream.linear.gather [hbm4b:s21+s23], $0x80, $0x38;
	[tilespmem:$0x1C200] =	vst v63  }
0x1f: {  	_ =	swait.ge [sflag:s14], $0x80  }
0x20: {  	[sflag:s14] =	ssyncset.done $0x0  }
0x21: {  	[sflag:s14] =	ssyncadd.s32 $0xFFFFFF80  }
0x22: {  	[tilespmem:s16], [sflag:$0x1] =	stream.indirect.gather [hbm4b:s1+s15], $0x80, s23, s15, $0xb8;
	[tilespmem:$0x1C200] =	vst v63  }
0x23: {  	_ =	swait.ge [sflag:s17], $0x4000  }
0x24: {  	s20 =	sshll.u32 s20, $0x1;
	[sflag:s17] =	ssyncset.done $0x0  }
0x25: {  	s20 =	sadd.s32 s7, s20;
	s21 =	simm.s32 $0x4100;
	[sflag:s17] =	ssyncadd.s32 $0xFFFFC000  }
0x26: {  	[tilespmem:s21], [sflag:$0x2] =	stream.linear.gather [hbm4b:s20+s23], $0x800, $0x38;
	[tilespmem:$0x1C200] =	vst v63  }
0x27: {  	_ =	swait.ge [sflag:s14], $0x800  }
0x28: {  	[sflag:s14] =	ssyncset.done $0x0  }
0x29: {  	s20 =	simm.s32 $0x0;
	[sflag:s14] =	ssyncadd.s32 $0xFFFFF800  }
0x2a: {  	v9 =	vld [tilespmem:s20+$0x100]  }
0x2b: {  	s22 =	simm.s32 $0x200;
	v8 =	vld [tilespmem:s21+$0x0]  }
.LBB2_3:
0x2c: {  	p0 =	sne.s32 s22, $0xFE00;
	v10 =	vld [tilespmem:s20+$0x110]  }
0x2d: {  	v11 =	vld [tilespmem:s20+$0x120]  }
0x2e: {  	v12 =	vld [tilespmem:s20+$0x130]  }
0x2f: {  	v13 =	vld [tilespmem:s20+$0x140]  }
0x30: {  	v14 =	vperm.xlane v8, v0;
	v15 =	vperm.xlane v8, v1;
	v16 =	vld [tilespmem:s20+$0x150]  }
0x31: {  	v17 =	vperm.xlane v8, v2;
	v18 =	vperm.xlane v8, v3;
	v19 =	vld [tilespmem:s20+$0x160]  }
0x32: {  	v9 =	vmul.f32 v9, v14;
	v10 =	vmul.f32 v10, v15;
	v14 =	vld [tilespmem:s20+$0x170]  }
0x33: {  	v11 =	vmul.f32 v11, v17;
	v12 =	vmul.f32 v12, v18  }
0x34: {  	v15 =	vperm.xlane v8, v5;
	[tilespmem:s20+$0x4900] =	vst v9;
	v9 =	vperm.xlane v8, v4  }
0x35: {  	[tilespmem:s20+$0x4910] =	vst v10;
	v10 =	vperm.xlane v8, v6;
	v8 =	vperm.xlane v8, v7  }
0x36: {  	[tilespmem:s20+$0x4920] =	vst v11;
	v9 =	vmul.f32 v13, v9;
	v11 =	vmul.f32 v16, v15  }
0x37: {  	[tilespmem:s20+$0x4930] =	vst v12;
	v10 =	vmul.f32 v19, v10;
	v8 =	vmul.f32 v14, v8  }
.Ltmp0:
0x38: {  	[tilespmem:s20+$0x4940] =	vst v9;
	(pc) =	sbr.rel @p0 .LBB2_3-.Ltmp0, $4  }
0x39: {  	[tilespmem:s20+$0x4950] =	vst v11  }
0x3a: {  	s23 =	sshra.s32 s22, $0x2;
	[tilespmem:s20+$0x4960] =	vst v10  }
0x3b: {  	s21 =	sadd.s32 $0x10, s21;
	v9 =	vld [tilespmem:s23+$0x100];
	[tilespmem:s20+$0x4970] =	vst v8;
	s20 =	smov.u32 s23  }
0x3c: {  	s22 =	sadd.s32 $0x200, s22;
	v8 =	vld [tilespmem:s21+$0x0]  }
0x3d: {  	_ =	sdelay $0x1  }
0x3e: {  	v10 =	vld [tilespmem:s20+$0x110]  }
0x3f: {  	v11 =	vld [tilespmem:s20+$0x120]  }
0x40: {  	v12 =	vld [tilespmem:s20+$0x130];
	v14 =	vperm.xlane v8, v0;
	v15 =	vperm.xlane v8, v1  }
0x41: {  	v16 =	vld [tilespmem:s20+$0x150];
	v17 =	vperm.xlane v8, v2;
	v58 =	vperm.xlane v8, v3  }
0x42: {  	v59 =	vld [tilespmem:s20+$0x170];
	v60 =	vperm.xlane v8, v4;
	v9 =	vmul.f32 v9, v14  }
0x43: {  	v13 =	vld [tilespmem:s20+$0x140];
	v61 =	vperm.xlane v8, v5;
	v10 =	vmul.f32 v10, v15  }
0x44: {  	v18 =	vld [tilespmem:s20+$0x160];
	v62 =	vperm.xlane v8, v6;
	v11 =	vmul.f32 v11, v17;
	[tilespmem:s20+$0x4900] =	vst v9  }
0x45: {  	v8 =	vperm.xlane v8, v7;
	v12 =	vmul.f32 v12, v58;
	[tilespmem:s20+$0x4910] =	vst v10  }
0x46: {  	v63 =	vmul.f32 v16, v61;
	[tilespmem:s20+$0x4920] =	vst v11  }
0x47: {  	v8 =	vmul.f32 v59, v8;
	[tilespmem:s20+$0x4930] =	vst v12  }
0x48: {  	v9 =	vmul.f32 v13, v60;
	[tilespmem:s20+$0x4950] =	vst v63  }
0x49: {  	s19 =	sadd.s32 $0x1, s19;
	v10 =	vmul.f32 v18, v62;
	[tilespmem:s20+$0x4970] =	vst v8  }
0x4a: {  	p0 =	sne.s32 s19, $0x51;
	[tilespmem:s20+$0x4940] =	vst v9  }
.Ltmp1:
0x4b: {  	[tilespmem:s20+$0x4960] =	vst v10;
	(pc) =	sbr.rel @p0 .LBB2_2-.Ltmp1, $4  }
0x4c: {  	[spmem:s3] =	stream.indirect.scatter.add.f32 [tilespmem:s18], [sflag:$0x2], $0x80, s15, s15, $0xb8;
	[tilespmem:$0x1C200] =	vst v63  }
0x4d: {  	_ =	swait.ge [sflag:s14], $0x4000  }
0x4e: {  	[sflag:s14] =	ssyncset.done $0x0  }
0x4f: {  	[sflag:s14] =	ssyncadd.s32 $0xFFFFC000  }
0x50: {  	s5 =	sadd.s32 $0x1, s5  }
0x51: {  	p0 =	sne.s32 s5, s12  }
.Ltmp2:
0x52: {  	[bflag:$0x0] =	sbarrier.arrive $0xFFFF;
	(pc) =	sbr.rel @p0 .LBB2_1-.Ltmp2, $4  }
0x53: {  	[hbm:s11], [sflag:s9] =	dma.local [spmem:s13], $0x2720  }
0x54: {  	_ =	swait.ge [sflag:s14], $0x2720  }
0x55: {  	[sflag:s14] =	ssyncset.done $0x0  }
0x56: {  	[sflag:s14] =	ssyncadd.s32 $0xFFFFD8E0  }
0x57: {  	_ =	sfence.sel $0x180000  }
0x58: {  	[bflag:$0x0] =	sbarrier.arrive $0xFFFF  }
0x59: {  	p0 =	sne.s32 s4, $0x0;
	_ =	strace $0x9000004A  }
0x5a: {  	s0 =	sadd.s32 @!p0 $0x100000, s0;
	[bflag:$0x2] =	sbarrier.arrive $0xFFFF  }
0x5b: {  	[sflag:s0] =	ssyncadd.tile.s32 @!p0 $0x1;
	_ =	shalt  }
.Lfunc_end2:
_tile_overlayer_lowered:
.L_overlay_start_2:
0x5c: {  	(tag) =	ssettag $0x2  }
0x5d: {  	s0 =	rddreg [dreg:$0x0];
	s2 =	stileid.u32  }
0x5e: {  	s1 =	rddreg [dreg:$0x1];
	p0 =	sne.s32 s2, $0x0  }
0x5f: {  	s3 =	rddreg [dreg:$0x2];
	[bflag:$0x3] =	sbarrier.arrive $0xFFFF;
	s2 =	simm.s32 @!p0 $0x1C02  }
0x60: {  	[timem:s3], [sflag:s2] =	dma.local @!p0 [hbm:s0], s1  }
0x61: {  	s0 =	simm.s32 @!p0 $0x2  }
0x62: {  	_ =	swait.ge @!p0 [sflag:s0], s1  }
0x63: {  	s1 =	ssub.s32 @!p0 $0x0, s1;
	[sflag:s0] =	ssyncset.done @!p0 $0x0  }
0x64: {  	[sflag:s0] =	ssyncadd.s32 @!p0 s1  }
0x65: {  	[bflag:$0x3] =	sbarrier.arrive $0xFFFF  }
0x66: {  	_ =	shalt  }

// kernel: kernel.19.cloned.1.call-start
scs
__scs_entry_jumppad:
0x0: {  	(pc) =	sbr.rel $0x88, $3  }
0x1: {  	(tag) =	ssettag $0x0;
	lr =	simm.s32 $0x1  }
0x2: {  	[smem:$0x3F9B] =	sst lr;
	_ =	strace $0xD0000000  }
0x3: {  	_ = 	snop  }
0x4: {  	_ = 	snop  }
0x5: {  	_ = 	snop  }
0x6: {  	_ = 	snop  }
0x7: {  	_ = 	snop  }
__scs_overlays_trampoline_lowered:
0x8: {  	[smem:$0x3FAA] =	sst s0  }
0x9: {  	[smem:$0x3FAB] =	sst s1  }
0xa: {  	[smem:$0x3FAC] =	sst s2  }
0xb: {  	[smem:$0x3FAD] =	sst s3  }
0xc: {  	[smem:$0x3FAE] =	sst s4  }
0xd: {  	[smem:$0x3FAF] =	sst s5  }
0xe: {  	[smem:$0x3FB0] =	sst s6  }
0xf: {  	[smem:$0x3FB1] =	sst s7  }
0x10: {  	[smem:$0x3FB2] =	sst s8  }
0x11: {  	[smem:$0x3FB3] =	sst s9;
	s0 =	simm.s32 @!p0 $0x0  }
0x12: {  	s1 =	sld [smem:$0x3F99];
	s0 =	simm.s32 @p0 $0x1  }
0x13: {  	[smem:$0x3FB4] =	sst s0;
	s0 =	simm.s32 @!p1 $0x0  }
0x14: {  	s2 =	sld [smem:$0x3F98];
	s0 =	simm.s32 @p1 $0x1  }
0x15: {  	[smem:$0x3FB5] =	sst s0;
	s0 =	simm.s32 @!p2 $0x0  }
0x16: {  	s3 =	sld [smem:$0x3FDB];
	s0 =	simm.s32 @p2 $0x1  }
0x17: {  	s4 =	simm.s32 $0x1BF5;
	[smem:$0x3FB7] =	sst s0  }
0x18: {  	s0 =	sld [smem:$0x3F9A];
	_ =	swait.ge [sflag:s4], $0x0  }
0x19: {  	s7 =	sld [smem:$0x3F9B]  }
0x1a: {  	s8 =	sadd.s32 $0xFFFFE003, lr  }
0x1b: {  	s9 =	sadd.s32 $0xFFFFFEF7, lr;
	s5 =	simm.s32 $0xFFFFFFFF;
	p2 =	slt.u32 s8, $0xFFFFF086  }
0x1c: {  	p1 =	slt.u32 s9, $0xF7A;
	s5 =	simm.s32 @!p2 $0x0  }
0x1d: {  	s5 =	simm.s32 @p1 $0x1;
	p0 =	seq.s32 s7, s2  }
0x1e: {  	s7 =	smul.u32 @!p0 $0xF7A, s2;
	p2 =	seq.s32 @!p0 s5, $0x0  }
0x1f: {  	s9 =	smul.u32 $0xF7A, s1;
	s8 =	simm.s32 @!p0 $0x1BF5;
	p2 =	por !p2, p0  }
0x20: {  	[sflag:s8] =	ssyncset.s32 @!p0 $0xFFFFF086;
	s6 =	sadd.s32 @!p0 s3, s7;
	s7 =	simm.s32 @!p0 $0x108  }
0x21: {  	s3 =	sadd.s32 s3, s9;
	s6 =	sadd.s32 @!p0 $0x88, s6;
	s7 =	simm.s32 @p2 $0x1082  }
0x22: {  	[simem:s7], [sflag:s8] =	dma.local @!p0 [hbm:s6], $0xF7A  }
0x23: {  	s9 =	sor.u32 $0xD0000000, s2;
	s6 =	simm.s32 $0x108;
	_ =	swait.ge @!p0 [sflag:s8], $0x0  }
0x24: {  	s3 =	sadd.s32 $0x88, s3;
	s6 =	simm.s32 @!p1 $0x1082;
	[sflag:s4] =	ssyncset.s32 $0xFFFFF086  }
0x25: {  	[simem:s6], [sflag:s4] =	dma.local [hbm:s3], $0xF7A  }
0x26: {  	[smem:$0x3F9B] =	sst s1;
	(tag) =	ssettag s2;
	_ =	strace s9  }
0x27: {  	s1 =	sld [smem:$0x3FAB]  }
0x28: {  	s2 =	sld [smem:$0x3FAC]  }
0x29: {  	s4 =	sld [smem:$0x3FAE]  }
0x2a: {  	p0 =	seq.s32 s5, $0x0;
	s5 =	sld [smem:$0x3FAF]  }
0x2b: {  	s6 =	sld [smem:$0x3FB0]  }
0x2c: {  	s7 =	sld [smem:$0x3FB1]  }
0x2d: {  	s3 =	simm.s32 $0x108;
	s8 =	sld [smem:$0x3FB2]  }
0x2e: {  	s3 =	simm.s32 @!p0 $0x1082;
	s9 =	sld [smem:$0x3FB3]  }
0x2f: {  	lr =	sadd.s32 s0, s3;
	s0 =	sld [smem:$0x3FAA]  }
0x30: {  	s3 =	sld [smem:$0x3FAD]  }
0x31: {  	[smem:$0x3FB6] =	sst s10  }
0x32: {  	s10 =	sld [smem:$0x3FB4];
	_ =	sdelay $0x3  }
0x33: {  	p0 =	seq.s32 s10, $0x1;
	s10 =	sld [smem:$0x3FB6];
	_ =	sdelay $0x3  }
0x34: {  	[smem:$0x3FB6] =	sst s10  }
0x35: {  	s10 =	sld [smem:$0x3FB5];
	_ =	sdelay $0x3  }
0x36: {  	p1 =	seq.s32 s10, $0x1;
	s10 =	sld [smem:$0x3FB6];
	_ =	sdelay $0x3  }
0x37: {  	[smem:$0x3FB6] =	sst s10  }
0x38: {  	s10 =	sld [smem:$0x3FB7]  }
0x39: {  	_ = 	snop;
	(pc) =	sbr.ind lr, $3  }
0x3a: {  	_ = 	snop  }
0x3b: {  	_ = 	snop  }
0x3c: {  	p2 =	seq.s32 s10, $0x1;
	s10 =	sld [smem:$0x3FB6]  }
0x3d: {  	_ =	shalt  }
0x3e: {  	_ =	shalt  }
0x3f: {  	_ =	shalt  }
0x40: {  	_ =	shalt  }
0x41: {  	_ =	shalt  }
0x42: {  	_ =	shalt  }
0x43: {  	_ =	shalt  }
0x44: {  	_ =	shalt  }
0x45: {  	_ =	shalt  }
0x46: {  	_ =	shalt  }
0x47: {  	_ =	shalt  }
0x48: {  	_ =	shalt  }
0x49: {  	_ =	shalt  }
0x4a: {  	_ =	shalt  }
0x4b: {  	_ =	shalt  }
0x4c: {  	_ =	shalt  }
0x4d: {  	_ =	shalt  }
0x4e: {  	_ =	shalt  }
0x4f: {  	_ =	shalt  }
0x50: {  	_ =	shalt  }
0x51: {  	_ =	shalt  }
0x52: {  	_ =	shalt  }
0x53: {  	_ =	shalt  }
0x54: {  	_ =	shalt  }
0x55: {  	_ =	shalt  }
0x56: {  	_ =	shalt  }
0x57: {  	_ =	shalt  }
0x58: {  	_ =	shalt  }
0x59: {  	_ =	shalt  }
0x5a: {  	_ =	shalt  }
0x5b: {  	_ =	shalt  }
0x5c: {  	_ =	shalt  }
0x5d: {  	_ =	shalt  }
0x5e: {  	_ =	shalt  }
0x5f: {  	_ =	shalt  }
0x60: {  	_ =	shalt  }
0x61: {  	_ =	shalt  }
0x62: {  	_ =	shalt  }
0x63: {  	_ =	shalt  }
0x64: {  	_ =	shalt  }
0x65: {  	_ =	shalt  }
0x66: {  	_ =	shalt  }
0x67: {  	_ =	shalt  }
0x68: {  	_ =	shalt  }
0x69: {  	_ =	shalt  }
0x6a: {  	_ =	shalt  }
0x6b: {  	_ =	shalt  }
0x6c: {  	_ =	shalt  }
0x6d: {  	_ =	shalt  }
0x6e: {  	_ =	shalt  }
0x6f: {  	_ =	shalt  }
0x70: {  	_ =	shalt  }
0x71: {  	_ =	shalt  }
0x72: {  	_ =	shalt  }
0x73: {  	_ =	shalt  }
0x74: {  	_ =	shalt  }
0x75: {  	_ =	shalt  }
0x76: {  	_ =	shalt  }
0x77: {  	_ =	shalt  }
0x78: {  	_ =	shalt  }
0x79: {  	_ =	shalt  }
0x7a: {  	_ =	shalt  }
0x7b: {  	_ =	shalt  }
0x7c: {  	_ =	shalt  }
0x7d: {  	_ =	shalt  }
0x7e: {  	_ =	shalt  }
0x7f: {  	_ =	shalt  }
0x80: {  	_ =	shalt  }
0x81: {  	_ =	shalt  }
0x82: {  	_ =	shalt  }
0x83: {  	_ =	shalt  }
0x84: {  	_ =	shalt  }
0x85: {  	_ =	shalt  }
0x86: {  	_ =	shalt  }
0x87: {  	_ =	shalt  }
.Lfunc_end0:
.L_simem_size_0:
called_computation.2_lowered:
.L_overlay_start_0:
0x88: {  	s2 =	sld [smem:$0x3FD9]  }
0x89: {  	s3 =	sld [smem:$0x3FFE];
	_ =	sdelay $0x1  }
0x8a: {  	s1 =	srdreg.scid  }
0x8b: {  	s0 =	sand.u32 $0x1, s1  }
0x8c: {  	s14 =	sshll.u32 s0, $0xA;
	s2 =	sadd.s32 s3, s2  }
0x8d: {  	s2 =	sadd.s32 s2, s14  }
0x8e: {  	[smem:$0x3FC2] =	sst s2  }
0x8f: {  	_ = 	snop  }
0x90: {  	s2 =	sld [smem:$0x3FD0];
	_ =	sdelay $0x2  }
0x91: {  	s15 =	simm.s32 $0xA;
	s4 =	simm.s32 $0x10  }
0x92: {  	[smem:s4], [sflag:s15] =	dma.local [hbm:s2], $0x1  }
0x93: {  	_ =	swait.eq [sflag:s15], $0x1  }
0x94: {  	[sflag:s15] =	ssyncset.done $0x0  }
0x95: {  	s16 =	sld [smem:$0x10];
	[sflag:s15] =	ssyncadd.s32 $0xFFFFFFFF  }
0x96: {  	s17 =	sld [smem:$0x12];
	(tm) =	ssettm $0x1  }
0x97: {  	s18 =	sld [smem:$0x3FFB];
	_ =	sdelay $0x3  }
0x98: {  	_ =	strace s18  }
0x99: {  	s4 =	sld [smem:$0x3FFC];
	_ =	sdelay $0x3  }
0x9a: {  	_ =	strace s4  }
0x9b: {  	s4 =	sld [smem:$0x3FFD];
	_ =	sdelay $0x3  }
0x9c: {  	_ =	strace s4  }
0x9d: {  	_ =	strace $0x8FFFFFFF  }
0x9e: {  	s19 =	sld [smem:$0x3FDB];
	_ =	sdelay $0x1  }
0x9f: {  	s5 =	simm.s32 $_scs_section_size  }
0xa0: {  	s6 =	simm.s32 $_size__tile_overlayer_lowered;
	s7 =	simm.s32 $_tile_overlayer_lowered  }
0xa1: {  	s22 =	simm.s32 $0x1BFF;
	s21 =	sshll.u32 s7, $0x1;
	s4 =	sadd.s32 s5, s19  }
0xa2: {  	s8 =	simm.s32 $0x0;
	s20 =	sshll.u32 s6, $0x1;
	s6 =	sadd.s32 s21, s4  }
0xa3: {  	[timem:s8], [sflag:s22] =	dma.local [hbm:s6], s20  }
0xa4: {  	_ =	swait.ge [sflag:s22], s20  }
0xa5: {  	s5 =	ssub.s32 $0x0, s20;
	[sflag:s22] =	ssyncset.done $0x0  }
0xa6: {  	[sflag:s22] =	ssyncadd.s32 s5;
	_ =	sdelay $0x1  }
0xa7: {  	s23 =	simm.s32 $0x1B8B  }
0xa8: {  	_ =	swait.ge [sflag:s23], $0x1  }
0xa9: {  	[sflag:s23] =	ssyncset.done $0x0  }
0xaa: {  	s25 =	simm.s32 $0x1B8E;
	s24 =	sld [smem:$0x3FFE];
	[sflag:s23] =	ssyncadd.s32 $0xFFFFFFFF  }
0xab: {  	s26 =	simm.s32 $execute0_lowered;
	[smem:$0x3FD2] =	sst s25  }
0xac: {  	s6 =	sshll.u32 s26, $0x1;
	_ =	strace $0x8000004C;
	[dreg:$0x1] =	wrdreg $0xFFFFFFFF  }
0xad: {  	s28 =	simm.s32 $_size_execute0_lowered;
	s4 =	sadd.s32 s4, s6;
	[dreg:$0x0] =	wrdreg $0x0  }
0xae: {  	s6 =	sshll.u32 s28, $0x1;
	[dreg:$0x2] =	wrdreg s4  }
0xaf: {  	[dreg:$0x3] =	wrdreg s6  }
0xb0: {  	[dreg:$0x4] =	wrdreg $0xC0  }
0xb1: {  	_ =	task [dreg:s8], $0x5FFFF  }
0xb2: {  	[dreg:$0x1] =	wrdreg $0xFFFFFFFF  }
0xb3: {  	[dreg:$0x0] =	wrdreg $0x60  }
0xb4: {  	[dreg:$0x2] =	wrdreg s24  }
0xb5: {  	[dreg:$0x3] =	wrdreg s16  }
0xb6: {  	[dreg:$0x4] =	wrdreg s17  }
0xb7: {  	[dreg:$0x5] =	wrdreg $0x174000  }
0xb8: {  	[dreg:$0x6] =	wrdreg $0x9  }
0xb9: {  	_ =	task.clear_ibuf [dreg:s8], $0x7FFFF;
	_ =	strace $0x9000004C  }
0xba: {  	s29 =	simm.s32 $0x9;
	_ =	strace $0x8000004E  }
0xbb: {  	_ =	swait.ge [sflag:s29], $0x1  }
0xbc: {  	[sflag:s29] =	ssyncadd.s32 $0xFFFFFFFF  }
0xbd: {  	_ =	strace $0x9000004E  }
0xbe: {  	_ =	sfence  }
0xbf: {  	s30 =	sld [smem:$0x0];
	_ =	sdelay $0x2  }
0xc0: {  	s31 =	sshll.u32 s1, $0xD;
	s1 =	sshrl.u32 s1, $0x2  }
0xc1: {  	s3 =	sand.u32 $0x4000, s31;
	s1 =	sadd.s32 s1, s30  }
0xc2: {  	s0 =	sor.u32 s3, s0;
	s1 =	sshll.u32 s1, $0x11  }
0xc3: {  	s0 =	sor.u32 s1, s0  }
0xc4: {  	s0 =	sadd.s32 $0x8F2B, s0  }
0xc5: {  	[sflag:s0] =	ssyncadd.remote.s32 $0x1  }
0xc6: {  	_ =	sfence.sel $0xFFFF  }
0xc7: {  	[dreg:$0x0] =	wrdreg $0xFFFFFFFF;
	(pc) =	sbr.abs _section_cstart, $3  }
0xc8: {  	[dreg:$0x1] =	wrdreg $0xFFFFFFFF  }
0xc9: {  	_ =	task.clear_ibuf [dreg:s8], $0x2FFFF;
	_ =	strace $0x9FFFFFFF  }
0xca: {  	(tm) =	ssettm $0x7FFFFFFF  }
0xcb: {  	_ =	shalt  }
tec
execute0_lowered:
.L_overlay_start_1:
0x0: {  	(tag) =	ssettag $0x1  }
0x1: {  	s0 =	rddreg [dreg:$0x0]  }
0x2: {  	s1 =	rddreg [dreg:$0x1];
	s2 =	srdreg.scid  }
0x3: {  	s14 =	stileid.u32;
	s6 =	rddreg [dreg:$0x2]  }
0x4: {  	s18 =	simm.s32 $0x30;
	s19 =	simm.s32 $0x5100;
	s20 =	simm.s32 $0x9900  }
0x5: {  	s21 =	simm.s32 $0xE100;
	s22 =	simm.s32 $0x12900;
	s23 =	simm.s32 $0x1  }
0x6: {  	s24 =	simm.s32 $0x2;
	s25 =	simm.s32 $0x17100;
	s28 =	simm.s32 $0x4  }
0x7: {  	s30 =	simm.s32 $0x50D0;
	s8 =	sand.u32 $0x1, s2;
	s3 =	sshll.u32 s14, $0x1  }
0x8: {  	s2 =	rddreg [dreg:$0x3];
	s5 =	sadd.s32 $0x82E00, s0;
	s7 =	sadd.s32 $0xD200, s0  }
0x9: {  	s12 =	smul.u32 $0x2720, s14;
	s14 =	sshll.u32 s14, $0x6;
	s9 =	sor.u32 s8, s3  }
0xa: {  	s3 =	simm.s32 $0x0;
	s26 =	ssub.s32 $0x2, s8;
	s15 =	smul.u32 $0x27200, s8  }
0xb: {  	s8 =	sor.u32 $0x1C05, s14;
	s4 =	smul.u32 $0x2880, s9;
	[smem:$0x7FF] =	sst s3  }
0xc: {  	s9 =	smul.u32 $0x28800, s9;
	s13 =	sshrl.u32 s26, $0x1;
	s16 =	sadd.s32 s12, s2  }
0xd: {  	_ =	strace $0x8000004D;
	[dreg:$0x5] =	wrdreg s7;
	s7 =	sadd.s32 $0xF8400, s0  }
0xe: {  	s31 =	sadd.s32 s12, s15;
	s15 =	sshrl.u32 s16, $0x3;
	s16 =	simm.s32 $0x5  }
0xf: {  	s10 =	sshrl.u32 s4, $0x3;
	s29 =	sshrl.u32 s9, $0x3;
	s9 =	sshrl.u32 s31, $0x3  }
0x10: {  	s11 =	sadd.s32 s10, s0;
	s0 =	ssub.s32 s26, s13;
	s1 =	sadd.s32 s1, s10  }
0x11: {  	s13 =	sadd.s32 s6, s9;
	s26 =	simm.s32 $0x3;
	[dreg:$0x6] =	wrdreg s1  }
0x12: {  	s10 =	sadd.s32 $0x3000, s11;
	s1 =	sadd.s32 s7, s29;
	s14 =	smax.u32 s0, $0x1  }
0x13: {  	v0 =	vimm.f32 $0.0e+00;
	s11 =	sadd.s32 $0x5040, s1;
	s12 =	sadd.s32 $0x50A0, s1;
	s1 =	simm.s32 $0x0  }
.LBB2_1:
0x14: {  	s0 =	rddreg [dreg:$0x5]  }
0x15: {  	[spmem:s15], [sflag:s8] =	dma.local [hbm:s0], $0x4E4  }
0x16: {  	_ =	swait.ge [sflag:s16], $0x4E4  }
0x17: {  	[sflag:s16] =	ssyncset.done $0x0  }
0x18: {  	[sflag:s16] =	ssyncadd.s32 $0xFFFFFB1C  }
0x19: {  	[bflag:$0x0] =	sbarrier.arrive $0xFFFF  }
0x1a: {  	s29 =	rddreg [dreg:$0x6]  }
0x1b: {  	[tilespmem:s3], [sflag:$0x5] =	stream.linear.gather [hbm4b:s29+s3], $0x2880, $0x38;
	[tilespmem:$0x19B20] =	vst v63  }
0x1c: {  	_ =	swait.ge [sflag:s16], $0x2880  }
0x1d: {  	[sflag:s16] =	ssyncset.done $0x0  }
0x1e: {  	s31 =	simm.s32 $0x2880;
	[sflag:s16] =	ssyncadd.s32 $0xFFFFD780  }
0x1f: {  	[tilespmem:s31], [sflag:$0x5] =	stream.linear.gather [hbm4b:s10+s3], $0x2880, $0x38;
	[tilespmem:$0x19B20] =	vst v63  }
0x20: {  	_ =	swait.ge [sflag:s16], $0x2880  }
0x21: {  	[sflag:s16] =	ssyncset.done $0x0  }
0x22: {  	[sflag:s16] =	ssyncadd.s32 $0xFFFFD780  }
0x23: {  	[tilespmem:$0x17100] =	vst v0  }
0x24: {  	[tilespmem:$0x17110] =	vst v0  }
0x25: {  	[tilespmem:$0x17120] =	vst v0  }
0x26: {  	[tilespmem:$0x17130] =	vst v0  }
0x27: {  	[tilespmem:$0x17140] =	vst v0  }
0x28: {  	[tilespmem:$0x17150] =	vst v0  }
0x29: {  	[tilespmem:$0x17160] =	vst v0  }
0x2a: {  	[tilespmem:$0x17170] =	vst v0  }
0x2b: {  	[tilespmem:$0x17180] =	vst v0  }
0x2c: {  	[tilespmem:$0x17190] =	vst v0  }
0x2d: {  	[tilespmem:$0x171A0] =	vst v0  }
0x2e: {  	[tilespmem:$0x171B0] =	vst v0  }
0x2f: {  	[tilespmem:$0x171C0] =	vst v0  }
0x30: {  	[tilespmem:$0x171D0] =	vst v0  }
0x31: {  	[tilespmem:$0x171E0] =	vst v0  }
0x32: {  	[tilespmem:$0x171F0] =	vst v0  }
0x33: {  	[tilespmem:$0x17200] =	vst v0  }
0x34: {  	[tilespmem:$0x17210] =	vst v0  }
0x35: {  	[tilespmem:$0x17220] =	vst v0  }
0x36: {  	[tilespmem:$0x17230] =	vst v0  }
0x37: {  	[tilespmem:$0x17240] =	vst v0  }
0x38: {  	[tilespmem:$0x17250] =	vst v0  }
0x39: {  	[tilespmem:$0x17260] =	vst v0  }
0x3a: {  	[tilespmem:$0x17270] =	vst v0  }
0x3b: {  	[tilespmem:$0x17280] =	vst v0  }
0x3c: {  	[tilespmem:$0x17290] =	vst v0  }
0x3d: {  	[tilespmem:$0x172A0] =	vst v0  }
0x3e: {  	[tilespmem:$0x172B0] =	vst v0  }
0x3f: {  	[tilespmem:$0x172C0] =	vst v0  }
0x40: {  	[tilespmem:$0x172D0] =	vst v0  }
0x41: {  	[tilespmem:$0x172E0] =	vst v0  }
0x42: {  	[tilespmem:$0x172F0] =	vst v0  }
0x43: {  	[tilespmem:$0x17300] =	vst v0  }
0x44: {  	[tilespmem:$0x17310] =	vst v0  }
0x45: {  	[tilespmem:$0x17320] =	vst v0  }
0x46: {  	[tilespmem:$0x17330] =	vst v0  }
0x47: {  	[tilespmem:$0x17340] =	vst v0  }
0x48: {  	[tilespmem:$0x17350] =	vst v0  }
0x49: {  	[tilespmem:$0x17360] =	vst v0  }
0x4a: {  	[tilespmem:$0x17370] =	vst v0  }
0x4b: {  	[tilespmem:$0x17380] =	vst v0  }
0x4c: {  	[tilespmem:$0x17390] =	vst v0  }
0x4d: {  	[tilespmem:$0x173A0] =	vst v0  }
0x4e: {  	[tilespmem:$0x173B0] =	vst v0  }
0x4f: {  	[tilespmem:$0x173C0] =	vst v0  }
0x50: {  	[tilespmem:$0x173D0] =	vst v0  }
0x51: {  	[tilespmem:$0x173E0] =	vst v0  }
0x52: {  	[tilespmem:$0x173F0] =	vst v0  }
0x53: {  	[tilespmem:s19], [sflag:$0x1] =	stream.indirect.gather [hbm4b:s5+s18], $0x180, s3, s18, $0xb8;
	[tilespmem:$0x19B20] =	vst v63  }
0x54: {  	s0 =	simm.s32 $0x0  }
0x55: {  	[tilespmem:s20], [sflag:$0x2] =	stream.indirect.gather [hbm4b:s5+s18], $0x180, s31, s18, $0xb8;
	[tilespmem:$0x19B20] =	vst v63  }
.LBB2_2:
0x56: {  	s6 =	smul.u32 $0x60, s0;
	_ =	sdelay $0x1  }
0x57: {  	s31 =	sadd.s32 $0x30, s6  }
0x58: {  	[tilespmem:s21], [sflag:$0x3] =	stream.indirect.gather [hbm4b:s5+s18], $0x180, s31, s18, $0xb8;
	[tilespmem:$0x19B20] =	vst v63  }
0x59: {  	s29 =	sadd.s32 $0x28B0, s6  }
0x5a: {  	[tilespmem:s22], [sflag:$0x4] =	stream.indirect.gather [hbm4b:s5+s18], $0x180, s29, s18, $0xb8;
	[tilespmem:$0x19B20] =	vst v63  }
0x5b: {  	_ =	swait.ge [sflag:s23], $0x4800  }
0x5c: {  	[sflag:s23] =	ssyncset.done $0x0  }
0x5d: {  	[sflag:s23] =	ssyncadd.s32 $0xFFFFB800  }
0x5e: {  	_ =	swait.ge [sflag:s24], $0x4800  }
0x5f: {  	[sflag:s24] =	ssyncset.done $0x0  }
0x60: {  	s17 =	simm.s32 $0x0;
	[sflag:s24] =	ssyncadd.s32 $0xFFFFB800  }
.LBB2_3:
0x61: {  	s9 =	sshll.u32 s17, $0x4;
	v3 =	vlaneseq.u32  }
0x62: {  	v1 =	vor.u32 s9, v3  }
0x63: {  	v13 =	vmul.u32 $0x180, v1  }
0x64: {  	v4 =	vand.u32 $0xFFFFFFF8, v3  }
0x65: {  	v10 =	vand.u32 $0x7, v3;
	v2 =	vadd.s32 v13, v4  }
0x66: {  	v14 =	vor.u32 $0x30, v13;
	v2 =	vor.u32 v10, v2  }
0x67: {  	v5 =	vadd.s32 v14, v4  }
0x68: {  	v9 =	vadd.s32 $0x90, v13;
	v12 =	vor.u32 v10, v5  }
0x69: {  	v11 =	vor.u32 $0x60, v13;
	v17 =	vadd.s32 v9, v4  }
0x6a: {  	v8 =	vadd.s32 $0xC0, v13;
	v5 =	vadd.s32 v11, v4;
	v17 =	vor.u32 v10, v17  }
0x6b: {  	v7 =	vadd.s32 $0xF0, v13;
	v6 =	vadd.s32 $0x120, v13;
	v15 =	vor.u32 v10, v5;
	v16 =	vld.idx.msk [tilespmem:v2+s19+$0x0], $0xffff  }
0x6c: {  	v19 =	vadd.s32 v8, v4;
	v20 =	vadd.s32 v7, v4;
	v5 =	vadd.s32 $0x150, v13;
	v24 =	vld.idx.msk [tilespmem:v2+s20+$0x0], $0xffff  }
0x6d: {  	v21 =	vadd.s32 v6, v4;
	v29 =	vor.u32 v10, v19;
	v4 =	vadd.s32 v5, v4;
	v18 =	vld.idx.msk [tilespmem:v12+s19+$0x0], $0xffff  }
0x6e: {  	v26 =	vor.u32 v10, v20;
	v21 =	vor.u32 v10, v21;
	v23 =	vor.u32 v10, v4;
	v19 =	vld.idx.msk [tilespmem:v12+s20+$0x0], $0xffff  }
0x6f: {  	v10 =	vimm.f32 $0.0e+00;
	v4 =	vimm.f32 $0.0e+00;
	v12 =	vadd.s32 $0x1, v3;
	v27 =	vld.idx.msk [tilespmem:v17+s20+$0x0], $0xffff  }
0x70: {  	v2 =	vimm.f32 $0.0e+00;
	v3 =	vadd.s32 $0xFFFFFFD1, v3;
	v20 =	vld.idx.msk [tilespmem:v15+s19+$0x0], $0xffff;
	vm0 =	vgt.s32 v12, $0x2F  }
0x71: {  	v22 =	vld.idx.msk [tilespmem:v15+s20+$0x0], $0xffff;
	v15 =	vimm.f32 $0.0e+00;
	v28 =	vsel vm0, v3, v12;
	v12 =	vimm.f32 $0.0e+00  }
0x72: {  	v30 =	vld.idx.msk [tilespmem:v29+s19+$0x0], $0xffff;
	v3 =	vimm.f32 $0.0e+00;
	v32 =	vand.u32 $0xFFFFFFF8, v28;
	v31 =	vand.u32 $0x7, v28  }
0x73: {  	s9 =	simm.s32 $0x2E;
	v25 =	vmul.f32 v24, v16;
	v24 =	vld.idx.msk [tilespmem:v17+s19+$0x0], $0xffff;
	v16 =	vimm.f32 $0.0e+00;
	v17 =	vimm.f32 $0.0e+00  }
.LBB2_4:
0x74: {  	p0 =	sne.s32 s9, $0x1;
	v33 =	vadd.s32 v13, v32;
	v34 =	vadd.s32 v14, v32;
	v35 =	vadd.s32 v11, v32;
	v36 =	vld.idx.msk [tilespmem:v29+s20+$0x0], $0xffff  }
0x75: {  	v29 =	vadd.s32 v9, v32;
	v37 =	vadd.s32 v8, v32;
	v38 =	vadd.s32 v7, v32;
	v39 =	vld.idx.msk [tilespmem:v26+s19+$0x0], $0xffff  }
0x76: {  	v40 =	vadd.s32 v6, v32;
	v32 =	vadd.s32 v5, v32;
	v33 =	vor.u32 v31, v33;
	v41 =	vld.idx.msk [tilespmem:v26+s20+$0x0], $0xffff  }
0x77: {  	v34 =	vor.u32 v31, v34;
	v35 =	vor.u32 v31, v35;
	v42 =	vor.u32 v31, v29;
	v43 =	vld.idx.msk [tilespmem:v21+s19+$0x0], $0xffff  }
0x78: {  	v29 =	vor.u32 v31, v37;
	v26 =	vor.u32 v31, v38;
	v37 =	vld.idx.msk [tilespmem:v21+s20+$0x0], $0xffff;
	v21 =	vor.u32 v31, v40  }
0x79: {  	v18 =	vmul.f32 v19, v18;
	v19 =	vmul.f32 v22, v20;
	v31 =	vor.u32 v31, v32;
	v32 =	vld.idx.msk [tilespmem:v23+s19+$0x0], $0xffff  }
0x7a: {  	v2 =	vadd.f32 v25, v2;
	v20 =	vmul.f32 v27, v24;
	v22 =	vmul.f32 v36, v30;
	v24 =	vld.idx.msk [tilespmem:v23+s20+$0x0], $0xffff  }
0x7b: {  	v15 =	vadd.f32 v18, v15;
	v16 =	vadd.f32 v19, v16;
	v23 =	vmov v31;
	v25 =	vld.idx.msk [tilespmem:v33+s19+$0x0], $0xffff  }
0x7c: {  	v17 =	vadd.f32 v20, v17;
	v12 =	vadd.f32 v22, v12;
	v20 =	vmul.f32 v41, v39;
	v27 =	vld.idx.msk [tilespmem:v33+s20+$0x0], $0xffff  }
0x7d: {  	v18 =	vld.idx.msk [tilespmem:v34+s19+$0x0], $0xffff  }
0x7e: {  	v10 =	vadd.f32 v20, v10;
	v30 =	vmul.f32 v37, v43;
	v19 =	vld.idx.msk [tilespmem:v34+s20+$0x0], $0xffff  }
.Ltmp0:
0x7f: {  	v20 =	vld.idx.msk [tilespmem:v35+s19+$0x0], $0xffff;
	(pc) =	sbr.rel @p0 .LBB2_4-.Ltmp0, $4  }
0x80: {  	v31 =	vadd.s32 $0x1, v28;
	v4 =	vadd.f32 v30, v4;
	v30 =	vmul.f32 v24, v32;
	v22 =	vld.idx.msk [tilespmem:v35+s20+$0x0], $0xffff  }
0x81: {  	v28 =	vadd.s32 $0xFFFFFFD1, v28;
	vm0 =	vgt.s32 v31, $0x2F;
	v24 =	vld.idx.msk [tilespmem:v42+s19+$0x0], $0xffff  }
0x82: {  	v28 =	vsel vm0, v28, v31;
	v25 =	vmul.f32 v27, v25;
	v3 =	vadd.f32 v30, v3;
	v27 =	vld.idx.msk [tilespmem:v42+s20+$0x0], $0xffff  }
0x83: {  	s9 =	sadd.s32 $0xFFFFFFFF, s9;
	v31 =	vand.u32 $0x7, v28;
	v32 =	vand.u32 $0xFFFFFFF8, v28;
	v30 =	vld.idx.msk [tilespmem:v29+s19+$0x0], $0xffff  }
0x84: {  	_ =	sdelay $0x3  }
0x85: {  	v28 =	vld.idx.msk [tilespmem:v29+s20+$0x0], $0xffff  }
0x86: {  	v13 =	vadd.s32 v13, v32;
	v40 =	vld.idx.msk [tilespmem:v26+s19+$0x0], $0xffff  }
0x87: {  	v41 =	vld.idx.msk [tilespmem:v26+s20+$0x0], $0xffff;
	v13 =	vor.u32 v31, v13  }
0x88: {  	v14 =	vadd.s32 v14, v32;
	v33 =	vld.idx.msk [tilespmem:v21+s19+$0x0], $0xffff  }
0x89: {  	v42 =	vld.idx.msk [tilespmem:v21+s20+$0x0], $0xffff;
	v14 =	vor.u32 v31, v14  }
0x8a: {  	v11 =	vadd.s32 v11, v32;
	v34 =	vld.idx.msk [tilespmem:v23+s19+$0x0], $0xffff  }
0x8b: {  	v43 =	vld.idx.msk [tilespmem:v23+s20+$0x0], $0xffff;
	v11 =	vor.u32 v31, v11  }
0x8c: {  	v9 =	vadd.s32 v9, v32;
	v35 =	vld.idx.msk [tilespmem:v13+s19+$0x0], $0xffff  }
0x8d: {  	v9 =	vor.u32 v31, v9;
	v13 =	vld.idx.msk [tilespmem:v13+s20+$0x0], $0xffff  }
0x8e: {  	v8 =	vadd.s32 v8, v32;
	v36 =	vld.idx.msk [tilespmem:v14+s19+$0x0], $0xffff  }
0x8f: {  	v8 =	vor.u32 v31, v8;
	v14 =	vld.idx.msk [tilespmem:v14+s20+$0x0], $0xffff  }
0x90: {  	v7 =	vadd.s32 v7, v32;
	v37 =	vld.idx.msk [tilespmem:v11+s19+$0x0], $0xffff  }
0x91: {  	v7 =	vor.u32 v31, v7;
	v11 =	vld.idx.msk [tilespmem:v11+s20+$0x0], $0xffff  }
0x92: {  	v6 =	vadd.s32 v6, v32;
	v38 =	vld.idx.msk [tilespmem:v9+s19+$0x0], $0xffff  }
0x93: {  	v6 =	vor.u32 v31, v6;
	v9 =	vld.idx.msk [tilespmem:v9+s20+$0x0], $0xffff  }
0x94: {  	v5 =	vadd.s32 v5, v32;
	v44 =	vld.idx.msk [tilespmem:v8+s19+$0x0], $0xffff  }
0x95: {  	v5 =	vor.u32 v31, v5;
	v8 =	vld.idx.msk [tilespmem:v8+s20+$0x0], $0xffff  }
0x96: {  	v45 =	vld.idx.msk [tilespmem:v7+s19+$0x0], $0xffff  }
0x97: {  	v18 =	vmul.f32 v19, v18;
	v46 =	vmul.f32 v22, v20;
	v7 =	vld.idx.msk [tilespmem:v7+s20+$0x0], $0xffff  }
0x98: {  	v2 =	vadd.f32 v25, v2;
	v47 =	vmul.f32 v27, v24;
	v48 =	vld.idx.msk [tilespmem:v6+s19+$0x0], $0xffff  }
0x99: {  	v15 =	vadd.f32 v18, v15;
	v16 =	vadd.f32 v46, v16;
	v49 =	vmul.f32 v28, v30;
	v6 =	vld.idx.msk [tilespmem:v6+s20+$0x0], $0xffff  }
0x9a: {  	v17 =	vadd.f32 v47, v17;
	v50 =	vmul.f32 v41, v40;
	v52 =	vmul.f32 v42, v33;
	v51 =	vld.idx.msk [tilespmem:v5+s19+$0x0], $0xffff  }
0x9b: {  	v53 =	vmul.f32 v43, v34;
	v5 =	vld.idx.msk [tilespmem:v5+s20+$0x0], $0xffff;
	v12 =	vadd.f32 v49, v12;
	v13 =	vmul.f32 v13, v35  }
0x9c: {  	v10 =	vadd.f32 v50, v10;
	v4 =	vadd.f32 v52, v4;
	v14 =	vmul.f32 v14, v36  }
0x9d: {  	v11 =	vmul.f32 v11, v37;
	v9 =	vmul.f32 v9, v38;
	v2 =	vadd.f32 v13, v2  }
0x9e: {  	v8 =	vmul.f32 v8, v44;
	v7 =	vmul.f32 v7, v45;
	v54 =	vadd.f32 v14, v15  }
0x9f: {  	v6 =	vmul.f32 v6, v48;
	v11 =	vadd.f32 v11, v16;
	v2 =	vmul.f32 $1.581138820e-01, v2  }
0xa0: {  	v5 =	vmul.f32 v5, v51;
	v9 =	vadd.f32 v9, v17;
	v13 =	vmul.f32 $1.581138820e-01, v54  }
0xa1: {  	v3 =	vadd.f32 v53, v3;
	v11 =	vmul.f32 $1.581138820e-01, v11;
	v2 =	vmul.f32 $1.442695020e+00, v2  }
0xa2: {  	v7 =	vadd.f32 v7, v10;
	v9 =	vmul.f32 $1.581138820e-01, v9;
	v13 =	vmul.f32 $1.442695020e+00, v13  }
0xa3: {  	v8 =	vadd.f32 v8, v12;
	(erf) = vpow2.f32 v2;
	v2 =	vmul.f32 $1.442695020e+00, v11  }
0xa4: {  	v4 =	vadd.f32 v6, v4;
	v55 =	vmul.f32 $1.581138820e-01, v7;
	(erf) = vpow2.f32 v13  }
0xa5: {  	v3 =	vadd.f32 v5, v3;
	(erf) = vpow2.f32 v2;
	v2 =	vmul.f32 $1.581138820e-01, v8  }
0xa6: {  	v4 =	vmul.f32 $1.581138820e-01, v4;
	v9 =	vmul.f32 $1.442695020e+00, v9  }
0xa7: {  	v3 =	vmul.f32 $1.581138820e-01, v3;
	v2 =	vmul.f32 $1.442695020e+00, v2  }
0xa8: {  	v5 =	vmul.f32 $1.442695020e+00, v55;
	(erf) = vpow2.f32 v9  }
0xa9: {  	(erf) = vpow2.f32 v2;
	v2 =	vmul.f32 $1.442695020e+00, v4  }
0xaa: {  	v1 =	vshll.u32 v1, $0x4;
	v3 =	vmul.f32 $1.442695020e+00, v3;
	(erf) = vpow2.f32 v5  }
0xab: {  	v56 =	vor.u32 $0x1, v1;
	(erf) = vpow2.f32 v2  }
0xac: {  	v2 =	vor.u32 $0x2, v1;
	(erf) = vpow2.f32 v3  }
0xad: {  	v3 =	vor.u32 $0x3, v1  }
0xae: {  	v58 =	vor.u32 $0x4, v1;
	v57 =	vpop (erf)  }
0xaf: {  	v60 =	vor.u32 $0x5, v1;
	v59 =	vpop (erf);
	[tilespmem:v1+s25+$0x0] =	vst.idx.msk $0xffff, v57  }
0xb0: {  	s17 =	sadd.s32 $0x1, s17;
	v62 =	vor.u32 $0x6, v1;
	v61 =	vpop (erf);
	[tilespmem:v56+s25+$0x0] =	vst.idx.msk $0xffff, v59  }
0xb1: {  	p0 =	sne.s32 s17, $0x3;
	v1 =	vor.u32 $0x7, v1;
	v63 =	vpop (erf);
	[tilespmem:v2+s25+$0x0] =	vst.idx.msk $0xffff, v61  }
.Ltmp1:
0xb2: {  	[tilespmem:v3+s25+$0x0] =	vst.idx.msk $0xffff, v63;
	v2 =	vpop (erf);
	(pc) =	sbr.rel @p0 .LBB2_3-.Ltmp1, $4  }
0xb3: {  	v3 =	vpop (erf);
	[tilespmem:v58+s25+$0x0] =	vst.idx.msk $0xffff, v2  }
0xb4: {  	v2 =	vpop (erf);
	[tilespmem:v60+s25+$0x0] =	vst.idx.msk $0xffff, v3  }
0xb5: {  	[tilespmem:v62+s25+$0x0] =	vst.idx.msk $0xffff, v2;
	v2 =	vpop (erf)  }
0xb6: {  	[tilespmem:v1+s25+$0x0] =	vst.idx.msk $0xffff, v2  }
0xb7: {  	s9 =	sadd.s32 s4, s6  }
0xb8: {  	s9 =	sshll.u32 s9, $0x1  }
0xb9: {  	s17 =	simm.s32 $0x0;
	s9 =	sadd.s32 s7, s9  }
0xba: {  	[hbm4b:s9+s17] =	stream.linear.scatter [tilespmem:s25], [sflag:$0x5], $0x300, $0x38;
	[tilespmem:$0x19B20] =	vst v63  }
0xbb: {  	s9 =	smul.u32 $0x180, s0  }
0xbc: {  	_ =	swait.ge [sflag:s16], $0x300  }
0xbd: {  	[sflag:s16] =	ssyncset.done $0x0;
	s9 =	sshra.s32 s9, $0x2  }
0xbe: {  	[sflag:s16] =	ssyncadd.s32 $0xFFFFFD00;
	s9 =	sadd.s32 $0x2880, s9  }
0xbf: {  	[spmem:s2] =	stream.indirect.scatter.add.f32 [tilespmem:s25], [sflag:$0x5], $0x10, s9, s18, $0xb8;
	[tilespmem:$0x19B20] =	vst v63  }
0xc0: {  	_ =	swait.ge [sflag:s16], $0x300  }
0xc1: {  	[sflag:s16] =	ssyncset.done $0x0  }
0xc2: {  	s9 =	sadd.s32 $0x60, s6;
	[sflag:s16] =	ssyncadd.s32 $0xFFFFFD00  }
0xc3: {  	[tilespmem:s19], [sflag:$0x1] =	stream.indirect.gather [hbm4b:s5+s18], $0x180, s9, s18, $0xb8;
	[tilespmem:$0x19B20] =	vst v63  }
0xc4: {  	s9 =	sadd.s32 $0x28E0, s6  }
0xc5: {  	[tilespmem:s20], [sflag:$0x2] =	stream.indirect.gather [hbm4b:s5+s18], $0x180, s9, s18, $0xb8;
	[tilespmem:$0x19B20] =	vst v63  }
0xc6: {  	_ =	swait.ge [sflag:s26], $0x4800  }
0xc7: {  	[sflag:s26] =	ssyncset.done $0x0  }
0xc8: {  	[sflag:s26] =	ssyncadd.s32 $0xFFFFB800  }
0xc9: {  	_ =	swait.ge [sflag:s28], $0x4800  }
0xca: {  	[sflag:s28] =	ssyncset.done $0x0  }
0xcb: {  	[sflag:s28] =	ssyncadd.s32 $0xFFFFB800  }
.LBB2_7:
0xcc: {  	s6 =	sshll.u32 s17, $0x4;
	v3 =	vlaneseq.u32  }
0xcd: {  	v1 =	vor.u32 s6, v3  }
0xce: {  	v13 =	vmul.u32 $0x180, v1  }
0xcf: {  	v4 =	vand.u32 $0xFFFFFFF8, v3  }
0xd0: {  	v10 =	vand.u32 $0x7, v3;
	v2 =	vadd.s32 v13, v4  }
0xd1: {  	v14 =	vor.u32 $0x30, v13;
	v2 =	vor.u32 v10, v2  }
0xd2: {  	v5 =	vadd.s32 v14, v4  }
0xd3: {  	v9 =	vadd.s32 $0x90, v13;
	v12 =	vor.u32 v10, v5  }
0xd4: {  	v11 =	vor.u32 $0x60, v13;
	v17 =	vadd.s32 v9, v4  }
0xd5: {  	v8 =	vadd.s32 $0xC0, v13;
	v5 =	vadd.s32 v11, v4;
	v17 =	vor.u32 v10, v17  }
0xd6: {  	v7 =	vadd.s32 $0xF0, v13;
	v6 =	vadd.s32 $0x120, v13;
	v15 =	vor.u32 v10, v5;
	v16 =	vld.idx.msk [tilespmem:v2+s21+$0x0], $0xffff  }
0xd7: {  	v19 =	vadd.s32 v8, v4;
	v20 =	vadd.s32 v7, v4;
	v5 =	vadd.s32 $0x150, v13;
	v24 =	vld.idx.msk [tilespmem:v2+s22+$0x0], $0xffff  }
0xd8: {  	v21 =	vadd.s32 v6, v4;
	v29 =	vor.u32 v10, v19;
	v4 =	vadd.s32 v5, v4;
	v18 =	vld.idx.msk [tilespmem:v12+s21+$0x0], $0xffff  }
0xd9: {  	v26 =	vor.u32 v10, v20;
	v21 =	vor.u32 v10, v21;
	v23 =	vor.u32 v10, v4;
	v19 =	vld.idx.msk [tilespmem:v12+s22+$0x0], $0xffff  }
0xda: {  	v10 =	vimm.f32 $0.0e+00;
	v4 =	vimm.f32 $0.0e+00;
	v12 =	vadd.s32 $0x1, v3;
	v27 =	vld.idx.msk [tilespmem:v17+s22+$0x0], $0xffff  }
0xdb: {  	v2 =	vimm.f32 $0.0e+00;
	v3 =	vadd.s32 $0xFFFFFFD1, v3;
	v20 =	vld.idx.msk [tilespmem:v15+s21+$0x0], $0xffff;
	vm0 =	vgt.s32 v12, $0x2F  }
0xdc: {  	v22 =	vld.idx.msk [tilespmem:v15+s22+$0x0], $0xffff;
	v15 =	vimm.f32 $0.0e+00;
	v28 =	vsel vm0, v3, v12;
	v12 =	vimm.f32 $0.0e+00  }
0xdd: {  	v30 =	vld.idx.msk [tilespmem:v29+s21+$0x0], $0xffff;
	v3 =	vimm.f32 $0.0e+00;
	v32 =	vand.u32 $0xFFFFFFF8, v28;
	v31 =	vand.u32 $0x7, v28  }
0xde: {  	s6 =	simm.s32 $0x2E;
	v25 =	vmul.f32 v24, v16;
	v24 =	vld.idx.msk [tilespmem:v17+s21+$0x0], $0xffff;
	v16 =	vimm.f32 $0.0e+00;
	v17 =	vimm.f32 $0.0e+00  }
.LBB2_8:
0xdf: {  	p0 =	sne.s32 s6, $0x1;
	v33 =	vadd.s32 v13, v32;
	v34 =	vadd.s32 v14, v32;
	v35 =	vadd.s32 v11, v32;
	v36 =	vld.idx.msk [tilespmem:v29+s22+$0x0], $0xffff  }
0xe0: {  	v29 =	vadd.s32 v9, v32;
	v37 =	vadd.s32 v8, v32;
	v38 =	vadd.s32 v7, v32;
	v39 =	vld.idx.msk [tilespmem:v26+s21+$0x0], $0xffff  }
0xe1: {  	v40 =	vadd.s32 v6, v32;
	v32 =	vadd.s32 v5, v32;
	v33 =	vor.u32 v31, v33;
	v41 =	vld.idx.msk [tilespmem:v26+s22+$0x0], $0xffff  }
0xe2: {  	v34 =	vor.u32 v31, v34;
	v35 =	vor.u32 v31, v35;
	v42 =	vor.u32 v31, v29;
	v43 =	vld.idx.msk [tilespmem:v21+s21+$0x0], $0xffff  }
0xe3: {  	v29 =	vor.u32 v31, v37;
	v26 =	vor.u32 v31, v38;
	v37 =	vld.idx.msk [tilespmem:v21+s22+$0x0], $0xffff;
	v21 =	vor.u32 v31, v40  }
0xe4: {  	v18 =	vmul.f32 v19, v18;
	v19 =	vmul.f32 v22, v20;
	v31 =	vor.u32 v31, v32;
	v32 =	vld.idx.msk [tilespmem:v23+s21+$0x0], $0xffff  }
0xe5: {  	v2 =	vadd.f32 v25, v2;
	v20 =	vmul.f32 v27, v24;
	v22 =	vmul.f32 v36, v30;
	v24 =	vld.idx.msk [tilespmem:v23+s22+$0x0], $0xffff  }
0xe6: {  	v15 =	vadd.f32 v18, v15;
	v16 =	vadd.f32 v19, v16;
	v23 =	vmov v31;
	v25 =	vld.idx.msk [tilespmem:v33+s21+$0x0], $0xffff  }
0xe7: {  	v17 =	vadd.f32 v20, v17;
	v12 =	vadd.f32 v22, v12;
	v20 =	vmul.f32 v41, v39;
	v27 =	vld.idx.msk [tilespmem:v33+s22+$0x0], $0xffff  }
0xe8: {  	v18 =	vld.idx.msk [tilespmem:v34+s21+$0x0], $0xffff  }
0xe9: {  	v10 =	vadd.f32 v20, v10;
	v30 =	vmul.f32 v37, v43;
	v19 =	vld.idx.msk [tilespmem:v34+s22+$0x0], $0xffff  }
.Ltmp2:
0xea: {  	v20 =	vld.idx.msk [tilespmem:v35+s21+$0x0], $0xffff;
	(pc) =	sbr.rel @p0 .LBB2_8-.Ltmp2, $4  }
0xeb: {  	v31 =	vadd.s32 $0x1, v28;
	v4 =	vadd.f32 v30, v4;
	v30 =	vmul.f32 v24, v32;
	v22 =	vld.idx.msk [tilespmem:v35+s22+$0x0], $0xffff  }
0xec: {  	v28 =	vadd.s32 $0xFFFFFFD1, v28;
	vm0 =	vgt.s32 v31, $0x2F;
	v24 =	vld.idx.msk [tilespmem:v42+s21+$0x0], $0xffff  }
0xed: {  	v28 =	vsel vm0, v28, v31;
	v25 =	vmul.f32 v27, v25;
	v3 =	vadd.f32 v30, v3;
	v27 =	vld.idx.msk [tilespmem:v42+s22+$0x0], $0xffff  }
0xee: {  	s6 =	sadd.s32 $0xFFFFFFFF, s6;
	v31 =	vand.u32 $0x7, v28;
	v32 =	vand.u32 $0xFFFFFFF8, v28;
	v30 =	vld.idx.msk [tilespmem:v29+s21+$0x0], $0xffff  }
0xef: {  	_ =	sdelay $0x3  }
0xf0: {  	v28 =	vld.idx.msk [tilespmem:v29+s22+$0x0], $0xffff  }
0xf1: {  	v13 =	vadd.s32 v13, v32;
	v40 =	vld.idx.msk [tilespmem:v26+s21+$0x0], $0xffff  }
0xf2: {  	v41 =	vld.idx.msk [tilespmem:v26+s22+$0x0], $0xffff;
	v13 =	vor.u32 v31, v13  }
0xf3: {  	v14 =	vadd.s32 v14, v32;
	v33 =	vld.idx.msk [tilespmem:v21+s21+$0x0], $0xffff  }
0xf4: {  	v42 =	vld.idx.msk [tilespmem:v21+s22+$0x0], $0xffff;
	v14 =	vor.u32 v31, v14  }
0xf5: {  	v11 =	vadd.s32 v11, v32;
	v34 =	vld.idx.msk [tilespmem:v23+s21+$0x0], $0xffff  }
0xf6: {  	v43 =	vld.idx.msk [tilespmem:v23+s22+$0x0], $0xffff;
	v11 =	vor.u32 v31, v11  }
0xf7: {  	v9 =	vadd.s32 v9, v32;
	v35 =	vld.idx.msk [tilespmem:v13+s21+$0x0], $0xffff  }
0xf8: {  	v9 =	vor.u32 v31, v9;
	v13 =	vld.idx.msk [tilespmem:v13+s22+$0x0], $0xffff  }
0xf9: {  	v8 =	vadd.s32 v8, v32;
	v36 =	vld.idx.msk [tilespmem:v14+s21+$0x0], $0xffff  }
0xfa: {  	v8 =	vor.u32 v31, v8;
	v14 =	vld.idx.msk [tilespmem:v14+s22+$0x0], $0xffff  }
0xfb: {  	v7 =	vadd.s32 v7, v32;
	v37 =	vld.idx.msk [tilespmem:v11+s21+$0x0], $0xffff  }
0xfc: {  	v7 =	vor.u32 v31, v7;
	v11 =	vld.idx.msk [tilespmem:v11+s22+$0x0], $0xffff  }
0xfd: {  	v6 =	vadd.s32 v6, v32;
	v38 =	vld.idx.msk [tilespmem:v9+s21+$0x0], $0xffff  }
0xfe: {  	v6 =	vor.u32 v31, v6;
	v9 =	vld.idx.msk [tilespmem:v9+s22+$0x0], $0xffff  }
0xff: {  	v5 =	vadd.s32 v5, v32;
	v44 =	vld.idx.msk [tilespmem:v8+s21+$0x0], $0xffff  }
0x100: {  	v5 =	vor.u32 v31, v5;
	v8 =	vld.idx.msk [tilespmem:v8+s22+$0x0], $0xffff  }
0x101: {  	v45 =	vld.idx.msk [tilespmem:v7+s21+$0x0], $0xffff  }
0x102: {  	v18 =	vmul.f32 v19, v18;
	v46 =	vmul.f32 v22, v20;
	v7 =	vld.idx.msk [tilespmem:v7+s22+$0x0], $0xffff  }
0x103: {  	v2 =	vadd.f32 v25, v2;
	v47 =	vmul.f32 v27, v24;
	v48 =	vld.idx.msk [tilespmem:v6+s21+$0x0], $0xffff  }
0x104: {  	v15 =	vadd.f32 v18, v15;
	v16 =	vadd.f32 v46, v16;
	v49 =	vmul.f32 v28, v30;
	v6 =	vld.idx.msk [tilespmem:v6+s22+$0x0], $0xffff  }
0x105: {  	v17 =	vadd.f32 v47, v17;
	v50 =	vmul.f32 v41, v40;
	v52 =	vmul.f32 v42, v33;
	v51 =	vld.idx.msk [tilespmem:v5+s21+$0x0], $0xffff  }
0x106: {  	v53 =	vmul.f32 v43, v34;
	v5 =	vld.idx.msk [tilespmem:v5+s22+$0x0], $0xffff;
	v12 =	vadd.f32 v49, v12;
	v13 =	vmul.f32 v13, v35  }
0x107: {  	v10 =	vadd.f32 v50, v10;
	v4 =	vadd.f32 v52, v4;
	v14 =	vmul.f32 v14, v36  }
0x108: {  	v11 =	vmul.f32 v11, v37;
	v9 =	vmul.f32 v9, v38;
	v2 =	vadd.f32 v13, v2  }
0x109: {  	v8 =	vmul.f32 v8, v44;
	v7 =	vmul.f32 v7, v45;
	v54 =	vadd.f32 v14, v15  }
0x10a: {  	v6 =	vmul.f32 v6, v48;
	v11 =	vadd.f32 v11, v16;
	v2 =	vmul.f32 $1.581138820e-01, v2  }
0x10b: {  	v5 =	vmul.f32 v5, v51;
	v9 =	vadd.f32 v9, v17;
	v13 =	vmul.f32 $1.581138820e-01, v54  }
0x10c: {  	v3 =	vadd.f32 v53, v3;
	v11 =	vmul.f32 $1.581138820e-01, v11;
	v2 =	vmul.f32 $1.442695020e+00, v2  }
0x10d: {  	v7 =	vadd.f32 v7, v10;
	v9 =	vmul.f32 $1.581138820e-01, v9;
	v13 =	vmul.f32 $1.442695020e+00, v13  }
0x10e: {  	v8 =	vadd.f32 v8, v12;
	(erf) = vpow2.f32 v2;
	v2 =	vmul.f32 $1.442695020e+00, v11  }
0x10f: {  	v4 =	vadd.f32 v6, v4;
	v55 =	vmul.f32 $1.581138820e-01, v7;
	(erf) = vpow2.f32 v13  }
0x110: {  	v3 =	vadd.f32 v5, v3;
	(erf) = vpow2.f32 v2;
	v2 =	vmul.f32 $1.581138820e-01, v8  }
0x111: {  	v4 =	vmul.f32 $1.581138820e-01, v4;
	v9 =	vmul.f32 $1.442695020e+00, v9  }
0x112: {  	v3 =	vmul.f32 $1.581138820e-01, v3;
	v2 =	vmul.f32 $1.442695020e+00, v2  }
0x113: {  	v5 =	vmul.f32 $1.442695020e+00, v55;
	(erf) = vpow2.f32 v9  }
0x114: {  	(erf) = vpow2.f32 v2;
	v2 =	vmul.f32 $1.442695020e+00, v4  }
0x115: {  	v1 =	vshll.u32 v1, $0x4;
	v3 =	vmul.f32 $1.442695020e+00, v3;
	(erf) = vpow2.f32 v5  }
0x116: {  	v56 =	vor.u32 $0x1, v1;
	(erf) = vpow2.f32 v2  }
0x117: {  	v2 =	vor.u32 $0x2, v1;
	(erf) = vpow2.f32 v3  }
0x118: {  	v3 =	vor.u32 $0x3, v1  }
0x119: {  	v58 =	vor.u32 $0x4, v1;
	v57 =	vpop (erf)  }
0x11a: {  	v60 =	vor.u32 $0x5, v1;
	v59 =	vpop (erf);
	[tilespmem:v1+s25+$0x0] =	vst.idx.msk $0xffff, v57  }
0x11b: {  	s17 =	sadd.s32 $0x1, s17;
	v62 =	vor.u32 $0x6, v1;
	v61 =	vpop (erf);
	[tilespmem:v56+s25+$0x0] =	vst.idx.msk $0xffff, v59  }
0x11c: {  	p0 =	sne.s32 s17, $0x3;
	v1 =	vor.u32 $0x7, v1;
	v63 =	vpop (erf);
	[tilespmem:v2+s25+$0x0] =	vst.idx.msk $0xffff, v61  }
.Ltmp3:
0x11d: {  	[tilespmem:v3+s25+$0x0] =	vst.idx.msk $0xffff, v63;
	v2 =	vpop (erf);
	(pc) =	sbr.rel @p0 .LBB2_7-.Ltmp3, $4  }
0x11e: {  	v3 =	vpop (erf);
	[tilespmem:v58+s25+$0x0] =	vst.idx.msk $0xffff, v2  }
0x11f: {  	v2 =	vpop (erf);
	[tilespmem:v60+s25+$0x0] =	vst.idx.msk $0xffff, v3  }
0x120: {  	[tilespmem:v62+s25+$0x0] =	vst.idx.msk $0xffff, v2;
	v2 =	vpop (erf)  }
0x121: {  	[tilespmem:v1+s25+$0x0] =	vst.idx.msk $0xffff, v2  }
0x122: {  	s6 =	sadd.s32 s4, s31  }
0x123: {  	s6 =	sshll.u32 s6, $0x1  }
0x124: {  	s6 =	sand.u32 $0x1FFFFFE0, s6  }
0x125: {  	s6 =	sadd.s32 s7, s6  }
0x126: {  	[hbm4b:s6+s3] =	stream.linear.scatter [tilespmem:s25], [sflag:$0x5], $0x300, $0x38;
	[tilespmem:$0x19B20] =	vst v63  }
0x127: {  	s0 =	sadd.s32 $0x1, s0;
	_ =	swait.ge [sflag:s16], $0x300  }
0x128: {  	p0 =	sne.s32 s0, $0x6B;
	[sflag:s16] =	ssyncset.done $0x0  }
.Ltmp4:
0x129: {  	[sflag:s16] =	ssyncadd.s32 $0xFFFFFD00;
	(pc) =	sbr.rel @p0 .LBB2_2-.Ltmp4, $4  }
0x12a: {  	[spmem:s2] =	stream.indirect.scatter.add.f32 [tilespmem:s25], [sflag:$0x5], $0x10, s29, s18, $0xb8;
	[tilespmem:$0x19B20] =	vst v63  }
0x12b: {  	_ =	swait.ge [sflag:s16], $0x300  }
0x12c: {  	[sflag:s16] =	ssyncset.done $0x0  }
0x12d: {  	[sflag:s16] =	ssyncadd.s32 $0xFFFFFD00  }
0x12e: {  	s0 =	simm.s32 $0x2850  }
0x12f: {  	[tilespmem:s21], [sflag:$0x3] =	stream.indirect.gather [hbm4b:s5+s18], $0x180, s0, s18, $0xb8;
	[tilespmem:$0x19B20] =	vst v63  }
0x130: {  	_ = 	snop  }
0x131: {  	[tilespmem:s22], [sflag:$0x4] =	stream.indirect.gather [hbm4b:s5+s18], $0x180, s30, s18, $0xb8;
	[tilespmem:$0x19B20] =	vst v63  }
0x132: {  	_ =	swait.ge [sflag:s23], $0x4800  }
0x133: {  	[sflag:s23] =	ssyncset.done $0x0  }
0x134: {  	[sflag:s23] =	ssyncadd.s32 $0xFFFFB800  }
0x135: {  	_ =	swait.ge [sflag:s24], $0x4800  }
0x136: {  	[sflag:s24] =	ssyncset.done $0x0  }
0x137: {  	s0 =	simm.s32 $0x0;
	[sflag:s24] =	ssyncadd.s32 $0xFFFFB800  }
.LBB2_12:
0x138: {  	s6 =	sshll.u32 s0, $0x4;
	v3 =	vlaneseq.u32  }
0x139: {  	v1 =	vor.u32 s6, v3  }
0x13a: {  	v13 =	vmul.u32 $0x180, v1  }
0x13b: {  	v4 =	vand.u32 $0xFFFFFFF8, v3  }
0x13c: {  	v10 =	vand.u32 $0x7, v3;
	v2 =	vadd.s32 v13, v4  }
0x13d: {  	v14 =	vor.u32 $0x30, v13;
	v2 =	vor.u32 v10, v2  }
0x13e: {  	v5 =	vadd.s32 v14, v4  }
0x13f: {  	v9 =	vadd.s32 $0x90, v13;
	v12 =	vor.u32 v10, v5  }
0x140: {  	v11 =	vor.u32 $0x60, v13;
	v17 =	vadd.s32 v9, v4  }
0x141: {  	v8 =	vadd.s32 $0xC0, v13;
	v5 =	vadd.s32 v11, v4;
	v17 =	vor.u32 v10, v17  }
0x142: {  	v7 =	vadd.s32 $0xF0, v13;
	v6 =	vadd.s32 $0x120, v13;
	v15 =	vor.u32 v10, v5;
	v16 =	vld.idx.msk [tilespmem:v2+s19+$0x0], $0xffff  }
0x143: {  	v19 =	vadd.s32 v8, v4;
	v20 =	vadd.s32 v7, v4;
	v5 =	vadd.s32 $0x150, v13;
	v24 =	vld.idx.msk [tilespmem:v2+s20+$0x0], $0xffff  }
0x144: {  	v21 =	vadd.s32 v6, v4;
	v29 =	vor.u32 v10, v19;
	v4 =	vadd.s32 v5, v4;
	v18 =	vld.idx.msk [tilespmem:v12+s19+$0x0], $0xffff  }
0x145: {  	v26 =	vor.u32 v10, v20;
	v21 =	vor.u32 v10, v21;
	v23 =	vor.u32 v10, v4;
	v19 =	vld.idx.msk [tilespmem:v12+s20+$0x0], $0xffff  }
0x146: {  	v10 =	vimm.f32 $0.0e+00;
	v4 =	vimm.f32 $0.0e+00;
	v12 =	vadd.s32 $0x1, v3;
	v27 =	vld.idx.msk [tilespmem:v17+s20+$0x0], $0xffff  }
0x147: {  	v2 =	vimm.f32 $0.0e+00;
	v3 =	vadd.s32 $0xFFFFFFD1, v3;
	v20 =	vld.idx.msk [tilespmem:v15+s19+$0x0], $0xffff;
	vm0 =	vgt.s32 v12, $0x2F  }
0x148: {  	v22 =	vld.idx.msk [tilespmem:v15+s20+$0x0], $0xffff;
	v15 =	vimm.f32 $0.0e+00;
	v28 =	vsel vm0, v3, v12;
	v12 =	vimm.f32 $0.0e+00  }
0x149: {  	v30 =	vld.idx.msk [tilespmem:v29+s19+$0x0], $0xffff;
	v3 =	vimm.f32 $0.0e+00;
	v32 =	vand.u32 $0xFFFFFFF8, v28;
	v31 =	vand.u32 $0x7, v28  }
0x14a: {  	s6 =	simm.s32 $0x2E;
	v25 =	vmul.f32 v24, v16;
	v24 =	vld.idx.msk [tilespmem:v17+s19+$0x0], $0xffff;
	v16 =	vimm.f32 $0.0e+00;
	v17 =	vimm.f32 $0.0e+00  }
.LBB2_13:
0x14b: {  	p0 =	sne.s32 s6, $0x1;
	v33 =	vadd.s32 v13, v32;
	v34 =	vadd.s32 v14, v32;
	v35 =	vadd.s32 v11, v32;
	v36 =	vld.idx.msk [tilespmem:v29+s20+$0x0], $0xffff  }
0x14c: {  	v29 =	vadd.s32 v9, v32;
	v37 =	vadd.s32 v8, v32;
	v38 =	vadd.s32 v7, v32;
	v39 =	vld.idx.msk [tilespmem:v26+s19+$0x0], $0xffff  }
0x14d: {  	v40 =	vadd.s32 v6, v32;
	v32 =	vadd.s32 v5, v32;
	v33 =	vor.u32 v31, v33;
	v41 =	vld.idx.msk [tilespmem:v26+s20+$0x0], $0xffff  }
0x14e: {  	v34 =	vor.u32 v31, v34;
	v35 =	vor.u32 v31, v35;
	v42 =	vor.u32 v31, v29;
	v43 =	vld.idx.msk [tilespmem:v21+s19+$0x0], $0xffff  }
0x14f: {  	v29 =	vor.u32 v31, v37;
	v26 =	vor.u32 v31, v38;
	v37 =	vld.idx.msk [tilespmem:v21+s20+$0x0], $0xffff;
	v21 =	vor.u32 v31, v40  }
0x150: {  	v18 =	vmul.f32 v19, v18;
	v19 =	vmul.f32 v22, v20;
	v31 =	vor.u32 v31, v32;
	v32 =	vld.idx.msk [tilespmem:v23+s19+$0x0], $0xffff  }
0x151: {  	v2 =	vadd.f32 v25, v2;
	v20 =	vmul.f32 v27, v24;
	v22 =	vmul.f32 v36, v30;
	v24 =	vld.idx.msk [tilespmem:v23+s20+$0x0], $0xffff  }
0x152: {  	v15 =	vadd.f32 v18, v15;
	v16 =	vadd.f32 v19, v16;
	v23 =	vmov v31;
	v25 =	vld.idx.msk [tilespmem:v33+s19+$0x0], $0xffff  }
0x153: {  	v17 =	vadd.f32 v20, v17;
	v12 =	vadd.f32 v22, v12;
	v20 =	vmul.f32 v41, v39;
	v27 =	vld.idx.msk [tilespmem:v33+s20+$0x0], $0xffff  }
0x154: {  	v18 =	vld.idx.msk [tilespmem:v34+s19+$0x0], $0xffff  }
0x155: {  	v10 =	vadd.f32 v20, v10;
	v30 =	vmul.f32 v37, v43;
	v19 =	vld.idx.msk [tilespmem:v34+s20+$0x0], $0xffff  }
.Ltmp5:
0x156: {  	v20 =	vld.idx.msk [tilespmem:v35+s19+$0x0], $0xffff;
	(pc) =	sbr.rel @p0 .LBB2_13-.Ltmp5, $4  }
0x157: {  	v31 =	vadd.s32 $0x1, v28;
	v4 =	vadd.f32 v30, v4;
	v30 =	vmul.f32 v24, v32;
	v22 =	vld.idx.msk [tilespmem:v35+s20+$0x0], $0xffff  }
0x158: {  	v28 =	vadd.s32 $0xFFFFFFD1, v28;
	vm0 =	vgt.s32 v31, $0x2F;
	v24 =	vld.idx.msk [tilespmem:v42+s19+$0x0], $0xffff  }
0x159: {  	v28 =	vsel vm0, v28, v31;
	v25 =	vmul.f32 v27, v25;
	v3 =	vadd.f32 v30, v3;
	v27 =	vld.idx.msk [tilespmem:v42+s20+$0x0], $0xffff  }
0x15a: {  	s6 =	sadd.s32 $0xFFFFFFFF, s6;
	v31 =	vand.u32 $0x7, v28;
	v32 =	vand.u32 $0xFFFFFFF8, v28;
	v30 =	vld.idx.msk [tilespmem:v29+s19+$0x0], $0xffff  }
0x15b: {  	_ =	sdelay $0x3  }
0x15c: {  	v28 =	vld.idx.msk [tilespmem:v29+s20+$0x0], $0xffff  }
0x15d: {  	v13 =	vadd.s32 v13, v32;
	v40 =	vld.idx.msk [tilespmem:v26+s19+$0x0], $0xffff  }
0x15e: {  	v41 =	vld.idx.msk [tilespmem:v26+s20+$0x0], $0xffff;
	v13 =	vor.u32 v31, v13  }
0x15f: {  	v14 =	vadd.s32 v14, v32;
	v33 =	vld.idx.msk [tilespmem:v21+s19+$0x0], $0xffff  }
0x160: {  	v42 =	vld.idx.msk [tilespmem:v21+s20+$0x0], $0xffff;
	v14 =	vor.u32 v31, v14  }
0x161: {  	v11 =	vadd.s32 v11, v32;
	v34 =	vld.idx.msk [tilespmem:v23+s19+$0x0], $0xffff  }
0x162: {  	v43 =	vld.idx.msk [tilespmem:v23+s20+$0x0], $0xffff;
	v11 =	vor.u32 v31, v11  }
0x163: {  	v9 =	vadd.s32 v9, v32;
	v35 =	vld.idx.msk [tilespmem:v13+s19+$0x0], $0xffff  }
0x164: {  	v9 =	vor.u32 v31, v9;
	v13 =	vld.idx.msk [tilespmem:v13+s20+$0x0], $0xffff  }
0x165: {  	v8 =	vadd.s32 v8, v32;
	v36 =	vld.idx.msk [tilespmem:v14+s19+$0x0], $0xffff  }
0x166: {  	v8 =	vor.u32 v31, v8;
	v14 =	vld.idx.msk [tilespmem:v14+s20+$0x0], $0xffff  }
0x167: {  	v7 =	vadd.s32 v7, v32;
	v37 =	vld.idx.msk [tilespmem:v11+s19+$0x0], $0xffff  }
0x168: {  	v7 =	vor.u32 v31, v7;
	v11 =	vld.idx.msk [tilespmem:v11+s20+$0x0], $0xffff  }
0x169: {  	v6 =	vadd.s32 v6, v32;
	v38 =	vld.idx.msk [tilespmem:v9+s19+$0x0], $0xffff  }
0x16a: {  	v6 =	vor.u32 v31, v6;
	v9 =	vld.idx.msk [tilespmem:v9+s20+$0x0], $0xffff  }
0x16b: {  	v5 =	vadd.s32 v5, v32;
	v44 =	vld.idx.msk [tilespmem:v8+s19+$0x0], $0xffff  }
0x16c: {  	v5 =	vor.u32 v31, v5;
	v8 =	vld.idx.msk [tilespmem:v8+s20+$0x0], $0xffff  }
0x16d: {  	v45 =	vld.idx.msk [tilespmem:v7+s19+$0x0], $0xffff  }
0x16e: {  	v18 =	vmul.f32 v19, v18;
	v46 =	vmul.f32 v22, v20;
	v7 =	vld.idx.msk [tilespmem:v7+s20+$0x0], $0xffff  }
0x16f: {  	v2 =	vadd.f32 v25, v2;
	v47 =	vmul.f32 v27, v24;
	v48 =	vld.idx.msk [tilespmem:v6+s19+$0x0], $0xffff  }
0x170: {  	v15 =	vadd.f32 v18, v15;
	v16 =	vadd.f32 v46, v16;
	v49 =	vmul.f32 v28, v30;
	v6 =	vld.idx.msk [tilespmem:v6+s20+$0x0], $0xffff  }
0x171: {  	v17 =	vadd.f32 v47, v17;
	v50 =	vmul.f32 v41, v40;
	v52 =	vmul.f32 v42, v33;
	v51 =	vld.idx.msk [tilespmem:v5+s19+$0x0], $0xffff  }
0x172: {  	v53 =	vmul.f32 v43, v34;
	v5 =	vld.idx.msk [tilespmem:v5+s20+$0x0], $0xffff;
	v12 =	vadd.f32 v49, v12;
	v13 =	vmul.f32 v13, v35  }
0x173: {  	v10 =	vadd.f32 v50, v10;
	v4 =	vadd.f32 v52, v4;
	v14 =	vmul.f32 v14, v36  }
0x174: {  	v11 =	vmul.f32 v11, v37;
	v9 =	vmul.f32 v9, v38;
	v2 =	vadd.f32 v13, v2  }
0x175: {  	v8 =	vmul.f32 v8, v44;
	v7 =	vmul.f32 v7, v45;
	v54 =	vadd.f32 v14, v15  }
0x176: {  	v6 =	vmul.f32 v6, v48;
	v11 =	vadd.f32 v11, v16;
	v2 =	vmul.f32 $1.581138820e-01, v2  }
0x177: {  	v5 =	vmul.f32 v5, v51;
	v9 =	vadd.f32 v9, v17;
	v13 =	vmul.f32 $1.581138820e-01, v54  }
0x178: {  	v3 =	vadd.f32 v53, v3;
	v11 =	vmul.f32 $1.581138820e-01, v11;
	v2 =	vmul.f32 $1.442695020e+00, v2  }
0x179: {  	v7 =	vadd.f32 v7, v10;
	v9 =	vmul.f32 $1.581138820e-01, v9;
	v13 =	vmul.f32 $1.442695020e+00, v13  }
0x17a: {  	v8 =	vadd.f32 v8, v12;
	(erf) = vpow2.f32 v2;
	v2 =	vmul.f32 $1.442695020e+00, v11  }
0x17b: {  	v4 =	vadd.f32 v6, v4;
	v55 =	vmul.f32 $1.581138820e-01, v7;
	(erf) = vpow2.f32 v13  }
0x17c: {  	v3 =	vadd.f32 v5, v3;
	(erf) = vpow2.f32 v2;
	v2 =	vmul.f32 $1.581138820e-01, v8  }
0x17d: {  	v4 =	vmul.f32 $1.581138820e-01, v4;
	v9 =	vmul.f32 $1.442695020e+00, v9  }
0x17e: {  	v3 =	vmul.f32 $1.581138820e-01, v3;
	v2 =	vmul.f32 $1.442695020e+00, v2  }
0x17f: {  	v5 =	vmul.f32 $1.442695020e+00, v55;
	(erf) = vpow2.f32 v9  }
0x180: {  	(erf) = vpow2.f32 v2;
	v2 =	vmul.f32 $1.442695020e+00, v4  }
0x181: {  	v1 =	vshll.u32 v1, $0x4;
	v3 =	vmul.f32 $1.442695020e+00, v3;
	(erf) = vpow2.f32 v5  }
0x182: {  	v56 =	vor.u32 $0x1, v1;
	(erf) = vpow2.f32 v2  }
0x183: {  	v2 =	vor.u32 $0x2, v1;
	(erf) = vpow2.f32 v3  }
0x184: {  	v3 =	vor.u32 $0x3, v1  }
0x185: {  	v58 =	vor.u32 $0x4, v1;
	v57 =	vpop (erf)  }
0x186: {  	v60 =	vor.u32 $0x5, v1;
	v59 =	vpop (erf);
	[tilespmem:v1+s25+$0x0] =	vst.idx.msk $0xffff, v57  }
0x187: {  	s0 =	sadd.s32 $0x1, s0;
	v62 =	vor.u32 $0x6, v1;
	v61 =	vpop (erf);
	[tilespmem:v56+s25+$0x0] =	vst.idx.msk $0xffff, v59  }
0x188: {  	p0 =	sne.s32 s0, $0x3;
	v1 =	vor.u32 $0x7, v1;
	v63 =	vpop (erf);
	[tilespmem:v2+s25+$0x0] =	vst.idx.msk $0xffff, v61  }
.Ltmp6:
0x189: {  	[tilespmem:v3+s25+$0x0] =	vst.idx.msk $0xffff, v63;
	v2 =	vpop (erf);
	(pc) =	sbr.rel @p0 .LBB2_12-.Ltmp6, $4  }
0x18a: {  	v3 =	vpop (erf);
	[tilespmem:v58+s25+$0x0] =	vst.idx.msk $0xffff, v2  }
0x18b: {  	v2 =	vpop (erf);
	[tilespmem:v60+s25+$0x0] =	vst.idx.msk $0xffff, v3  }
0x18c: {  	[tilespmem:v62+s25+$0x0] =	vst.idx.msk $0xffff, v2;
	v2 =	vpop (erf)  }
0x18d: {  	[tilespmem:v1+s25+$0x0] =	vst.idx.msk $0xffff, v2  }
0x18e: {  	s0 =	simm.s32 $0x0  }
0x18f: {  	[hbm4b:s11+s0] =	stream.linear.scatter [tilespmem:s25], [sflag:$0x5], $0x300, $0x38;
	[tilespmem:$0x19B20] =	vst v63  }
0x190: {  	_ =	swait.ge [sflag:s16], $0x300  }
0x191: {  	[sflag:s16] =	ssyncset.done $0x0  }
0x192: {  	s6 =	simm.s32 $0x50A0;
	[sflag:s16] =	ssyncadd.s32 $0xFFFFFD00  }
0x193: {  	[spmem:s2] =	stream.indirect.scatter.add.f32 [tilespmem:s25], [sflag:$0x5], $0x10, s6, s18, $0xb8;
	[tilespmem:$0x19B20] =	vst v63  }
0x194: {  	_ =	swait.ge [sflag:s16], $0x300  }
0x195: {  	[sflag:s16] =	ssyncset.done $0x0  }
0x196: {  	[sflag:s16] =	ssyncadd.s32 $0xFFFFFD00  }
0x197: {  	_ =	swait.ge [sflag:s26], $0x4800  }
0x198: {  	[sflag:s26] =	ssyncset.done $0x0  }
0x199: {  	[sflag:s26] =	ssyncadd.s32 $0xFFFFB800  }
0x19a: {  	_ =	swait.ge [sflag:s28], $0x4800  }
0x19b: {  	[sflag:s28] =	ssyncset.done $0x0  }
0x19c: {  	[sflag:s28] =	ssyncadd.s32 $0xFFFFB800  }
.LBB2_16:
0x19d: {  	s6 =	sshll.u32 s0, $0x4;
	v3 =	vlaneseq.u32  }
0x19e: {  	v1 =	vor.u32 s6, v3  }
0x19f: {  	v13 =	vmul.u32 $0x180, v1  }
0x1a0: {  	v4 =	vand.u32 $0xFFFFFFF8, v3  }
0x1a1: {  	v10 =	vand.u32 $0x7, v3;
	v2 =	vadd.s32 v13, v4  }
0x1a2: {  	v14 =	vor.u32 $0x30, v13;
	v2 =	vor.u32 v10, v2  }
0x1a3: {  	v5 =	vadd.s32 v14, v4  }
0x1a4: {  	v9 =	vadd.s32 $0x90, v13;
	v12 =	vor.u32 v10, v5  }
0x1a5: {  	v11 =	vor.u32 $0x60, v13;
	v17 =	vadd.s32 v9, v4  }
0x1a6: {  	v8 =	vadd.s32 $0xC0, v13;
	v5 =	vadd.s32 v11, v4;
	v17 =	vor.u32 v10, v17  }
0x1a7: {  	v7 =	vadd.s32 $0xF0, v13;
	v6 =	vadd.s32 $0x120, v13;
	v15 =	vor.u32 v10, v5;
	v16 =	vld.idx.msk [tilespmem:v2+s21+$0x0], $0xffff  }
0x1a8: {  	v19 =	vadd.s32 v8, v4;
	v20 =	vadd.s32 v7, v4;
	v5 =	vadd.s32 $0x150, v13;
	v24 =	vld.idx.msk [tilespmem:v2+s22+$0x0], $0xffff  }
0x1a9: {  	v21 =	vadd.s32 v6, v4;
	v29 =	vor.u32 v10, v19;
	v4 =	vadd.s32 v5, v4;
	v18 =	vld.idx.msk [tilespmem:v12+s21+$0x0], $0xffff  }
0x1aa: {  	v26 =	vor.u32 v10, v20;
	v21 =	vor.u32 v10, v21;
	v23 =	vor.u32 v10, v4;
	v19 =	vld.idx.msk [tilespmem:v12+s22+$0x0], $0xffff  }
0x1ab: {  	v10 =	vimm.f32 $0.0e+00;
	v4 =	vimm.f32 $0.0e+00;
	v12 =	vadd.s32 $0x1, v3;
	v27 =	vld.idx.msk [tilespmem:v17+s22+$0x0], $0xffff  }
0x1ac: {  	v2 =	vimm.f32 $0.0e+00;
	v3 =	vadd.s32 $0xFFFFFFD1, v3;
	v20 =	vld.idx.msk [tilespmem:v15+s21+$0x0], $0xffff;
	vm0 =	vgt.s32 v12, $0x2F  }
0x1ad: {  	v22 =	vld.idx.msk [tilespmem:v15+s22+$0x0], $0xffff;
	v15 =	vimm.f32 $0.0e+00;
	v28 =	vsel vm0, v3, v12;
	v12 =	vimm.f32 $0.0e+00  }
0x1ae: {  	v30 =	vld.idx.msk [tilespmem:v29+s21+$0x0], $0xffff;
	v3 =	vimm.f32 $0.0e+00;
	v32 =	vand.u32 $0xFFFFFFF8, v28;
	v31 =	vand.u32 $0x7, v28  }
0x1af: {  	s6 =	simm.s32 $0x2E;
	v25 =	vmul.f32 v24, v16;
	v24 =	vld.idx.msk [tilespmem:v17+s21+$0x0], $0xffff;
	v16 =	vimm.f32 $0.0e+00;
	v17 =	vimm.f32 $0.0e+00  }
.LBB2_17:
0x1b0: {  	p0 =	sne.s32 s6, $0x1;
	v33 =	vadd.s32 v13, v32;
	v34 =	vadd.s32 v14, v32;
	v35 =	vadd.s32 v11, v32;
	v36 =	vld.idx.msk [tilespmem:v29+s22+$0x0], $0xffff  }
0x1b1: {  	v29 =	vadd.s32 v9, v32;
	v37 =	vadd.s32 v8, v32;
	v38 =	vadd.s32 v7, v32;
	v39 =	vld.idx.msk [tilespmem:v26+s21+$0x0], $0xffff  }
0x1b2: {  	v40 =	vadd.s32 v6, v32;
	v32 =	vadd.s32 v5, v32;
	v33 =	vor.u32 v31, v33;
	v41 =	vld.idx.msk [tilespmem:v26+s22+$0x0], $0xffff  }
0x1b3: {  	v34 =	vor.u32 v31, v34;
	v35 =	vor.u32 v31, v35;
	v42 =	vor.u32 v31, v29;
	v43 =	vld.idx.msk [tilespmem:v21+s21+$0x0], $0xffff  }
0x1b4: {  	v29 =	vor.u32 v31, v37;
	v26 =	vor.u32 v31, v38;
	v37 =	vld.idx.msk [tilespmem:v21+s22+$0x0], $0xffff;
	v21 =	vor.u32 v31, v40  }
0x1b5: {  	v18 =	vmul.f32 v19, v18;
	v19 =	vmul.f32 v22, v20;
	v31 =	vor.u32 v31, v32;
	v32 =	vld.idx.msk [tilespmem:v23+s21+$0x0], $0xffff  }
0x1b6: {  	v2 =	vadd.f32 v25, v2;
	v20 =	vmul.f32 v27, v24;
	v22 =	vmul.f32 v36, v30;
	v24 =	vld.idx.msk [tilespmem:v23+s22+$0x0], $0xffff  }
0x1b7: {  	v15 =	vadd.f32 v18, v15;
	v16 =	vadd.f32 v19, v16;
	v23 =	vmov v31;
	v25 =	vld.idx.msk [tilespmem:v33+s21+$0x0], $0xffff  }
0x1b8: {  	v17 =	vadd.f32 v20, v17;
	v12 =	vadd.f32 v22, v12;
	v20 =	vmul.f32 v41, v39;
	v27 =	vld.idx.msk [tilespmem:v33+s22+$0x0], $0xffff  }
0x1b9: {  	v18 =	vld.idx.msk [tilespmem:v34+s21+$0x0], $0xffff  }
0x1ba: {  	v10 =	vadd.f32 v20, v10;
	v30 =	vmul.f32 v37, v43;
	v19 =	vld.idx.msk [tilespmem:v34+s22+$0x0], $0xffff  }
.Ltmp7:
0x1bb: {  	v20 =	vld.idx.msk [tilespmem:v35+s21+$0x0], $0xffff;
	(pc) =	sbr.rel @p0 .LBB2_17-.Ltmp7, $4  }
0x1bc: {  	v31 =	vadd.s32 $0x1, v28;
	v4 =	vadd.f32 v30, v4;
	v30 =	vmul.f32 v24, v32;
	v22 =	vld.idx.msk [tilespmem:v35+s22+$0x0], $0xffff  }
0x1bd: {  	v28 =	vadd.s32 $0xFFFFFFD1, v28;
	vm0 =	vgt.s32 v31, $0x2F;
	v24 =	vld.idx.msk [tilespmem:v42+s21+$0x0], $0xffff  }
0x1be: {  	v28 =	vsel vm0, v28, v31;
	v25 =	vmul.f32 v27, v25;
	v3 =	vadd.f32 v30, v3;
	v27 =	vld.idx.msk [tilespmem:v42+s22+$0x0], $0xffff  }
0x1bf: {  	s6 =	sadd.s32 $0xFFFFFFFF, s6;
	v31 =	vand.u32 $0x7, v28;
	v32 =	vand.u32 $0xFFFFFFF8, v28;
	v30 =	vld.idx.msk [tilespmem:v29+s21+$0x0], $0xffff  }
0x1c0: {  	_ =	sdelay $0x3  }
0x1c1: {  	v28 =	vld.idx.msk [tilespmem:v29+s22+$0x0], $0xffff  }
0x1c2: {  	v13 =	vadd.s32 v13, v32;
	v40 =	vld.idx.msk [tilespmem:v26+s21+$0x0], $0xffff  }
0x1c3: {  	v41 =	vld.idx.msk [tilespmem:v26+s22+$0x0], $0xffff;
	v13 =	vor.u32 v31, v13  }
0x1c4: {  	v14 =	vadd.s32 v14, v32;
	v33 =	vld.idx.msk [tilespmem:v21+s21+$0x0], $0xffff  }
0x1c5: {  	v42 =	vld.idx.msk [tilespmem:v21+s22+$0x0], $0xffff;
	v14 =	vor.u32 v31, v14  }
0x1c6: {  	v11 =	vadd.s32 v11, v32;
	v34 =	vld.idx.msk [tilespmem:v23+s21+$0x0], $0xffff  }
0x1c7: {  	v43 =	vld.idx.msk [tilespmem:v23+s22+$0x0], $0xffff;
	v11 =	vor.u32 v31, v11  }
0x1c8: {  	v9 =	vadd.s32 v9, v32;
	v35 =	vld.idx.msk [tilespmem:v13+s21+$0x0], $0xffff  }
0x1c9: {  	v9 =	vor.u32 v31, v9;
	v13 =	vld.idx.msk [tilespmem:v13+s22+$0x0], $0xffff  }
0x1ca: {  	v8 =	vadd.s32 v8, v32;
	v36 =	vld.idx.msk [tilespmem:v14+s21+$0x0], $0xffff  }
0x1cb: {  	v8 =	vor.u32 v31, v8;
	v14 =	vld.idx.msk [tilespmem:v14+s22+$0x0], $0xffff  }
0x1cc: {  	v7 =	vadd.s32 v7, v32;
	v37 =	vld.idx.msk [tilespmem:v11+s21+$0x0], $0xffff  }
0x1cd: {  	v7 =	vor.u32 v31, v7;
	v11 =	vld.idx.msk [tilespmem:v11+s22+$0x0], $0xffff  }
0x1ce: {  	v6 =	vadd.s32 v6, v32;
	v38 =	vld.idx.msk [tilespmem:v9+s21+$0x0], $0xffff  }
0x1cf: {  	v6 =	vor.u32 v31, v6;
	v9 =	vld.idx.msk [tilespmem:v9+s22+$0x0], $0xffff  }
0x1d0: {  	v5 =	vadd.s32 v5, v32;
	v44 =	vld.idx.msk [tilespmem:v8+s21+$0x0], $0xffff  }
0x1d1: {  	v5 =	vor.u32 v31, v5;
	v8 =	vld.idx.msk [tilespmem:v8+s22+$0x0], $0xffff  }
0x1d2: {  	v45 =	vld.idx.msk [tilespmem:v7+s21+$0x0], $0xffff  }
0x1d3: {  	v18 =	vmul.f32 v19, v18;
	v46 =	vmul.f32 v22, v20;
	v7 =	vld.idx.msk [tilespmem:v7+s22+$0x0], $0xffff  }
0x1d4: {  	v2 =	vadd.f32 v25, v2;
	v47 =	vmul.f32 v27, v24;
	v48 =	vld.idx.msk [tilespmem:v6+s21+$0x0], $0xffff  }
0x1d5: {  	v15 =	vadd.f32 v18, v15;
	v16 =	vadd.f32 v46, v16;
	v49 =	vmul.f32 v28, v30;
	v6 =	vld.idx.msk [tilespmem:v6+s22+$0x0], $0xffff  }
0x1d6: {  	v17 =	vadd.f32 v47, v17;
	v50 =	vmul.f32 v41, v40;
	v52 =	vmul.f32 v42, v33;
	v51 =	vld.idx.msk [tilespmem:v5+s21+$0x0], $0xffff  }
0x1d7: {  	v53 =	vmul.f32 v43, v34;
	v5 =	vld.idx.msk [tilespmem:v5+s22+$0x0], $0xffff;
	v12 =	vadd.f32 v49, v12;
	v13 =	vmul.f32 v13, v35  }
0x1d8: {  	v10 =	vadd.f32 v50, v10;
	v4 =	vadd.f32 v52, v4;
	v14 =	vmul.f32 v14, v36  }
0x1d9: {  	v11 =	vmul.f32 v11, v37;
	v9 =	vmul.f32 v9, v38;
	v2 =	vadd.f32 v13, v2  }
0x1da: {  	v8 =	vmul.f32 v8, v44;
	v7 =	vmul.f32 v7, v45;
	v54 =	vadd.f32 v14, v15  }
0x1db: {  	v6 =	vmul.f32 v6, v48;
	v11 =	vadd.f32 v11, v16;
	v2 =	vmul.f32 $1.581138820e-01, v2  }
0x1dc: {  	v5 =	vmul.f32 v5, v51;
	v9 =	vadd.f32 v9, v17;
	v13 =	vmul.f32 $1.581138820e-01, v54  }
0x1dd: {  	v3 =	vadd.f32 v53, v3;
	v11 =	vmul.f32 $1.581138820e-01, v11;
	v2 =	vmul.f32 $1.442695020e+00, v2  }
0x1de: {  	v7 =	vadd.f32 v7, v10;
	v9 =	vmul.f32 $1.581138820e-01, v9;
	v13 =	vmul.f32 $1.442695020e+00, v13  }
0x1df: {  	v8 =	vadd.f32 v8, v12;
	(erf) = vpow2.f32 v2;
	v2 =	vmul.f32 $1.442695020e+00, v11  }
0x1e0: {  	v4 =	vadd.f32 v6, v4;
	v55 =	vmul.f32 $1.581138820e-01, v7;
	(erf) = vpow2.f32 v13  }
0x1e1: {  	v3 =	vadd.f32 v5, v3;
	(erf) = vpow2.f32 v2;
	v2 =	vmul.f32 $1.581138820e-01, v8  }
0x1e2: {  	v4 =	vmul.f32 $1.581138820e-01, v4;
	v9 =	vmul.f32 $1.442695020e+00, v9  }
0x1e3: {  	v3 =	vmul.f32 $1.581138820e-01, v3;
	v2 =	vmul.f32 $1.442695020e+00, v2  }
0x1e4: {  	v5 =	vmul.f32 $1.442695020e+00, v55;
	(erf) = vpow2.f32 v9  }
0x1e5: {  	(erf) = vpow2.f32 v2;
	v2 =	vmul.f32 $1.442695020e+00, v4  }
0x1e6: {  	v1 =	vshll.u32 v1, $0x4;
	v3 =	vmul.f32 $1.442695020e+00, v3;
	(erf) = vpow2.f32 v5  }
0x1e7: {  	v56 =	vor.u32 $0x1, v1;
	(erf) = vpow2.f32 v2  }
0x1e8: {  	v2 =	vor.u32 $0x2, v1;
	(erf) = vpow2.f32 v3  }
0x1e9: {  	v3 =	vor.u32 $0x3, v1  }
0x1ea: {  	v58 =	vor.u32 $0x4, v1;
	v57 =	vpop (erf)  }
0x1eb: {  	v60 =	vor.u32 $0x5, v1;
	v59 =	vpop (erf);
	[tilespmem:v1+s25+$0x0] =	vst.idx.msk $0xffff, v57  }
0x1ec: {  	s0 =	sadd.s32 $0x1, s0;
	v62 =	vor.u32 $0x6, v1;
	v61 =	vpop (erf);
	[tilespmem:v56+s25+$0x0] =	vst.idx.msk $0xffff, v59  }
0x1ed: {  	p0 =	sne.s32 s0, $0x3;
	v1 =	vor.u32 $0x7, v1;
	v63 =	vpop (erf);
	[tilespmem:v2+s25+$0x0] =	vst.idx.msk $0xffff, v61  }
.Ltmp8:
0x1ee: {  	[tilespmem:v3+s25+$0x0] =	vst.idx.msk $0xffff, v63;
	v2 =	vpop (erf);
	(pc) =	sbr.rel @p0 .LBB2_16-.Ltmp8, $4  }
0x1ef: {  	v3 =	vpop (erf);
	[tilespmem:v58+s25+$0x0] =	vst.idx.msk $0xffff, v2  }
0x1f0: {  	v2 =	vpop (erf);
	[tilespmem:v60+s25+$0x0] =	vst.idx.msk $0xffff, v3  }
0x1f1: {  	[tilespmem:v62+s25+$0x0] =	vst.idx.msk $0xffff, v2;
	v2 =	vpop (erf)  }
0x1f2: {  	[tilespmem:v1+s25+$0x0] =	vst.idx.msk $0xffff, v2  }
0x1f3: {  	[hbm4b:s12+s3] =	stream.linear.scatter [tilespmem:s25], [sflag:$0x5], $0x300, $0x38;
	[tilespmem:$0x19B20] =	vst v63  }
0x1f4: {  	_ =	swait.ge [sflag:s16], $0x300  }
0x1f5: {  	[sflag:s16] =	ssyncset.done $0x0  }
0x1f6: {  	[sflag:s16] =	ssyncadd.s32 $0xFFFFFD00  }
0x1f7: {  	[spmem:s2] =	stream.indirect.scatter.add.f32 [tilespmem:s25], [sflag:$0x5], $0x10, s30, s18, $0xb8;
	[tilespmem:$0x19B20] =	vst v63  }
0x1f8: {  	_ =	swait.ge [sflag:s16], $0x300  }
0x1f9: {  	s1 =	sadd.s32 $0x1, s1;
	[sflag:s16] =	ssyncset.done $0x0  }
0x1fa: {  	p0 =	sne.s32 s1, s14;
	[sflag:s16] =	ssyncadd.s32 $0xFFFFFD00  }
.Ltmp9:
0x1fb: {  	[bflag:$0x0] =	sbarrier.arrive $0xFFFF;
	(pc) =	sbr.rel @p0 .LBB2_1-.Ltmp9, $4  }
0x1fc: {  	[hbm:s13], [sflag:s8] =	dma.local [spmem:s15], $0x4E4  }
0x1fd: {  	_ =	swait.ge [sflag:s16], $0x4E4  }
0x1fe: {  	[sflag:s16] =	ssyncset.done $0x0  }
0x1ff: {  	[sflag:s16] =	ssyncadd.s32 $0xFFFFFB1C  }
0x200: {  	_ =	sfence.sel $0x180000  }
0x201: {  	[bflag:$0x0] =	sbarrier.arrive $0xFFFF  }
0x202: {  	_ =	strace $0x9000004D  }
0x203: {  	s0 =	stileid.u32;
	[bflag:$0x2] =	sbarrier.arrive $0xFFFF  }
0x204: {  	p0 =	sne.s32 s0, $0x0;
	s0 =	rddreg [dreg:$0x4]  }
0x205: {  	s0 =	sadd.s32 @!p0 $0x100000, s0  }
0x206: {  	[sflag:s0] =	ssyncadd.tile.s32 @!p0 $0x1;
	_ =	shalt  }
.Lfunc_end2:
_tile_overlayer_lowered:
.L_overlay_start_2:
0x207: {  	(tag) =	ssettag $0x2  }
0x208: {  	s0 =	rddreg [dreg:$0x0];
	s2 =	stileid.u32  }
0x209: {  	s1 =	rddreg [dreg:$0x1];
	p0 =	sne.s32 s2, $0x0  }
0x20a: {  	s3 =	rddreg [dreg:$0x2];
	[bflag:$0x3] =	sbarrier.arrive $0xFFFF;
	s2 =	simm.s32 @!p0 $0x1C05  }
0x20b: {  	[timem:s3], [sflag:s2] =	dma.local @!p0 [hbm:s0], s1  }
0x20c: {  	s0 =	simm.s32 @!p0 $0x5  }
0x20d: {  	_ =	swait.ge @!p0 [sflag:s0], s1  }
0x20e: {  	s1 =	ssub.s32 @!p0 $0x0, s1;
	[sflag:s0] =	ssyncset.done @!p0 $0x0  }
0x20f: {  	[sflag:s0] =	ssyncadd.s32 @!p0 s1  }
0x210: {  	[bflag:$0x3] =	sbarrier.arrive $0xFFFF  }
0x211: {  	_ =	shalt  }

// kernel: kernel.22.cloned.1.call-start
scs
__scs_entry_jumppad:
0x0: {  	(pc) =	sbr.rel $0x88, $3  }
0x1: {  	(tag) =	ssettag $0x0;
	lr =	simm.s32 $0x1  }
0x2: {  	[smem:$0x3F9B] =	sst lr;
	_ =	strace $0xD0000000  }
0x3: {  	_ = 	snop  }
0x4: {  	_ = 	snop  }
0x5: {  	_ = 	snop  }
0x6: {  	_ = 	snop  }
0x7: {  	_ = 	snop  }
__scs_overlays_trampoline_lowered:
0x8: {  	[smem:$0x3FAA] =	sst s0  }
0x9: {  	[smem:$0x3FAB] =	sst s1  }
0xa: {  	[smem:$0x3FAC] =	sst s2  }
0xb: {  	[smem:$0x3FAD] =	sst s3  }
0xc: {  	[smem:$0x3FAE] =	sst s4  }
0xd: {  	[smem:$0x3FAF] =	sst s5  }
0xe: {  	[smem:$0x3FB0] =	sst s6  }
0xf: {  	[smem:$0x3FB1] =	sst s7  }
0x10: {  	[smem:$0x3FB2] =	sst s8  }
0x11: {  	[smem:$0x3FB3] =	sst s9;
	s0 =	simm.s32 @!p0 $0x0  }
0x12: {  	s1 =	sld [smem:$0x3F99];
	s0 =	simm.s32 @p0 $0x1  }
0x13: {  	[smem:$0x3FB4] =	sst s0;
	s0 =	simm.s32 @!p1 $0x0  }
0x14: {  	s2 =	sld [smem:$0x3F98];
	s0 =	simm.s32 @p1 $0x1  }
0x15: {  	[smem:$0x3FB5] =	sst s0;
	s0 =	simm.s32 @!p2 $0x0  }
0x16: {  	s3 =	sld [smem:$0x3FDB];
	s0 =	simm.s32 @p2 $0x1  }
0x17: {  	s4 =	simm.s32 $0x1BF5;
	[smem:$0x3FB7] =	sst s0  }
0x18: {  	s0 =	sld [smem:$0x3F9A];
	_ =	swait.ge [sflag:s4], $0x0  }
0x19: {  	s7 =	sld [smem:$0x3F9B]  }
0x1a: {  	s8 =	sadd.s32 $0xFFFFE003, lr  }
0x1b: {  	s9 =	sadd.s32 $0xFFFFFEF7, lr;
	s5 =	simm.s32 $0xFFFFFFFF;
	p2 =	slt.u32 s8, $0xFFFFF086  }
0x1c: {  	p1 =	slt.u32 s9, $0xF7A;
	s5 =	simm.s32 @!p2 $0x0  }
0x1d: {  	s5 =	simm.s32 @p1 $0x1;
	p0 =	seq.s32 s7, s2  }
0x1e: {  	s7 =	smul.u32 @!p0 $0xF7A, s2;
	p2 =	seq.s32 @!p0 s5, $0x0  }
0x1f: {  	s9 =	smul.u32 $0xF7A, s1;
	s8 =	simm.s32 @!p0 $0x1BF5;
	p2 =	por !p2, p0  }
0x20: {  	[sflag:s8] =	ssyncset.s32 @!p0 $0xFFFFF086;
	s6 =	sadd.s32 @!p0 s3, s7;
	s7 =	simm.s32 @!p0 $0x108  }
0x21: {  	s3 =	sadd.s32 s3, s9;
	s6 =	sadd.s32 @!p0 $0x88, s6;
	s7 =	simm.s32 @p2 $0x1082  }
0x22: {  	[simem:s7], [sflag:s8] =	dma.local @!p0 [hbm:s6], $0xF7A  }
0x23: {  	s9 =	sor.u32 $0xD0000000, s2;
	s6 =	simm.s32 $0x108;
	_ =	swait.ge @!p0 [sflag:s8], $0x0  }
0x24: {  	s3 =	sadd.s32 $0x88, s3;
	s6 =	simm.s32 @!p1 $0x1082;
	[sflag:s4] =	ssyncset.s32 $0xFFFFF086  }
0x25: {  	[simem:s6], [sflag:s4] =	dma.local [hbm:s3], $0xF7A  }
0x26: {  	[smem:$0x3F9B] =	sst s1;
	(tag) =	ssettag s2;
	_ =	strace s9  }
0x27: {  	s1 =	sld [smem:$0x3FAB]  }
0x28: {  	s2 =	sld [smem:$0x3FAC]  }
0x29: {  	s4 =	sld [smem:$0x3FAE]  }
0x2a: {  	p0 =	seq.s32 s5, $0x0;
	s5 =	sld [smem:$0x3FAF]  }
0x2b: {  	s6 =	sld [smem:$0x3FB0]  }
0x2c: {  	s7 =	sld [smem:$0x3FB1]  }
0x2d: {  	s3 =	simm.s32 $0x108;
	s8 =	sld [smem:$0x3FB2]  }
0x2e: {  	s3 =	simm.s32 @!p0 $0x1082;
	s9 =	sld [smem:$0x3FB3]  }
0x2f: {  	lr =	sadd.s32 s0, s3;
	s0 =	sld [smem:$0x3FAA]  }
0x30: {  	s3 =	sld [smem:$0x3FAD]  }
0x31: {  	[smem:$0x3FB6] =	sst s10  }
0x32: {  	s10 =	sld [smem:$0x3FB4];
	_ =	sdelay $0x3  }
0x33: {  	p0 =	seq.s32 s10, $0x1;
	s10 =	sld [smem:$0x3FB6];
	_ =	sdelay $0x3  }
0x34: {  	[smem:$0x3FB6] =	sst s10  }
0x35: {  	s10 =	sld [smem:$0x3FB5];
	_ =	sdelay $0x3  }
0x36: {  	p1 =	seq.s32 s10, $0x1;
	s10 =	sld [smem:$0x3FB6];
	_ =	sdelay $0x3  }
0x37: {  	[smem:$0x3FB6] =	sst s10  }
0x38: {  	s10 =	sld [smem:$0x3FB7]  }
0x39: {  	_ = 	snop;
	(pc) =	sbr.ind lr, $3  }
0x3a: {  	_ = 	snop  }
0x3b: {  	_ = 	snop  }
0x3c: {  	p2 =	seq.s32 s10, $0x1;
	s10 =	sld [smem:$0x3FB6]  }
0x3d: {  	_ =	shalt  }
0x3e: {  	_ =	shalt  }
0x3f: {  	_ =	shalt  }
0x40: {  	_ =	shalt  }
0x41: {  	_ =	shalt  }
0x42: {  	_ =	shalt  }
0x43: {  	_ =	shalt  }
0x44: {  	_ =	shalt  }
0x45: {  	_ =	shalt  }
0x46: {  	_ =	shalt  }
0x47: {  	_ =	shalt  }
0x48: {  	_ =	shalt  }
0x49: {  	_ =	shalt  }
0x4a: {  	_ =	shalt  }
0x4b: {  	_ =	shalt  }
0x4c: {  	_ =	shalt  }
0x4d: {  	_ =	shalt  }
0x4e: {  	_ =	shalt  }
0x4f: {  	_ =	shalt  }
0x50: {  	_ =	shalt  }
0x51: {  	_ =	shalt  }
0x52: {  	_ =	shalt  }
0x53: {  	_ =	shalt  }
0x54: {  	_ =	shalt  }
0x55: {  	_ =	shalt  }
0x56: {  	_ =	shalt  }
0x57: {  	_ =	shalt  }
0x58: {  	_ =	shalt  }
0x59: {  	_ =	shalt  }
0x5a: {  	_ =	shalt  }
0x5b: {  	_ =	shalt  }
0x5c: {  	_ =	shalt  }
0x5d: {  	_ =	shalt  }
0x5e: {  	_ =	shalt  }
0x5f: {  	_ =	shalt  }
0x60: {  	_ =	shalt  }
0x61: {  	_ =	shalt  }
0x62: {  	_ =	shalt  }
0x63: {  	_ =	shalt  }
0x64: {  	_ =	shalt  }
0x65: {  	_ =	shalt  }
0x66: {  	_ =	shalt  }
0x67: {  	_ =	shalt  }
0x68: {  	_ =	shalt  }
0x69: {  	_ =	shalt  }
0x6a: {  	_ =	shalt  }
0x6b: {  	_ =	shalt  }
0x6c: {  	_ =	shalt  }
0x6d: {  	_ =	shalt  }
0x6e: {  	_ =	shalt  }
0x6f: {  	_ =	shalt  }
0x70: {  	_ =	shalt  }
0x71: {  	_ =	shalt  }
0x72: {  	_ =	shalt  }
0x73: {  	_ =	shalt  }
0x74: {  	_ =	shalt  }
0x75: {  	_ =	shalt  }
0x76: {  	_ =	shalt  }
0x77: {  	_ =	shalt  }
0x78: {  	_ =	shalt  }
0x79: {  	_ =	shalt  }
0x7a: {  	_ =	shalt  }
0x7b: {  	_ =	shalt  }
0x7c: {  	_ =	shalt  }
0x7d: {  	_ =	shalt  }
0x7e: {  	_ =	shalt  }
0x7f: {  	_ =	shalt  }
0x80: {  	_ =	shalt  }
0x81: {  	_ =	shalt  }
0x82: {  	_ =	shalt  }
0x83: {  	_ =	shalt  }
0x84: {  	_ =	shalt  }
0x85: {  	_ =	shalt  }
0x86: {  	_ =	shalt  }
0x87: {  	_ =	shalt  }
.Lfunc_end0:
.L_simem_size_0:
called_computation.3_lowered:
.L_overlay_start_0:
0x88: {  	s2 =	sld [smem:$0x3FD9]  }
0x89: {  	s3 =	sld [smem:$0x3FFE];
	_ =	sdelay $0x1  }
0x8a: {  	s1 =	srdreg.scid  }
0x8b: {  	s0 =	sand.u32 $0x1, s1  }
0x8c: {  	s15 =	sshll.u32 s0, $0xA;
	s2 =	sadd.s32 s3, s2  }
0x8d: {  	s2 =	sadd.s32 s2, s15  }
0x8e: {  	[smem:$0x3FC2] =	sst s2  }
0x8f: {  	_ = 	snop  }
0x90: {  	s2 =	sld [smem:$0x3FD0];
	_ =	sdelay $0x2  }
0x91: {  	s16 =	simm.s32 $0xA;
	s4 =	simm.s32 $0x10  }
0x92: {  	[smem:s4], [sflag:s16] =	dma.local [hbm:s2], $0x1  }
0x93: {  	_ =	swait.eq [sflag:s16], $0x1  }
0x94: {  	[sflag:s16] =	ssyncset.done $0x0  }
0x95: {  	s17 =	sld [smem:$0x12];
	[sflag:s16] =	ssyncadd.s32 $0xFFFFFFFF  }
0x96: {  	s18 =	sld [smem:$0x13];
	(tm) =	ssettm $0x1  }
0x97: {  	s19 =	sld [smem:$0x3FFB];
	_ =	sdelay $0x3  }
0x98: {  	_ =	strace s19  }
0x99: {  	s4 =	sld [smem:$0x3FFC];
	_ =	sdelay $0x3  }
0x9a: {  	_ =	strace s4  }
0x9b: {  	s4 =	sld [smem:$0x3FFD];
	_ =	sdelay $0x3  }
0x9c: {  	_ =	strace s4  }
0x9d: {  	_ =	strace $0x8FFFFFFF  }
0x9e: {  	s20 =	sld [smem:$0x3FDB];
	_ =	sdelay $0x1  }
0x9f: {  	s5 =	simm.s32 $_scs_section_size  }
0xa0: {  	s6 =	simm.s32 $_size__tile_overlayer_lowered;
	s7 =	simm.s32 $_tile_overlayer_lowered  }
0xa1: {  	s23 =	simm.s32 $0x1BFF;
	s22 =	sshll.u32 s7, $0x1;
	s4 =	sadd.s32 s5, s20  }
0xa2: {  	s8 =	simm.s32 $0x0;
	s21 =	sshll.u32 s6, $0x1;
	s6 =	sadd.s32 s22, s4  }
0xa3: {  	[timem:s8], [sflag:s23] =	dma.local [hbm:s6], s21  }
0xa4: {  	_ =	swait.ge [sflag:s23], s21  }
0xa5: {  	s5 =	ssub.s32 $0x0, s21;
	[sflag:s23] =	ssyncset.done $0x0  }
0xa6: {  	[sflag:s23] =	ssyncadd.s32 s5;
	_ =	sdelay $0x1  }
0xa7: {  	s24 =	simm.s32 $0x1B8B  }
0xa8: {  	_ =	swait.ge [sflag:s24], $0x1  }
0xa9: {  	[sflag:s24] =	ssyncset.done $0x0  }
0xaa: {  	s25 =	simm.s32 $0x1B8E;
	[sflag:s24] =	ssyncadd.s32 $0xFFFFFFFF  }
0xab: {  	s26 =	simm.s32 $execute0_lowered;
	[smem:$0x3FD2] =	sst s25  }
0xac: {  	s5 =	sshll.u32 s26, $0x1;
	_ =	strace $0x8000004F;
	[dreg:$0x1] =	wrdreg $0xFFFFFFFF  }
0xad: {  	s28 =	simm.s32 $_size_execute0_lowered;
	s4 =	sadd.s32 s4, s5;
	[dreg:$0x0] =	wrdreg $0x0  }
0xae: {  	s5 =	sshll.u32 s28, $0x1;
	[dreg:$0x2] =	wrdreg s4  }
0xaf: {  	[dreg:$0x3] =	wrdreg s5  }
0xb0: {  	[dreg:$0x4] =	wrdreg $0xC0  }
0xb1: {  	_ =	task [dreg:s8], $0x5FFFF  }
0xb2: {  	[dreg:$0x1] =	wrdreg $0xFFFFFFFF  }
0xb3: {  	[dreg:$0x0] =	wrdreg $0x60  }
0xb4: {  	[dreg:$0x2] =	wrdreg s17  }
0xb5: {  	[dreg:$0x3] =	wrdreg s18  }
0xb6: {  	[dreg:$0x4] =	wrdreg $0x9  }
0xb7: {  	_ =	task.clear_ibuf [dreg:s8], $0x5FFFF;
	_ =	strace $0x9000004F  }
0xb8: {  	s29 =	simm.s32 $0x9;
	_ =	strace $0x80000051  }
0xb9: {  	_ =	swait.ge [sflag:s29], $0x1  }
0xba: {  	[sflag:s29] =	ssyncadd.s32 $0xFFFFFFFF  }
0xbb: {  	_ =	strace $0x90000051  }
0xbc: {  	_ =	sfence  }
0xbd: {  	s30 =	sld [smem:$0x0];
	_ =	sdelay $0x2  }
0xbe: {  	s31 =	sshll.u32 s1, $0xD;
	s1 =	sshrl.u32 s1, $0x2  }
0xbf: {  	s3 =	sand.u32 $0x4000, s31;
	s1 =	sadd.s32 s1, s30  }
0xc0: {  	s0 =	sor.u32 s3, s0;
	s1 =	sshll.u32 s1, $0x11  }
0xc1: {  	s0 =	sor.u32 s1, s0  }
0xc2: {  	s0 =	sadd.s32 $0x8F2B, s0  }
0xc3: {  	[sflag:s0] =	ssyncadd.remote.s32 $0x1  }
0xc4: {  	_ =	sfence.sel $0xFFFF  }
0xc5: {  	[dreg:$0x0] =	wrdreg $0xFFFFFFFF;
	(pc) =	sbr.abs _section_cstart, $3  }
0xc6: {  	[dreg:$0x1] =	wrdreg $0xFFFFFFFF  }
0xc7: {  	_ =	task.clear_ibuf [dreg:s8], $0x2FFFF;
	_ =	strace $0x9FFFFFFF  }
0xc8: {  	(tm) =	ssettm $0x7FFFFFFF  }
0xc9: {  	_ =	shalt  }
tec
execute0_lowered:
.L_overlay_start_1:
0x0: {  	(tag) =	ssettag $0x1  }
0x1: {  	s1 =	srdreg.scid  }
0x2: {  	s0 =	stileid.u32;
	s4 =	rddreg [dreg:$0x0]  }
0x3: {  	s5 =	rddreg [dreg:$0x1];
	s3 =	sand.u32 $0x1, s1;
	s30 =	sshll.u32 s0, $0x1  }
0x4: {  	s2 =	simm.s32 $0x0;
	s9 =	simm.s32 $0x2720;
	s1 =	sor.u32 s3, s30  }
0x5: {  	[smem:$0x7FF] =	sst s2;
	s7 =	ssub.s32 $0x2, s3;
	s6 =	smul.u32 $0x1390, s1  }
0x6: {  	s10 =	simm.s32 $0x0;
	s1 =	rddreg [dreg:$0x2];
	s8 =	sshrl.u32 s7, $0x1  }
0x7: {  	_ =	strace $0x80000050;
	s7 =	ssub.s32 s7, s8;
	s31 =	sshrl.u32 s6, $0x3  }
0x8: {  	s8 =	simm.s32 $0x1390;
	s5 =	sadd.s32 s5, s6;
	s3 =	sadd.s32 s4, s31  }
0x9: {  	s6 =	smax.u32 s7, $0x1;
	s7 =	simm.s32 $0x1;
	s4 =	sadd.s32 $0x4E40, s3  }
.LBB2_1:
0xa: {  	[tilespmem:s2], [sflag:$0x1] =	stream.linear.gather [hbm4b:s3+s2], $0x1390, $0x38;
	[tilespmem:$0xC3A0] =	vst v63  }
0xb: {  	_ =	swait.ge [sflag:s7], $0x1390  }
0xc: {  	[sflag:s7] =	ssyncset.done $0x0  }
0xd: {  	[sflag:s7] =	ssyncadd.s32 $0xFFFFEC70  }
0xe: {  	[tilespmem:s8], [sflag:$0x1] =	stream.linear.gather [hbm4b:s4+s2], $0x1390, $0x38;
	[tilespmem:$0xC3A0] =	vst v63  }
0xf: {  	_ =	swait.ge [sflag:s7], $0x1390  }
0x10: {  	[sflag:s7] =	ssyncset.done $0x0  }
0x11: {  	s11 =	simm.s32 $0x0;
	[sflag:s7] =	ssyncadd.s32 $0xFFFFEC70  }
0x12: {  	v0 =	vld [tilespmem:s11+$0x1390]  }
0x13: {  	v1 =	vld [tilespmem:s11+$0x0];
	_ =	sdelay $0x4  }
0x14: {  	v0 =	vadd.f32 v0, v1;
	_ =	sdelay $0x1  }
0x15: {  	v0 =	vadd.f32 $1.000000020e-16, v0;
	_ =	sdelay $0x1  }
0x16: {  	(erf) = vrcp.f32 v0;
	_ =	sdelay $0x8  }
0x17: {  	s11 =	simm.s32 $0x2760;
	v0 =	vpop (erf)  }
0x18: {  	[tilespmem:s11+$0xFFFFFFC0] =	vst v0  }
0x19: {  	[tilespmem:s11+$0xFFFFFFD0] =	vst v0  }
0x1a: {  	[tilespmem:s11+$0xFFFFFFE0] =	vst v0  }
0x1b: {  	[tilespmem:s11+$0xFFFFFFF0] =	vst v0  }
0x1c: {  	[tilespmem:s11+$0x0] =	vst v0  }
0x1d: {  	[tilespmem:s11+$0x10] =	vst v0  }
0x1e: {  	[tilespmem:s11+$0x20] =	vst v0  }
0x1f: {  	s13 =	simm.s32 $0x10;
	[tilespmem:s11+$0x30] =	vst v0  }
0x20: {  	s12 =	simm.s32 $0x80;
	v0 =	vld [tilespmem:s13+$0x1390]  }
.LBB2_2:
0x21: {  	p0 =	sne.s32 s12, $0x4E00;
	v1 =	vld [tilespmem:s13+$0x0];
	_ =	sdelay $0x4  }
0x22: {  	v0 =	vadd.f32 v0, v1;
	_ =	sdelay $0x1  }
0x23: {  	v0 =	vadd.f32 $1.000000020e-16, v0;
	_ =	sdelay $0x1  }
0x24: {  	(erf) = vrcp.f32 v0;
	_ =	sdelay $0x8  }
0x25: {  	s11 =	sadd.s32 $0x80, s11;
	v0 =	vpop (erf)  }
0x26: {  	[tilespmem:s11+$0xFFFFFFC0] =	vst v0  }
0x27: {  	[tilespmem:s11+$0xFFFFFFD0] =	vst v0  }
0x28: {  	[tilespmem:s11+$0xFFFFFFE0] =	vst v0  }
0x29: {  	[tilespmem:s11+$0xFFFFFFF0] =	vst v0  }
.Ltmp0:
0x2a: {  	[tilespmem:s11+$0x0] =	vst v0;
	(pc) =	sbr.rel @p0 .LBB2_2-.Ltmp0, $4  }
0x2b: {  	[tilespmem:s11+$0x10] =	vst v0  }
0x2c: {  	[tilespmem:s11+$0x20] =	vst v0  }
0x2d: {  	s13 =	sshra.s32 s12, $0x2;
	[tilespmem:s11+$0x30] =	vst v0  }
0x2e: {  	s12 =	sadd.s32 $0x40, s12;
	v0 =	vld [tilespmem:s13+$0x1390]  }
0x2f: {  	v1 =	vld [tilespmem:s13+$0x0];
	_ =	sdelay $0x4  }
0x30: {  	v0 =	vadd.f32 v0, v1;
	_ =	sdelay $0x1  }
0x31: {  	v0 =	vadd.f32 $1.000000020e-16, v0;
	_ =	sdelay $0x1  }
0x32: {  	(erf) = vrcp.f32 v0;
	_ =	sdelay $0x8  }
0x33: {  	s11 =	sadd.s32 $0x80, s11;
	v0 =	vpop (erf)  }
0x34: {  	[tilespmem:s11+$0xFFFFFFC0] =	vst v0  }
0x35: {  	[tilespmem:s11+$0xFFFFFFD0] =	vst v0  }
0x36: {  	[tilespmem:s11+$0xFFFFFFE0] =	vst v0  }
0x37: {  	[tilespmem:s11+$0xFFFFFFF0] =	vst v0  }
0x38: {  	[tilespmem:s11+$0x0] =	vst v0  }
0x39: {  	s10 =	sadd.s32 $0x1, s10;
	[tilespmem:s11+$0x10] =	vst v0  }
0x3a: {  	p0 =	sne.s32 s10, s6;
	[tilespmem:s11+$0x20] =	vst v0  }
.Ltmp1:
0x3b: {  	[tilespmem:s11+$0x30] =	vst v0;
	(pc) =	sbr.rel @p0 .LBB2_1-.Ltmp1, $4  }
0x3c: {  	[hbm4b:s5+s2] =	stream.linear.scatter [tilespmem:s9], [sflag:$0x1], $0x9C80, $0x38;
	[tilespmem:$0xC3A0] =	vst v63  }
0x3d: {  	_ =	swait.ge [sflag:s7], $0x9C80  }
0x3e: {  	[sflag:s7] =	ssyncset.done $0x0  }
0x3f: {  	[sflag:s7] =	ssyncadd.s32 $0xFFFF6380  }
0x40: {  	_ =	sfence.sel $0x180000  }
0x41: {  	[bflag:$0x0] =	sbarrier.arrive $0xFFFF  }
0x42: {  	p0 =	sne.s32 s0, $0x0;
	_ =	strace $0x90000050  }
0x43: {  	s0 =	sadd.s32 @!p0 $0x100000, s1;
	[bflag:$0x2] =	sbarrier.arrive $0xFFFF  }
0x44: {  	[sflag:s0] =	ssyncadd.tile.s32 @!p0 $0x1;
	_ =	shalt  }
.Lfunc_end2:
_tile_overlayer_lowered:
.L_overlay_start_2:
0x45: {  	(tag) =	ssettag $0x2  }
0x46: {  	s0 =	rddreg [dreg:$0x0];
	s2 =	stileid.u32  }
0x47: {  	s1 =	rddreg [dreg:$0x1];
	p0 =	sne.s32 s2, $0x0  }
0x48: {  	s3 =	rddreg [dreg:$0x2];
	[bflag:$0x3] =	sbarrier.arrive $0xFFFF;
	s2 =	simm.s32 @!p0 $0x1C01  }
0x49: {  	[timem:s3], [sflag:s2] =	dma.local @!p0 [hbm:s0], s1  }
0x4a: {  	s0 =	simm.s32 @!p0 $0x1  }
0x4b: {  	_ =	swait.ge @!p0 [sflag:s0], s1  }
0x4c: {  	s1 =	ssub.s32 @!p0 $0x0, s1;
	[sflag:s0] =	ssyncset.done @!p0 $0x0  }
0x4d: {  	[sflag:s0] =	ssyncadd.s32 @!p0 s1  }
0x4e: {  	[bflag:$0x3] =	sbarrier.arrive $0xFFFF  }
0x4f: {  	_ =	shalt  }

// kernel: kernel.25.cloned.1.call-start
scs
__scs_entry_jumppad:
0x0: {  	(pc) =	sbr.rel $0x88, $3  }
0x1: {  	(tag) =	ssettag $0x0;
	lr =	simm.s32 $0x1  }
0x2: {  	[smem:$0x3F9B] =	sst lr;
	_ =	strace $0xD0000000  }
0x3: {  	_ = 	snop  }
0x4: {  	_ = 	snop  }
0x5: {  	_ = 	snop  }
0x6: {  	_ = 	snop  }
0x7: {  	_ = 	snop  }
__scs_overlays_trampoline_lowered:
0x8: {  	[smem:$0x3FAA] =	sst s0  }
0x9: {  	[smem:$0x3FAB] =	sst s1  }
0xa: {  	[smem:$0x3FAC] =	sst s2  }
0xb: {  	[smem:$0x3FAD] =	sst s3  }
0xc: {  	[smem:$0x3FAE] =	sst s4  }
0xd: {  	[smem:$0x3FAF] =	sst s5  }
0xe: {  	[smem:$0x3FB0] =	sst s6  }
0xf: {  	[smem:$0x3FB1] =	sst s7  }
0x10: {  	[smem:$0x3FB2] =	sst s8  }
0x11: {  	[smem:$0x3FB3] =	sst s9;
	s0 =	simm.s32 @!p0 $0x0  }
0x12: {  	s1 =	sld [smem:$0x3F99];
	s0 =	simm.s32 @p0 $0x1  }
0x13: {  	[smem:$0x3FB4] =	sst s0;
	s0 =	simm.s32 @!p1 $0x0  }
0x14: {  	s2 =	sld [smem:$0x3F98];
	s0 =	simm.s32 @p1 $0x1  }
0x15: {  	[smem:$0x3FB5] =	sst s0;
	s0 =	simm.s32 @!p2 $0x0  }
0x16: {  	s3 =	sld [smem:$0x3FDB];
	s0 =	simm.s32 @p2 $0x1  }
0x17: {  	s4 =	simm.s32 $0x1BF5;
	[smem:$0x3FB7] =	sst s0  }
0x18: {  	s0 =	sld [smem:$0x3F9A];
	_ =	swait.ge [sflag:s4], $0x0  }
0x19: {  	s7 =	sld [smem:$0x3F9B]  }
0x1a: {  	s8 =	sadd.s32 $0xFFFFE003, lr  }
0x1b: {  	s9 =	sadd.s32 $0xFFFFFEF7, lr;
	s5 =	simm.s32 $0xFFFFFFFF;
	p2 =	slt.u32 s8, $0xFFFFF086  }
0x1c: {  	p1 =	slt.u32 s9, $0xF7A;
	s5 =	simm.s32 @!p2 $0x0  }
0x1d: {  	s5 =	simm.s32 @p1 $0x1;
	p0 =	seq.s32 s7, s2  }
0x1e: {  	s7 =	smul.u32 @!p0 $0xF7A, s2;
	p2 =	seq.s32 @!p0 s5, $0x0  }
0x1f: {  	s9 =	smul.u32 $0xF7A, s1;
	s8 =	simm.s32 @!p0 $0x1BF5;
	p2 =	por !p2, p0  }
0x20: {  	[sflag:s8] =	ssyncset.s32 @!p0 $0xFFFFF086;
	s6 =	sadd.s32 @!p0 s3, s7;
	s7 =	simm.s32 @!p0 $0x108  }
0x21: {  	s3 =	sadd.s32 s3, s9;
	s6 =	sadd.s32 @!p0 $0x88, s6;
	s7 =	simm.s32 @p2 $0x1082  }
0x22: {  	[simem:s7], [sflag:s8] =	dma.local @!p0 [hbm:s6], $0xF7A  }
0x23: {  	s9 =	sor.u32 $0xD0000000, s2;
	s6 =	simm.s32 $0x108;
	_ =	swait.ge @!p0 [sflag:s8], $0x0  }
0x24: {  	s3 =	sadd.s32 $0x88, s3;
	s6 =	simm.s32 @!p1 $0x1082;
	[sflag:s4] =	ssyncset.s32 $0xFFFFF086  }
0x25: {  	[simem:s6], [sflag:s4] =	dma.local [hbm:s3], $0xF7A  }
0x26: {  	[smem:$0x3F9B] =	sst s1;
	(tag) =	ssettag s2;
	_ =	strace s9  }
0x27: {  	s1 =	sld [smem:$0x3FAB]  }
0x28: {  	s2 =	sld [smem:$0x3FAC]  }
0x29: {  	s4 =	sld [smem:$0x3FAE]  }
0x2a: {  	p0 =	seq.s32 s5, $0x0;
	s5 =	sld [smem:$0x3FAF]  }
0x2b: {  	s6 =	sld [smem:$0x3FB0]  }
0x2c: {  	s7 =	sld [smem:$0x3FB1]  }
0x2d: {  	s3 =	simm.s32 $0x108;
	s8 =	sld [smem:$0x3FB2]  }
0x2e: {  	s3 =	simm.s32 @!p0 $0x1082;
	s9 =	sld [smem:$0x3FB3]  }
0x2f: {  	lr =	sadd.s32 s0, s3;
	s0 =	sld [smem:$0x3FAA]  }
0x30: {  	s3 =	sld [smem:$0x3FAD]  }
0x31: {  	[smem:$0x3FB6] =	sst s10  }
0x32: {  	s10 =	sld [smem:$0x3FB4];
	_ =	sdelay $0x3  }
0x33: {  	p0 =	seq.s32 s10, $0x1;
	s10 =	sld [smem:$0x3FB6];
	_ =	sdelay $0x3  }
0x34: {  	[smem:$0x3FB6] =	sst s10  }
0x35: {  	s10 =	sld [smem:$0x3FB5];
	_ =	sdelay $0x3  }
0x36: {  	p1 =	seq.s32 s10, $0x1;
	s10 =	sld [smem:$0x3FB6];
	_ =	sdelay $0x3  }
0x37: {  	[smem:$0x3FB6] =	sst s10  }
0x38: {  	s10 =	sld [smem:$0x3FB7]  }
0x39: {  	_ = 	snop;
	(pc) =	sbr.ind lr, $3  }
0x3a: {  	_ = 	snop  }
0x3b: {  	_ = 	snop  }
0x3c: {  	p2 =	seq.s32 s10, $0x1;
	s10 =	sld [smem:$0x3FB6]  }
0x3d: {  	_ =	shalt  }
0x3e: {  	_ =	shalt  }
0x3f: {  	_ =	shalt  }
0x40: {  	_ =	shalt  }
0x41: {  	_ =	shalt  }
0x42: {  	_ =	shalt  }
0x43: {  	_ =	shalt  }
0x44: {  	_ =	shalt  }
0x45: {  	_ =	shalt  }
0x46: {  	_ =	shalt  }
0x47: {  	_ =	shalt  }
0x48: {  	_ =	shalt  }
0x49: {  	_ =	shalt  }
0x4a: {  	_ =	shalt  }
0x4b: {  	_ =	shalt  }
0x4c: {  	_ =	shalt  }
0x4d: {  	_ =	shalt  }
0x4e: {  	_ =	shalt  }
0x4f: {  	_ =	shalt  }
0x50: {  	_ =	shalt  }
0x51: {  	_ =	shalt  }
0x52: {  	_ =	shalt  }
0x53: {  	_ =	shalt  }
0x54: {  	_ =	shalt  }
0x55: {  	_ =	shalt  }
0x56: {  	_ =	shalt  }
0x57: {  	_ =	shalt  }
0x58: {  	_ =	shalt  }
0x59: {  	_ =	shalt  }
0x5a: {  	_ =	shalt  }
0x5b: {  	_ =	shalt  }
0x5c: {  	_ =	shalt  }
0x5d: {  	_ =	shalt  }
0x5e: {  	_ =	shalt  }
0x5f: {  	_ =	shalt  }
0x60: {  	_ =	shalt  }
0x61: {  	_ =	shalt  }
0x62: {  	_ =	shalt  }
0x63: {  	_ =	shalt  }
0x64: {  	_ =	shalt  }
0x65: {  	_ =	shalt  }
0x66: {  	_ =	shalt  }
0x67: {  	_ =	shalt  }
0x68: {  	_ =	shalt  }
0x69: {  	_ =	shalt  }
0x6a: {  	_ =	shalt  }
0x6b: {  	_ =	shalt  }
0x6c: {  	_ =	shalt  }
0x6d: {  	_ =	shalt  }
0x6e: {  	_ =	shalt  }
0x6f: {  	_ =	shalt  }
0x70: {  	_ =	shalt  }
0x71: {  	_ =	shalt  }
0x72: {  	_ =	shalt  }
0x73: {  	_ =	shalt  }
0x74: {  	_ =	shalt  }
0x75: {  	_ =	shalt  }
0x76: {  	_ =	shalt  }
0x77: {  	_ =	shalt  }
0x78: {  	_ =	shalt  }
0x79: {  	_ =	shalt  }
0x7a: {  	_ =	shalt  }
0x7b: {  	_ =	shalt  }
0x7c: {  	_ =	shalt  }
0x7d: {  	_ =	shalt  }
0x7e: {  	_ =	shalt  }
0x7f: {  	_ =	shalt  }
0x80: {  	_ =	shalt  }
0x81: {  	_ =	shalt  }
0x82: {  	_ =	shalt  }
0x83: {  	_ =	shalt  }
0x84: {  	_ =	shalt  }
0x85: {  	_ =	shalt  }
0x86: {  	_ =	shalt  }
0x87: {  	_ =	shalt  }
.Lfunc_end0:
.L_simem_size_0:
called_computation.4_lowered:
.L_overlay_start_0:
0x88: {  	s2 =	sld [smem:$0x3FD9]  }
0x89: {  	s3 =	sld [smem:$0x3FFE];
	_ =	sdelay $0x1  }
0x8a: {  	s1 =	srdreg.scid  }
0x8b: {  	s0 =	sand.u32 $0x1, s1  }
0x8c: {  	s14 =	sshll.u32 s0, $0xA;
	s2 =	sadd.s32 s3, s2  }
0x8d: {  	s2 =	sadd.s32 s2, s14  }
0x8e: {  	[smem:$0x3FC2] =	sst s2  }
0x8f: {  	_ = 	snop  }
0x90: {  	s2 =	sld [smem:$0x3FD0];
	_ =	sdelay $0x2  }
0x91: {  	s15 =	simm.s32 $0xA;
	s4 =	simm.s32 $0x10  }
0x92: {  	[smem:s4], [sflag:s15] =	dma.local [hbm:s2], $0x1  }
0x93: {  	_ =	swait.eq [sflag:s15], $0x1  }
0x94: {  	[sflag:s15] =	ssyncset.done $0x0  }
0x95: {  	s16 =	sld [smem:$0x10];
	[sflag:s15] =	ssyncadd.s32 $0xFFFFFFFF  }
0x96: {  	s17 =	sld [smem:$0x13];
	(tm) =	ssettm $0x1  }
0x97: {  	s18 =	sld [smem:$0x3FFB];
	_ =	sdelay $0x3  }
0x98: {  	_ =	strace s18  }
0x99: {  	s4 =	sld [smem:$0x3FFC];
	_ =	sdelay $0x3  }
0x9a: {  	_ =	strace s4  }
0x9b: {  	s4 =	sld [smem:$0x3FFD];
	_ =	sdelay $0x3  }
0x9c: {  	_ =	strace s4  }
0x9d: {  	_ =	strace $0x8FFFFFFF  }
0x9e: {  	s19 =	sld [smem:$0x3FDB];
	_ =	sdelay $0x1  }
0x9f: {  	s5 =	simm.s32 $_scs_section_size  }
0xa0: {  	s6 =	simm.s32 $_size__tile_overlayer_lowered;
	s7 =	simm.s32 $_tile_overlayer_lowered  }
0xa1: {  	s22 =	simm.s32 $0x1BFF;
	s21 =	sshll.u32 s7, $0x1;
	s4 =	sadd.s32 s5, s19  }
0xa2: {  	s8 =	simm.s32 $0x0;
	s20 =	sshll.u32 s6, $0x1;
	s6 =	sadd.s32 s21, s4  }
0xa3: {  	[timem:s8], [sflag:s22] =	dma.local [hbm:s6], s20  }
0xa4: {  	_ =	swait.ge [sflag:s22], s20  }
0xa5: {  	s5 =	ssub.s32 $0x0, s20;
	[sflag:s22] =	ssyncset.done $0x0  }
0xa6: {  	[sflag:s22] =	ssyncadd.s32 s5;
	_ =	sdelay $0x1  }
0xa7: {  	s23 =	simm.s32 $0x1B8B  }
0xa8: {  	_ =	swait.ge [sflag:s23], $0x1  }
0xa9: {  	[sflag:s23] =	ssyncset.done $0x0  }
0xaa: {  	s25 =	simm.s32 $0x1B8E;
	s24 =	sld [smem:$0x3FFE];
	[sflag:s23] =	ssyncadd.s32 $0xFFFFFFFF  }
0xab: {  	s26 =	simm.s32 $execute0_lowered;
	[smem:$0x3FD2] =	sst s25  }
0xac: {  	s6 =	sshll.u32 s26, $0x1;
	_ =	strace $0x80000052;
	[dreg:$0x1] =	wrdreg $0xFFFFFFFF  }
0xad: {  	s28 =	simm.s32 $_size_execute0_lowered;
	s4 =	sadd.s32 s4, s6;
	[dreg:$0x0] =	wrdreg $0x0  }
0xae: {  	s6 =	sshll.u32 s28, $0x1;
	[dreg:$0x2] =	wrdreg s4  }
0xaf: {  	[dreg:$0x3] =	wrdreg s6  }
0xb0: {  	[dreg:$0x4] =	wrdreg $0xC0  }
0xb1: {  	_ =	task [dreg:s8], $0x5FFFF  }
0xb2: {  	[dreg:$0x1] =	wrdreg $0xFFFFFFFF  }
0xb3: {  	[dreg:$0x0] =	wrdreg $0x60  }
0xb4: {  	[dreg:$0x2] =	wrdreg s24  }
0xb5: {  	[dreg:$0x3] =	wrdreg s16  }
0xb6: {  	[dreg:$0x4] =	wrdreg s17  }
0xb7: {  	[dreg:$0x5] =	wrdreg $0x129000  }
0xb8: {  	[dreg:$0x6] =	wrdreg $0x9  }
0xb9: {  	_ =	task.clear_ibuf [dreg:s8], $0x7FFFF;
	_ =	strace $0x90000052  }
0xba: {  	s29 =	simm.s32 $0x9;
	_ =	strace $0x80000054  }
0xbb: {  	_ =	swait.ge [sflag:s29], $0x1  }
0xbc: {  	[sflag:s29] =	ssyncadd.s32 $0xFFFFFFFF  }
0xbd: {  	_ =	strace $0x90000054  }
0xbe: {  	_ =	sfence  }
0xbf: {  	s30 =	sld [smem:$0x0];
	_ =	sdelay $0x2  }
0xc0: {  	s31 =	sshll.u32 s1, $0xD;
	s1 =	sshrl.u32 s1, $0x2  }
0xc1: {  	s3 =	sand.u32 $0x4000, s31;
	s1 =	sadd.s32 s1, s30  }
0xc2: {  	s0 =	sor.u32 s3, s0;
	s1 =	sshll.u32 s1, $0x11  }
0xc3: {  	s0 =	sor.u32 s1, s0  }
0xc4: {  	s0 =	sadd.s32 $0x8F2B, s0  }
0xc5: {  	[sflag:s0] =	ssyncadd.remote.s32 $0x1  }
0xc6: {  	_ =	sfence.sel $0xFFFF  }
0xc7: {  	[dreg:$0x0] =	wrdreg $0xFFFFFFFF;
	(pc) =	sbr.abs _section_cstart, $3  }
0xc8: {  	[dreg:$0x1] =	wrdreg $0xFFFFFFFF  }
0xc9: {  	_ =	task.clear_ibuf [dreg:s8], $0x2FFFF;
	_ =	strace $0x9FFFFFFF  }
0xca: {  	(tm) =	ssettm $0x7FFFFFFF  }
0xcb: {  	_ =	shalt  }
tec
execute0_lowered:
.L_overlay_start_1:
0x0: {  	(tag) =	ssettag $0x1  }
0x1: {  	s0 =	rddreg [dreg:$0x0]  }
0x2: {  	s1 =	rddreg [dreg:$0x1]  }
0x3: {  	s3 =	rddreg [dreg:$0x2]  }
0x4: {  	s4 =	rddreg [dreg:$0x3];
	s6 =	srdreg.scid  }
0x5: {  	s2 =	stileid.u32;
	s5 =	simm.s32 $0x0;
	s16 =	simm.s32 $0x3  }
0x6: {  	s17 =	simm.s32 $0x80;
	s18 =	simm.s32 $0x100;
	s19 =	simm.s32 $0xC100  }
0x7: {  	s20 =	simm.s32 $0x1;
	s21 =	simm.s32 $0x2;
	s22 =	simm.s32 $0x10900  }
0x8: {  	s23 =	simm.s32 $0x11100;
	s24 =	simm.s32 $0x0;
	s11 =	sand.u32 $0x1, s6  }
0x9: {  	s12 =	smul.u32 $0x7560, s2;
	[smem:$0x7FF] =	sst s5;
	s6 =	sadd.s32 $0x82E00, s0  }
0xa: {  	s7 =	sadd.s32 $0x3000, s0;
	s8 =	sadd.s32 $0xF8400, s0;
	s9 =	sadd.s32 $0x19A400, s0  }
0xb: {  	s15 =	sshll.u32 s2, $0x1;
	s30 =	sshll.u32 s2, $0x6;
	s10 =	smul.u32 $0x75600, s11  }
0xc: {  	_ =	strace $0x80000053;
	s14 =	ssub.s32 $0x2, s11;
	s29 =	sor.u32 s11, s15  }
0xd: {  	s11 =	sor.u32 $0x1C03, s30;
	s28 =	sshrl.u32 s14, $0x1;
	s13 =	sadd.s32 s12, s10  }
0xe: {  	v0 =	vimm.s32 $0x0;
	v1 =	vimm.s32 $0x1;
	s31 =	sadd.s32 s12, s4;
	s10 =	sadd.s32 $0x1B8A00, s0;
	s13 =	sshrl.u32 s13, $0x3  }
0xf: {  	v2 =	vimm.s32 $0x2;
	v3 =	vimm.s32 $0x3;
	v4 =	vimm.s32 $0x4;
	s14 =	ssub.s32 s14, s28;
	s12 =	smul.u32 $0x2880, s29;
	s0 =	sadd.s32 s13, s0  }
0x10: {  	v5 =	vimm.s32 $0x5;
	v6 =	vimm.s32 $0x6;
	v7 =	vimm.s32 $0x7;
	s15 =	sshrl.u32 s31, $0x3;
	s14 =	smax.u32 s14, $0x1;
	s13 =	sadd.s32 $0x19B400, s0  }
.LBB2_1:
0x11: {  	[spmem:s15], [sflag:s11] =	dma.local [hbm:s9], $0xEAC  }
0x12: {  	_ =	swait.ge [sflag:s16], $0xEAC  }
0x13: {  	[sflag:s16] =	ssyncset.done $0x0  }
0x14: {  	[sflag:s16] =	ssyncadd.s32 $0xFFFFF154  }
0x15: {  	s25 =	simm.s32 $0x0;
	[bflag:$0x0] =	sbarrier.arrive $0xFFFF  }
.LBB2_2:
0x16: {  	s0 =	sshll.u32 s25, $0x7  }
0x17: {  	s0 =	sadd.s32 s12, s0  }
0x18: {  	s26 =	sshrl.u32 s0, $0x3  }
0x19: {  	s29 =	simm.s32 $0x0;
	s28 =	sadd.s32 s1, s26  }
0x1a: {  	[tilespmem:s29], [sflag:$0x3] =	stream.linear.gather [hbm4b:s28+s29], $0x80, $0x38;
	[tilespmem:$0x19E60] =	vst v63  }
0x1b: {  	_ =	swait.ge [sflag:s16], $0x80  }
0x1c: {  	[sflag:s16] =	ssyncset.done $0x0  }
0x1d: {  	s26 =	sadd.s32 s7, s26;
	[sflag:s16] =	ssyncadd.s32 $0xFFFFFF80  }
0x1e: {  	[tilespmem:s17], [sflag:$0x3] =	stream.linear.gather [hbm4b:s26+s29], $0x80, $0x38;
	[tilespmem:$0x19E60] =	vst v63  }
0x1f: {  	_ =	swait.ge [sflag:s16], $0x80  }
0x20: {  	[sflag:s16] =	ssyncset.done $0x0  }
0x21: {  	[sflag:s16] =	ssyncadd.s32 $0xFFFFFF80  }
0x22: {  	[tilespmem:s18], [sflag:$0x1] =	stream.indirect.gather [hbm4b:s6+s17], $0x180, s29, s17, $0xb8;
	[tilespmem:$0x19E60] =	vst v63  }
0x23: {  	s28 =	simm.s32 $0xC900;
	s26 =	sshll.u32 s0, $0x1  }
0x24: {  	[tilespmem:s28], [sflag:$0x2] =	stream.indirect.gather [hbm4b:s3+s17], $0x80, s17, s17, $0xb8;
	[tilespmem:$0x19E60] =	vst v63  }
0x25: {  	s0 =	sadd.s32 s8, s26  }
0x26: {  	[tilespmem:s19], [sflag:$0x3] =	stream.linear.gather [hbm4b:s0+s29], $0x800, $0x38;
	[tilespmem:$0x19E60] =	vst v63  }
0x27: {  	_ =	swait.ge [sflag:s16], $0x800  }
0x28: {  	[sflag:s16] =	ssyncset.done $0x0  }
0x29: {  	[sflag:s16] =	ssyncadd.s32 $0xFFFFF800  }
0x2a: {  	_ =	swait.ge [sflag:s20], $0xC000  }
0x2b: {  	[sflag:s20] =	ssyncset.done $0x0  }
0x2c: {  	[sflag:s20] =	ssyncadd.s32 $0xFFFF4000  }
0x2d: {  	_ =	swait.ge [sflag:s21], $0x4000  }
0x2e: {  	[sflag:s21] =	ssyncset.done $0x0  }
0x2f: {  	[sflag:s21] =	ssyncadd.s32 $0xFFFFC000  }
0x30: {  	s2 =	simm.s32 $0x0;
	v8 =	vld [tilespmem:s28+$0x0]  }
0x31: {  	v9 =	vld [tilespmem:s2+$0xC100];
	_ =	sdelay $0x4  }
0x32: {  	v14 =	vmul.f32 v8, v9;
	_ =	sdelay $0x1  }
0x33: {  	s29 =	simm.s32 $0x1C0;
	[tilespmem:s2+$0x10900] =	vst v14  }
0x34: {  	v9 =	vld [tilespmem:s29+$0xFFFFFFF0]  }
0x35: {  	v10 =	vld [tilespmem:s29+$0xFFFFFFC0]  }
0x36: {  	v11 =	vld [tilespmem:s29+$0xFFFFFF80]  }
0x37: {  	v12 =	vld [tilespmem:s29+$0xFFFFFF70]  }
0x38: {  	v13 =	vld [tilespmem:s29+$0xFFFFFF90]  }
0x39: {  	v15 =	vld [tilespmem:s29+$0xFFFFFF60]  }
0x3a: {  	v16 =	vld [tilespmem:s29+$0xFFFFFF40]  }
0x3b: {  	v17 =	vld [tilespmem:s29+$0xFFFFFF50]  }
0x3c: {  	v18 =	vld [tilespmem:s29+$0xFFFFFFA0]  }
0x3d: {  	v8 =	vperm.xlane v14, v7;
	v19 =	vperm.xlane v14, v0;
	v20 =	vld [tilespmem:s29+$0xFFFFFFB0]  }
0x3e: {  	v21 =	vperm.xlane v14, v1;
	v22 =	vperm.xlane v14, v3;
	v23 =	vld [tilespmem:s29+$0xFFFFFFD0]  }
0x3f: {  	v24 =	vperm.xlane v14, v2;
	v25 =	vld [tilespmem:s29+$0xFFFFFFE0];
	v15 =	vmul.f32 v15, v19  }
0x40: {  	v26 =	vld [tilespmem:s29+$0x0];
	v12 =	vmul.f32 v12, v21;
	v16 =	vmul.f32 v16, v19  }
0x41: {  	v62 =	vld [tilespmem:s29+$0x30];
	v13 =	vmul.f32 v13, v21;
	v17 =	vmul.f32 v17, v19;
	v15 =	vadd.f32 $0.0e+00, v15  }
0x42: {  	v11 =	vmul.f32 v11, v21;
	v21 =	vmul.f32 v10, v24;
	v10 =	vadd.f32 $0.0e+00, v16;
	v16 =	vld [tilespmem:s29+$0x20]  }
0x43: {  	v19 =	vld [tilespmem:s29+$0x10];
	v27 =	vmul.f32 v9, v22;
	v17 =	vadd.f32 $0.0e+00, v17;
	v13 =	vadd.f32 v13, v15  }
0x44: {  	v9 =	vld [tilespmem:s29+$0x90];
	v15 =	vmul.f32 v18, v24;
	v18 =	vmul.f32 v20, v24;
	v12 =	vadd.f32 v12, v10  }
0x45: {  	v10 =	vld [tilespmem:s29+$0x60];
	v20 =	vperm.xlane v14, v4;
	v11 =	vadd.f32 v11, v17;
	v13 =	vadd.f32 v21, v13  }
0x46: {  	v17 =	vld [tilespmem:s29+$0x50];
	v21 =	vmul.f32 v23, v22;
	v22 =	vmul.f32 v25, v22;
	v12 =	vadd.f32 v15, v12  }
0x47: {  	v18 =	vadd.f32 v18, v11;
	v11 =	vld [tilespmem:s29+$0x40];
	v23 =	vmul.f32 v16, v20;
	v13 =	vadd.f32 v27, v13  }
0x48: {  	v63 =	vmul.f32 v26, v20;
	v16 =	vperm.xlane v14, v5;
	v21 =	vadd.f32 v21, v12;
	v12 =	vld [tilespmem:s29+$0x80]  }
0x49: {  	v15 =	vmul.f32 v19, v20;
	v14 =	vperm.xlane v14, v6;
	v19 =	vadd.f32 v23, v13;
	v13 =	vld [tilespmem:s29+$0x70]  }
0x4a: {  	s31 =	simm.s32 $0x11120;
	s30 =	simm.s32 $0x11120;
	s0 =	simm.s32 $0x40;
	v20 =	vadd.f32 v22, v18;
	v18 =	vld [tilespmem:s29+$0xB0];
	v22 =	vmul.f32 v62, v16;
	v21 =	vadd.f32 v63, v21  }
.LBB2_3:
0x4b: {  	v17 =	vmul.f32 v17, v16;
	v10 =	vmul.f32 v10, v14;
	v23 =	vld [tilespmem:s29+$0xA0];
	s28 =	sadd.s32 $0x80, s28;
	s31 =	sadd.s32 $0x30, s31;
	s29 =	sadd.s32 $0x180, s29  }
0x4c: {  	p0 =	sne.s32 s0, $0x1FC0;
	v15 =	vadd.f32 v15, v20;
	s2 =	smov.u32 s0;
	s0 =	sadd.s32 $0x40, s0;
	v20 =	vadd.f32 v22, v21;
	v11 =	vmul.f32 v11, v16  }
0x4d: {  	v9 =	vmul.f32 v9, v8;
	v16 =	vadd.f32 v17, v19;
	v12 =	vmul.f32 v12, v14  }
0x4e: {  	v11 =	vadd.f32 v11, v15;
	v10 =	vadd.f32 v10, v20;
	v13 =	vmul.f32 v13, v14  }
0x4f: {  	v12 =	vadd.f32 v12, v16;
	v14 =	vmul.f32 v18, v8  }
0x50: {  	v11 =	vadd.f32 v13, v11;
	v9 =	vadd.f32 v9, v10;
	v8 =	vmul.f32 v23, v8  }
0x51: {  	v10 =	vadd.f32 v14, v12  }
0x52: {  	v8 =	vadd.f32 v8, v11;
	[tilespmem:s30+$0xFFFFFFE0] =	vst v9  }
0x53: {  	[tilespmem:s30+$0x0] =	vst v10  }
0x54: {  	[tilespmem:s30+$0xFFFFFFF0] =	vst v8;
	s30 =	smov.u32 s31  }
0x55: {  	s2 =	sshra.s32 s2, $0x2;
	v8 =	vld [tilespmem:s28+$0x0]  }
0x56: {  	v9 =	vld [tilespmem:s2+$0xC100];
	_ =	sdelay $0x4  }
0x57: {  	v13 =	vmul.f32 v8, v9;
	_ =	sdelay $0x1  }
0x58: {  	[tilespmem:s2+$0x10900] =	vst v13;
	v8 =	vperm.xlane v13, v7  }
0x59: {  	v9 =	vld [tilespmem:s29+$0xFFFFFFF0]  }
0x5a: {  	v10 =	vld [tilespmem:s29+$0xFFFFFFC0]  }
0x5b: {  	v11 =	vld [tilespmem:s29+$0xFFFFFF80]  }
0x5c: {  	v12 =	vld [tilespmem:s29+$0xFFFFFF70]  }
0x5d: {  	v14 =	vperm.xlane v13, v0;
	v15 =	vld [tilespmem:s29+$0xFFFFFF90]  }
0x5e: {  	v16 =	vld [tilespmem:s29+$0xFFFFFF60]  }
0x5f: {  	v18 =	vperm.xlane v13, v1;
	v17 =	vld [tilespmem:s29+$0xFFFFFF40]  }
0x60: {  	v20 =	vperm.xlane v13, v3;
	v19 =	vld [tilespmem:s29+$0xFFFFFF50]  }
0x61: {  	v21 =	vperm.xlane v13, v2;
	v22 =	vld [tilespmem:s29+$0xFFFFFFA0]  }
0x62: {  	v12 =	vmul.f32 v12, v18;
	v15 =	vmul.f32 v15, v18;
	v23 =	vld [tilespmem:s29+$0xFFFFFFB0]  }
0x63: {  	v11 =	vmul.f32 v11, v18;
	v18 =	vld [tilespmem:s29+$0xFFFFFFD0]  }
0x64: {  	v24 =	vmul.f32 v10, v21;
	v16 =	vmul.f32 v16, v14;
	v10 =	vld [tilespmem:s29+$0xFFFFFFE0]  }
0x65: {  	v25 =	vmul.f32 v9, v20;
	v17 =	vmul.f32 v17, v14;
	v26 =	vld [tilespmem:s29+$0x0]  }
0x66: {  	v9 =	vmul.f32 v19, v14;
	v14 =	vadd.f32 $0.0e+00, v16;
	v16 =	vmul.f32 v22, v21;
	v19 =	vld [tilespmem:s29+$0x10]  }
0x67: {  	v17 =	vadd.f32 $0.0e+00, v17;
	v22 =	vperm.xlane v13, v4;
	v21 =	vmul.f32 v23, v21;
	v23 =	vld [tilespmem:s29+$0x20]  }
0x68: {  	v27 =	vadd.f32 $0.0e+00, v9;
	v14 =	vadd.f32 v15, v14;
	v18 =	vmul.f32 v18, v20;
	v9 =	vld [tilespmem:s29+$0x90]  }
0x69: {  	v12 =	vadd.f32 v12, v17;
	v20 =	vmul.f32 v10, v20;
	v10 =	vld [tilespmem:s29+$0x60]  }
0x6a: {  	v11 =	vadd.f32 v11, v27;
	v14 =	vadd.f32 v24, v14;
	v24 =	vmul.f32 v26, v22;
	v26 =	vld [tilespmem:s29+$0x30]  }
.Ltmp0:
0x6b: {  	v12 =	vadd.f32 v16, v12;
	v15 =	vmul.f32 v19, v22;
	v17 =	vld [tilespmem:s29+$0x50];
	(pc) =	sbr.rel @p0 .LBB2_3-.Ltmp0, $4  }
0x6c: {  	v19 =	vadd.f32 v21, v11;
	v14 =	vadd.f32 v25, v14;
	v21 =	vmul.f32 v23, v22;
	v11 =	vld [tilespmem:s29+$0x40]  }
0x6d: {  	v16 =	vperm.xlane v13, v5;
	v18 =	vadd.f32 v18, v12;
	v12 =	vld [tilespmem:s29+$0x80]  }
0x6e: {  	v20 =	vadd.f32 v20, v19;
	v19 =	vadd.f32 v21, v14;
	v14 =	vperm.xlane v13, v6;
	v13 =	vld [tilespmem:s29+$0x70]  }
0x6f: {  	v21 =	vadd.f32 v24, v18;
	v22 =	vmul.f32 v26, v16;
	v18 =	vld [tilespmem:s29+$0xB0]  }
0x70: {  	v17 =	vmul.f32 v17, v16;
	v10 =	vmul.f32 v10, v14;
	v23 =	vld [tilespmem:s29+$0xA0]  }
0x71: {  	v15 =	vadd.f32 v15, v20;
	v60 =	vadd.f32 v22, v21;
	v11 =	vmul.f32 v11, v16  }
0x72: {  	v9 =	vmul.f32 v9, v8;
	v61 =	vadd.f32 v17, v19;
	v12 =	vmul.f32 v12, v14  }
0x73: {  	v11 =	vadd.f32 v11, v15;
	v10 =	vadd.f32 v10, v60;
	v13 =	vmul.f32 v13, v14  }
0x74: {  	v12 =	vadd.f32 v12, v61;
	v62 =	vmul.f32 v18, v8  }
0x75: {  	v11 =	vadd.f32 v13, v11;
	v9 =	vadd.f32 v9, v10;
	v8 =	vmul.f32 v23, v8  }
0x76: {  	v63 =	vadd.f32 v62, v12  }
0x77: {  	v8 =	vadd.f32 v8, v11;
	[tilespmem:s30+$0xFFFFFFE0] =	vst v9  }
0x78: {  	[tilespmem:s30+$0x0] =	vst v63  }
0x79: {  	s0 =	sadd.s32 s10, s26;
	[tilespmem:s30+$0xFFFFFFF0] =	vst v8  }
0x7a: {  	[hbm4b:s0+s5] =	stream.linear.scatter [tilespmem:s22], [sflag:$0x3], $0x800, $0x38;
	[tilespmem:$0x19E60] =	vst v63  }
0x7b: {  	s25 =	sadd.s32 $0x1, s25;
	_ =	swait.ge [sflag:s16], $0x800  }
0x7c: {  	p0 =	sne.s32 s25, $0x51;
	[sflag:s16] =	ssyncset.done $0x0  }
.Ltmp1:
0x7d: {  	[sflag:s16] =	ssyncadd.s32 $0xFFFFF800;
	(pc) =	sbr.rel @p0 .LBB2_2-.Ltmp1, $4  }
0x7e: {  	[spmem:s4] =	stream.indirect.scatter.add.f32 [tilespmem:s23], [sflag:$0x3], $0x30, s17, s17, $0xb8;
	[tilespmem:$0x19E60] =	vst v63  }
0x7f: {  	_ =	swait.ge [sflag:s16], $0x1800  }
0x80: {  	[sflag:s16] =	ssyncset.done $0x0  }
0x81: {  	[sflag:s16] =	ssyncadd.s32 $0xFFFFE800  }
0x82: {  	s24 =	sadd.s32 $0x1, s24  }
0x83: {  	p0 =	sne.s32 s24, s14  }
.Ltmp2:
0x84: {  	[bflag:$0x0] =	sbarrier.arrive $0xFFFF;
	(pc) =	sbr.rel @p0 .LBB2_1-.Ltmp2, $4  }
0x85: {  	[hbm:s13], [sflag:s11] =	dma.local [spmem:s15], $0xEAC  }
0x86: {  	_ =	swait.ge [sflag:s16], $0xEAC  }
0x87: {  	[sflag:s16] =	ssyncset.done $0x0  }
0x88: {  	[sflag:s16] =	ssyncadd.s32 $0xFFFFF154  }
0x89: {  	_ =	sfence.sel $0x180000  }
0x8a: {  	[bflag:$0x0] =	sbarrier.arrive $0xFFFF  }
0x8b: {  	_ =	strace $0x90000053  }
0x8c: {  	s0 =	stileid.u32;
	[bflag:$0x2] =	sbarrier.arrive $0xFFFF  }
0x8d: {  	p0 =	sne.s32 s0, $0x0;
	s0 =	rddreg [dreg:$0x4]  }
0x8e: {  	s0 =	sadd.s32 @!p0 $0x100000, s0  }
0x8f: {  	[sflag:s0] =	ssyncadd.tile.s32 @!p0 $0x1;
	_ =	shalt  }
.Lfunc_end2:
_tile_overlayer_lowered:
.L_overlay_start_2:
0x90: {  	(tag) =	ssettag $0x2  }
0x91: {  	s0 =	rddreg [dreg:$0x0];
	s2 =	stileid.u32  }
0x92: {  	s1 =	rddreg [dreg:$0x1];
	p0 =	sne.s32 s2, $0x0  }
0x93: {  	s3 =	rddreg [dreg:$0x2];
	[bflag:$0x3] =	sbarrier.arrive $0xFFFF;
	s2 =	simm.s32 @!p0 $0x1C03  }
0x94: {  	[timem:s3], [sflag:s2] =	dma.local @!p0 [hbm:s0], s1  }
0x95: {  	s0 =	simm.s32 @!p0 $0x3  }
0x96: {  	_ =	swait.ge @!p0 [sflag:s0], s1  }
0x97: {  	s1 =	ssub.s32 @!p0 $0x0, s1;
	[sflag:s0] =	ssyncset.done @!p0 $0x0  }
0x98: {  	[sflag:s0] =	ssyncadd.s32 @!p0 s1  }
0x99: {  	[bflag:$0x3] =	sbarrier.arrive $0xFFFF  }
0x9a: {  	_ =	shalt  }

</sc_bundles>
